<compile_context>
chip_gen: v7x
topology: tpu7x:2x2x1
jax: 0.10.2.dev20260603
libtpu: 0.0.44.dev20260713+nightly
codegen_flags: <defaults>
</compile_context>

<pallas_src>
import functools

import jax
import jax.numpy as jnp
from jax import lax
from jax.experimental import pallas as pl
from jax.experimental.pallas import tpu as pltpu
from jax.experimental.pallas import tpu_sc as plsc

EMB = 128
NSEG = 10000
S = 12.0
NW = 32
SEG_PER_W = 320
NSEG_PAD = NW * SEG_PER_W
GB = 128
SCAN_CHUNK = 2000

_PAD_B, _PAD_U, _PAD_T = 323584, 81920, 122880
_LEN_B, _LEN_U, _LEN_T = 320000, 80000, 120000



def _gather_body(table, relb, relu, relt, outb, outu, outt, idx_v, rows_v, sem):
    wid = lax.axis_index("s") * 2 + lax.axis_index("c")

    def do_rel(rel, out, padlen):
        rows_w = padlen // NW

        def body(c, carry):
            base = wid * rows_w + c * GB
            pltpu.sync_copy(rel.at[pl.ds(base, GB)], idx_v)
            pltpu.async_copy(table.at[idx_v], rows_v, sem).wait()
            pltpu.sync_copy(rows_v, out.at[pl.ds(base, GB)])
            return carry

        lax.fori_loop(0, rows_w // GB, body, 0)

    do_rel(relb, outb, _PAD_B)
    do_rel(relu, outu, _PAD_U)
    do_rel(relt, outt, _PAD_T)


_gather_call = pl.kernel(
    _gather_body,
    out_type=(
        jax.ShapeDtypeStruct((_PAD_B, EMB), jnp.float32),
        jax.ShapeDtypeStruct((_PAD_U, EMB), jnp.float32),
        jax.ShapeDtypeStruct((_PAD_T, EMB), jnp.float32),
    ),
    mesh=plsc.VectorSubcoreMesh(core_axis_name="c", subcore_axis_name="s"),
    compiler_params=pltpu.CompilerParams(needs_layout_passes=False),
    scratch_types=[
        pltpu.VMEM((GB,), jnp.int32),
        pltpu.VMEM((GB, EMB), jnp.float32),
        pltpu.SemaphoreType.DMA,
    ],
)



def _reduce_body(msgb, msgu, msgt, relb, relu, relt, m_out, s_out,
                 macc, sacc, idxbuf, rowbuf, destbuf, rows_v, sem):
    wid = lax.axis_index("s") * 2 + lax.axis_index("c")
    lo = wid * SEG_PER_W
    iota16 = lax.iota(jnp.int32, 16)

    def initrow(q, carry):
        for j in range(8):
            sl = pl.ds(j * 16, 16)
            macc[q, sl] = jnp.full((16,), -3.0e38, jnp.float32)
            sacc[q, sl] = jnp.full((16,), 1e-16, jnp.float32)
        return carry

    lax.fori_loop(0, SEG_PER_W, initrow, 0)

    def scan_rel(msgs, rel, flat_len, phase):
        def zb(i, carry):
            rowbuf[pl.ds(i * 16, 16)] = jnp.zeros((16,), jnp.int32)
            return carry

        lax.fori_loop(0, 2048 // 16, zb, 0)

        def chunk_body(c, carry):
            pltpu.sync_copy(rel.at[pl.ds(c * SCAN_CHUNK, SCAN_CHUNK)], idxbuf)
            cbase = c * SCAN_CHUNK

            def group_body(g, ptr):
                iv = idxbuf[pl.ds(g * 16, 16)]
                rid = (cbase + g * 16) + iota16
                mask = (iv >= lo) & (iv < lo + SEG_PER_W)
                cs = plsc.cumsum(jnp.where(mask, 1, 0))
                ofs = ptr + cs - 1
                plsc.store_scatter(rowbuf, [ofs], rid, mask=mask)
                plsc.store_scatter(destbuf, [ofs], iv - lo, mask=mask)
                return ptr + cs[15]

            ptr = lax.fori_loop(0, SCAN_CHUNK // 16, group_body, 0)

            def batch_body(k, carry):
                pltpu.async_copy(msgs.at[rowbuf.at[pl.ds(k * GB, GB)]],
                                 rows_v, sem).wait()
                nrows = jnp.minimum(GB, ptr - k * GB)

                def acc_body(r, c2):
                    q = destbuf[pl.ds(k * GB + r, 16)][0]
                    for j in range(8):
                        sl = pl.ds(j * 16, 16)
                        xv = rows_v[r, sl]
                        if phase == 0:
                            macc[q, sl] = jnp.maximum(macc[q, sl], xv)
                        else:
                            sacc[q, sl] = sacc[q, sl] + jnp.exp(
                                S * (xv - macc[q, sl]))
                    return c2

                lax.fori_loop(0, nrows, acc_body, 0)
                return carry

            lax.fori_loop(0, (ptr + GB - 1) // GB, batch_body, 0)
            return carry

        lax.fori_loop(0, flat_len // SCAN_CHUNK, chunk_body, 0)

    scan_rel(msgb, relb, _LEN_B, 0)
    scan_rel(msgu, relu, _LEN_U, 0)
    scan_rel(msgt, relt, _LEN_T, 0)

    def clean(q, carry):
        for j in range(8):
            sl = pl.ds(j * 16, 16)
            v = macc[q, sl]
            macc[q, sl] = jnp.where(v < -1.0e38,
                                    jnp.zeros((16,), jnp.float32), v)
        return carry

    lax.fori_loop(0, SEG_PER_W, clean, 0)

    scan_rel(msgb, relb, _LEN_B, 1)
    scan_rel(msgu, relu, _LEN_U, 1)
    scan_rel(msgt, relt, _LEN_T, 1)

    pltpu.sync_copy(macc, m_out.at[pl.ds(lo, SEG_PER_W)])
    pltpu.sync_copy(sacc, s_out.at[pl.ds(lo, SEG_PER_W)])


_reduce_call = pl.kernel(
    _reduce_body,
    out_type=(
        jax.ShapeDtypeStruct((NSEG_PAD, EMB), jnp.float32),
        jax.ShapeDtypeStruct((NSEG_PAD, EMB), jnp.float32),
    ),
    mesh=plsc.VectorSubcoreMesh(core_axis_name="c", subcore_axis_name="s"),
    compiler_params=pltpu.CompilerParams(needs_layout_passes=False),
    scratch_types=[
        pltpu.VMEM((SEG_PER_W, EMB), jnp.float32),
        pltpu.VMEM((SEG_PER_W, EMB), jnp.float32),
        pltpu.VMEM((SCAN_CHUNK,), jnp.int32),
        pltpu.VMEM((2048,), jnp.int32),
        pltpu.VMEM((2048,), jnp.int32),
        pltpu.VMEM((GB, EMB), jnp.float32),
        pltpu.SemaphoreType.DMA,
    ],
)



def _mish(x):
    sp = jnp.maximum(x, 0.0) + jnp.log1p(jnp.exp(-jnp.abs(x)))
    return x * jnp.tanh(sp)


def _mlp_block_kernel(x_ref, wi_ref, bi_ref, wo_ref, bo_ref, o_ref):
    x = x_ref[...]
    pre = jnp.dot(x, wi_ref[...], preferred_element_type=jnp.float32) + bi_ref[...]
    act = _mish(pre)
    o_ref[...] = x + jnp.dot(act, wo_ref[...],
                             preferred_element_type=jnp.float32) + bo_ref[...]


def _rel_mlp(x, p, br=512):
    e, d = x.shape
    return pl.pallas_call(
        _mlp_block_kernel,
        grid=(e // br,),
        in_specs=[
            pl.BlockSpec((br, d), lambda i: (i, 0)),
            pl.BlockSpec((d, d), lambda i: (0, 0)),
            pl.BlockSpec((1, d), lambda i: (0, 0)),
            pl.BlockSpec((d, d), lambda i: (0, 0)),
            pl.BlockSpec((1, d), lambda i: (0, 0)),
        ],
        out_specs=pl.BlockSpec((br, d), lambda i: (i, 0)),
        out_shape=jax.ShapeDtypeStruct((e, d), jnp.float32),
    )(x, p["Wi"].T, p["bi"][None, :], p["Wo"].T, p["bo"][None, :])


def _update_kernel(m_ref, s_ref, obj_ref, wi_ref, bi_ref, wo_ref, bo_ref, o_ref):
    mm = jnp.log(s_ref[...]) * (1.0 / S) + m_ref[...]
    x = jnp.concatenate([mm, obj_ref[...]], axis=1)
    pre = jnp.dot(x, wi_ref[...], preferred_element_type=jnp.float32) + bi_ref[...]
    act = _mish(pre)
    o_ref[...] = obj_ref[...] + jnp.dot(act, wo_ref[...],
                                        preferred_element_type=jnp.float32) + bo_ref[...]


def _update(m, s, obj, p, br=400):
    return pl.pallas_call(
        _update_kernel,
        grid=(NSEG // br,),
        in_specs=[
            pl.BlockSpec((br, EMB), lambda i: (i, 0)),
            pl.BlockSpec((br, EMB), lambda i: (i, 0)),
            pl.BlockSpec((br, EMB), lambda i: (i, 0)),
            pl.BlockSpec((2 * EMB, 2 * EMB), lambda i: (0, 0)),
            pl.BlockSpec((1, 2 * EMB), lambda i: (0, 0)),
            pl.BlockSpec((2 * EMB, EMB), lambda i: (0, 0)),
            pl.BlockSpec((1, EMB), lambda i: (0, 0)),
        ],
        out_specs=pl.BlockSpec((br, EMB), lambda i: (i, 0)),
        out_shape=jax.ShapeDtypeStruct((NSEG, EMB), jnp.float32),
    )(m, s, obj, p["Wi"].T, p["bi"][None, :], p["Wo"].T, p["bo"][None, :])



def kernel(object_embeddings, rel_binary, rel_unary, rel_ternary, params):
    relb = jnp.concatenate([rel_binary, jnp.zeros((_PAD_B - _LEN_B,), jnp.int32)])
    relu = jnp.concatenate([rel_unary, jnp.zeros((_PAD_U - _LEN_U,), jnp.int32)])
    relt = jnp.concatenate([rel_ternary, jnp.zeros((_PAD_T - _LEN_T,), jnp.int32)])

    gb, gu, gt = _gather_call(object_embeddings, relb, relu, relt)

    mb = _rel_mlp(gb.reshape(_PAD_B // 2, 2 * EMB), params["binary"])
    mu = _rel_mlp(gu, params["unary"])
    mt = _rel_mlp(gt.reshape(_PAD_T // 3, 3 * EMB), params["ternary"])

    m, s = _reduce_call(
        mb.reshape(_PAD_B, EMB), mu, mt.reshape(_PAD_T, EMB),
        rel_binary, rel_unary, rel_ternary)

    return _update(m, s, object_embeddings, params["update"])

# --- scband reference (transcript-rebuilt; emitter-appended) ---
"""Pipeline reference for scband-relation-message-passing-65377992180480 (READ-ONLY COPY).

The authoritative reference and input builder live on the scoring server;
editing this copy changes nothing except your own understanding.
"""

import jax, jax.numpy as jnp
import numpy as np

EMB = 128
N_OBJ = 10000
REL_SPECS = [("binary", 2, 320000), ("unary", 1, 80000), ("ternary", 3, 120000)]


def _mish(x):
    return x * jnp.tanh(jax.nn.softplus(x))


def _linear(key, in_size, out_size):
    k1, k2 = jax.random.split(key)
    lim = 1.0 / np.sqrt(in_size)
    W = jax.random.uniform(k1, (out_size, in_size), minval=-lim, maxval=lim, dtype=jnp.float32)
    b = jax.random.uniform(k2, (out_size,), minval=-lim, maxval=lim, dtype=jnp.float32)
    return W, b


def _mlp_init(key, in_size, out_size):
    k1, k2 = jax.random.split(key)
    Wi, bi = _linear(k1, in_size, in_size)
    Wo, bo = _linear(k2, in_size, out_size)
    return {"Wi": Wi, "bi": bi, "Wo": Wo, "bo": bo}


def _mlp_apply(p, x):
    return _mish(x @ p["Wi"].T + p["bi"]) @ p["Wo"].T + p["bo"]


def setup_inputs(seed: int = 0):
    key = jax.random.key(seed)
    ks = jax.random.split(key, 10)
    inp = {"object_embeddings": jax.random.normal(ks[0], (N_OBJ, EMB), dtype=jnp.float32)}
    params = {}
    for i, (name, arity, flat_len) in enumerate(REL_SPECS):
        inp["rel_" + name] = jax.random.randint(ks[1 + i], (flat_len,), 0, N_OBJ, dtype=jnp.int32)
        params[name] = _mlp_init(ks[5 + i], arity * EMB, arity * EMB)
    params["update"] = _mlp_init(ks[9], 2 * EMB, EMB)
    inp["params"] = params
    return inp


def reference(object_embeddings, rel_binary, rel_unary, rel_ternary, params):
    relations = {"binary": rel_binary, "unary": rel_unary, "ternary": rel_ternary}
    msgs = []
    idxs = []
    for name, arity, _ in REL_SPECS:
        rel = relations[name]
        inp = object_embeddings[rel].reshape(-1, arity * EMB)
        out = (inp + _mlp_apply(params[name], inp)).reshape(-1, EMB)
        msgs.append(out)
        idxs.append(rel)
    output_messages = jnp.concatenate(msgs, axis=0)
    output_indices = jnp.concatenate(idxs, axis=0)
    seg_max = jax.ops.segment_max(output_messages, output_indices, num_segments=N_OBJ)
    exps_max = jax.lax.stop_gradient(jnp.where(jnp.isfinite(seg_max), seg_max, 0.0))
    S = 12.0
    max_offsets = exps_max[output_indices]
    exps = jnp.exp(S * (output_messages - max_offsets))
    exps_sum = jnp.full((N_OBJ, EMB), 1e-16, dtype=jnp.float32).at[output_indices].add(exps)
    max_msg = jnp.log(exps_sum) / S + exps_max
    upd = _mlp_apply(params["update"], jnp.concatenate([max_msg, object_embeddings], axis=1))
    return object_embeddings + upd

if __name__ == "__main__":
    import jax
    _d = setup_inputs()
    print(jax.jit(kernel)(*tuple(_d.values())))

</pallas_src>

<mosaic_0001>
#map = affine_map<(d0, d1) -> (0, 0)>
#map1 = affine_map<(d0, d1) -> (0)>
module attributes {stable_mosaic.version = 14 : i64} {
  func.func @_gather_body(%arg0: i32, %arg1: i32, %arg2: memref<10000x128xf32, #tpu.memory_space<hbm>>, %arg3: memref<323584xi32, #tpu.memory_space<hbm>>, %arg4: memref<81920xi32, #tpu.memory_space<hbm>>, %arg5: memref<122880xi32, #tpu.memory_space<hbm>>, %arg6: memref<323584x128xf32, #tpu.memory_space<hbm>>, %arg7: memref<81920x128xf32, #tpu.memory_space<hbm>>, %arg8: memref<122880x128xf32, #tpu.memory_space<hbm>>, %arg9: memref<128xi32, #tpu.memory_space<vmem>>, %arg10: memref<128x128xf32, #tpu.memory_space<vmem>>, %arg11: memref<!tpu.dma_semaphore, #tpu.memory_space<semaphore_mem>>) attributes {dimension_semantics = [#tpu.dimension_semantics<core_parallel>, #tpu.dimension_semantics<subcore_parallel>], iteration_bounds = array<i64: 2, 16>, scalar_prefetch = 0 : i64, scratch_operands = 3 : i64, tpu.core_type = #tpu.core_type<sc_vector_subcore>, window_params = [{transform_indices = #map}, {transform_indices = #map1}, {transform_indices = #map1}, {transform_indices = #map1}, {transform_indices = #map}, {transform_indices = #map}, {transform_indices = #map}]} {
    %mul3A = arith.constant 2 : i32
    %mul3A_0 = arith.muli %arg1, %mul3A : i32
    %add3A = arith.addi %mul3A_0, %arg0 : i32
    %scan3A = arith.constant 0 : i32
    %scan3A_1 = arith.constant 0 : i32
    %scan3A_2 = arith.constant 79 : i32
    %scan3A_3 = arith.addi %scan3A_1, %scan3A_2 : i32
    %scan3A_4 = arith.constant 1 : i32
    scf.for %scan3A_18 = %scan3A_1 to %scan3A_3 step %scan3A_4  : i32 {
      %mul3A_19 = arith.constant 10112 : i32
      %mul3A_20 = arith.muli %add3A, %mul3A_19 : i32
      %mul3A_21 = arith.constant 128 : i32
      %mul3A_22 = arith.muli %scan3A_18, %mul3A_21 : i32
      %add3A_23 = arith.addi %mul3A_20, %mul3A_22 : i32
      "tpu.region"() ({
        %run_scoped3A = tpu.sem_alloc : memref<!tpu.dma_semaphore, #tpu.memory_space<semaphore_mem>>
        %dma_start3A_28 = tpu.memref_slice %arg3[%add3A_23] : memref<323584xi32, #tpu.memory_space<hbm>> -> memref<128xi32, #tpu.memory_space<hbm>>
        %dma_start3A_29 = tpu.memref_slice %arg3[%add3A_23] : memref<323584xi32, #tpu.memory_space<hbm>> -> memref<128xi32, #tpu.memory_space<hbm>>
        tpu.enqueue_dma source(%dma_start3A_29 : memref<128xi32, #tpu.memory_space<hbm>>) target(%arg9 : memref<128xi32, #tpu.memory_space<vmem>>) target_semaphore(%run_scoped3A : memref<!tpu.dma_semaphore, #tpu.memory_space<semaphore_mem>>)
        %dma_wait3A_30 = tpu.memref_slice %arg3[%add3A_23] : memref<323584xi32, #tpu.memory_space<hbm>> -> memref<128xi32, #tpu.memory_space<hbm>>
        %dma_wait3A_31 = tpu.memref_slice %arg3[%add3A_23] : memref<323584xi32, #tpu.memory_space<hbm>> -> memref<128xi32, #tpu.memory_space<hbm>>
        tpu.wait_dma2 semaphore(%run_scoped3A : memref<!tpu.dma_semaphore, #tpu.memory_space<semaphore_mem>>) src(%dma_wait3A_31 : memref<128xi32, #tpu.memory_space<hbm>>) dst(%arg9 : memref<128xi32, #tpu.memory_space<vmem>>)
        tpu.yield
      }) : () -> ()
      %dma_start3A = arith.constant 0 : i32
      %dma_start3A_24 = arith.constant 0 : i32
      %dma_start3A_25 = tpu.memref_slice %arg2[%dma_start3A, %dma_start3A_24] : memref<10000x128xf32, #tpu.memory_space<hbm>> -> memref<10000x128xf32, #tpu.memory_space<hbm>>
      tpu.enqueue_indirect_dma source(%dma_start3A_25 : memref<10000x128xf32, #tpu.memory_space<hbm>>) target(%arg10 : memref<128x128xf32, #tpu.memory_space<vmem>>) offsets(%arg9 : memref<128xi32, #tpu.memory_space<vmem>>) semaphore(%arg11 : memref<!tpu.dma_semaphore, #tpu.memory_space<semaphore_mem>>)
      %dma_wait3A = arith.constant 0 : i32
      %dma_wait3A_26 = arith.constant 0 : i32
      %dma_wait3A_27 = tpu.memref_slice %arg2[%dma_wait3A, %dma_wait3A_26] : memref<10000x128xf32, #tpu.memory_space<hbm>> -> memref<10000x128xf32, #tpu.memory_space<hbm>>
      tpu.wait_indirect_dma semaphore(%arg11 : memref<!tpu.dma_semaphore, #tpu.memory_space<semaphore_mem>>) src(%dma_wait3A_27 : memref<10000x128xf32, #tpu.memory_space<hbm>>) dst(%arg10 : memref<128x128xf32, #tpu.memory_space<vmem>>)
      "tpu.region"() ({
        %run_scoped3A = tpu.sem_alloc : memref<!tpu.dma_semaphore, #tpu.memory_space<semaphore_mem>>
        %dma_start3A_28 = arith.constant 0 : i32
        %dma_start3A_29 = tpu.memref_slice %arg6[%add3A_23, %dma_start3A_28] : memref<323584x128xf32, #tpu.memory_space<hbm>> -> memref<128x128xf32, #tpu.memory_space<hbm>>
        %dma_start3A_30 = arith.constant 0 : i32
        %dma_start3A_31 = tpu.memref_slice %arg6[%add3A_23, %dma_start3A_30] : memref<323584x128xf32, #tpu.memory_space<hbm>> -> memref<128x128xf32, #tpu.memory_space<hbm>>
        tpu.enqueue_dma source(%arg10 : memref<128x128xf32, #tpu.memory_space<vmem>>) target(%dma_start3A_31 : memref<128x128xf32, #tpu.memory_space<hbm>>) target_semaphore(%run_scoped3A : memref<!tpu.dma_semaphore, #tpu.memory_space<semaphore_mem>>)
        %dma_wait3A_32 = arith.constant 0 : i32
        %dma_wait3A_33 = tpu.memref_slice %arg6[%add3A_23, %dma_wait3A_32] : memref<323584x128xf32, #tpu.memory_space<hbm>> -> memref<128x128xf32, #tpu.memory_space<hbm>>
        %dma_wait3A_34 = arith.constant 0 : i32
        %dma_wait3A_35 = tpu.memref_slice %arg6[%add3A_23, %dma_wait3A_34] : memref<323584x128xf32, #tpu.memory_space<hbm>> -> memref<128x128xf32, #tpu.memory_space<hbm>>
        tpu.wait_dma2 semaphore(%run_scoped3A : memref<!tpu.dma_semaphore, #tpu.memory_space<semaphore_mem>>) src(%arg10 : memref<128x128xf32, #tpu.memory_space<vmem>>) dst(%dma_wait3A_35 : memref<128x128xf32, #tpu.memory_space<hbm>>)
        tpu.yield
      }) : () -> ()
    }
    %scan3A_5 = arith.constant 79 : i32
    %scan3A_6 = arith.constant 0 : i32
    %scan3A_7 = arith.constant 0 : i32
    %scan3A_8 = arith.constant 20 : i32
    %scan3A_9 = arith.addi %scan3A_7, %scan3A_8 : i32
    %scan3A_10 = arith.constant 1 : i32
    scf.for %scan3A_18 = %scan3A_7 to %scan3A_9 step %scan3A_10  : i32 {
      %mul3A_19 = arith.constant 2560 : i32
      %mul3A_20 = arith.muli %add3A, %mul3A_19 : i32
      %mul3A_21 = arith.constant 128 : i32
      %mul3A_22 = arith.muli %scan3A_18, %mul3A_21 : i32
      %add3A_23 = arith.addi %mul3A_20, %mul3A_22 : i32
      "tpu.region"() ({
        %run_scoped3A = tpu.sem_alloc : memref<!tpu.dma_semaphore, #tpu.memory_space<semaphore_mem>>
        %dma_start3A_28 = tpu.memref_slice %arg4[%add3A_23] : memref<81920xi32, #tpu.memory_space<hbm>> -> memref<128xi32, #tpu.memory_space<hbm>>
        %dma_start3A_29 = tpu.memref_slice %arg4[%add3A_23] : memref<81920xi32, #tpu.memory_space<hbm>> -> memref<128xi32, #tpu.memory_space<hbm>>
        tpu.enqueue_dma source(%dma_start3A_29 : memref<128xi32, #tpu.memory_space<hbm>>) target(%arg9 : memref<128xi32, #tpu.memory_space<vmem>>) target_semaphore(%run_scoped3A : memref<!tpu.dma_semaphore, #tpu.memory_space<semaphore_mem>>)
        %dma_wait3A_30 = tpu.memref_slice %arg4[%add3A_23] : memref<81920xi32, #tpu.memory_space<hbm>> -> memref<128xi32, #tpu.memory_space<hbm>>
        %dma_wait3A_31 = tpu.memref_slice %arg4[%add3A_23] : memref<81920xi32, #tpu.memory_space<hbm>> -> memref<128xi32, #tpu.memory_space<hbm>>
        tpu.wait_dma2 semaphore(%run_scoped3A : memref<!tpu.dma_semaphore, #tpu.memory_space<semaphore_mem>>) src(%dma_wait3A_31 : memref<128xi32, #tpu.memory_space<hbm>>) dst(%arg9 : memref<128xi32, #tpu.memory_space<vmem>>)
        tpu.yield
      }) : () -> ()
      %dma_start3A = arith.constant 0 : i32
      %dma_start3A_24 = arith.constant 0 : i32
      %dma_start3A_25 = tpu.memref_slice %arg2[%dma_start3A, %dma_start3A_24] : memref<10000x128xf32, #tpu.memory_space<hbm>> -> memref<10000x128xf32, #tpu.memory_space<hbm>>
      tpu.enqueue_indirect_dma source(%dma_start3A_25 : memref<10000x128xf32, #tpu.memory_space<hbm>>) target(%arg10 : memref<128x128xf32, #tpu.memory_space<vmem>>) offsets(%arg9 : memref<128xi32, #tpu.memory_space<vmem>>) semaphore(%arg11 : memref<!tpu.dma_semaphore, #tpu.memory_space<semaphore_mem>>)
      %dma_wait3A = arith.constant 0 : i32
      %dma_wait3A_26 = arith.constant 0 : i32
      %dma_wait3A_27 = tpu.memref_slice %arg2[%dma_wait3A, %dma_wait3A_26] : memref<10000x128xf32, #tpu.memory_space<hbm>> -> memref<10000x128xf32, #tpu.memory_space<hbm>>
      tpu.wait_indirect_dma semaphore(%arg11 : memref<!tpu.dma_semaphore, #tpu.memory_space<semaphore_mem>>) src(%dma_wait3A_27 : memref<10000x128xf32, #tpu.memory_space<hbm>>) dst(%arg10 : memref<128x128xf32, #tpu.memory_space<vmem>>)
      "tpu.region"() ({
        %run_scoped3A = tpu.sem_alloc : memref<!tpu.dma_semaphore, #tpu.memory_space<semaphore_mem>>
        %dma_start3A_28 = arith.constant 0 : i32
        %dma_start3A_29 = tpu.memref_slice %arg7[%add3A_23, %dma_start3A_28] : memref<81920x128xf32, #tpu.memory_space<hbm>> -> memref<128x128xf32, #tpu.memory_space<hbm>>
        %dma_start3A_30 = arith.constant 0 : i32
        %dma_start3A_31 = tpu.memref_slice %arg7[%add3A_23, %dma_start3A_30] : memref<81920x128xf32, #tpu.memory_space<hbm>> -> memref<128x128xf32, #tpu.memory_space<hbm>>
        tpu.enqueue_dma source(%arg10 : memref<128x128xf32, #tpu.memory_space<vmem>>) target(%dma_start3A_31 : memref<128x128xf32, #tpu.memory_space<hbm>>) target_semaphore(%run_scoped3A : memref<!tpu.dma_semaphore, #tpu.memory_space<semaphore_mem>>)
        %dma_wait3A_32 = arith.constant 0 : i32
        %dma_wait3A_33 = tpu.memref_slice %arg7[%add3A_23, %dma_wait3A_32] : memref<81920x128xf32, #tpu.memory_space<hbm>> -> memref<128x128xf32, #tpu.memory_space<hbm>>
        %dma_wait3A_34 = arith.constant 0 : i32
        %dma_wait3A_35 = tpu.memref_slice %arg7[%add3A_23, %dma_wait3A_34] : memref<81920x128xf32, #tpu.memory_space<hbm>> -> memref<128x128xf32, #tpu.memory_space<hbm>>
        tpu.wait_dma2 semaphore(%run_scoped3A : memref<!tpu.dma_semaphore, #tpu.memory_space<semaphore_mem>>) src(%arg10 : memref<128x128xf32, #tpu.memory_space<vmem>>) dst(%dma_wait3A_35 : memref<128x128xf32, #tpu.memory_space<hbm>>)
        tpu.yield
      }) : () -> ()
    }
    %scan3A_11 = arith.constant 20 : i32
    %scan3A_12 = arith.constant 0 : i32
    %scan3A_13 = arith.constant 0 : i32
    %scan3A_14 = arith.constant 30 : i32
    %scan3A_15 = arith.addi %scan3A_13, %scan3A_14 : i32
    %scan3A_16 = arith.constant 1 : i32
    scf.for %scan3A_18 = %scan3A_13 to %scan3A_15 step %scan3A_16  : i32 {
      %mul3A_19 = arith.constant 3840 : i32
      %mul3A_20 = arith.muli %add3A, %mul3A_19 : i32
      %mul3A_21 = arith.constant 128 : i32
      %mul3A_22 = arith.muli %scan3A_18, %mul3A_21 : i32
      %add3A_23 = arith.addi %mul3A_20, %mul3A_22 : i32
      "tpu.region"() ({
        %run_scoped3A = tpu.sem_alloc : memref<!tpu.dma_semaphore, #tpu.memory_space<semaphore_mem>>
        %dma_start3A_28 = tpu.memref_slice %arg5[%add3A_23] : memref<122880xi32, #tpu.memory_space<hbm>> -> memref<128xi32, #tpu.memory_space<hbm>>
        %dma_start3A_29 = tpu.memref_slice %arg5[%add3A_23] : memref<122880xi32, #tpu.memory_space<hbm>> -> memref<128xi32, #tpu.memory_space<hbm>>
        tpu.enqueue_dma source(%dma_start3A_29 : memref<128xi32, #tpu.memory_space<hbm>>) target(%arg9 : memref<128xi32, #tpu.memory_space<vmem>>) target_semaphore(%run_scoped3A : memref<!tpu.dma_semaphore, #tpu.memory_space<semaphore_mem>>)
        %dma_wait3A_30 = tpu.memref_slice %arg5[%add3A_23] : memref<122880xi32, #tpu.memory_space<hbm>> -> memref<128xi32, #tpu.memory_space<hbm>>
        %dma_wait3A_31 = tpu.memref_slice %arg5[%add3A_23] : memref<122880xi32, #tpu.memory_space<hbm>> -> memref<128xi32, #tpu.memory_space<hbm>>
        tpu.wait_dma2 semaphore(%run_scoped3A : memref<!tpu.dma_semaphore, #tpu.memory_space<semaphore_mem>>) src(%dma_wait3A_31 : memref<128xi32, #tpu.memory_space<hbm>>) dst(%arg9 : memref<128xi32, #tpu.memory_space<vmem>>)
        tpu.yield
      }) : () -> ()
      %dma_start3A = arith.constant 0 : i32
      %dma_start3A_24 = arith.constant 0 : i32
      %dma_start3A_25 = tpu.memref_slice %arg2[%dma_start3A, %dma_start3A_24] : memref<10000x128xf32, #tpu.memory_space<hbm>> -> memref<10000x128xf32, #tpu.memory_space<hbm>>
      tpu.enqueue_indirect_dma source(%dma_start3A_25 : memref<10000x128xf32, #tpu.memory_space<hbm>>) target(%arg10 : memref<128x128xf32, #tpu.memory_space<vmem>>) offsets(%arg9 : memref<128xi32, #tpu.memory_space<vmem>>) semaphore(%arg11 : memref<!tpu.dma_semaphore, #tpu.memory_space<semaphore_mem>>)
      %dma_wait3A = arith.constant 0 : i32
      %dma_wait3A_26 = arith.constant 0 : i32
      %dma_wait3A_27 = tpu.memref_slice %arg2[%dma_wait3A, %dma_wait3A_26] : memref<10000x128xf32, #tpu.memory_space<hbm>> -> memref<10000x128xf32, #tpu.memory_space<hbm>>
      tpu.wait_indirect_dma semaphore(%arg11 : memref<!tpu.dma_semaphore, #tpu.memory_space<semaphore_mem>>) src(%dma_wait3A_27 : memref<10000x128xf32, #tpu.memory_space<hbm>>) dst(%arg10 : memref<128x128xf32, #tpu.memory_space<vmem>>)
      "tpu.region"() ({
        %run_scoped3A = tpu.sem_alloc : memref<!tpu.dma_semaphore, #tpu.memory_space<semaphore_mem>>
        %dma_start3A_28 = arith.constant 0 : i32
        %dma_start3A_29 = tpu.memref_slice %arg8[%add3A_23, %dma_start3A_28] : memref<122880x128xf32, #tpu.memory_space<hbm>> -> memref<128x128xf32, #tpu.memory_space<hbm>>
        %dma_start3A_30 = arith.constant 0 : i32
        %dma_start3A_31 = tpu.memref_slice %arg8[%add3A_23, %dma_start3A_30] : memref<122880x128xf32, #tpu.memory_space<hbm>> -> memref<128x128xf32, #tpu.memory_space<hbm>>
        tpu.enqueue_dma source(%arg10 : memref<128x128xf32, #tpu.memory_space<vmem>>) target(%dma_start3A_31 : memref<128x128xf32, #tpu.memory_space<hbm>>) target_semaphore(%run_scoped3A : memref<!tpu.dma_semaphore, #tpu.memory_space<semaphore_mem>>)
        %dma_wait3A_32 = arith.constant 0 : i32
        %dma_wait3A_33 = tpu.memref_slice %arg8[%add3A_23, %dma_wait3A_32] : memref<122880x128xf32, #tpu.memory_space<hbm>> -> memref<128x128xf32, #tpu.memory_space<hbm>>
        %dma_wait3A_34 = arith.constant 0 : i32
        %dma_wait3A_35 = tpu.memref_slice %arg8[%add3A_23, %dma_wait3A_34] : memref<122880x128xf32, #tpu.memory_space<hbm>> -> memref<128x128xf32, #tpu.memory_space<hbm>>
        tpu.wait_dma2 semaphore(%run_scoped3A : memref<!tpu.dma_semaphore, #tpu.memory_space<semaphore_mem>>) src(%arg10 : memref<128x128xf32, #tpu.memory_space<vmem>>) dst(%dma_wait3A_35 : memref<128x128xf32, #tpu.memory_space<hbm>>)
        tpu.yield
      }) : () -> ()
    }
    %scan3A_17 = arith.constant 30 : i32
    return
  }
}

#map = affine_map<(d0, d1) -> (0, 0)>
#map1 = affine_map<(d0, d1) -> (0)>
module attributes {stable_mosaic.version = 14 : i64} {
  func.func @_reduce_body(%arg0: i32, %arg1: i32, %arg2: memref<323584x128xf32, #tpu.memory_space<hbm>>, %arg3: memref<81920x128xf32, #tpu.memory_space<hbm>>, %arg4: memref<122880x128xf32, #tpu.memory_space<hbm>>, %arg5: memref<320000xi32, #tpu.memory_space<hbm>>, %arg6: memref<80000xi32, #tpu.memory_space<hbm>>, %arg7: memref<120000xi32, #tpu.memory_space<hbm>>, %arg8: memref<10240x128xf32, #tpu.memory_space<hbm>>, %arg9: memref<10240x128xf32, #tpu.memory_space<hbm>>, %arg10: memref<320x128xf32, #tpu.memory_space<vmem>>, %arg11: memref<320x128xf32, #tpu.memory_space<vmem>>, %arg12: memref<2000xi32, #tpu.memory_space<vmem>>, %arg13: memref<2048xi32, #tpu.memory_space<vmem>>, %arg14: memref<2048xi32, #tpu.memory_space<vmem>>, %arg15: memref<128x128xf32, #tpu.memory_space<vmem>>, %arg16: memref<!tpu.dma_semaphore, #tpu.memory_space<semaphore_mem>>) attributes {dimension_semantics = [#tpu.dimension_semantics<core_parallel>, #tpu.dimension_semantics<subcore_parallel>], iteration_bounds = array<i64: 2, 16>, scalar_prefetch = 0 : i64, scratch_operands = 7 : i64, tpu.core_type = #tpu.core_type<sc_vector_subcore>, window_params = [{transform_indices = #map}, {transform_indices = #map}, {transform_indices = #map}, {transform_indices = #map1}, {transform_indices = #map1}, {transform_indices = #map1}, {transform_indices = #map}, {transform_indices = #map}]} {
    %mul3A = arith.constant 2 : i32
    %mul3A_0 = arith.muli %arg1, %mul3A : i32
    %add3A = arith.addi %mul3A_0, %arg0 : i32
    %mul3A_1 = arith.constant 320 : i32
    %mul3A_2 = arith.muli %add3A, %mul3A_1 : i32
    %iota3A = tpu.iota {dimensions = array<i32: 0>} : vector<16xi32>
    %scan3A = arith.constant 0 : i32
    %scan3A_3 = arith.constant 0 : i32
    %scan3A_4 = arith.constant 320 : i32
    %scan3A_5 = arith.addi %scan3A_3, %scan3A_4 : i32
    %scan3A_6 = arith.constant 1 : i32
    scf.for %scan3A_86 = %scan3A_3 to %scan3A_5 step %scan3A_6  : i32 {
      %broadcast_in_dim3A = arith.constant -3.000000e+38 : f32
      %broadcast_in_dim3A_87 = vector.broadcast %broadcast_in_dim3A : f32 to vector<16xf32>
      %swap3A = arith.index_cast %scan3A_86 : i32 to index
      %swap3A_88 = arith.constant 0 : index
      %swap3A_89 = tpu.vector_load %arg10[%swap3A, %swap3A_88] {strides = array<i32>} : memref<320x128xf32, #tpu.memory_space<vmem>>, vector<16xf32>,
      tpu.vector_store %arg10[%swap3A, %swap3A_88], %broadcast_in_dim3A_87 {strides = array<i32>} : memref<320x128xf32, #tpu.memory_space<vmem>>, vector<16xf32>,
      %broadcast_in_dim3A_90 = arith.constant 1.000000e-16 : f32
      %broadcast_in_dim3A_91 = vector.broadcast %broadcast_in_dim3A_90 : f32 to vector<16xf32>
      %swap3A_92 = arith.index_cast %scan3A_86 : i32 to index
      %swap3A_93 = arith.constant 0 : index
      %swap3A_94 = tpu.vector_load %arg11[%swap3A_92, %swap3A_93] {strides = array<i32>} : memref<320x128xf32, #tpu.memory_space<vmem>>, vector<16xf32>,
      tpu.vector_store %arg11[%swap3A_92, %swap3A_93], %broadcast_in_dim3A_91 {strides = array<i32>} : memref<320x128xf32, #tpu.memory_space<vmem>>, vector<16xf32>,
      %broadcast_in_dim3A_95 = arith.constant -3.000000e+38 : f32
      %broadcast_in_dim3A_96 = vector.broadcast %broadcast_in_dim3A_95 : f32 to vector<16xf32>
      %swap3A_97 = arith.index_cast %scan3A_86 : i32 to index
      %swap3A_98 = arith.constant 16 : index
      %swap3A_99 = tpu.vector_load %arg10[%swap3A_97, %swap3A_98] {strides = array<i32>} : memref<320x128xf32, #tpu.memory_space<vmem>>, vector<16xf32>,
      tpu.vector_store %arg10[%swap3A_97, %swap3A_98], %broadcast_in_dim3A_96 {strides = array<i32>} : memref<320x128xf32, #tpu.memory_space<vmem>>, vector<16xf32>,
      %broadcast_in_dim3A_100 = arith.constant 1.000000e-16 : f32
      %broadcast_in_dim3A_101 = vector.broadcast %broadcast_in_dim3A_100 : f32 to vector<16xf32>
      %swap3A_102 = arith.index_cast %scan3A_86 : i32 to index
      %swap3A_103 = arith.constant 16 : index
      %swap3A_104 = tpu.vector_load %arg11[%swap3A_102, %swap3A_103] {strides = array<i32>} : memref<320x128xf32, #tpu.memory_space<vmem>>, vector<16xf32>,
      tpu.vector_store %arg11[%swap3A_102, %swap3A_103], %broadcast_in_dim3A_101 {strides = array<i32>} : memref<320x128xf32, #tpu.memory_space<vmem>>, vector<16xf32>,
      %broadcast_in_dim3A_105 = arith.constant -3.000000e+38 : f32
      %broadcast_in_dim3A_106 = vector.broadcast %broadcast_in_dim3A_105 : f32 to vector<16xf32>
      %swap3A_107 = arith.index_cast %scan3A_86 : i32 to index
      %swap3A_108 = arith.constant 32 : index
      %swap3A_109 = tpu.vector_load %arg10[%swap3A_107, %swap3A_108] {strides = array<i32>} : memref<320x128xf32, #tpu.memory_space<vmem>>, vector<16xf32>,
      tpu.vector_store %arg10[%swap3A_107, %swap3A_108], %broadcast_in_dim3A_106 {strides = array<i32>} : memref<320x128xf32, #tpu.memory_space<vmem>>, vector<16xf32>,
      %broadcast_in_dim3A_110 = arith.constant 1.000000e-16 : f32
      %broadcast_in_dim3A_111 = vector.broadcast %broadcast_in_dim3A_110 : f32 to vector<16xf32>
      %swap3A_112 = arith.index_cast %scan3A_86 : i32 to index
      %swap3A_113 = arith.constant 32 : index
      %swap3A_114 = tpu.vector_load %arg11[%swap3A_112, %swap3A_113] {strides = array<i32>} : memref<320x128xf32, #tpu.memory_space<vmem>>, vector<16xf32>,
      tpu.vector_store %arg11[%swap3A_112, %swap3A_113], %broadcast_in_dim3A_111 {strides = array<i32>} : memref<320x128xf32, #tpu.memory_space<vmem>>, vector<16xf32>,
      %broadcast_in_dim3A_115 = arith.constant -3.000000e+38 : f32
      %broadcast_in_dim3A_116 = vector.broadcast %broadcast_in_dim3A_115 : f32 to vector<16xf32>
      %swap3A_117 = arith.index_cast %scan3A_86 : i32 to index
      %swap3A_118 = arith.constant 48 : index
      %swap3A_119 = tpu.vector_load %arg10[%swap3A_117, %swap3A_118] {strides = array<i32>} : memref<320x128xf32, #tpu.memory_space<vmem>>, vector<16xf32>,
      tpu.vector_store %arg10[%swap3A_117, %swap3A_118], %broadcast_in_dim3A_116 {strides = array<i32>} : memref<320x128xf32, #tpu.memory_space<vmem>>, vector<16xf32>,
      %broadcast_in_dim3A_120 = arith.constant 1.000000e-16 : f32
      %broadcast_in_dim3A_121 = vector.broadcast %broadcast_in_dim3A_120 : f32 to vector<16xf32>
      %swap3A_122 = arith.index_cast %scan3A_86 : i32 to index
      %swap3A_123 = arith.constant 48 : index
      %swap3A_124 = tpu.vector_load %arg11[%swap3A_122, %swap3A_123] {strides = array<i32>} : memref<320x128xf32, #tpu.memory_space<vmem>>, vector<16xf32>,
      tpu.vector_store %arg11[%swap3A_122, %swap3A_123], %broadcast_in_dim3A_121 {strides = array<i32>} : memref<320x128xf32, #tpu.memory_space<vmem>>, vector<16xf32>,
      %broadcast_in_dim3A_125 = arith.constant -3.000000e+38 : f32
      %broadcast_in_dim3A_126 = vector.broadcast %broadcast_in_dim3A_125 : f32 to vector<16xf32>
      %swap3A_127 = arith.index_cast %scan3A_86 : i32 to index
      %swap3A_128 = arith.constant 64 : index
      %swap3A_129 = tpu.vector_load %arg10[%swap3A_127, %swap3A_128] {strides = array<i32>} : memref<320x128xf32, #tpu.memory_space<vmem>>, vector<16xf32>,
      tpu.vector_store %arg10[%swap3A_127, %swap3A_128], %broadcast_in_dim3A_126 {strides = array<i32>} : memref<320x128xf32, #tpu.memory_space<vmem>>, vector<16xf32>,
      %broadcast_in_dim3A_130 = arith.constant 1.000000e-16 : f32
      %broadcast_in_dim3A_131 = vector.broadcast %broadcast_in_dim3A_130 : f32 to vector<16xf32>
      %swap3A_132 = arith.index_cast %scan3A_86 : i32 to index
      %swap3A_133 = arith.constant 64 : index
      %swap3A_134 = tpu.vector_load %arg11[%swap3A_132, %swap3A_133] {strides = array<i32>} : memref<320x128xf32, #tpu.memory_space<vmem>>, vector<16xf32>,
      tpu.vector_store %arg11[%swap3A_132, %swap3A_133], %broadcast_in_dim3A_131 {strides = array<i32>} : memref<320x128xf32, #tpu.memory_space<vmem>>, vector<16xf32>,
      %broadcast_in_dim3A_135 = arith.constant -3.000000e+38 : f32
      %broadcast_in_dim3A_136 = vector.broadcast %broadcast_in_dim3A_135 : f32 to vector<16xf32>
      %swap3A_137 = arith.index_cast %scan3A_86 : i32 to index
      %swap3A_138 = arith.constant 80 : index
      %swap3A_139 = tpu.vector_load %arg10[%swap3A_137, %swap3A_138] {strides = array<i32>} : memref<320x128xf32, #tpu.memory_space<vmem>>, vector<16xf32>,
      tpu.vector_store %arg10[%swap3A_137, %swap3A_138], %broadcast_in_dim3A_136 {strides = array<i32>} : memref<320x128xf32, #tpu.memory_space<vmem>>, vector<16xf32>,
      %broadcast_in_dim3A_140 = arith.constant 1.000000e-16 : f32
      %broadcast_in_dim3A_141 = vector.broadcast %broadcast_in_dim3A_140 : f32 to vector<16xf32>
      %swap3A_142 = arith.index_cast %scan3A_86 : i32 to index
      %swap3A_143 = arith.constant 80 : index
      %swap3A_144 = tpu.vector_load %arg11[%swap3A_142, %swap3A_143] {strides = array<i32>} : memref<320x128xf32, #tpu.memory_space<vmem>>, vector<16xf32>,
      tpu.vector_store %arg11[%swap3A_142, %swap3A_143], %broadcast_in_dim3A_141 {strides = array<i32>} : memref<320x128xf32, #tpu.memory_space<vmem>>, vector<16xf32>,
      %broadcast_in_dim3A_145 = arith.constant -3.000000e+38 : f32
      %broadcast_in_dim3A_146 = vector.broadcast %broadcast_in_dim3A_145 : f32 to vector<16xf32>
      %swap3A_147 = arith.index_cast %scan3A_86 : i32 to index
      %swap3A_148 = arith.constant 96 : index
      %swap3A_149 = tpu.vector_load %arg10[%swap3A_147, %swap3A_148] {strides = array<i32>} : memref<320x128xf32, #tpu.memory_space<vmem>>, vector<16xf32>,
      tpu.vector_store %arg10[%swap3A_147, %swap3A_148], %broadcast_in_dim3A_146 {strides = array<i32>} : memref<320x128xf32, #tpu.memory_space<vmem>>, vector<16xf32>,
      %broadcast_in_dim3A_150 = arith.constant 1.000000e-16 : f32
      %broadcast_in_dim3A_151 = vector.broadcast %broadcast_in_dim3A_150 : f32 to vector<16xf32>
      %swap3A_152 = arith.index_cast %scan3A_86 : i32 to index
      %swap3A_153 = arith.constant 96 : index
      %swap3A_154 = tpu.vector_load %arg11[%swap3A_152, %swap3A_153] {strides = array<i32>} : memref<320x128xf32, #tpu.memory_space<vmem>>, vector<16xf32>,
      tpu.vector_store %arg11[%swap3A_152, %swap3A_153], %broadcast_in_dim3A_151 {strides = array<i32>} : memref<320x128xf32, #tpu.memory_space<vmem>>, vector<16xf32>,
      %broadcast_in_dim3A_155 = arith.constant -3.000000e+38 : f32
      %broadcast_in_dim3A_156 = vector.broadcast %broadcast_in_dim3A_155 : f32 to vector<16xf32>
      %swap3A_157 = arith.index_cast %scan3A_86 : i32 to index
      %swap3A_158 = arith.constant 112 : index
      %swap3A_159 = tpu.vector_load %arg10[%swap3A_157, %swap3A_158] {strides = array<i32>} : memref<320x128xf32, #tpu.memory_space<vmem>>, vector<16xf32>,
      tpu.vector_store %arg10[%swap3A_157, %swap3A_158], %broadcast_in_dim3A_156 {strides = array<i32>} : memref<320x128xf32, #tpu.memory_space<vmem>>, vector<16xf32>,
      %broadcast_in_dim3A_160 = arith.constant 1.000000e-16 : f32
      %broadcast_in_dim3A_161 = vector.broadcast %broadcast_in_dim3A_160 : f32 to vector<16xf32>
      %swap3A_162 = arith.index_cast %scan3A_86 : i32 to index
      %swap3A_163 = arith.constant 112 : index
      %swap3A_164 = tpu.vector_load %arg11[%swap3A_162, %swap3A_163] {strides = array<i32>} : memref<320x128xf32, #tpu.memory_space<vmem>>, vector<16xf32>,
      tpu.vector_store %arg11[%swap3A_162, %swap3A_163], %broadcast_in_dim3A_161 {strides = array<i32>} : memref<320x128xf32, #tpu.memory_space<vmem>>, vector<16xf32>,
    }
    %scan3A_7 = arith.constant 320 : i32
    %scan3A_8 = arith.constant 0 : i32
    %scan3A_9 = arith.constant 0 : i32
    %scan3A_10 = arith.constant 128 : i32
    %scan3A_11 = arith.addi %scan3A_9, %scan3A_10 : i32
    %scan3A_12 = arith.constant 1 : i32
    scf.for %scan3A_86 = %scan3A_9 to %scan3A_11 step %scan3A_12  : i32 {
      %broadcast_in_dim3A = arith.constant 0 : i32
      %broadcast_in_dim3A_87 = vector.broadcast %broadcast_in_dim3A : i32 to vector<16xi32>
      %mul3A_88 = arith.constant 16 : i32
      %mul3A_89 = arith.muli %scan3A_86, %mul3A_88 : i32
      %swap3A = arith.index_cast %mul3A_89 : i32 to index
      %swap3A_90 = tpu.vector_load %arg13[%swap3A] {strides = array<i32>} : memref<2048xi32, #tpu.memory_space<vmem>>, vector<16xi32>,
      tpu.vector_store %arg13[%swap3A], %broadcast_in_dim3A_87 {strides = array<i32>} : memref<2048xi32, #tpu.memory_space<vmem>>, vector<16xi32>,
    }
    %scan3A_13 = arith.constant 128 : i32
    %scan3A_14 = arith.constant 0 : i32
    %scan3A_15 = arith.constant 0 : i32
    %scan3A_16 = arith.constant 160 : i32
    %scan3A_17 = arith.addi %scan3A_15, %scan3A_16 : i32
    %scan3A_18 = arith.constant 1 : i32
    scf.for %scan3A_86 = %scan3A_15 to %scan3A_17 step %scan3A_18  : i32 {
      %mul3A_87 = arith.constant 2000 : i32
      %mul3A_88 = arith.muli %scan3A_86, %mul3A_87 : i32
      "tpu.region"() ({
        %run_scoped3A = tpu.sem_alloc : memref<!tpu.dma_semaphore, #tpu.memory_space<semaphore_mem>>
        %dma_start3A = tpu.memref_slice %arg5[%mul3A_88] : memref<320000xi32, #tpu.memory_space<hbm>> -> memref<2000xi32, #tpu.memory_space<hbm>>
        %dma_start3A_127 = tpu.memref_slice %arg5[%mul3A_88] : memref<320000xi32, #tpu.memory_space<hbm>> -> memref<2000xi32, #tpu.memory_space<hbm>>
        tpu.enqueue_dma source(%dma_start3A_127 : memref<2000xi32, #tpu.memory_space<hbm>>) target(%arg12 : memref<2000xi32, #tpu.memory_space<vmem>>) target_semaphore(%run_scoped3A : memref<!tpu.dma_semaphore, #tpu.memory_space<semaphore_mem>>)
        %dma_wait3A = tpu.memref_slice %arg5[%mul3A_88] : memref<320000xi32, #tpu.memory_space<hbm>> -> memref<2000xi32, #tpu.memory_space<hbm>>
        %dma_wait3A_128 = tpu.memref_slice %arg5[%mul3A_88] : memref<320000xi32, #tpu.memory_space<hbm>> -> memref<2000xi32, #tpu.memory_space<hbm>>
        tpu.wait_dma2 semaphore(%run_scoped3A : memref<!tpu.dma_semaphore, #tpu.memory_space<semaphore_mem>>) src(%dma_wait3A_128 : memref<2000xi32, #tpu.memory_space<hbm>>) dst(%arg12 : memref<2000xi32, #tpu.memory_space<vmem>>)
        tpu.yield
      }) : () -> ()
      %mul3A_89 = arith.constant 2000 : i32
      %mul3A_90 = arith.muli %scan3A_86, %mul3A_89 : i32
      %scan3A_91 = arith.constant 0 : i32
      %scan3A_92 = arith.constant 0 : i32
      %scan3A_93 = arith.constant 125 : i32
      %scan3A_94 = arith.addi %scan3A_92, %scan3A_93 : i32
      %scan3A_95 = arith.constant 1 : i32
      %scan3A_96 = scf.for %scan3A_127 = %scan3A_92 to %scan3A_94 step %scan3A_95 iter_args(%scan3A_128 = %scan3A_91) -> (i32)  : i32 {
        %mul3A_129 = arith.constant 16 : i32
        %mul3A_130 = arith.muli %scan3A_127, %mul3A_129 : i32
        %get3A = arith.index_cast %mul3A_130 : i32 to index
        %get3A_131 = tpu.vector_load %arg12[%get3A] {strides = array<i32>} : memref<2000xi32, #tpu.memory_space<vmem>>, vector<16xi32>,
        %mul3A_132 = arith.constant 16 : i32
        %mul3A_133 = arith.muli %scan3A_127, %mul3A_132 : i32
        %add3A_134 = arith.addi %mul3A_90, %mul3A_133 : i32
        %add3A_135 = vector.broadcast %add3A_134 : i32 to vector<16xi32>
        %add3A_136 = arith.addi %add3A_135, %iota3A : vector<16xi32>
        %ge3A = vector.broadcast %mul3A_2 : i32 to vector<16xi32>
        %ge3A_137 = arith.cmpi sge, %get3A_131, %ge3A : vector<16xi32>
        %add3A_138 = arith.constant 320 : i32
        %add3A_139 = arith.addi %mul3A_2, %add3A_138 : i32
        %lt3A = vector.broadcast %add3A_139 : i32 to vector<16xi32>
        %lt3A_140 = arith.cmpi slt, %get3A_131, %lt3A : vector<16xi32>
        %and3A_141 = arith.andi %ge3A_137, %lt3A_140 : vector<16xi1>
        %jit3A_142 = arith.constant 1 : i32
        %jit3A_143 = arith.constant 0 : i32
        %broadcast_in_dim3A = vector.broadcast %jit3A_142 : i32 to vector<16xi32>
        %broadcast_in_dim3A_144 = vector.broadcast %jit3A_143 : i32 to vector<16xi32>
        %select_n3A_145 = arith.select %and3A_141, %broadcast_in_dim3A, %broadcast_in_dim3A_144 : vector<16xi1>, vector<16xi32>
        %broadcast_in_dim3A_146 = arith.constant true
        %broadcast_in_dim3A_147 = vector.broadcast %broadcast_in_dim3A_146 : i1 to vector<16xi1>
        %masked_cumsum3A = tpu.scan <sum>, %select_n3A_145 masked %broadcast_in_dim3A_147 : vector<16xi32>, vector<16xi1> -> vector<16xi32>
        %add3A_148 = vector.broadcast %scan3A_128 : i32 to vector<16xi32>
        %add3A_149 = arith.addi %add3A_148, %masked_cumsum3A : vector<16xi32>
        %sub3A_150 = arith.constant 1 : i32
        %sub3A_151 = vector.broadcast %sub3A_150 : i32 to vector<16xi32>
        %sub3A_152 = arith.subi %add3A_149, %sub3A_151 : vector<16xi32>
        tpu.vector_store_idx %arg13[%sub3A_152], %add3A_136 masked %and3A_141 : memref<2048xi32, #tpu.memory_space<vmem>>[vector<16xi32>], vector<16xi32>, vector<16xi1>
        %sub3A_153 = vector.broadcast %mul3A_2 : i32 to vector<16xi32>
        %sub3A_154 = arith.subi %get3A_131, %sub3A_153 : vector<16xi32>
        tpu.vector_store_idx %arg14[%sub3A_152], %sub3A_154 masked %and3A_141 : memref<2048xi32, #tpu.memory_space<vmem>>[vector<16xi32>], vector<16xi32>, vector<16xi1>
        %slice3A = vector.extract_strided_slice %masked_cumsum3A {offsets = [15], sizes = [1], strides = [1]} : vector<16xi32> to vector<1xi32>
        %squeeze3A = vector.extract %slice3A[0] : i32 from vector<1xi32>
        %add3A_155 = arith.addi %scan3A_128, %squeeze3A : i32
        scf.yield %add3A_155 : i32
      }
      %scan3A_97 = arith.constant 125 : i32
      %add3A_98 = arith.constant 128 : i32
      %add3A_99 = arith.addi %scan3A_96, %add3A_98 : i32
      %sub3A = arith.constant 1 : i32
      %sub3A_100 = arith.subi %add3A_99, %sub3A : i32
      %jit3A = arith.constant 128 : i32
      %div3A = arith.divsi %sub3A_100, %jit3A : i32
      %sign3A = arith.constant 0 : i32
      %sign3A_101 = arith.cmpi sgt, %sub3A_100, %sign3A : i32
      %sign3A_102 = arith.extui %sign3A_101 : i1 to i32
      %sign3A_103 = arith.constant 0 : i32
      %sign3A_104 = arith.cmpi slt, %sub3A_100, %sign3A_103 : i32
      %sign3A_105 = arith.extui %sign3A_104 : i1 to i32
      %sign3A_106 = arith.subi %sign3A_102, %sign3A_105 : i32
      %sign3A_107 = arith.constant 0 : i32
      %sign3A_108 = arith.cmpi sgt, %jit3A, %sign3A_107 : i32
      %sign3A_109 = arith.extui %sign3A_108 : i1 to i32
      %sign3A_110 = arith.constant 0 : i32
      %sign3A_111 = arith.cmpi slt, %jit3A, %sign3A_110 : i32
      %sign3A_112 = arith.extui %sign3A_111 : i1 to i32
      %sign3A_113 = arith.subi %sign3A_109, %sign3A_112 : i32
      %ne3A = arith.cmpi ne, %sign3A_106, %sign3A_113 : i32
      %rem3A = arith.remsi %sub3A_100, %jit3A : i32
      %ne3A_114 = arith.constant 0 : i32
      %ne3A_115 = arith.cmpi ne, %rem3A, %ne3A_114 : i32
      %and3A = arith.andi %ne3A, %ne3A_115 : i1
      %sub3A_116 = arith.constant 1 : i32
      %sub3A_117 = arith.subi %div3A, %sub3A_116 : i32
      %select_n3A = arith.select %and3A, %sub3A_117, %div3A : i32
      %while3A = arith.constant 0 : i32
      %while3A_118 = arith.constant 0 : i32
      %while3A_119 = arith.subi %select_n3A, %while3A_118 : i32
      %while3A_120 = arith.addi %while3A_118, %while3A_119 : i32
      %while3A_121 = arith.constant 1 : i32
      %while3A_122 = arith.divsi %while3A_119, %while3A_121 : i32
      %while3A_123 = arith.muli %while3A_122, %while3A_121 : i32
      %while3A_124 = arith.addi %while3A_118, %while3A_123 : i32
      %while3A_125 = arith.constant 1 : i32
      scf.for %while3A_127 = %while3A_118 to %while3A_124 step %while3A_125  : i32 {
        %mul3A_128 = arith.constant 128 : i32
        %mul3A_129 = arith.muli %while3A_127, %mul3A_128 : i32
        %dma_start3A = tpu.memref_slice %arg13[%mul3A_129] : memref<2048xi32, #tpu.memory_space<vmem>> -> memref<128xi32, #tpu.memory_space<vmem>>
        %dma_start3A_130 = arith.constant 0 : i32
        %dma_start3A_131 = arith.constant 0 : i32
        %dma_start3A_132 = tpu.memref_slice %arg2[%dma_start3A_130, %dma_start3A_131] : memref<323584x128xf32, #tpu.memory_space<hbm>> -> memref<323584x128xf32, #tpu.memory_space<hbm>>
        tpu.enqueue_indirect_dma source(%dma_start3A_132 : memref<323584x128xf32, #tpu.memory_space<hbm>>) target(%arg15 : memref<128x128xf32, #tpu.memory_space<vmem>>) offsets(%dma_start3A : memref<128xi32, #tpu.memory_space<vmem>>) semaphore(%arg16 : memref<!tpu.dma_semaphore, #tpu.memory_space<semaphore_mem>>)
        %dma_wait3A = tpu.memref_slice %arg13[%mul3A_129] : memref<2048xi32, #tpu.memory_space<vmem>> -> memref<128xi32, #tpu.memory_space<vmem>>
        %dma_wait3A_133 = arith.constant 0 : i32
        %dma_wait3A_134 = arith.constant 0 : i32
        %dma_wait3A_135 = tpu.memref_slice %arg2[%dma_wait3A_133, %dma_wait3A_134] : memref<323584x128xf32, #tpu.memory_space<hbm>> -> memref<323584x128xf32, #tpu.memory_space<hbm>>
        tpu.wait_indirect_dma semaphore(%arg16 : memref<!tpu.dma_semaphore, #tpu.memory_space<semaphore_mem>>) src(%dma_wait3A_135 : memref<323584x128xf32, #tpu.memory_space<hbm>>) dst(%arg15 : memref<128x128xf32, #tpu.memory_space<vmem>>)
        %mul3A_136 = arith.constant 128 : i32
        %mul3A_137 = arith.muli %while3A_127, %mul3A_136 : i32
        %sub3A_138 = arith.subi %scan3A_96, %mul3A_137 : i32
        %min3A = arith.constant 128 : i32
        %min3A_139 = arith.minsi %min3A, %sub3A_138 : i32
        %while3A_140 = arith.constant 0 : i32
        %while3A_141 = arith.constant 0 : i32
        %while3A_142 = arith.subi %min3A_139, %while3A_141 : i32
        %while3A_143 = arith.addi %while3A_141, %while3A_142 : i32
        %while3A_144 = arith.constant 1 : i32
        %while3A_145 = arith.divsi %while3A_142, %while3A_144 : i32
        %while3A_146 = arith.muli %while3A_145, %while3A_144 : i32
        %while3A_147 = arith.addi %while3A_141, %while3A_146 : i32
        %while3A_148 = arith.constant 1 : i32
        scf.for %while3A_150 = %while3A_141 to %while3A_147 step %while3A_148  : i32 {
          %mul3A_151 = arith.constant 128 : i32
          %mul3A_152 = arith.muli %while3A_127, %mul3A_151 : i32
          %add3A_153 = arith.addi %mul3A_152, %while3A_150 : i32
          %get3A = arith.index_cast %add3A_153 : i32 to index
          %get3A_154 = tpu.vector_load %arg14[%get3A] {strides = array<i32>} : memref<2048xi32, #tpu.memory_space<vmem>>, vector<16xi32>,
          %slice3A = vector.extract_strided_slice %get3A_154 {offsets = [0], sizes = [1], strides = [1]} : vector<16xi32> to vector<1xi32>
          %squeeze3A = vector.extract %slice3A[0] : i32 from vector<1xi32>
          %get3A_155 = arith.index_cast %while3A_150 : i32 to index
          %get3A_156 = arith.constant 0 : index
          %get3A_157 = tpu.vector_load %arg15[%get3A_155, %get3A_156] {strides = array<i32>} : memref<128x128xf32, #tpu.memory_space<vmem>>, vector<16xf32>,
          %get3A_158 = arith.index_cast %squeeze3A : i32 to index
          %get3A_159 = arith.constant 0 : index
          %get3A_160 = tpu.vector_load %arg10[%get3A_158, %get3A_159] {strides = array<i32>} : memref<320x128xf32, #tpu.memory_space<vmem>>, vector<16xf32>,
          %max3A = arith.maximumf %get3A_160, %get3A_157 : vector<16xf32>
          %swap3A = arith.index_cast %squeeze3A : i32 to index
          %swap3A_161 = arith.constant 0 : index
          %swap3A_162 = tpu.vector_load %arg10[%swap3A, %swap3A_161] {strides = array<i32>} : memref<320x128xf32, #tpu.memory_space<vmem>>, vector<16xf32>,
          tpu.vector_store %arg10[%swap3A, %swap3A_161], %max3A {strides = array<i32>} : memref<320x128xf32, #tpu.memory_space<vmem>>, vector<16xf32>,
          %get3A_163 = arith.index_cast %while3A_150 : i32 to index
          %get3A_164 = arith.constant 16 : index
          %get3A_165 = tpu.vector_load %arg15[%get3A_163, %get3A_164] {strides = array<i32>} : memref<128x128xf32, #tpu.memory_space<vmem>>, vector<16xf32>,
          %get3A_166 = arith.index_cast %squeeze3A : i32 to index
          %get3A_167 = arith.constant 16 : index
          %get3A_168 = tpu.vector_load %arg10[%get3A_166, %get3A_167] {strides = array<i32>} : memref<320x128xf32, #tpu.memory_space<vmem>>, vector<16xf32>,
          %max3A_169 = arith.maximumf %get3A_168, %get3A_165 : vector<16xf32>
          %swap3A_170 = arith.index_cast %squeeze3A : i32 to index
          %swap3A_171 = arith.constant 16 : index
          %swap3A_172 = tpu.vector_load %arg10[%swap3A_170, %swap3A_171] {strides = array<i32>} : memref<320x128xf32, #tpu.memory_space<vmem>>, vector<16xf32>,
          tpu.vector_store %arg10[%swap3A_170, %swap3A_171], %max3A_169 {strides = array<i32>} : memref<320x128xf32, #tpu.memory_space<vmem>>, vector<16xf32>,
          %get3A_173 = arith.index_cast %while3A_150 : i32 to index
          %get3A_174 = arith.constant 32 : index
          %get3A_175 = tpu.vector_load %arg15[%get3A_173, %get3A_174] {strides = array<i32>} : memref<128x128xf32, #tpu.memory_space<vmem>>, vector<16xf32>,
          %get3A_176 = arith.index_cast %squeeze3A : i32 to index
          %get3A_177 = arith.constant 32 : index
          %get3A_178 = tpu.vector_load %arg10[%get3A_176, %get3A_177] {strides = array<i32>} : memref<320x128xf32, #tpu.memory_space<vmem>>, vector<16xf32>,
          %max3A_179 = arith.maximumf %get3A_178, %get3A_175 : vector<16xf32>
          %swap3A_180 = arith.index_cast %squeeze3A : i32 to index
          %swap3A_181 = arith.constant 32 : index
          %swap3A_182 = tpu.vector_load %arg10[%swap3A_180, %swap3A_181] {strides = array<i32>} : memref<320x128xf32, #tpu.memory_space<vmem>>, vector<16xf32>,
          tpu.vector_store %arg10[%swap3A_180, %swap3A_181], %max3A_179 {strides = array<i32>} : memref<320x128xf32, #tpu.memory_space<vmem>>, vector<16xf32>,
          %get3A_183 = arith.index_cast %while3A_150 : i32 to index
          %get3A_184 = arith.constant 48 : index
          %get3A_185 = tpu.vector_load %arg15[%get3A_183, %get3A_184] {strides = array<i32>} : memref<128x128xf32, #tpu.memory_space<vmem>>, vector<16xf32>,
          %get3A_186 = arith.index_cast %squeeze3A : i32 to index
          %get3A_187 = arith.constant 48 : index
          %get3A_188 = tpu.vector_load %arg10[%get3A_186, %get3A_187] {strides = array<i32>} : memref<320x128xf32, #tpu.memory_space<vmem>>, vector<16xf32>,
          %max3A_189 = arith.maximumf %get3A_188, %get3A_185 : vector<16xf32>
          %swap3A_190 = arith.index_cast %squeeze3A : i32 to index
          %swap3A_191 = arith.constant 48 : index
          %swap3A_192 = tpu.vector_load %arg10[%swap3A_190, %swap3A_191] {strides = array<i32>} : memref<320x128xf32, #tpu.memory_space<vmem>>, vector<16xf32>,
          tpu.vector_store %arg10[%swap3A_190, %swap3A_191], %max3A_189 {strides = array<i32>} : memref<320x128xf32, #tpu.memory_space<vmem>>, vector<16xf32>,
          %get3A_193 = arith.index_cast %while3A_150 : i32 to index
          %get3A_194 = arith.constant 64 : index
          %get3A_195 = tpu.vector_load %arg15[%get3A_193, %get3A_194] {strides = array<i32>} : memref<128x128xf32, #tpu.memory_space<vmem>>, vector<16xf32>,
          %get3A_196 = arith.index_cast %squeeze3A : i32 to index
          %get3A_197 = arith.constant 64 : index
          %get3A_198 = tpu.vector_load %arg10[%get3A_196, %get3A_197] {strides = array<i32>} : memref<320x128xf32, #tpu.memory_space<vmem>>, vector<16xf32>,
          %max3A_199 = arith.maximumf %get3A_198, %get3A_195 : vector<16xf32>
          %swap3A_200 = arith.index_cast %squeeze3A : i32 to index
          %swap3A_201 = arith.constant 64 : index
          %swap3A_202 = tpu.vector_load %arg10[%swap3A_200, %swap3A_201] {strides = array<i32>} : memref<320x128xf32, #tpu.memory_space<vmem>>, vector<16xf32>,
          tpu.vector_store %arg10[%swap3A_200, %swap3A_201], %max3A_199 {strides = array<i32>} : memref<320x128xf32, #tpu.memory_space<vmem>>, vector<16xf32>,
          %get3A_203 = arith.index_cast %while3A_150 : i32 to index
          %get3A_204 = arith.constant 80 : index
          %get3A_205 = tpu.vector_load %arg15[%get3A_203, %get3A_204] {strides = array<i32>} : memref<128x128xf32, #tpu.memory_space<vmem>>, vector<16xf32>,
          %get3A_206 = arith.index_cast %squeeze3A : i32 to index
          %get3A_207 = arith.constant 80 : index
          %get3A_208 = tpu.vector_load %arg10[%get3A_206, %get3A_207] {strides = array<i32>} : memref<320x128xf32, #tpu.memory_space<vmem>>, vector<16xf32>,
          %max3A_209 = arith.maximumf %get3A_208, %get3A_205 : vector<16xf32>
          %swap3A_210 = arith.index_cast %squeeze3A : i32 to index
          %swap3A_211 = arith.constant 80 : index
          %swap3A_212 = tpu.vector_load %arg10[%swap3A_210, %swap3A_211] {strides = array<i32>} : memref<320x128xf32, #tpu.memory_space<vmem>>, vector<16xf32>,
          tpu.vector_store %arg10[%swap3A_210, %swap3A_211], %max3A_209 {strides = array<i32>} : memref<320x128xf32, #tpu.memory_space<vmem>>, vector<16xf32>,
          %get3A_213 = arith.index_cast %while3A_150 : i32 to index
          %get3A_214 = arith.constant 96 : index
          %get3A_215 = tpu.vector_load %arg15[%get3A_213, %get3A_214] {strides = array<i32>} : memref<128x128xf32, #tpu.memory_space<vmem>>, vector<16xf32>,
          %get3A_216 = arith.index_cast %squeeze3A : i32 to index
          %get3A_217 = arith.constant 96 : index
          %get3A_218 = tpu.vector_load %arg10[%get3A_216, %get3A_217] {strides = array<i32>} : memref<320x128xf32, #tpu.memory_space<vmem>>, vector<16xf32>,
          %max3A_219 = arith.maximumf %get3A_218, %get3A_215 : vector<16xf32>
          %swap3A_220 = arith.index_cast %squeeze3A : i32 to index
          %swap3A_221 = arith.constant 96 : index
          %swap3A_222 = tpu.vector_load %arg10[%swap3A_220, %swap3A_221] {strides = array<i32>} : memref<320x128xf32, #tpu.memory_space<vmem>>, vector<16xf32>,
          tpu.vector_store %arg10[%swap3A_220, %swap3A_221], %max3A_219 {strides = array<i32>} : memref<320x128xf32, #tpu.memory_space<vmem>>, vector<16xf32>,
          %get3A_223 = arith.index_cast %while3A_150 : i32 to index
          %get3A_224 = arith.constant 112 : index
          %get3A_225 = tpu.vector_load %arg15[%get3A_223, %get3A_224] {strides = array<i32>} : memref<128x128xf32, #tpu.memory_space<vmem>>, vector<16xf32>,
          %get3A_226 = arith.index_cast %squeeze3A : i32 to index
          %get3A_227 = arith.constant 112 : index
          %get3A_228 = tpu.vector_load %arg10[%get3A_226, %get3A_227] {strides = array<i32>} : memref<320x128xf32, #tpu.memory_space<vmem>>, vector<16xf32>,
          %max3A_229 = arith.maximumf %get3A_228, %get3A_225 : vector<16xf32>
          %swap3A_230 = arith.index_cast %squeeze3A : i32 to index
          %swap3A_231 = arith.constant 112 : index
          %swap3A_232 = tpu.vector_load %arg10[%swap3A_230, %swap3A_231] {strides = array<i32>} : memref<320x128xf32, #tpu.memory_space<vmem>>, vector<16xf32>,
          tpu.vector_store %arg10[%swap3A_230, %swap3A_231], %max3A_229 {strides = array<i32>} : memref<320x128xf32, #tpu.memory_space<vmem>>, vector<16xf32>,
        }
        %while3A_149 = arith.constant 1 : i32
        scf.for %while3A_150 = %while3A_147 to %while3A_143 step %while3A_149  : i32 {
          %mul3A_151 = arith.constant 128 : i32
          %mul3A_152 = arith.muli %while3A_127, %mul3A_151 : i32
          %add3A_153 = arith.addi %mul3A_152, %while3A_150 : i32
          %get3A = arith.index_cast %add3A_153 : i32 to index
          %get3A_154 = tpu.vector_load %arg14[%get3A] {strides = array<i32>} : memref<2048xi32, #tpu.memory_space<vmem>>, vector<16xi32>,
          %slice3A = vector.extract_strided_slice %get3A_154 {offsets = [0], sizes = [1], strides = [1]} : vector<16xi32> to vector<1xi32>
          %squeeze3A = vector.extract %slice3A[0] : i32 from vector<1xi32>
          %get3A_155 = arith.index_cast %while3A_150 : i32 to index
          %get3A_156 = arith.constant 0 : index
          %get3A_157 = tpu.vector_load %arg15[%get3A_155, %get3A_156] {strides = array<i32>} : memref<128x128xf32, #tpu.memory_space<vmem>>, vector<16xf32>,
          %get3A_158 = arith.index_cast %squeeze3A : i32 to index
          %get3A_159 = arith.constant 0 : index
          %get3A_160 = tpu.vector_load %arg10[%get3A_158, %get3A_159] {strides = array<i32>} : memref<320x128xf32, #tpu.memory_space<vmem>>, vector<16xf32>,
          %max3A = arith.maximumf %get3A_160, %get3A_157 : vector<16xf32>
          %swap3A = arith.index_cast %squeeze3A : i32 to index
          %swap3A_161 = arith.constant 0 : index
          %swap3A_162 = tpu.vector_load %arg10[%swap3A, %swap3A_161] {strides = array<i32>} : memref<320x128xf32, #tpu.memory_space<vmem>>, vector<16xf32>,
          tpu.vector_store %arg10[%swap3A, %swap3A_161], %max3A {strides = array<i32>} : memref<320x128xf32, #tpu.memory_space<vmem>>, vector<16xf32>,
          %get3A_163 = arith.index_cast %while3A_150 : i32 to index
          %get3A_164 = arith.constant 16 : index
          %get3A_165 = tpu.vector_load %arg15[%get3A_163, %get3A_164] {strides = array<i32>} : memref<128x128xf32, #tpu.memory_space<vmem>>, vector<16xf32>,
          %get3A_166 = arith.index_cast %squeeze3A : i32 to index
          %get3A_167 = arith.constant 16 : index
          %get3A_168 = tpu.vector_load %arg10[%get3A_166, %get3A_167] {strides = array<i32>} : memref<320x128xf32, #tpu.memory_space<vmem>>, vector<16xf32>,
          %max3A_169 = arith.maximumf %get3A_168, %get3A_165 : vector<16xf32>
          %swap3A_170 = arith.index_cast %squeeze3A : i32 to index
          %swap3A_171 = arith.constant 16 : index
          %swap3A_172 = tpu.vector_load %arg10[%swap3A_170, %swap3A_171] {strides = array<i32>} : memref<320x128xf32, #tpu.memory_space<vmem>>, vector<16xf32>,
          tpu.vector_store %arg10[%swap3A_170, %swap3A_171], %max3A_169 {strides = array<i32>} : memref<320x128xf32, #tpu.memory_space<vmem>>, vector<16xf32>,
          %get3A_173 = arith.index_cast %while3A_150 : i32 to index
          %get3A_174 = arith.constant 32 : index
          %get3A_175 = tpu.vector_load %arg15[%get3A_173, %get3A_174] {strides = array<i32>} : memref<128x128xf32, #tpu.memory_space<vmem>>, vector<16xf32>,
          %get3A_176 = arith.index_cast %squeeze3A : i32 to index
          %get3A_177 = arith.constant 32 : index
          %get3A_178 = tpu.vector_load %arg10[%get3A_176, %get3A_177] {strides = array<i32>} : memref<320x128xf32, #tpu.memory_space<vmem>>, vector<16xf32>,
          %max3A_179 = arith.maximumf %get3A_178, %get3A_175 : vector<16xf32>
          %swap3A_180 = arith.index_cast %squeeze3A : i32 to index
          %swap3A_181 = arith.constant 32 : index
          %swap3A_182 = tpu.vector_load %arg10[%swap3A_180, %swap3A_181] {strides = array<i32>} : memref<320x128xf32, #tpu.memory_space<vmem>>, vector<16xf32>,
          tpu.vector_store %arg10[%swap3A_180, %swap3A_181], %max3A_179 {strides = array<i32>} : memref<320x128xf32, #tpu.memory_space<vmem>>, vector<16xf32>,
          %get3A_183 = arith.index_cast %while3A_150 : i32 to index
          %get3A_184 = arith.constant 48 : index
          %get3A_185 = tpu.vector_load %arg15[%get3A_183, %get3A_184] {strides = array<i32>} : memref<128x128xf32, #tpu.memory_space<vmem>>, vector<16xf32>,
          %get3A_186 = arith.index_cast %squeeze3A : i32 to index
          %get3A_187 = arith.constant 48 : index
          %get3A_188 = tpu.vector_load %arg10[%get3A_186, %get3A_187] {strides = array<i32>} : memref<320x128xf32, #tpu.memory_space<vmem>>, vector<16xf32>,
          %max3A_189 = arith.maximumf %get3A_188, %get3A_185 : vector<16xf32>
          %swap3A_190 = arith.index_cast %squeeze3A : i32 to index
          %swap3A_191 = arith.constant 48 : index
          %swap3A_192 = tpu.vector_load %arg10[%swap3A_190, %swap3A_191] {strides = array<i32>} : memref<320x128xf32, #tpu.memory_space<vmem>>, vector<16xf32>,
          tpu.vector_store %arg10[%swap3A_190, %swap3A_191], %max3A_189 {strides = array<i32>} : memref<320x128xf32, #tpu.memory_space<vmem>>, vector<16xf32>,
          %get3A_193 = arith.index_cast %while3A_150 : i32 to index
          %get3A_194 = arith.constant 64 : index
          %get3A_195 = tpu.vector_load %arg15[%get3A_193, %get3A_194] {strides = array<i32>} : memref<128x128xf32, #tpu.memory_space<vmem>>, vector<16xf32>,
          %get3A_196 = arith.index_cast %squeeze3A : i32 to index
          %get3A_197 = arith.constant 64 : index
          %get3A_198 = tpu.vector_load %arg10[%get3A_196, %get3A_197] {strides = array<i32>} : memref<320x128xf32, #tpu.memory_space<vmem>>, vector<16xf32>,
          %max3A_199 = arith.maximumf %get3A_198, %get3A_195 : vector<16xf32>
          %swap3A_200 = arith.index_cast %squeeze3A : i32 to index
          %swap3A_201 = arith.constant 64 : index
          %swap3A_202 = tpu.vector_load %arg10[%swap3A_200, %swap3A_201] {strides = array<i32>} : memref<320x128xf32, #tpu.memory_space<vmem>>, vector<16xf32>,
          tpu.vector_store %arg10[%swap3A_200, %swap3A_201], %max3A_199 {strides = array<i32>} : memref<320x128xf32, #tpu.memory_space<vmem>>, vector<16xf32>,
          %get3A_203 = arith.index_cast %while3A_150 : i32 to index
          %get3A_204 = arith.constant 80 : index
          %get3A_205 = tpu.vector_load %arg15[%get3A_203, %get3A_204] {strides = array<i32>} : memref<128x128xf32, #tpu.memory_space<vmem>>, vector<16xf32>,
          %get3A_206 = arith.index_cast %squeeze3A : i32 to index
          %get3A_207 = arith.constant 80 : index
          %get3A_208 = tpu.vector_load %arg10[%get3A_206, %get3A_207] {strides = array<i32>} : memref<320x128xf32, #tpu.memory_space<vmem>>, vector<16xf32>,
          %max3A_209 = arith.maximumf %get3A_208, %get3A_205 : vector<16xf32>
          %swap3A_210 = arith.index_cast %squeeze3A : i32 to index
          %swap3A_211 = arith.constant 80 : index
          %swap3A_212 = tpu.vector_load %arg10[%swap3A_210, %swap3A_211] {strides = array<i32>} : memref<320x128xf32, #tpu.memory_space<vmem>>, vector<16xf32>,
          tpu.vector_store %arg10[%swap3A_210, %swap3A_211], %max3A_209 {strides = array<i32>} : memref<320x128xf32, #tpu.memory_space<vmem>>, vector<16xf32>,
          %get3A_213 = arith.index_cast %while3A_150 : i32 to index
          %get3A_214 = arith.constant 96 : index
          %get3A_215 = tpu.vector_load %arg15[%get3A_213, %get3A_214] {strides = array<i32>} : memref<128x128xf32, #tpu.memory_space<vmem>>, vector<16xf32>,
          %get3A_216 = arith.index_cast %squeeze3A : i32 to index
          %get3A_217 = arith.constant 96 : index
          %get3A_218 = tpu.vector_load %arg10[%get3A_216, %get3A_217] {strides = array<i32>} : memref<320x128xf32, #tpu.memory_space<vmem>>, vector<16xf32>,
          %max3A_219 = arith.maximumf %get3A_218, %get3A_215 : vector<16xf32>
          %swap3A_220 = arith.index_cast %squeeze3A : i32 to index
          %swap3A_221 = arith.constant 96 : index
          %swap3A_222 = tpu.vector_load %arg10[%swap3A_220, %swap3A_221] {strides = array<i32>} : memref<320x128xf32, #tpu.memory_space<vmem>>, vector<16xf32>,
          tpu.vector_store %arg10[%swap3A_220, %swap3A_221], %max3A_219 {strides = array<i32>} : memref<320x128xf32, #tpu.memory_space<vmem>>, vector<16xf32>,
          %get3A_223 = arith.index_cast %while3A_150 : i32 to index
          %get3A_224 = arith.constant 112 : index
          %get3A_225 = tpu.vector_load %arg15[%get3A_223, %get3A_224] {strides = array<i32>} : memref<128x128xf32, #tpu.memory_space<vmem>>, vector<16xf32>,
          %get3A_226 = arith.index_cast %squeeze3A : i32 to index
          %get3A_227 = arith.constant 112 : index
          %get3A_228 = tpu.vector_load %arg10[%get3A_226, %get3A_227] {strides = array<i32>} : memref<320x128xf32, #tpu.memory_space<vmem>>, vector<16xf32>,
          %max3A_229 = arith.maximumf %get3A_228, %get3A_225 : vector<16xf32>
          %swap3A_230 = arith.index_cast %squeeze3A : i32 to index
          %swap3A_231 = arith.constant 112 : index
          %swap3A_232 = tpu.vector_load %arg10[%swap3A_230, %swap3A_231] {strides = array<i32>} : memref<320x128xf32, #tpu.memory_space<vmem>>, vector<16xf32>,
          tpu.vector_store %arg10[%swap3A_230, %swap3A_231], %max3A_229 {strides = array<i32>} : memref<320x128xf32, #tpu.memory_space<vmem>>, vector<16xf32>,
        }
      }
      %while3A_126 = arith.constant 1 : i32
      scf.for %while3A_127 = %while3A_124 to %while3A_120 step %while3A_126  : i32 {
        %mul3A_128 = arith.constant 128 : i32
        %mul3A_129 = arith.muli %while3A_127, %mul3A_128 : i32
        %dma_start3A = tpu.memref_slice %arg13[%mul3A_129] : memref<2048xi32, #tpu.memory_space<vmem>> -> memref<128xi32, #tpu.memory_space<vmem>>
        %dma_start3A_130 = arith.constant 0 : i32
        %dma_start3A_131 = arith.constant 0 : i32
        %dma_start3A_132 = tpu.memref_slice %arg2[%dma_start3A_130, %dma_start3A_131] : memref<323584x128xf32, #tpu.memory_space<hbm>> -> memref<323584x128xf32, #tpu.memory_space<hbm>>
        tpu.enqueue_indirect_dma source(%dma_start3A_132 : memref<323584x128xf32, #tpu.memory_space<hbm>>) target(%arg15 : memref<128x128xf32, #tpu.memory_space<vmem>>) offsets(%dma_start3A : memref<128xi32, #tpu.memory_space<vmem>>) semaphore(%arg16 : memref<!tpu.dma_semaphore, #tpu.memory_space<semaphore_mem>>)
        %dma_wait3A = tpu.memref_slice %arg13[%mul3A_129] : memref<2048xi32, #tpu.memory_space<vmem>> -> memref<128xi32, #tpu.memory_space<vmem>>
        %dma_wait3A_133 = arith.constant 0 : i32
        %dma_wait3A_134 = arith.constant 0 : i32
        %dma_wait3A_135 = tpu.memref_slice %arg2[%dma_wait3A_133, %dma_wait3A_134] : memref<323584x128xf32, #tpu.memory_space<hbm>> -> memref<323584x128xf32, #tpu.memory_space<hbm>>
        tpu.wait_indirect_dma semaphore(%arg16 : memref<!tpu.dma_semaphore, #tpu.memory_space<semaphore_mem>>) src(%dma_wait3A_135 : memref<323584x128xf32, #tpu.memory_space<hbm>>) dst(%arg15 : memref<128x128xf32, #tpu.memory_space<vmem>>)
        %mul3A_136 = arith.constant 128 : i32
        %mul3A_137 = arith.muli %while3A_127, %mul3A_136 : i32
        %sub3A_138 = arith.subi %scan3A_96, %mul3A_137 : i32
        %min3A = arith.constant 128 : i32
        %min3A_139 = arith.minsi %min3A, %sub3A_138 : i32
        %while3A_140 = arith.constant 0 : i32
        %while3A_141 = arith.constant 0 : i32
        %while3A_142 = arith.subi %min3A_139, %while3A_141 : i32
        %while3A_143 = arith.addi %while3A_141, %while3A_142 : i32
        %while3A_144 = arith.constant 1 : i32
        %while3A_145 = arith.divsi %while3A_142, %while3A_144 : i32
        %while3A_146 = arith.muli %while3A_145, %while3A_144 : i32
        %while3A_147 = arith.addi %while3A_141, %while3A_146 : i32
        %while3A_148 = arith.constant 1 : i32
        scf.for %while3A_150 = %while3A_141 to %while3A_147 step %while3A_148  : i32 {
          %mul3A_151 = arith.constant 128 : i32
          %mul3A_152 = arith.muli %while3A_127, %mul3A_151 : i32
          %add3A_153 = arith.addi %mul3A_152, %while3A_150 : i32
          %get3A = arith.index_cast %add3A_153 : i32 to index
          %get3A_154 = tpu.vector_load %arg14[%get3A] {strides = array<i32>} : memref<2048xi32, #tpu.memory_space<vmem>>, vector<16xi32>,
          %slice3A = vector.extract_strided_slice %get3A_154 {offsets = [0], sizes = [1], strides = [1]} : vector<16xi32> to vector<1xi32>
          %squeeze3A = vector.extract %slice3A[0] : i32 from vector<1xi32>
          %get3A_155 = arith.index_cast %while3A_150 : i32 to index
          %get3A_156 = arith.constant 0 : index
          %get3A_157 = tpu.vector_load %arg15[%get3A_155, %get3A_156] {strides = array<i32>} : memref<128x128xf32, #tpu.memory_space<vmem>>, vector<16xf32>,
          %get3A_158 = arith.index_cast %squeeze3A : i32 to index
          %get3A_159 = arith.constant 0 : index
          %get3A_160 = tpu.vector_load %arg10[%get3A_158, %get3A_159] {strides = array<i32>} : memref<320x128xf32, #tpu.memory_space<vmem>>, vector<16xf32>,
          %max3A = arith.maximumf %get3A_160, %get3A_157 : vector<16xf32>
          %swap3A = arith.index_cast %squeeze3A : i32 to index
          %swap3A_161 = arith.constant 0 : index
          %swap3A_162 = tpu.vector_load %arg10[%swap3A, %swap3A_161] {strides = array<i32>} : memref<320x128xf32, #tpu.memory_space<vmem>>, vector<16xf32>,
          tpu.vector_store %arg10[%swap3A, %swap3A_161], %max3A {strides = array<i32>} : memref<320x128xf32, #tpu.memory_space<vmem>>, vector<16xf32>,
          %get3A_163 = arith.index_cast %while3A_150 : i32 to index
          %get3A_164 = arith.constant 16 : index
          %get3A_165 = tpu.vector_load %arg15[%get3A_163, %get3A_164] {strides = array<i32>} : memref<128x128xf32, #tpu.memory_space<vmem>>, vector<16xf32>,
          %get3A_166 = arith.index_cast %squeeze3A : i32 to index
          %get3A_167 = arith.constant 16 : index
          %get3A_168 = tpu.vector_load %arg10[%get3A_166, %get3A_167] {strides = array<i32>} : memref<320x128xf32, #tpu.memory_space<vmem>>, vector<16xf32>,
          %max3A_169 = arith.maximumf %get3A_168, %get3A_165 : vector<16xf32>
          %swap3A_170 = arith.index_cast %squeeze3A : i32 to index
          %swap3A_171 = arith.constant 16 : index
          %swap3A_172 = tpu.vector_load %arg10[%swap3A_170, %swap3A_171] {strides = array<i32>} : memref<320x128xf32, #tpu.memory_space<vmem>>, vector<16xf32>,
          tpu.vector_store %arg10[%swap3A_170, %swap3A_171], %max3A_169 {strides = array<i32>} : memref<320x128xf32, #tpu.memory_space<vmem>>, vector<16xf32>,
          %get3A_173 = arith.index_cast %while3A_150 : i32 to index
          %get3A_174 = arith.constant 32 : index
          %get3A_175 = tpu.vector_load %arg15[%get3A_173, %get3A_174] {strides = array<i32>} : memref<128x128xf32, #tpu.memory_space<vmem>>, vector<16xf32>,
          %get3A_176 = arith.index_cast %squeeze3A : i32 to index
          %get3A_177 = arith.constant 32 : index
          %get3A_178 = tpu.vector_load %arg10[%get3A_176, %get3A_177] {strides = array<i32>} : memref<320x128xf32, #tpu.memory_space<vmem>>, vector<16xf32>,
          %max3A_179 = arith.maximumf %get3A_178, %get3A_175 : vector<16xf32>
          %swap3A_180 = arith.index_cast %squeeze3A : i32 to index
          %swap3A_181 = arith.constant 32 : index
          %swap3A_182 = tpu.vector_load %arg10[%swap3A_180, %swap3A_181] {strides = array<i32>} : memref<320x128xf32, #tpu.memory_space<vmem>>, vector<16xf32>,
          tpu.vector_store %arg10[%swap3A_180, %swap3A_181], %max3A_179 {strides = array<i32>} : memref<320x128xf32, #tpu.memory_space<vmem>>, vector<16xf32>,
          %get3A_183 = arith.index_cast %while3A_150 : i32 to index
          %get3A_184 = arith.constant 48 : index
          %get3A_185 = tpu.vector_load %arg15[%get3A_183, %get3A_184] {strides = array<i32>} : memref<128x128xf32, #tpu.memory_space<vmem>>, vector<16xf32>,
          %get3A_186 = arith.index_cast %squeeze3A : i32 to index
          %get3A_187 = arith.constant 48 : index
          %get3A_188 = tpu.vector_load %arg10[%get3A_186, %get3A_187] {strides = array<i32>} : memref<320x128xf32, #tpu.memory_space<vmem>>, vector<16xf32>,
          %max3A_189 = arith.maximumf %get3A_188, %get3A_185 : vector<16xf32>
          %swap3A_190 = arith.index_cast %squeeze3A : i32 to index
          %swap3A_191 = arith.constant 48 : index
          %swap3A_192 = tpu.vector_load %arg10[%swap3A_190, %swap3A_191] {strides = array<i32>} : memref<320x128xf32, #tpu.memory_space<vmem>>, vector<16xf32>,
          tpu.vector_store %arg10[%swap3A_190, %swap3A_191], %max3A_189 {strides = array<i32>} : memref<320x128xf32, #tpu.memory_space<vmem>>, vector<16xf32>,
          %get3A_193 = arith.index_cast %while3A_150 : i32 to index
          %get3A_194 = arith.constant 64 : index
          %get3A_195 = tpu.vector_load %arg15[%get3A_193, %get3A_194] {strides = array<i32>} : memref<128x128xf32, #tpu.memory_space<vmem>>, vector<16xf32>,
          %get3A_196 = arith.index_cast %squeeze3A : i32 to index
          %get3A_197 = arith.constant 64 : index
          %get3A_198 = tpu.vector_load %arg10[%get3A_196, %get3A_197] {strides = array<i32>} : memref<320x128xf32, #tpu.memory_space<vmem>>, vector<16xf32>,
          %max3A_199 = arith.maximumf %get3A_198, %get3A_195 : vector<16xf32>
          %swap3A_200 = arith.index_cast %squeeze3A : i32 to index
          %swap3A_201 = arith.constant 64 : index
          %swap3A_202 = tpu.vector_load %arg10[%swap3A_200, %swap3A_201] {strides = array<i32>} : memref<320x128xf32, #tpu.memory_space<vmem>>, vector<16xf32>,
          tpu.vector_store %arg10[%swap3A_200, %swap3A_201], %max3A_199 {strides = array<i32>} : memref<320x128xf32, #tpu.memory_space<vmem>>, vector<16xf32>,
          %get3A_203 = arith.index_cast %while3A_150 : i32 to index
          %get3A_204 = arith.constant 80 : index
          %get3A_205 = tpu.vector_load %arg15[%get3A_203, %get3A_204] {strides = array<i32>} : memref<128x128xf32, #tpu.memory_space<vmem>>, vector<16xf32>,
          %get3A_206 = arith.index_cast %squeeze3A : i32 to index
          %get3A_207 = arith.constant 80 : index
          %get3A_208 = tpu.vector_load %arg10[%get3A_206, %get3A_207] {strides = array<i32>} : memref<320x128xf32, #tpu.memory_space<vmem>>, vector<16xf32>,
          %max3A_209 = arith.maximumf %get3A_208, %get3A_205 : vector<16xf32>
          %swap3A_210 = arith.index_cast %squeeze3A : i32 to index
          %swap3A_211 = arith.constant 80 : index
          %swap3A_212 = tpu.vector_load %arg10[%swap3A_210, %swap3A_211] {strides = array<i32>} : memref<320x128xf32, #tpu.memory_space<vmem>>, vector<16xf32>,
          tpu.vector_store %arg10[%swap3A_210, %swap3A_211], %max3A_209 {strides = array<i32>} : memref<320x128xf32, #tpu.memory_space<vmem>>, vector<16xf32>,
          %get3A_213 = arith.index_cast %while3A_150 : i32 to index
          %get3A_214 = arith.constant 96 : index
          %get3A_215 = tpu.vector_load %arg15[%get3A_213, %get3A_214] {strides = array<i32>} : memref<128x128xf32, #tpu.memory_space<vmem>>, vector<16xf32>,
          %get3A_216 = arith.index_cast %squeeze3A : i32 to index
          %get3A_217 = arith.constant 96 : index
          %get3A_218 = tpu.vector_load %arg10[%get3A_216, %get3A_217] {strides = array<i32>} : memref<320x128xf32, #tpu.memory_space<vmem>>, vector<16xf32>,
          %max3A_219 = arith.maximumf %get3A_218, %get3A_215 : vector<16xf32>
          %swap3A_220 = arith.index_cast %squeeze3A : i32 to index
          %swap3A_221 = arith.constant 96 : index
          %swap3A_222 = tpu.vector_load %arg10[%swap3A_220, %swap3A_221] {strides = array<i32>} : memref<320x128xf32, #tpu.memory_space<vmem>>, vector<16xf32>,
          tpu.vector_store %arg10[%swap3A_220, %swap3A_221], %max3A_219 {strides = array<i32>} : memref<320x128xf32, #tpu.memory_space<vmem>>, vector<16xf32>,
          %get3A_223 = arith.index_cast %while3A_150 : i32 to index
          %get3A_224 = arith.constant 112 : index
          %get3A_225 = tpu.vector_load %arg15[%get3A_223, %get3A_224] {strides = array<i32>} : memref<128x128xf32, #tpu.memory_space<vmem>>, vector<16xf32>,
          %get3A_226 = arith.index_cast %squeeze3A : i32 to index
          %get3A_227 = arith.constant 112 : index
          %get3A_228 = tpu.vector_load %arg10[%get3A_226, %get3A_227] {strides = array<i32>} : memref<320x128xf32, #tpu.memory_space<vmem>>, vector<16xf32>,
          %max3A_229 = arith.maximumf %get3A_228, %get3A_225 : vector<16xf32>
          %swap3A_230 = arith.index_cast %squeeze3A : i32 to index
          %swap3A_231 = arith.constant 112 : index
          %swap3A_232 = tpu.vector_load %arg10[%swap3A_230, %swap3A_231] {strides = array<i32>} : memref<320x128xf32, #tpu.memory_space<vmem>>, vector<16xf32>,
          tpu.vector_store %arg10[%swap3A_230, %swap3A_231], %max3A_229 {strides = array<i32>} : memref<320x128xf32, #tpu.memory_space<vmem>>, vector<16xf32>,
        }
        %while3A_149 = arith.constant 1 : i32
        scf.for %while3A_150 = %while3A_147 to %while3A_143 step %while3A_149  : i32 {
          %mul3A_151 = arith.constant 128 : i32
          %mul3A_152 = arith.muli %while3A_127, %mul3A_151 : i32
          %add3A_153 = arith.addi %mul3A_152, %while3A_150 : i32
          %get3A = arith.index_cast %add3A_153 : i32 to index
          %get3A_154 = tpu.vector_load %arg14[%get3A] {strides = array<i32>} : memref<2048xi32, #tpu.memory_space<vmem>>, vector<16xi32>,
          %slice3A = vector.extract_strided_slice %get3A_154 {offsets = [0], sizes = [1], strides = [1]} : vector<16xi32> to vector<1xi32>
          %squeeze3A = vector.extract %slice3A[0] : i32 from vector<1xi32>
          %get3A_155 = arith.index_cast %while3A_150 : i32 to index
          %get3A_156 = arith.constant 0 : index
          %get3A_157 = tpu.vector_load %arg15[%get3A_155, %get3A_156] {strides = array<i32>} : memref<128x128xf32, #tpu.memory_space<vmem>>, vector<16xf32>,
          %get3A_158 = arith.index_cast %squeeze3A : i32 to index
          %get3A_159 = arith.constant 0 : index
          %get3A_160 = tpu.vector_load %arg10[%get3A_158, %get3A_159] {strides = array<i32>} : memref<320x128xf32, #tpu.memory_space<vmem>>, vector<16xf32>,
          %max3A = arith.maximumf %get3A_160, %get3A_157 : vector<16xf32>
          %swap3A = arith.index_cast %squeeze3A : i32 to index
          %swap3A_161 = arith.constant 0 : index
          %swap3A_162 = tpu.vector_load %arg10[%swap3A, %swap3A_161] {strides = array<i32>} : memref<320x128xf32, #tpu.memory_space<vmem>>, vector<16xf32>,
          tpu.vector_store %arg10[%swap3A, %swap3A_161], %max3A {strides = array<i32>} : memref<320x128xf32, #tpu.memory_space<vmem>>, vector<16xf32>,
          %get3A_163 = arith.index_cast %while3A_150 : i32 to index
          %get3A_164 = arith.constant 16 : index
          %get3A_165 = tpu.vector_load %arg15[%get3A_163, %get3A_164] {strides = array<i32>} : memref<128x128xf32, #tpu.memory_space<vmem>>, vector<16xf32>,
          %get3A_166 = arith.index_cast %squeeze3A : i32 to index
          %get3A_167 = arith.constant 16 : index
          %get3A_168 = tpu.vector_load %arg10[%get3A_166, %get3A_167] {strides = array<i32>} : memref<320x128xf32, #tpu.memory_space<vmem>>, vector<16xf32>,
          %max3A_169 = arith.maximumf %get3A_168, %get3A_165 : vector<16xf32>
          %swap3A_170 = arith.index_cast %squeeze3A : i32 to index
          %swap3A_171 = arith.constant 16 : index
          %swap3A_172 = tpu.vector_load %arg10[%swap3A_170, %swap3A_171] {strides = array<i32>} : memref<320x128xf32, #tpu.memory_space<vmem>>, vector<16xf32>,
          tpu.vector_store %arg10[%swap3A_170, %swap3A_171], %max3A_169 {strides = array<i32>} : memref<320x128xf32, #tpu.memory_space<vmem>>, vector<16xf32>,
          %get3A_173 = arith.index_cast %while3A_150 : i32 to index
          %get3A_174 = arith.constant 32 : index
          %get3A_175 = tpu.vector_load %arg15[%get3A_173, %get3A_174] {strides = array<i32>} : memref<128x128xf32, #tpu.memory_space<vmem>>, vector<16xf32>,
          %get3A_176 = arith.index_cast %squeeze3A : i32 to index
          %get3A_177 = arith.constant 32 : index
          %get3A_178 = tpu.vector_load %arg10[%get3A_176, %get3A_177] {strides = array<i32>} : memref<320x128xf32, #tpu.memory_space<vmem>>, vector<16xf32>,
          %max3A_179 = arith.maximumf %get3A_178, %get3A_175 : vector<16xf32>
          %swap3A_180 = arith.index_cast %squeeze3A : i32 to index
          %swap3A_181 = arith.constant 32 : index
          %swap3A_182 = tpu.vector_load %arg10[%swap3A_180, %swap3A_181] {strides = array<i32>} : memref<320x128xf32, #tpu.memory_space<vmem>>, vector<16xf32>,
          tpu.vector_store %arg10[%swap3A_180, %swap3A_181], %max3A_179 {strides = array<i32>} : memref<320x128xf32, #tpu.memory_space<vmem>>, vector<16xf32>,
          %get3A_183 = arith.index_cast %while3A_150 : i32 to index
          %get3A_184 = arith.constant 48 : index
          %get3A_185 = tpu.vector_load %arg15[%get3A_183, %get3A_184] {strides = array<i32>} : memref<128x128xf32, #tpu.memory_space<vmem>>, vector<16xf32>,
          %get3A_186 = arith.index_cast %squeeze3A : i32 to index
          %get3A_187 = arith.constant 48 : index
          %get3A_188 = tpu.vector_load %arg10[%get3A_186, %get3A_187] {strides = array<i32>} : memref<320x128xf32, #tpu.memory_space<vmem>>, vector<16xf32>,
          %max3A_189 = arith.maximumf %get3A_188, %get3A_185 : vector<16xf32>
          %swap3A_190 = arith.index_cast %squeeze3A : i32 to index
          %swap3A_191 = arith.constant 48 : index
          %swap3A_192 = tpu.vector_load %arg10[%swap3A_190, %swap3A_191] {strides = array<i32>} : memref<320x128xf32, #tpu.memory_space<vmem>>, vector<16xf32>,
          tpu.vector_store %arg10[%swap3A_190, %swap3A_191], %max3A_189 {strides = array<i32>} : memref<320x128xf32, #tpu.memory_space<vmem>>, vector<16xf32>,
          %get3A_193 = arith.index_cast %while3A_150 : i32 to index
          %get3A_194 = arith.constant 64 : index
          %get3A_195 = tpu.vector_load %arg15[%get3A_193, %get3A_194] {strides = array<i32>} : memref<128x128xf32, #tpu.memory_space<vmem>>, vector<16xf32>,
          %get3A_196 = arith.index_cast %squeeze3A : i32 to index
          %get3A_197 = arith.constant 64 : index
          %get3A_198 = tpu.vector_load %arg10[%get3A_196, %get3A_197] {strides = array<i32>} : memref<320x128xf32, #tpu.memory_space<vmem>>, vector<16xf32>,
          %max3A_199 = arith.maximumf %get3A_198, %get3A_195 : vector<16xf32>
          %swap3A_200 = arith.index_cast %squeeze3A : i32 to index
          %swap3A_201 = arith.constant 64 : index
          %swap3A_202 = tpu.vector_load %arg10[%swap3A_200, %swap3A_201] {strides = array<i32>} : memref<320x128xf32, #tpu.memory_space<vmem>>, vector<16xf32>,
          tpu.vector_store %arg10[%swap3A_200, %swap3A_201], %max3A_199 {strides = array<i32>} : memref<320x128xf32, #tpu.memory_space<vmem>>, vector<16xf32>,
          %get3A_203 = arith.index_cast %while3A_150 : i32 to index
          %get3A_204 = arith.constant 80 : index
          %get3A_205 = tpu.vector_load %arg15[%get3A_203, %get3A_204] {strides = array<i32>} : memref<128x128xf32, #tpu.memory_space<vmem>>, vector<16xf32>,
          %get3A_206 = arith.index_cast %squeeze3A : i32 to index
          %get3A_207 = arith.constant 80 : index
          %get3A_208 = tpu.vector_load %arg10[%get3A_206, %get3A_207] {strides = array<i32>} : memref<320x128xf32, #tpu.memory_space<vmem>>, vector<16xf32>,
          %max3A_209 = arith.maximumf %get3A_208, %get3A_205 : vector<16xf32>
          %swap3A_210 = arith.index_cast %squeeze3A : i32 to index
          %swap3A_211 = arith.constant 80 : index
          %swap3A_212 = tpu.vector_load %arg10[%swap3A_210, %swap3A_211] {strides = array<i32>} : memref<320x128xf32, #tpu.memory_space<vmem>>, vector<16xf32>,
          tpu.vector_store %arg10[%swap3A_210, %swap3A_211], %max3A_209 {strides = array<i32>} : memref<320x128xf32, #tpu.memory_space<vmem>>, vector<16xf32>,
          %get3A_213 = arith.index_cast %while3A_150 : i32 to index
          %get3A_214 = arith.constant 96 : index
          %get3A_215 = tpu.vector_load %arg15[%get3A_213, %get3A_214] {strides = array<i32>} : memref<128x128xf32, #tpu.memory_space<vmem>>, vector<16xf32>,
          %get3A_216 = arith.index_cast %squeeze3A : i32 to index
          %get3A_217 = arith.constant 96 : index
          %get3A_218 = tpu.vector_load %arg10[%get3A_216, %get3A_217] {strides = array<i32>} : memref<320x128xf32, #tpu.memory_space<vmem>>, vector<16xf32>,
          %max3A_219 = arith.maximumf %get3A_218, %get3A_215 : vector<16xf32>
          %swap3A_220 = arith.index_cast %squeeze3A : i32 to index
          %swap3A_221 = arith.constant 96 : index
          %swap3A_222 = tpu.vector_load %arg10[%swap3A_220, %swap3A_221] {strides = array<i32>} : memref<320x128xf32, #tpu.memory_space<vmem>>, vector<16xf32>,
          tpu.vector_store %arg10[%swap3A_220, %swap3A_221], %max3A_219 {strides = array<i32>} : memref<320x128xf32, #tpu.memory_space<vmem>>, vector<16xf32>,
          %get3A_223 = arith.index_cast %while3A_150 : i32 to index
          %get3A_224 = arith.constant 112 : index
          %get3A_225 = tpu.vector_load %arg15[%get3A_223, %get3A_224] {strides = array<i32>} : memref<128x128xf32, #tpu.memory_space<vmem>>, vector<16xf32>,
          %get3A_226 = arith.index_cast %squeeze3A : i32 to index
          %get3A_227 = arith.constant 112 : index
          %get3A_228 = tpu.vector_load %arg10[%get3A_226, %get3A_227] {strides = array<i32>} : memref<320x128xf32, #tpu.memory_space<vmem>>, vector<16xf32>,
          %max3A_229 = arith.maximumf %get3A_228, %get3A_225 : vector<16xf32>
          %swap3A_230 = arith.index_cast %squeeze3A : i32 to index
          %swap3A_231 = arith.constant 112 : index
          %swap3A_232 = tpu.vector_load %arg10[%swap3A_230, %swap3A_231] {strides = array<i32>} : memref<320x128xf32, #tpu.memory_space<vmem>>, vector<16xf32>,
          tpu.vector_store %arg10[%swap3A_230, %swap3A_231], %max3A_229 {strides = array<i32>} : memref<320x128xf32, #tpu.memory_space<vmem>>, vector<16xf32>,
        }
      }
    }
    %scan3A_19 = arith.constant 160 : i32
    %scan3A_20 = arith.constant 0 : i32
    %scan3A_21 = arith.constant 0 : i32
    %scan3A_22 = arith.constant 128 : i32
    %scan3A_23 = arith.addi %scan3A_21, %scan3A_22 : i32
    %scan3A_24 = arith.constant 1 : i32
    scf.for %scan3A_86 = %scan3A_21 to %scan3A_23 step %scan3A_24  : i32 {
      %broadcast_in_dim3A = arith.constant 0 : i32
      %broadcast_in_dim3A_87 = vector.broadcast %broadcast_in_dim3A : i32 to vector<16xi32>
      %mul3A_88 = arith.constant 16 : i32
      %mul3A_89 = arith.muli %scan3A_86, %mul3A_88 : i32
      %swap3A = arith.index_cast %mul3A_89 : i32 to index
      %swap3A_90 = tpu.vector_load %arg13[%swap3A] {strides = array<i32>} : memref<2048xi32, #tpu.memory_space<vmem>>, vector<16xi32>,
      tpu.vector_store %arg13[%swap3A], %broadcast_in_dim3A_87 {strides = array<i32>} : memref<2048xi32, #tpu.memory_space<vmem>>, vector<16xi32>,
    }
    %scan3A_25 = arith.constant 128 : i32
    %scan3A_26 = arith.constant 0 : i32
    %scan3A_27 = arith.constant 0 : i32
    %scan3A_28 = arith.constant 40 : i32
    %scan3A_29 = arith.addi %scan3A_27, %scan3A_28 : i32
    %scan3A_30 = arith.constant 1 : i32
    scf.for %scan3A_86 = %scan3A_27 to %scan3A_29 step %scan3A_30  : i32 {
      %mul3A_87 = arith.constant 2000 : i32
      %mul3A_88 = arith.muli %scan3A_86, %mul3A_87 : i32
      "tpu.region"() ({
        %run_scoped3A = tpu.sem_alloc : memref<!tpu.dma_semaphore, #tpu.memory_space<semaphore_mem>>
        %dma_start3A = tpu.memref_slice %arg6[%mul3A_88] : memref<80000xi32, #tpu.memory_space<hbm>> -> memref<2000xi32, #tpu.memory_space<hbm>>
        %dma_start3A_127 = tpu.memref_slice %arg6[%mul3A_88] : memref<80000xi32, #tpu.memory_space<hbm>> -> memref<2000xi32, #tpu.memory_space<hbm>>
        tpu.enqueue_dma source(%dma_start3A_127 : memref<2000xi32, #tpu.memory_space<hbm>>) target(%arg12 : memref<2000xi32, #tpu.memory_space<vmem>>) target_semaphore(%run_scoped3A : memref<!tpu.dma_semaphore, #tpu.memory_space<semaphore_mem>>)
        %dma_wait3A = tpu.memref_slice %arg6[%mul3A_88] : memref<80000xi32, #tpu.memory_space<hbm>> -> memref<2000xi32, #tpu.memory_space<hbm>>
        %dma_wait3A_128 = tpu.memref_slice %arg6[%mul3A_88] : memref<80000xi32, #tpu.memory_space<hbm>> -> memref<2000xi32, #tpu.memory_space<hbm>>
        tpu.wait_dma2 semaphore(%run_scoped3A : memref<!tpu.dma_semaphore, #tpu.memory_space<semaphore_mem>>) src(%dma_wait3A_128 : memref<2000xi32, #tpu.memory_space<hbm>>) dst(%arg12 : memref<2000xi32, #tpu.memory_space<vmem>>)
        tpu.yield
      }) : () -> ()
      %mul3A_89 = arith.constant 2000 : i32
      %mul3A_90 = arith.muli %scan3A_86, %mul3A_89 : i32
      %scan3A_91 = arith.constant 0 : i32
      %scan3A_92 = arith.constant 0 : i32
      %scan3A_93 = arith.constant 125 : i32
      %scan3A_94 = arith.addi %scan3A_92, %scan3A_93 : i32
      %scan3A_95 = arith.constant 1 : i32
      %scan3A_96 = scf.for %scan3A_127 = %scan3A_92 to %scan3A_94 step %scan3A_95 iter_args(%scan3A_128 = %scan3A_91) -> (i32)  : i32 {
        %mul3A_129 = arith.constant 16 : i32
        %mul3A_130 = arith.muli %scan3A_127, %mul3A_129 : i32
        %get3A = arith.index_cast %mul3A_130 : i32 to index
        %get3A_131 = tpu.vector_load %arg12[%get3A] {strides = array<i32>} : memref<2000xi32, #tpu.memory_space<vmem>>, vector<16xi32>,
        %mul3A_132 = arith.constant 16 : i32
        %mul3A_133 = arith.muli %scan3A_127, %mul3A_132 : i32
        %add3A_134 = arith.addi %mul3A_90, %mul3A_133 : i32
        %add3A_135 = vector.broadcast %add3A_134 : i32 to vector<16xi32>
        %add3A_136 = arith.addi %add3A_135, %iota3A : vector<16xi32>
        %ge3A = vector.broadcast %mul3A_2 : i32 to vector<16xi32>
        %ge3A_137 = arith.cmpi sge, %get3A_131, %ge3A : vector<16xi32>
        %add3A_138 = arith.constant 320 : i32
        %add3A_139 = arith.addi %mul3A_2, %add3A_138 : i32
        %lt3A = vector.broadcast %add3A_139 : i32 to vector<16xi32>
        %lt3A_140 = arith.cmpi slt, %get3A_131, %lt3A : vector<16xi32>
        %and3A_141 = arith.andi %ge3A_137, %lt3A_140 : vector<16xi1>
        %jit3A_142 = arith.constant 1 : i32
        %jit3A_143 = arith.constant 0 : i32
        %broadcast_in_dim3A = vector.broadcast %jit3A_142 : i32 to vector<16xi32>
        %broadcast_in_dim3A_144 = vector.broadcast %jit3A_143 : i32 to vector<16xi32>
        %select_n3A_145 = arith.select %and3A_141, %broadcast_in_dim3A, %broadcast_in_dim3A_144 : vector<16xi1>, vector<16xi32>
        %broadcast_in_dim3A_146 = arith.constant true
        %broadcast_in_dim3A_147 = vector.broadcast %broadcast_in_dim3A_146 : i1 to vector<16xi1>
        %masked_cumsum3A = tpu.scan <sum>, %select_n3A_145 masked %broadcast_in_dim3A_147 : vector<16xi32>, vector<16xi1> -> vector<16xi32>
        %add3A_148 = vector.broadcast %scan3A_128 : i32 to vector<16xi32>
        %add3A_149 = arith.addi %add3A_148, %masked_cumsum3A : vector<16xi32>
        %sub3A_150 = arith.constant 1 : i32
        %sub3A_151 = vector.broadcast %sub3A_150 : i32 to vector<16xi32>
        %sub3A_152 = arith.subi %add3A_149, %sub3A_151 : vector<16xi32>
        tpu.vector_store_idx %arg13[%sub3A_152], %add3A_136 masked %and3A_141 : memref<2048xi32, #tpu.memory_space<vmem>>[vector<16xi32>], vector<16xi32>, vector<16xi1>
        %sub3A_153 = vector.broadcast %mul3A_2 : i32 to vector<16xi32>
        %sub3A_154 = arith.subi %get3A_131, %sub3A_153 : vector<16xi32>
        tpu.vector_store_idx %arg14[%sub3A_152], %sub3A_154 masked %and3A_141 : memref<2048xi32, #tpu.memory_space<vmem>>[vector<16xi32>], vector<16xi32>, vector<16xi1>
        %slice3A = vector.extract_strided_slice %masked_cumsum3A {offsets = [15], sizes = [1], strides = [1]} : vector<16xi32> to vector<1xi32>
        %squeeze3A = vector.extract %slice3A[0] : i32 from vector<1xi32>
        %add3A_155 = arith.addi %scan3A_128, %squeeze3A : i32
        scf.yield %add3A_155 : i32
      }
      %scan3A_97 = arith.constant 125 : i32
      %add3A_98 = arith.constant 128 : i32
      %add3A_99 = arith.addi %scan3A_96, %add3A_98 : i32
      %sub3A = arith.constant 1 : i32
      %sub3A_100 = arith.subi %add3A_99, %sub3A : i32
      %jit3A = arith.constant 128 : i32
      %div3A = arith.divsi %sub3A_100, %jit3A : i32
      %sign3A = arith.constant 0 : i32
      %sign3A_101 = arith.cmpi sgt, %sub3A_100, %sign3A : i32
      %sign3A_102 = arith.extui %sign3A_101 : i1 to i32
      %sign3A_103 = arith.constant 0 : i32
      %sign3A_104 = arith.cmpi slt, %sub3A_100, %sign3A_103 : i32
      %sign3A_105 = arith.extui %sign3A_104 : i1 to i32
      %sign3A_106 = arith.subi %sign3A_102, %sign3A_105 : i32
      %sign3A_107 = arith.constant 0 : i32
      %sign3A_108 = arith.cmpi sgt, %jit3A, %sign3A_107 : i32
      %sign3A_109 = arith.extui %sign3A_108 : i1 to i32
      %sign3A_110 = arith.constant 0 : i32
      %sign3A_111 = arith.cmpi slt, %jit3A, %sign3A_110 : i32
      %sign3A_112 = arith.extui %sign3A_111 : i1 to i32
      %sign3A_113 = arith.subi %sign3A_109, %sign3A_112 : i32
      %ne3A = arith.cmpi ne, %sign3A_106, %sign3A_113 : i32
      %rem3A = arith.remsi %sub3A_100, %jit3A : i32
      %ne3A_114 = arith.constant 0 : i32
      %ne3A_115 = arith.cmpi ne, %rem3A, %ne3A_114 : i32
      %and3A = arith.andi %ne3A, %ne3A_115 : i1
      %sub3A_116 = arith.constant 1 : i32
      %sub3A_117 = arith.subi %div3A, %sub3A_116 : i32
      %select_n3A = arith.select %and3A, %sub3A_117, %div3A : i32
      %while3A = arith.constant 0 : i32
      %while3A_118 = arith.constant 0 : i32
      %while3A_119 = arith.subi %select_n3A, %while3A_118 : i32
      %while3A_120 = arith.addi %while3A_118, %while3A_119 : i32
      %while3A_121 = arith.constant 1 : i32
      %while3A_122 = arith.divsi %while3A_119, %while3A_121 : i32
      %while3A_123 = arith.muli %while3A_122, %while3A_121 : i32
      %while3A_124 = arith.addi %while3A_118, %while3A_123 : i32
      %while3A_125 = arith.constant 1 : i32
      scf.for %while3A_127 = %while3A_118 to %while3A_124 step %while3A_125  : i32 {
        %mul3A_128 = arith.constant 128 : i32
        %mul3A_129 = arith.muli %while3A_127, %mul3A_128 : i32
        %dma_start3A = tpu.memref_slice %arg13[%mul3A_129] : memref<2048xi32, #tpu.memory_space<vmem>> -> memref<128xi32, #tpu.memory_space<vmem>>
        %dma_start3A_130 = arith.constant 0 : i32
        %dma_start3A_131 = arith.constant 0 : i32
        %dma_start3A_132 = tpu.memref_slice %arg3[%dma_start3A_130, %dma_start3A_131] : memref<81920x128xf32, #tpu.memory_space<hbm>> -> memref<81920x128xf32, #tpu.memory_space<hbm>>
        tpu.enqueue_indirect_dma source(%dma_start3A_132 : memref<81920x128xf32, #tpu.memory_space<hbm>>) target(%arg15 : memref<128x128xf32, #tpu.memory_space<vmem>>) offsets(%dma_start3A : memref<128xi32, #tpu.memory_space<vmem>>) semaphore(%arg16 : memref<!tpu.dma_semaphore, #tpu.memory_space<semaphore_mem>>)
        %dma_wait3A = tpu.memref_slice %arg13[%mul3A_129] : memref<2048xi32, #tpu.memory_space<vmem>> -> memref<128xi32, #tpu.memory_space<vmem>>
        %dma_wait3A_133 = arith.constant 0 : i32
        %dma_wait3A_134 = arith.constant 0 : i32
        %dma_wait3A_135 = tpu.memref_slice %arg3[%dma_wait3A_133, %dma_wait3A_134] : memref<81920x128xf32, #tpu.memory_space<hbm>> -> memref<81920x128xf32, #tpu.memory_space<hbm>>
        tpu.wait_indirect_dma semaphore(%arg16 : memref<!tpu.dma_semaphore, #tpu.memory_space<semaphore_mem>>) src(%dma_wait3A_135 : memref<81920x128xf32, #tpu.memory_space<hbm>>) dst(%arg15 : memref<128x128xf32, #tpu.memory_space<vmem>>)
        %mul3A_136 = arith.constant 128 : i32
        %mul3A_137 = arith.muli %while3A_127, %mul3A_136 : i32
        %sub3A_138 = arith.subi %scan3A_96, %mul3A_137 : i32
        %min3A = arith.constant 128 : i32
        %min3A_139 = arith.minsi %min3A, %sub3A_138 : i32
        %while3A_140 = arith.constant 0 : i32
        %while3A_141 = arith.constant 0 : i32
        %while3A_142 = arith.subi %min3A_139, %while3A_141 : i32
        %while3A_143 = arith.addi %while3A_141, %while3A_142 : i32
        %while3A_144 = arith.constant 1 : i32
        %while3A_145 = arith.divsi %while3A_142, %while3A_144 : i32
        %while3A_146 = arith.muli %while3A_145, %while3A_144 : i32
        %while3A_147 = arith.addi %while3A_141, %while3A_146 : i32
        %while3A_148 = arith.constant 1 : i32
        scf.for %while3A_150 = %while3A_141 to %while3A_147 step %while3A_148  : i32 {
          %mul3A_151 = arith.constant 128 : i32
          %mul3A_152 = arith.muli %while3A_127, %mul3A_151 : i32
          %add3A_153 = arith.addi %mul3A_152, %while3A_150 : i32
          %get3A = arith.index_cast %add3A_153 : i32 to index
          %get3A_154 = tpu.vector_load %arg14[%get3A] {strides = array<i32>} : memref<2048xi32, #tpu.memory_space<vmem>>, vector<16xi32>,
          %slice3A = vector.extract_strided_slice %get3A_154 {offsets = [0], sizes = [1], strides = [1]} : vector<16xi32> to vector<1xi32>
          %squeeze3A = vector.extract %slice3A[0] : i32 from vector<1xi32>
          %get3A_155 = arith.index_cast %while3A_150 : i32 to index
          %get3A_156 = arith.constant 0 : index
          %get3A_157 = tpu.vector_load %arg15[%get3A_155, %get3A_156] {strides = array<i32>} : memref<128x128xf32, #tpu.memory_space<vmem>>, vector<16xf32>,
          %get3A_158 = arith.index_cast %squeeze3A : i32 to index
          %get3A_159 = arith.constant 0 : index
          %get3A_160 = tpu.vector_load %arg10[%get3A_158, %get3A_159] {strides = array<i32>} : memref<320x128xf32, #tpu.memory_space<vmem>>, vector<16xf32>,
          %max3A = arith.maximumf %get3A_160, %get3A_157 : vector<16xf32>
          %swap3A = arith.index_cast %squeeze3A : i32 to index
          %swap3A_161 = arith.constant 0 : index
          %swap3A_162 = tpu.vector_load %arg10[%swap3A, %swap3A_161] {strides = array<i32>} : memref<320x128xf32, #tpu.memory_space<vmem>>, vector<16xf32>,
          tpu.vector_store %arg10[%swap3A, %swap3A_161], %max3A {strides = array<i32>} : memref<320x128xf32, #tpu.memory_space<vmem>>, vector<16xf32>,
          %get3A_163 = arith.index_cast %while3A_150 : i32 to index
          %get3A_164 = arith.constant 16 : index
          %get3A_165 = tpu.vector_load %arg15[%get3A_163, %get3A_164] {strides = array<i32>} : memref<128x128xf32, #tpu.memory_space<vmem>>, vector<16xf32>,
          %get3A_166 = arith.index_cast %squeeze3A : i32 to index
          %get3A_167 = arith.constant 16 : index
          %get3A_168 = tpu.vector_load %arg10[%get3A_166, %get3A_167] {strides = array<i32>} : memref<320x128xf32, #tpu.memory_space<vmem>>, vector<16xf32>,
          %max3A_169 = arith.maximumf %get3A_168, %get3A_165 : vector<16xf32>
          %swap3A_170 = arith.index_cast %squeeze3A : i32 to index
          %swap3A_171 = arith.constant 16 : index
          %swap3A_172 = tpu.vector_load %arg10[%swap3A_170, %swap3A_171] {strides = array<i32>} : memref<320x128xf32, #tpu.memory_space<vmem>>, vector<16xf32>,
          tpu.vector_store %arg10[%swap3A_170, %swap3A_171], %max3A_169 {strides = array<i32>} : memref<320x128xf32, #tpu.memory_space<vmem>>, vector<16xf32>,
          %get3A_173 = arith.index_cast %while3A_150 : i32 to index
          %get3A_174 = arith.constant 32 : index
          %get3A_175 = tpu.vector_load %arg15[%get3A_173, %get3A_174] {strides = array<i32>} : memref<128x128xf32, #tpu.memory_space<vmem>>, vector<16xf32>,
          %get3A_176 = arith.index_cast %squeeze3A : i32 to index
          %get3A_177 = arith.constant 32 : index
          %get3A_178 = tpu.vector_load %arg10[%get3A_176, %get3A_177] {strides = array<i32>} : memref<320x128xf32, #tpu.memory_space<vmem>>, vector<16xf32>,
          %max3A_179 = arith.maximumf %get3A_178, %get3A_175 : vector<16xf32>
          %swap3A_180 = arith.index_cast %squeeze3A : i32 to index
          %swap3A_181 = arith.constant 32 : index
          %swap3A_182 = tpu.vector_load %arg10[%swap3A_180, %swap3A_181] {strides = array<i32>} : memref<320x128xf32, #tpu.memory_space<vmem>>, vector<16xf32>,
          tpu.vector_store %arg10[%swap3A_180, %swap3A_181], %max3A_179 {strides = array<i32>} : memref<320x128xf32, #tpu.memory_space<vmem>>, vector<16xf32>,
          %get3A_183 = arith.index_cast %while3A_150 : i32 to index
          %get3A_184 = arith.constant 48 : index
          %get3A_185 = tpu.vector_load %arg15[%get3A_183, %get3A_184] {strides = array<i32>} : memref<128x128xf32, #tpu.memory_space<vmem>>, vector<16xf32>,
          %get3A_186 = arith.index_cast %squeeze3A : i32 to index
          %get3A_187 = arith.constant 48 : index
          %get3A_188 = tpu.vector_load %arg10[%get3A_186, %get3A_187] {strides = array<i32>} : memref<320x128xf32, #tpu.memory_space<vmem>>, vector<16xf32>,
          %max3A_189 = arith.maximumf %get3A_188, %get3A_185 : vector<16xf32>
          %swap3A_190 = arith.index_cast %squeeze3A : i32 to index
          %swap3A_191 = arith.constant 48 : index
          %swap3A_192 = tpu.vector_load %arg10[%swap3A_190, %swap3A_191] {strides = array<i32>} : memref<320x128xf32, #tpu.memory_space<vmem>>, vector<16xf32>,
          tpu.vector_store %arg10[%swap3A_190, %swap3A_191], %max3A_189 {strides = array<i32>} : memref<320x128xf32, #tpu.memory_space<vmem>>, vector<16xf32>,
          %get3A_193 = arith.index_cast %while3A_150 : i32 to index
          %get3A_194 = arith.constant 64 : index
          %get3A_195 = tpu.vector_load %arg15[%get3A_193, %get3A_194] {strides = array<i32>} : memref<128x128xf32, #tpu.memory_space<vmem>>, vector<16xf32>,
          %get3A_196 = arith.index_cast %squeeze3A : i32 to index
          %get3A_197 = arith.constant 64 : index
          %get3A_198 = tpu.vector_load %arg10[%get3A_196, %get3A_197] {strides = array<i32>} : memref<320x128xf32, #tpu.memory_space<vmem>>, vector<16xf32>,
          %max3A_199 = arith.maximumf %get3A_198, %get3A_195 : vector<16xf32>
          %swap3A_200 = arith.index_cast %squeeze3A : i32 to index
          %swap3A_201 = arith.constant 64 : index
          %swap3A_202 = tpu.vector_load %arg10[%swap3A_200, %swap3A_201] {strides = array<i32>} : memref<320x128xf32, #tpu.memory_space<vmem>>, vector<16xf32>,
          tpu.vector_store %arg10[%swap3A_200, %swap3A_201], %max3A_199 {strides = array<i32>} : memref<320x128xf32, #tpu.memory_space<vmem>>, vector<16xf32>,
          %get3A_203 = arith.index_cast %while3A_150 : i32 to index
          %get3A_204 = arith.constant 80 : index
          %get3A_205 = tpu.vector_load %arg15[%get3A_203, %get3A_204] {strides = array<i32>} : memref<128x128xf32, #tpu.memory_space<vmem>>, vector<16xf32>,
          %get3A_206 = arith.index_cast %squeeze3A : i32 to index
          %get3A_207 = arith.constant 80 : index
          %get3A_208 = tpu.vector_load %arg10[%get3A_206, %get3A_207] {strides = array<i32>} : memref<320x128xf32, #tpu.memory_space<vmem>>, vector<16xf32>,
          %max3A_209 = arith.maximumf %get3A_208, %get3A_205 : vector<16xf32>
          %swap3A_210 = arith.index_cast %squeeze3A : i32 to index
          %swap3A_211 = arith.constant 80 : index
          %swap3A_212 = tpu.vector_load %arg10[%swap3A_210, %swap3A_211] {strides = array<i32>} : memref<320x128xf32, #tpu.memory_space<vmem>>, vector<16xf32>,
          tpu.vector_store %arg10[%swap3A_210, %swap3A_211], %max3A_209 {strides = array<i32>} : memref<320x128xf32, #tpu.memory_space<vmem>>, vector<16xf32>,
          %get3A_213 = arith.index_cast %while3A_150 : i32 to index
          %get3A_214 = arith.constant 96 : index
          %get3A_215 = tpu.vector_load %arg15[%get3A_213, %get3A_214] {strides = array<i32>} : memref<128x128xf32, #tpu.memory_space<vmem>>, vector<16xf32>,
          %get3A_216 = arith.index_cast %squeeze3A : i32 to index
          %get3A_217 = arith.constant 96 : index
          %get3A_218 = tpu.vector_load %arg10[%get3A_216, %get3A_217] {strides = array<i32>} : memref<320x128xf32, #tpu.memory_space<vmem>>, vector<16xf32>,
          %max3A_219 = arith.maximumf %get3A_218, %get3A_215 : vector<16xf32>
          %swap3A_220 = arith.index_cast %squeeze3A : i32 to index
          %swap3A_221 = arith.constant 96 : index
          %swap3A_222 = tpu.vector_load %arg10[%swap3A_220, %swap3A_221] {strides = array<i32>} : memref<320x128xf32, #tpu.memory_space<vmem>>, vector<16xf32>,
          tpu.vector_store %arg10[%swap3A_220, %swap3A_221], %max3A_219 {strides = array<i32>} : memref<320x128xf32, #tpu.memory_space<vmem>>, vector<16xf32>,
          %get3A_223 = arith.index_cast %while3A_150 : i32 to index
          %get3A_224 = arith.constant 112 : index
          %get3A_225 = tpu.vector_load %arg15[%get3A_223, %get3A_224] {strides = array<i32>} : memref<128x128xf32, #tpu.memory_space<vmem>>, vector<16xf32>,
          %get3A_226 = arith.index_cast %squeeze3A : i32 to index
          %get3A_227 = arith.constant 112 : index
          %get3A_228 = tpu.vector_load %arg10[%get3A_226, %get3A_227] {strides = array<i32>} : memref<320x128xf32, #tpu.memory_space<vmem>>, vector<16xf32>,
          %max3A_229 = arith.maximumf %get3A_228, %get3A_225 : vector<16xf32>
          %swap3A_230 = arith.index_cast %squeeze3A : i32 to index
          %swap3A_231 = arith.constant 112 : index
          %swap3A_232 = tpu.vector_load %arg10[%swap3A_230, %swap3A_231] {strides = array<i32>} : memref<320x128xf32, #tpu.memory_space<vmem>>, vector<16xf32>,
          tpu.vector_store %arg10[%swap3A_230, %swap3A_231], %max3A_229 {strides = array<i32>} : memref<320x128xf32, #tpu.memory_space<vmem>>, vector<16xf32>,
        }
        %while3A_149 = arith.constant 1 : i32
        scf.for %while3A_150 = %while3A_147 to %while3A_143 step %while3A_149  : i32 {
          %mul3A_151 = arith.constant 128 : i32
          %mul3A_152 = arith.muli %while3A_127, %mul3A_151 : i32
          %add3A_153 = arith.addi %mul3A_152, %while3A_150 : i32
          %get3A = arith.index_cast %add3A_153 : i32 to index
          %get3A_154 = tpu.vector_load %arg14[%get3A] {strides = array<i32>} : memref<2048xi32, #tpu.memory_space<vmem>>, vector<16xi32>,
          %slice3A = vector.extract_strided_slice %get3A_154 {offsets = [0], sizes = [1], strides = [1]} : vector<16xi32> to vector<1xi32>
          %squeeze3A = vector.extract %slice3A[0] : i32 from vector<1xi32>
          %get3A_155 = arith.index_cast %while3A_150 : i32 to index
          %get3A_156 = arith.constant 0 : index
          %get3A_157 = tpu.vector_load %arg15[%get3A_155, %get3A_156] {strides = array<i32>} : memref<128x128xf32, #tpu.memory_space<vmem>>, vector<16xf32>,
          %get3A_158 = arith.index_cast %squeeze3A : i32 to index
          %get3A_159 = arith.constant 0 : index
          %get3A_160 = tpu.vector_load %arg10[%get3A_158, %get3A_159] {strides = array<i32>} : memref<320x128xf32, #tpu.memory_space<vmem>>, vector<16xf32>,
          %max3A = arith.maximumf %get3A_160, %get3A_157 : vector<16xf32>
          %swap3A = arith.index_cast %squeeze3A : i32 to index
          %swap3A_161 = arith.constant 0 : index
          %swap3A_162 = tpu.vector_load %arg10[%swap3A, %swap3A_161] {strides = array<i32>} : memref<320x128xf32, #tpu.memory_space<vmem>>, vector<16xf32>,
          tpu.vector_store %arg10[%swap3A, %swap3A_161], %max3A {strides = array<i32>} : memref<320x128xf32, #tpu.memory_space<vmem>>, vector<16xf32>,
          %get3A_163 = arith.index_cast %while3A_150 : i32 to index
          %get3A_164 = arith.constant 16 : index
          %get3A_165 = tpu.vector_load %arg15[%get3A_163, %get3A_164] {strides = array<i32>} : memref<128x128xf32, #tpu.memory_space<vmem>>, vector<16xf32>,
          %get3A_166 = arith.index_cast %squeeze3A : i32 to index
          %get3A_167 = arith.constant 16 : index
          %get3A_168 = tpu.vector_load %arg10[%get3A_166, %get3A_167] {strides = array<i32>} : memref<320x128xf32, #tpu.memory_space<vmem>>, vector<16xf32>,
          %max3A_169 = arith.maximumf %get3A_168, %get3A_165 : vector<16xf32>
          %swap3A_170 = arith.index_cast %squeeze3A : i32 to index
          %swap3A_171 = arith.constant 16 : index
          %swap3A_172 = tpu.vector_load %arg10[%swap3A_170, %swap3A_171] {strides = array<i32>} : memref<320x128xf32, #tpu.memory_space<vmem>>, vector<16xf32>,
          tpu.vector_store %arg10[%swap3A_170, %swap3A_171], %max3A_169 {strides = array<i32>} : memref<320x128xf32, #tpu.memory_space<vmem>>, vector<16xf32>,
          %get3A_173 = arith.index_cast %while3A_150 : i32 to index
          %get3A_174 = arith.constant 32 : index
          %get3A_175 = tpu.vector_load %arg15[%get3A_173, %get3A_174] {strides = array<i32>} : memref<128x128xf32, #tpu.memory_space<vmem>>, vector<16xf32>,
          %get3A_176 = arith.index_cast %squeeze3A : i32 to index
          %get3A_177 = arith.constant 32 : index
          %get3A_178 = tpu.vector_load %arg10[%get3A_176, %get3A_177] {strides = array<i32>} : memref<320x128xf32, #tpu.memory_space<vmem>>, vector<16xf32>,
          %max3A_179 = arith.maximumf %get3A_178, %get3A_175 : vector<16xf32>
          %swap3A_180 = arith.index_cast %squeeze3A : i32 to index
          %swap3A_181 = arith.constant 32 : index
          %swap3A_182 = tpu.vector_load %arg10[%swap3A_180, %swap3A_181] {strides = array<i32>} : memref<320x128xf32, #tpu.memory_space<vmem>>, vector<16xf32>,
          tpu.vector_store %arg10[%swap3A_180, %swap3A_181], %max3A_179 {strides = array<i32>} : memref<320x128xf32, #tpu.memory_space<vmem>>, vector<16xf32>,
          %get3A_183 = arith.index_cast %while3A_150 : i32 to index
          %get3A_184 = arith.constant 48 : index
          %get3A_185 = tpu.vector_load %arg15[%get3A_183, %get3A_184] {strides = array<i32>} : memref<128x128xf32, #tpu.memory_space<vmem>>, vector<16xf32>,
          %get3A_186 = arith.index_cast %squeeze3A : i32 to index
          %get3A_187 = arith.constant 48 : index
          %get3A_188 = tpu.vector_load %arg10[%get3A_186, %get3A_187] {strides = array<i32>} : memref<320x128xf32, #tpu.memory_space<vmem>>, vector<16xf32>,
          %max3A_189 = arith.maximumf %get3A_188, %get3A_185 : vector<16xf32>
          %swap3A_190 = arith.index_cast %squeeze3A : i32 to index
          %swap3A_191 = arith.constant 48 : index
          %swap3A_192 = tpu.vector_load %arg10[%swap3A_190, %swap3A_191] {strides = array<i32>} : memref<320x128xf32, #tpu.memory_space<vmem>>, vector<16xf32>,
          tpu.vector_store %arg10[%swap3A_190, %swap3A_191], %max3A_189 {strides = array<i32>} : memref<320x128xf32, #tpu.memory_space<vmem>>, vector<16xf32>,
          %get3A_193 = arith.index_cast %while3A_150 : i32 to index
          %get3A_194 = arith.constant 64 : index
          %get3A_195 = tpu.vector_load %arg15[%get3A_193, %get3A_194] {strides = array<i32>} : memref<128x128xf32, #tpu.memory_space<vmem>>, vector<16xf32>,
          %get3A_196 = arith.index_cast %squeeze3A : i32 to index
          %get3A_197 = arith.constant 64 : index
          %get3A_198 = tpu.vector_load %arg10[%get3A_196, %get3A_197] {strides = array<i32>} : memref<320x128xf32, #tpu.memory_space<vmem>>, vector<16xf32>,
          %max3A_199 = arith.maximumf %get3A_198, %get3A_195 : vector<16xf32>
          %swap3A_200 = arith.index_cast %squeeze3A : i32 to index
          %swap3A_201 = arith.constant 64 : index
          %swap3A_202 = tpu.vector_load %arg10[%swap3A_200, %swap3A_201] {strides = array<i32>} : memref<320x128xf32, #tpu.memory_space<vmem>>, vector<16xf32>,
          tpu.vector_store %arg10[%swap3A_200, %swap3A_201], %max3A_199 {strides = array<i32>} : memref<320x128xf32, #tpu.memory_space<vmem>>, vector<16xf32>,
          %get3A_203 = arith.index_cast %while3A_150 : i32 to index
          %get3A_204 = arith.constant 80 : index
          %get3A_205 = tpu.vector_load %arg15[%get3A_203, %get3A_204] {strides = array<i32>} : memref<128x128xf32, #tpu.memory_space<vmem>>, vector<16xf32>,
          %get3A_206 = arith.index_cast %squeeze3A : i32 to index
          %get3A_207 = arith.constant 80 : index
          %get3A_208 = tpu.vector_load %arg10[%get3A_206, %get3A_207] {strides = array<i32>} : memref<320x128xf32, #tpu.memory_space<vmem>>, vector<16xf32>,
          %max3A_209 = arith.maximumf %get3A_208, %get3A_205 : vector<16xf32>
          %swap3A_210 = arith.index_cast %squeeze3A : i32 to index
          %swap3A_211 = arith.constant 80 : index
          %swap3A_212 = tpu.vector_load %arg10[%swap3A_210, %swap3A_211] {strides = array<i32>} : memref<320x128xf32, #tpu.memory_space<vmem>>, vector<16xf32>,
          tpu.vector_store %arg10[%swap3A_210, %swap3A_211], %max3A_209 {strides = array<i32>} : memref<320x128xf32, #tpu.memory_space<vmem>>, vector<16xf32>,
          %get3A_213 = arith.index_cast %while3A_150 : i32 to index
          %get3A_214 = arith.constant 96 : index
          %get3A_215 = tpu.vector_load %arg15[%get3A_213, %get3A_214] {strides = array<i32>} : memref<128x128xf32, #tpu.memory_space<vmem>>, vector<16xf32>,
          %get3A_216 = arith.index_cast %squeeze3A : i32 to index
          %get3A_217 = arith.constant 96 : index
          %get3A_218 = tpu.vector_load %arg10[%get3A_216, %get3A_217] {strides = array<i32>} : memref<320x128xf32, #tpu.memory_space<vmem>>, vector<16xf32>,
          %max3A_219 = arith.maximumf %get3A_218, %get3A_215 : vector<16xf32>
          %swap3A_220 = arith.index_cast %squeeze3A : i32 to index
          %swap3A_221 = arith.constant 96 : index
          %swap3A_222 = tpu.vector_load %arg10[%swap3A_220, %swap3A_221] {strides = array<i32>} : memref<320x128xf32, #tpu.memory_space<vmem>>, vector<16xf32>,
          tpu.vector_store %arg10[%swap3A_220, %swap3A_221], %max3A_219 {strides = array<i32>} : memref<320x128xf32, #tpu.memory_space<vmem>>, vector<16xf32>,
          %get3A_223 = arith.index_cast %while3A_150 : i32 to index
          %get3A_224 = arith.constant 112 : index
          %get3A_225 = tpu.vector_load %arg15[%get3A_223, %get3A_224] {strides = array<i32>} : memref<128x128xf32, #tpu.memory_space<vmem>>, vector<16xf32>,
          %get3A_226 = arith.index_cast %squeeze3A : i32 to index
          %get3A_227 = arith.constant 112 : index
          %get3A_228 = tpu.vector_load %arg10[%get3A_226, %get3A_227] {strides = array<i32>} : memref<320x128xf32, #tpu.memory_space<vmem>>, vector<16xf32>,
          %max3A_229 = arith.maximumf %get3A_228, %get3A_225 : vector<16xf32>
          %swap3A_230 = arith.index_cast %squeeze3A : i32 to index
          %swap3A_231 = arith.constant 112 : index
          %swap3A_232 = tpu.vector_load %arg10[%swap3A_230, %swap3A_231] {strides = array<i32>} : memref<320x128xf32, #tpu.memory_space<vmem>>, vector<16xf32>,
          tpu.vector_store %arg10[%swap3A_230, %swap3A_231], %max3A_229 {strides = array<i32>} : memref<320x128xf32, #tpu.memory_space<vmem>>, vector<16xf32>,
        }
      }
      %while3A_126 = arith.constant 1 : i32
      scf.for %while3A_127 = %while3A_124 to %while3A_120 step %while3A_126  : i32 {
        %mul3A_128 = arith.constant 128 : i32
        %mul3A_129 = arith.muli %while3A_127, %mul3A_128 : i32
        %dma_start3A = tpu.memref_slice %arg13[%mul3A_129] : memref<2048xi32, #tpu.memory_space<vmem>> -> memref<128xi32, #tpu.memory_space<vmem>>
        %dma_start3A_130 = arith.constant 0 : i32
        %dma_start3A_131 = arith.constant 0 : i32
        %dma_start3A_132 = tpu.memref_slice %arg3[%dma_start3A_130, %dma_start3A_131] : memref<81920x128xf32, #tpu.memory_space<hbm>> -> memref<81920x128xf32, #tpu.memory_space<hbm>>
        tpu.enqueue_indirect_dma source(%dma_start3A_132 : memref<81920x128xf32, #tpu.memory_space<hbm>>) target(%arg15 : memref<128x128xf32, #tpu.memory_space<vmem>>) offsets(%dma_start3A : memref<128xi32, #tpu.memory_space<vmem>>) semaphore(%arg16 : memref<!tpu.dma_semaphore, #tpu.memory_space<semaphore_mem>>)
        %dma_wait3A = tpu.memref_slice %arg13[%mul3A_129] : memref<2048xi32, #tpu.memory_space<vmem>> -> memref<128xi32, #tpu.memory_space<vmem>>
        %dma_wait3A_133 = arith.constant 0 : i32
        %dma_wait3A_134 = arith.constant 0 : i32
        %dma_wait3A_135 = tpu.memref_slice %arg3[%dma_wait3A_133, %dma_wait3A_134] : memref<81920x128xf32, #tpu.memory_space<hbm>> -> memref<81920x128xf32, #tpu.memory_space<hbm>>
        tpu.wait_indirect_dma semaphore(%arg16 : memref<!tpu.dma_semaphore, #tpu.memory_space<semaphore_mem>>) src(%dma_wait3A_135 : memref<81920x128xf32, #tpu.memory_space<hbm>>) dst(%arg15 : memref<128x128xf32, #tpu.memory_space<vmem>>)
        %mul3A_136 = arith.constant 128 : i32
        %mul3A_137 = arith.muli %while3A_127, %mul3A_136 : i32
        %sub3A_138 = arith.subi %scan3A_96, %mul3A_137 : i32
        %min3A = arith.constant 128 : i32
        %min3A_139 = arith.minsi %min3A, %sub3A_138 : i32
        %while3A_140 = arith.constant 0 : i32
        %while3A_141 = arith.constant 0 : i32
        %while3A_142 = arith.subi %min3A_139, %while3A_141 : i32
        %while3A_143 = arith.addi %while3A_141, %while3A_142 : i32
        %while3A_144 = arith.constant 1 : i32
        %while3A_145 = arith.divsi %while3A_142, %while3A_144 : i32
        %while3A_146 = arith.muli %while3A_145, %while3A_144 : i32
        %while3A_147 = arith.addi %while3A_141, %while3A_146 : i32
        %while3A_148 = arith.constant 1 : i32
        scf.for %while3A_150 = %while3A_141 to %while3A_147 step %while3A_148  : i32 {
          %mul3A_151 = arith.constant 128 : i32
          %mul3A_152 = arith.muli %while3A_127, %mul3A_151 : i32
          %add3A_153 = arith.addi %mul3A_152, %while3A_150 : i32
          %get3A = arith.index_cast %add3A_153 : i32 to index
          %get3A_154 = tpu.vector_load %arg14[%get3A] {strides = array<i32>} : memref<2048xi32, #tpu.memory_space<vmem>>, vector<16xi32>,
          %slice3A = vector.extract_strided_slice %get3A_154 {offsets = [0], sizes = [1], strides = [1]} : vector<16xi32> to vector<1xi32>
          %squeeze3A = vector.extract %slice3A[0] : i32 from vector<1xi32>
          %get3A_155 = arith.index_cast %while3A_150 : i32 to index
          %get3A_156 = arith.constant 0 : index
          %get3A_157 = tpu.vector_load %arg15[%get3A_155, %get3A_156] {strides = array<i32>} : memref<128x128xf32, #tpu.memory_space<vmem>>, vector<16xf32>,
          %get3A_158 = arith.index_cast %squeeze3A : i32 to index
          %get3A_159 = arith.constant 0 : index
          %get3A_160 = tpu.vector_load %arg10[%get3A_158, %get3A_159] {strides = array<i32>} : memref<320x128xf32, #tpu.memory_space<vmem>>, vector<16xf32>,
          %max3A = arith.maximumf %get3A_160, %get3A_157 : vector<16xf32>
          %swap3A = arith.index_cast %squeeze3A : i32 to index
          %swap3A_161 = arith.constant 0 : index
          %swap3A_162 = tpu.vector_load %arg10[%swap3A, %swap3A_161] {strides = array<i32>} : memref<320x128xf32, #tpu.memory_space<vmem>>, vector<16xf32>,
          tpu.vector_store %arg10[%swap3A, %swap3A_161], %max3A {strides = array<i32>} : memref<320x128xf32, #tpu.memory_space<vmem>>, vector<16xf32>,
          %get3A_163 = arith.index_cast %while3A_150 : i32 to index
          %get3A_164 = arith.constant 16 : index
          %get3A_165 = tpu.vector_load %arg15[%get3A_163, %get3A_164] {strides = array<i32>} : memref<128x128xf32, #tpu.memory_space<vmem>>, vector<16xf32>,
          %get3A_166 = arith.index_cast %squeeze3A : i32 to index
          %get3A_167 = arith.constant 16 : index
          %get3A_168 = tpu.vector_load %arg10[%get3A_166, %get3A_167] {strides = array<i32>} : memref<320x128xf32, #tpu.memory_space<vmem>>, vector<16xf32>,
          %max3A_169 = arith.maximumf %get3A_168, %get3A_165 : vector<16xf32>
          %swap3A_170 = arith.index_cast %squeeze3A : i32 to index
          %swap3A_171 = arith.constant 16 : index
          %swap3A_172 = tpu.vector_load %arg10[%swap3A_170, %swap3A_171] {strides = array<i32>} : memref<320x128xf32, #tpu.memory_space<vmem>>, vector<16xf32>,
          tpu.vector_store %arg10[%swap3A_170, %swap3A_171], %max3A_169 {strides = array<i32>} : memref<320x128xf32, #tpu.memory_space<vmem>>, vector<16xf32>,
          %get3A_173 = arith.index_cast %while3A_150 : i32 to index
          %get3A_174 = arith.constant 32 : index
          %get3A_175 = tpu.vector_load %arg15[%get3A_173, %get3A_174] {strides = array<i32>} : memref<128x128xf32, #tpu.memory_space<vmem>>, vector<16xf32>,
          %get3A_176 = arith.index_cast %squeeze3A : i32 to index
          %get3A_177 = arith.constant 32 : index
          %get3A_178 = tpu.vector_load %arg10[%get3A_176, %get3A_177] {strides = array<i32>} : memref<320x128xf32, #tpu.memory_space<vmem>>, vector<16xf32>,
          %max3A_179 = arith.maximumf %get3A_178, %get3A_175 : vector<16xf32>
          %swap3A_180 = arith.index_cast %squeeze3A : i32 to index
          %swap3A_181 = arith.constant 32 : index
          %swap3A_182 = tpu.vector_load %arg10[%swap3A_180, %swap3A_181] {strides = array<i32>} : memref<320x128xf32, #tpu.memory_space<vmem>>, vector<16xf32>,
          tpu.vector_store %arg10[%swap3A_180, %swap3A_181], %max3A_179 {strides = array<i32>} : memref<320x128xf32, #tpu.memory_space<vmem>>, vector<16xf32>,
          %get3A_183 = arith.index_cast %while3A_150 : i32 to index
          %get3A_184 = arith.constant 48 : index
          %get3A_185 = tpu.vector_load %arg15[%get3A_183, %get3A_184] {strides = array<i32>} : memref<128x128xf32, #tpu.memory_space<vmem>>, vector<16xf32>,
          %get3A_186 = arith.index_cast %squeeze3A : i32 to index
          %get3A_187 = arith.constant 48 : index
          %get3A_188 = tpu.vector_load %arg10[%get3A_186, %get3A_187] {strides = array<i32>} : memref<320x128xf32, #tpu.memory_space<vmem>>, vector<16xf32>,
          %max3A_189 = arith.maximumf %get3A_188, %get3A_185 : vector<16xf32>
          %swap3A_190 = arith.index_cast %squeeze3A : i32 to index
          %swap3A_191 = arith.constant 48 : index
          %swap3A_192 = tpu.vector_load %arg10[%swap3A_190, %swap3A_191] {strides = array<i32>} : memref<320x128xf32, #tpu.memory_space<vmem>>, vector<16xf32>,
          tpu.vector_store %arg10[%swap3A_190, %swap3A_191], %max3A_189 {strides = array<i32>} : memref<320x128xf32, #tpu.memory_space<vmem>>, vector<16xf32>,
          %get3A_193 = arith.index_cast %while3A_150 : i32 to index
          %get3A_194 = arith.constant 64 : index
          %get3A_195 = tpu.vector_load %arg15[%get3A_193, %get3A_194] {strides = array<i32>} : memref<128x128xf32, #tpu.memory_space<vmem>>, vector<16xf32>,
          %get3A_196 = arith.index_cast %squeeze3A : i32 to index
          %get3A_197 = arith.constant 64 : index
          %get3A_198 = tpu.vector_load %arg10[%get3A_196, %get3A_197] {strides = array<i32>} : memref<320x128xf32, #tpu.memory_space<vmem>>, vector<16xf32>,
          %max3A_199 = arith.maximumf %get3A_198, %get3A_195 : vector<16xf32>
          %swap3A_200 = arith.index_cast %squeeze3A : i32 to index
          %swap3A_201 = arith.constant 64 : index
          %swap3A_202 = tpu.vector_load %arg10[%swap3A_200, %swap3A_201] {strides = array<i32>} : memref<320x128xf32, #tpu.memory_space<vmem>>, vector<16xf32>,
          tpu.vector_store %arg10[%swap3A_200, %swap3A_201], %max3A_199 {strides = array<i32>} : memref<320x128xf32, #tpu.memory_space<vmem>>, vector<16xf32>,
          %get3A_203 = arith.index_cast %while3A_150 : i32 to index
          %get3A_204 = arith.constant 80 : index
          %get3A_205 = tpu.vector_load %arg15[%get3A_203, %get3A_204] {strides = array<i32>} : memref<128x128xf32, #tpu.memory_space<vmem>>, vector<16xf32>,
          %get3A_206 = arith.index_cast %squeeze3A : i32 to index
          %get3A_207 = arith.constant 80 : index
          %get3A_208 = tpu.vector_load %arg10[%get3A_206, %get3A_207] {strides = array<i32>} : memref<320x128xf32, #tpu.memory_space<vmem>>, vector<16xf32>,
          %max3A_209 = arith.maximumf %get3A_208, %get3A_205 : vector<16xf32>
          %swap3A_210 = arith.index_cast %squeeze3A : i32 to index
          %swap3A_211 = arith.constant 80 : index
          %swap3A_212 = tpu.vector_load %arg10[%swap3A_210, %swap3A_211] {strides = array<i32>} : memref<320x128xf32, #tpu.memory_space<vmem>>, vector<16xf32>,
          tpu.vector_store %arg10[%swap3A_210, %swap3A_211], %max3A_209 {strides = array<i32>} : memref<320x128xf32, #tpu.memory_space<vmem>>, vector<16xf32>,
          %get3A_213 = arith.index_cast %while3A_150 : i32 to index
          %get3A_214 = arith.constant 96 : index
          %get3A_215 = tpu.vector_load %arg15[%get3A_213, %get3A_214] {strides = array<i32>} : memref<128x128xf32, #tpu.memory_space<vmem>>, vector<16xf32>,
          %get3A_216 = arith.index_cast %squeeze3A : i32 to index
          %get3A_217 = arith.constant 96 : index
          %get3A_218 = tpu.vector_load %arg10[%get3A_216, %get3A_217] {strides = array<i32>} : memref<320x128xf32, #tpu.memory_space<vmem>>, vector<16xf32>,
          %max3A_219 = arith.maximumf %get3A_218, %get3A_215 : vector<16xf32>
          %swap3A_220 = arith.index_cast %squeeze3A : i32 to index
          %swap3A_221 = arith.constant 96 : index
          %swap3A_222 = tpu.vector_load %arg10[%swap3A_220, %swap3A_221] {strides = array<i32>} : memref<320x128xf32, #tpu.memory_space<vmem>>, vector<16xf32>,
          tpu.vector_store %arg10[%swap3A_220, %swap3A_221], %max3A_219 {strides = array<i32>} : memref<320x128xf32, #tpu.memory_space<vmem>>, vector<16xf32>,
          %get3A_223 = arith.index_cast %while3A_150 : i32 to index
          %get3A_224 = arith.constant 112 : index
          %get3A_225 = tpu.vector_load %arg15[%get3A_223, %get3A_224] {strides = array<i32>} : memref<128x128xf32, #tpu.memory_space<vmem>>, vector<16xf32>,
          %get3A_226 = arith.index_cast %squeeze3A : i32 to index
          %get3A_227 = arith.constant 112 : index
          %get3A_228 = tpu.vector_load %arg10[%get3A_226, %get3A_227] {strides = array<i32>} : memref<320x128xf32, #tpu.memory_space<vmem>>, vector<16xf32>,
          %max3A_229 = arith.maximumf %get3A_228, %get3A_225 : vector<16xf32>
          %swap3A_230 = arith.index_cast %squeeze3A : i32 to index
          %swap3A_231 = arith.constant 112 : index
          %swap3A_232 = tpu.vector_load %arg10[%swap3A_230, %swap3A_231] {strides = array<i32>} : memref<320x128xf32, #tpu.memory_space<vmem>>, vector<16xf32>,
          tpu.vector_store %arg10[%swap3A_230, %swap3A_231], %max3A_229 {strides = array<i32>} : memref<320x128xf32, #tpu.memory_space<vmem>>, vector<16xf32>,
        }
        %while3A_149 = arith.constant 1 : i32
        scf.for %while3A_150 = %while3A_147 to %while3A_143 step %while3A_149  : i32 {
          %mul3A_151 = arith.constant 128 : i32
          %mul3A_152 = arith.muli %while3A_127, %mul3A_151 : i32
          %add3A_153 = arith.addi %mul3A_152, %while3A_150 : i32
          %get3A = arith.index_cast %add3A_153 : i32 to index
          %get3A_154 = tpu.vector_load %arg14[%get3A] {strides = array<i32>} : memref<2048xi32, #tpu.memory_space<vmem>>, vector<16xi32>,
          %slice3A = vector.extract_strided_slice %get3A_154 {offsets = [0], sizes = [1], strides = [1]} : vector<16xi32> to vector<1xi32>
          %squeeze3A = vector.extract %slice3A[0] : i32 from vector<1xi32>
          %get3A_155 = arith.index_cast %while3A_150 : i32 to index
          %get3A_156 = arith.constant 0 : index
          %get3A_157 = tpu.vector_load %arg15[%get3A_155, %get3A_156] {strides = array<i32>} : memref<128x128xf32, #tpu.memory_space<vmem>>, vector<16xf32>,
          %get3A_158 = arith.index_cast %squeeze3A : i32 to index
          %get3A_159 = arith.constant 0 : index
          %get3A_160 = tpu.vector_load %arg10[%get3A_158, %get3A_159] {strides = array<i32>} : memref<320x128xf32, #tpu.memory_space<vmem>>, vector<16xf32>,
          %max3A = arith.maximumf %get3A_160, %get3A_157 : vector<16xf32>
          %swap3A = arith.index_cast %squeeze3A : i32 to index
          %swap3A_161 = arith.constant 0 : index
          %swap3A_162 = tpu.vector_load %arg10[%swap3A, %swap3A_161] {strides = array<i32>} : memref<320x128xf32, #tpu.memory_space<vmem>>, vector<16xf32>,
          tpu.vector_store %arg10[%swap3A, %swap3A_161], %max3A {strides = array<i32>} : memref<320x128xf32, #tpu.memory_space<vmem>>, vector<16xf32>,
          %get3A_163 = arith.index_cast %while3A_150 : i32 to index
          %get3A_164 = arith.constant 16 : index
          %get3A_165 = tpu.vector_load %arg15[%get3A_163, %get3A_164] {strides = array<i32>} : memref<128x128xf32, #tpu.memory_space<vmem>>, vector<16xf32>,
          %get3A_166 = arith.index_cast %squeeze3A : i32 to index
          %get3A_167 = arith.constant 16 : index
          %get3A_168 = tpu.vector_load %arg10[%get3A_166, %get3A_167] {strides = array<i32>} : memref<320x128xf32, #tpu.memory_space<vmem>>, vector<16xf32>,
          %max3A_169 = arith.maximumf %get3A_168, %get3A_165 : vector<16xf32>
          %swap3A_170 = arith.index_cast %squeeze3A : i32 to index
          %swap3A_171 = arith.constant 16 : index
          %swap3A_172 = tpu.vector_load %arg10[%swap3A_170, %swap3A_171] {strides = array<i32>} : memref<320x128xf32, #tpu.memory_space<vmem>>, vector<16xf32>,
          tpu.vector_store %arg10[%swap3A_170, %swap3A_171], %max3A_169 {strides = array<i32>} : memref<320x128xf32, #tpu.memory_space<vmem>>, vector<16xf32>,
          %get3A_173 = arith.index_cast %while3A_150 : i32 to index
          %get3A_174 = arith.constant 32 : index
          %get3A_175 = tpu.vector_load %arg15[%get3A_173, %get3A_174] {strides = array<i32>} : memref<128x128xf32, #tpu.memory_space<vmem>>, vector<16xf32>,
          %get3A_176 = arith.index_cast %squeeze3A : i32 to index
          %get3A_177 = arith.constant 32 : index
          %get3A_178 = tpu.vector_load %arg10[%get3A_176, %get3A_177] {strides = array<i32>} : memref<320x128xf32, #tpu.memory_space<vmem>>, vector<16xf32>,
          %max3A_179 = arith.maximumf %get3A_178, %get3A_175 : vector<16xf32>
          %swap3A_180 = arith.index_cast %squeeze3A : i32 to index
          %swap3A_181 = arith.constant 32 : index
          %swap3A_182 = tpu.vector_load %arg10[%swap3A_180, %swap3A_181] {strides = array<i32>} : memref<320x128xf32, #tpu.memory_space<vmem>>, vector<16xf32>,
          tpu.vector_store %arg10[%swap3A_180, %swap3A_181], %max3A_179 {strides = array<i32>} : memref<320x128xf32, #tpu.memory_space<vmem>>, vector<16xf32>,
          %get3A_183 = arith.index_cast %while3A_150 : i32 to index
          %get3A_184 = arith.constant 48 : index
          %get3A_185 = tpu.vector_load %arg15[%get3A_183, %get3A_184] {strides = array<i32>} : memref<128x128xf32, #tpu.memory_space<vmem>>, vector<16xf32>,
          %get3A_186 = arith.index_cast %squeeze3A : i32 to index
          %get3A_187 = arith.constant 48 : index
          %get3A_188 = tpu.vector_load %arg10[%get3A_186, %get3A_187] {strides = array<i32>} : memref<320x128xf32, #tpu.memory_space<vmem>>, vector<16xf32>,
          %max3A_189 = arith.maximumf %get3A_188, %get3A_185 : vector<16xf32>
          %swap3A_190 = arith.index_cast %squeeze3A : i32 to index
          %swap3A_191 = arith.constant 48 : index
          %swap3A_192 = tpu.vector_load %arg10[%swap3A_190, %swap3A_191] {strides = array<i32>} : memref<320x128xf32, #tpu.memory_space<vmem>>, vector<16xf32>,
          tpu.vector_store %arg10[%swap3A_190, %swap3A_191], %max3A_189 {strides = array<i32>} : memref<320x128xf32, #tpu.memory_space<vmem>>, vector<16xf32>,
          %get3A_193 = arith.index_cast %while3A_150 : i32 to index
          %get3A_194 = arith.constant 64 : index
          %get3A_195 = tpu.vector_load %arg15[%get3A_193, %get3A_194] {strides = array<i32>} : memref<128x128xf32, #tpu.memory_space<vmem>>, vector<16xf32>,
          %get3A_196 = arith.index_cast %squeeze3A : i32 to index
          %get3A_197 = arith.constant 64 : index
          %get3A_198 = tpu.vector_load %arg10[%get3A_196, %get3A_197] {strides = array<i32>} : memref<320x128xf32, #tpu.memory_space<vmem>>, vector<16xf32>,
          %max3A_199 = arith.maximumf %get3A_198, %get3A_195 : vector<16xf32>
          %swap3A_200 = arith.index_cast %squeeze3A : i32 to index
          %swap3A_201 = arith.constant 64 : index
          %swap3A_202 = tpu.vector_load %arg10[%swap3A_200, %swap3A_201] {strides = array<i32>} : memref<320x128xf32, #tpu.memory_space<vmem>>, vector<16xf32>,
          tpu.vector_store %arg10[%swap3A_200, %swap3A_201], %max3A_199 {strides = array<i32>} : memref<320x128xf32, #tpu.memory_space<vmem>>, vector<16xf32>,
          %get3A_203 = arith.index_cast %while3A_150 : i32 to index
          %get3A_204 = arith.constant 80 : index
          %get3A_205 = tpu.vector_load %arg15[%get3A_203, %get3A_204] {strides = array<i32>} : memref<128x128xf32, #tpu.memory_space<vmem>>, vector<16xf32>,
          %get3A_206 = arith.index_cast %squeeze3A : i32 to index
          %get3A_207 = arith.constant 80 : index
          %get3A_208 = tpu.vector_load %arg10[%get3A_206, %get3A_207] {strides = array<i32>} : memref<320x128xf32, #tpu.memory_space<vmem>>, vector<16xf32>,
          %max3A_209 = arith.maximumf %get3A_208, %get3A_205 : vector<16xf32>
          %swap3A_210 = arith.index_cast %squeeze3A : i32 to index
          %swap3A_211 = arith.constant 80 : index
          %swap3A_212 = tpu.vector_load %arg10[%swap3A_210, %swap3A_211] {strides = array<i32>} : memref<320x128xf32, #tpu.memory_space<vmem>>, vector<16xf32>,
          tpu.vector_store %arg10[%swap3A_210, %swap3A_211], %max3A_209 {strides = array<i32>} : memref<320x128xf32, #tpu.memory_space<vmem>>, vector<16xf32>,
          %get3A_213 = arith.index_cast %while3A_150 : i32 to index
          %get3A_214 = arith.constant 96 : index
          %get3A_215 = tpu.vector_load %arg15[%get3A_213, %get3A_214] {strides = array<i32>} : memref<128x128xf32, #tpu.memory_space<vmem>>, vector<16xf32>,
          %get3A_216 = arith.index_cast %squeeze3A : i32 to index
          %get3A_217 = arith.constant 96 : index
          %get3A_218 = tpu.vector_load %arg10[%get3A_216, %get3A_217] {strides = array<i32>} : memref<320x128xf32, #tpu.memory_space<vmem>>, vector<16xf32>,
          %max3A_219 = arith.maximumf %get3A_218, %get3A_215 : vector<16xf32>
          %swap3A_220 = arith.index_cast %squeeze3A : i32 to index
          %swap3A_221 = arith.constant 96 : index
          %swap3A_222 = tpu.vector_load %arg10[%swap3A_220, %swap3A_221] {strides = array<i32>} : memref<320x128xf32, #tpu.memory_space<vmem>>, vector<16xf32>,
          tpu.vector_store %arg10[%swap3A_220, %swap3A_221], %max3A_219 {strides = array<i32>} : memref<320x128xf32, #tpu.memory_space<vmem>>, vector<16xf32>,
          %get3A_223 = arith.index_cast %while3A_150 : i32 to index
          %get3A_224 = arith.constant 112 : index
          %get3A_225 = tpu.vector_load %arg15[%get3A_223, %get3A_224] {strides = array<i32>} : memref<128x128xf32, #tpu.memory_space<vmem>>, vector<16xf32>,
          %get3A_226 = arith.index_cast %squeeze3A : i32 to index
          %get3A_227 = arith.constant 112 : index
          %get3A_228 = tpu.vector_load %arg10[%get3A_226, %get3A_227] {strides = array<i32>} : memref<320x128xf32, #tpu.memory_space<vmem>>, vector<16xf32>,
          %max3A_229 = arith.maximumf %get3A_228, %get3A_225 : vector<16xf32>
          %swap3A_230 = arith.index_cast %squeeze3A : i32 to index
          %swap3A_231 = arith.constant 112 : index
          %swap3A_232 = tpu.vector_load %arg10[%swap3A_230, %swap3A_231] {strides = array<i32>} : memref<320x128xf32, #tpu.memory_space<vmem>>, vector<16xf32>,
          tpu.vector_store %arg10[%swap3A_230, %swap3A_231], %max3A_229 {strides = array<i32>} : memref<320x128xf32, #tpu.memory_space<vmem>>, vector<16xf32>,
        }
      }
    }
    %scan3A_31 = arith.constant 40 : i32
    %scan3A_32 = arith.constant 0 : i32
    %scan3A_33 = arith.constant 0 : i32
    %scan3A_34 = arith.constant 128 : i32
    %scan3A_35 = arith.addi %scan3A_33, %scan3A_34 : i32
    %scan3A_36 = arith.constant 1 : i32
    scf.for %scan3A_86 = %scan3A_33 to %scan3A_35 step %scan3A_36  : i32 {
      %broadcast_in_dim3A = arith.constant 0 : i32
      %broadcast_in_dim3A_87 = vector.broadcast %broadcast_in_dim3A : i32 to vector<16xi32>
      %mul3A_88 = arith.constant 16 : i32
      %mul3A_89 = arith.muli %scan3A_86, %mul3A_88 : i32
      %swap3A = arith.index_cast %mul3A_89 : i32 to index
      %swap3A_90 = tpu.vector_load %arg13[%swap3A] {strides = array<i32>} : memref<2048xi32, #tpu.memory_space<vmem>>, vector<16xi32>,
      tpu.vector_store %arg13[%swap3A], %broadcast_in_dim3A_87 {strides = array<i32>} : memref<2048xi32, #tpu.memory_space<vmem>>, vector<16xi32>,
    }
    %scan3A_37 = arith.constant 128 : i32
    %scan3A_38 = arith.constant 0 : i32
    %scan3A_39 = arith.constant 0 : i32
    %scan3A_40 = arith.constant 60 : i32
    %scan3A_41 = arith.addi %scan3A_39, %scan3A_40 : i32
    %scan3A_42 = arith.constant 1 : i32
    scf.for %scan3A_86 = %scan3A_39 to %scan3A_41 step %scan3A_42  : i32 {
      %mul3A_87 = arith.constant 2000 : i32
      %mul3A_88 = arith.muli %scan3A_86, %mul3A_87 : i32
      "tpu.region"() ({
        %run_scoped3A = tpu.sem_alloc : memref<!tpu.dma_semaphore, #tpu.memory_space<semaphore_mem>>
        %dma_start3A = tpu.memref_slice %arg7[%mul3A_88] : memref<120000xi32, #tpu.memory_space<hbm>> -> memref<2000xi32, #tpu.memory_space<hbm>>
        %dma_start3A_127 = tpu.memref_slice %arg7[%mul3A_88] : memref<120000xi32, #tpu.memory_space<hbm>> -> memref<2000xi32, #tpu.memory_space<hbm>>
        tpu.enqueue_dma source(%dma_start3A_127 : memref<2000xi32, #tpu.memory_space<hbm>>) target(%arg12 : memref<2000xi32, #tpu.memory_space<vmem>>) target_semaphore(%run_scoped3A : memref<!tpu.dma_semaphore, #tpu.memory_space<semaphore_mem>>)
        %dma_wait3A = tpu.memref_slice %arg7[%mul3A_88] : memref<120000xi32, #tpu.memory_space<hbm>> -> memref<2000xi32, #tpu.memory_space<hbm>>
        %dma_wait3A_128 = tpu.memref_slice %arg7[%mul3A_88] : memref<120000xi32, #tpu.memory_space<hbm>> -> memref<2000xi32, #tpu.memory_space<hbm>>
        tpu.wait_dma2 semaphore(%run_scoped3A : memref<!tpu.dma_semaphore, #tpu.memory_space<semaphore_mem>>) src(%dma_wait3A_128 : memref<2000xi32, #tpu.memory_space<hbm>>) dst(%arg12 : memref<2000xi32, #tpu.memory_space<vmem>>)
        tpu.yield
      }) : () -> ()
      %mul3A_89 = arith.constant 2000 : i32
      %mul3A_90 = arith.muli %scan3A_86, %mul3A_89 : i32
      %scan3A_91 = arith.constant 0 : i32
      %scan3A_92 = arith.constant 0 : i32
      %scan3A_93 = arith.constant 125 : i32
      %scan3A_94 = arith.addi %scan3A_92, %scan3A_93 : i32
      %scan3A_95 = arith.constant 1 : i32
      %scan3A_96 = scf.for %scan3A_127 = %scan3A_92 to %scan3A_94 step %scan3A_95 iter_args(%scan3A_128 = %scan3A_91) -> (i32)  : i32 {
        %mul3A_129 = arith.constant 16 : i32
        %mul3A_130 = arith.muli %scan3A_127, %mul3A_129 : i32
        %get3A = arith.index_cast %mul3A_130 : i32 to index
        %get3A_131 = tpu.vector_load %arg12[%get3A] {strides = array<i32>} : memref<2000xi32, #tpu.memory_space<vmem>>, vector<16xi32>,
        %mul3A_132 = arith.constant 16 : i32
        %mul3A_133 = arith.muli %scan3A_127, %mul3A_132 : i32
        %add3A_134 = arith.addi %mul3A_90, %mul3A_133 : i32
        %add3A_135 = vector.broadcast %add3A_134 : i32 to vector<16xi32>
        %add3A_136 = arith.addi %add3A_135, %iota3A : vector<16xi32>
        %ge3A = vector.broadcast %mul3A_2 : i32 to vector<16xi32>
        %ge3A_137 = arith.cmpi sge, %get3A_131, %ge3A : vector<16xi32>
        %add3A_138 = arith.constant 320 : i32
        %add3A_139 = arith.addi %mul3A_2, %add3A_138 : i32
        %lt3A = vector.broadcast %add3A_139 : i32 to vector<16xi32>
        %lt3A_140 = arith.cmpi slt, %get3A_131, %lt3A : vector<16xi32>
        %and3A_141 = arith.andi %ge3A_137, %lt3A_140 : vector<16xi1>
        %jit3A_142 = arith.constant 1 : i32
        %jit3A_143 = arith.constant 0 : i32
        %broadcast_in_dim3A = vector.broadcast %jit3A_142 : i32 to vector<16xi32>
        %broadcast_in_dim3A_144 = vector.broadcast %jit3A_143 : i32 to vector<16xi32>
        %select_n3A_145 = arith.select %and3A_141, %broadcast_in_dim3A, %broadcast_in_dim3A_144 : vector<16xi1>, vector<16xi32>
        %broadcast_in_dim3A_146 = arith.constant true
        %broadcast_in_dim3A_147 = vector.broadcast %broadcast_in_dim3A_146 : i1 to vector<16xi1>
        %masked_cumsum3A = tpu.scan <sum>, %select_n3A_145 masked %broadcast_in_dim3A_147 : vector<16xi32>, vector<16xi1> -> vector<16xi32>
        %add3A_148 = vector.broadcast %scan3A_128 : i32 to vector<16xi32>
        %add3A_149 = arith.addi %add3A_148, %masked_cumsum3A : vector<16xi32>
        %sub3A_150 = arith.constant 1 : i32
        %sub3A_151 = vector.broadcast %sub3A_150 : i32 to vector<16xi32>
        %sub3A_152 = arith.subi %add3A_149, %sub3A_151 : vector<16xi32>
        tpu.vector_store_idx %arg13[%sub3A_152], %add3A_136 masked %and3A_141 : memref<2048xi32, #tpu.memory_space<vmem>>[vector<16xi32>], vector<16xi32>, vector<16xi1>
        %sub3A_153 = vector.broadcast %mul3A_2 : i32 to vector<16xi32>
        %sub3A_154 = arith.subi %get3A_131, %sub3A_153 : vector<16xi32>
        tpu.vector_store_idx %arg14[%sub3A_152], %sub3A_154 masked %and3A_141 : memref<2048xi32, #tpu.memory_space<vmem>>[vector<16xi32>], vector<16xi32>, vector<16xi1>
        %slice3A = vector.extract_strided_slice %masked_cumsum3A {offsets = [15], sizes = [1], strides = [1]} : vector<16xi32> to vector<1xi32>
        %squeeze3A = vector.extract %slice3A[0] : i32 from vector<1xi32>
        %add3A_155 = arith.addi %scan3A_128, %squeeze3A : i32
        scf.yield %add3A_155 : i32
      }
      %scan3A_97 = arith.constant 125 : i32
      %add3A_98 = arith.constant 128 : i32
      %add3A_99 = arith.addi %scan3A_96, %add3A_98 : i32
      %sub3A = arith.constant 1 : i32
      %sub3A_100 = arith.subi %add3A_99, %sub3A : i32
      %jit3A = arith.constant 128 : i32
      %div3A = arith.divsi %sub3A_100, %jit3A : i32
      %sign3A = arith.constant 0 : i32
      %sign3A_101 = arith.cmpi sgt, %sub3A_100, %sign3A : i32
      %sign3A_102 = arith.extui %sign3A_101 : i1 to i32
      %sign3A_103 = arith.constant 0 : i32
      %sign3A_104 = arith.cmpi slt, %sub3A_100, %sign3A_103 : i32
      %sign3A_105 = arith.extui %sign3A_104 : i1 to i32
      %sign3A_106 = arith.subi %sign3A_102, %sign3A_105 : i32
      %sign3A_107 = arith.constant 0 : i32
      %sign3A_108 = arith.cmpi sgt, %jit3A, %sign3A_107 : i32
      %sign3A_109 = arith.extui %sign3A_108 : i1 to i32
      %sign3A_110 = arith.constant 0 : i32
      %sign3A_111 = arith.cmpi slt, %jit3A, %sign3A_110 : i32
      %sign3A_112 = arith.extui %sign3A_111 : i1 to i32
      %sign3A_113 = arith.subi %sign3A_109, %sign3A_112 : i32
      %ne3A = arith.cmpi ne, %sign3A_106, %sign3A_113 : i32
      %rem3A = arith.remsi %sub3A_100, %jit3A : i32
      %ne3A_114 = arith.constant 0 : i32
      %ne3A_115 = arith.cmpi ne, %rem3A, %ne3A_114 : i32
      %and3A = arith.andi %ne3A, %ne3A_115 : i1
      %sub3A_116 = arith.constant 1 : i32
      %sub3A_117 = arith.subi %div3A, %sub3A_116 : i32
      %select_n3A = arith.select %and3A, %sub3A_117, %div3A : i32
      %while3A = arith.constant 0 : i32
      %while3A_118 = arith.constant 0 : i32
      %while3A_119 = arith.subi %select_n3A, %while3A_118 : i32
      %while3A_120 = arith.addi %while3A_118, %while3A_119 : i32
      %while3A_121 = arith.constant 1 : i32
      %while3A_122 = arith.divsi %while3A_119, %while3A_121 : i32
      %while3A_123 = arith.muli %while3A_122, %while3A_121 : i32
      %while3A_124 = arith.addi %while3A_118, %while3A_123 : i32
      %while3A_125 = arith.constant 1 : i32
      scf.for %while3A_127 = %while3A_118 to %while3A_124 step %while3A_125  : i32 {
        %mul3A_128 = arith.constant 128 : i32
        %mul3A_129 = arith.muli %while3A_127, %mul3A_128 : i32
        %dma_start3A = tpu.memref_slice %arg13[%mul3A_129] : memref<2048xi32, #tpu.memory_space<vmem>> -> memref<128xi32, #tpu.memory_space<vmem>>
        %dma_start3A_130 = arith.constant 0 : i32
        %dma_start3A_131 = arith.constant 0 : i32
        %dma_start3A_132 = tpu.memref_slice %arg4[%dma_start3A_130, %dma_start3A_131] : memref<122880x128xf32, #tpu.memory_space<hbm>> -> memref<122880x128xf32, #tpu.memory_space<hbm>>
        tpu.enqueue_indirect_dma source(%dma_start3A_132 : memref<122880x128xf32, #tpu.memory_space<hbm>>) target(%arg15 : memref<128x128xf32, #tpu.memory_space<vmem>>) offsets(%dma_start3A : memref<128xi32, #tpu.memory_space<vmem>>) semaphore(%arg16 : memref<!tpu.dma_semaphore, #tpu.memory_space<semaphore_mem>>)
        %dma_wait3A = tpu.memref_slice %arg13[%mul3A_129] : memref<2048xi32, #tpu.memory_space<vmem>> -> memref<128xi32, #tpu.memory_space<vmem>>
        %dma_wait3A_133 = arith.constant 0 : i32
        %dma_wait3A_134 = arith.constant 0 : i32
        %dma_wait3A_135 = tpu.memref_slice %arg4[%dma_wait3A_133, %dma_wait3A_134] : memref<122880x128xf32, #tpu.memory_space<hbm>> -> memref<122880x128xf32, #tpu.memory_space<hbm>>
        tpu.wait_indirect_dma semaphore(%arg16 : memref<!tpu.dma_semaphore, #tpu.memory_space<semaphore_mem>>) src(%dma_wait3A_135 : memref<122880x128xf32, #tpu.memory_space<hbm>>) dst(%arg15 : memref<128x128xf32, #tpu.memory_space<vmem>>)
        %mul3A_136 = arith.constant 128 : i32
        %mul3A_137 = arith.muli %while3A_127, %mul3A_136 : i32
        %sub3A_138 = arith.subi %scan3A_96, %mul3A_137 : i32
        %min3A = arith.constant 128 : i32
        %min3A_139 = arith.minsi %min3A, %sub3A_138 : i32
        %while3A_140 = arith.constant 0 : i32
        %while3A_141 = arith.constant 0 : i32
        %while3A_142 = arith.subi %min3A_139, %while3A_141 : i32
        %while3A_143 = arith.addi %while3A_141, %while3A_142 : i32
        %while3A_144 = arith.constant 1 : i32
        %while3A_145 = arith.divsi %while3A_142, %while3A_144 : i32
        %while3A_146 = arith.muli %while3A_145, %while3A_144 : i32
        %while3A_147 = arith.addi %while3A_141, %while3A_146 : i32
        %while3A_148 = arith.constant 1 : i32
        scf.for %while3A_150 = %while3A_141 to %while3A_147 step %while3A_148  : i32 {
          %mul3A_151 = arith.constant 128 : i32
          %mul3A_152 = arith.muli %while3A_127, %mul3A_151 : i32
          %add3A_153 = arith.addi %mul3A_152, %while3A_150 : i32
          %get3A = arith.index_cast %add3A_153 : i32 to index
          %get3A_154 = tpu.vector_load %arg14[%get3A] {strides = array<i32>} : memref<2048xi32, #tpu.memory_space<vmem>>, vector<16xi32>,
          %slice3A = vector.extract_strided_slice %get3A_154 {offsets = [0], sizes = [1], strides = [1]} : vector<16xi32> to vector<1xi32>
          %squeeze3A = vector.extract %slice3A[0] : i32 from vector<1xi32>
          %get3A_155 = arith.index_cast %while3A_150 : i32 to index
          %get3A_156 = arith.constant 0 : index
          %get3A_157 = tpu.vector_load %arg15[%get3A_155, %get3A_156] {strides = array<i32>} : memref<128x128xf32, #tpu.memory_space<vmem>>, vector<16xf32>,
          %get3A_158 = arith.index_cast %squeeze3A : i32 to index
          %get3A_159 = arith.constant 0 : index
          %get3A_160 = tpu.vector_load %arg10[%get3A_158, %get3A_159] {strides = array<i32>} : memref<320x128xf32, #tpu.memory_space<vmem>>, vector<16xf32>,
          %max3A = arith.maximumf %get3A_160, %get3A_157 : vector<16xf32>
          %swap3A = arith.index_cast %squeeze3A : i32 to index
          %swap3A_161 = arith.constant 0 : index
          %swap3A_162 = tpu.vector_load %arg10[%swap3A, %swap3A_161] {strides = array<i32>} : memref<320x128xf32, #tpu.memory_space<vmem>>, vector<16xf32>,
          tpu.vector_store %arg10[%swap3A, %swap3A_161], %max3A {strides = array<i32>} : memref<320x128xf32, #tpu.memory_space<vmem>>, vector<16xf32>,
          %get3A_163 = arith.index_cast %while3A_150 : i32 to index
          %get3A_164 = arith.constant 16 : index
          %get3A_165 = tpu.vector_load %arg15[%get3A_163, %get3A_164] {strides = array<i32>} : memref<128x128xf32, #tpu.memory_space<vmem>>, vector<16xf32>,
          %get3A_166 = arith.index_cast %squeeze3A : i32 to index
          %get3A_167 = arith.constant 16 : index
          %get3A_168 = tpu.vector_load %arg10[%get3A_166, %get3A_167] {strides = array<i32>} : memref<320x128xf32, #tpu.memory_space<vmem>>, vector<16xf32>,
          %max3A_169 = arith.maximumf %get3A_168, %get3A_165 : vector<16xf32>
          %swap3A_170 = arith.index_cast %squeeze3A : i32 to index
          %swap3A_171 = arith.constant 16 : index
          %swap3A_172 = tpu.vector_load %arg10[%swap3A_170, %swap3A_171] {strides = array<i32>} : memref<320x128xf32, #tpu.memory_space<vmem>>, vector<16xf32>,
          tpu.vector_store %arg10[%swap3A_170, %swap3A_171], %max3A_169 {strides = array<i32>} : memref<320x128xf32, #tpu.memory_space<vmem>>, vector<16xf32>,
          %get3A_173 = arith.index_cast %while3A_150 : i32 to index
          %get3A_174 = arith.constant 32 : index
          %get3A_175 = tpu.vector_load %arg15[%get3A_173, %get3A_174] {strides = array<i32>} : memref<128x128xf32, #tpu.memory_space<vmem>>, vector<16xf32>,
          %get3A_176 = arith.index_cast %squeeze3A : i32 to index
          %get3A_177 = arith.constant 32 : index
          %get3A_178 = tpu.vector_load %arg10[%get3A_176, %get3A_177] {strides = array<i32>} : memref<320x128xf32, #tpu.memory_space<vmem>>, vector<16xf32>,
          %max3A_179 = arith.maximumf %get3A_178, %get3A_175 : vector<16xf32>
          %swap3A_180 = arith.index_cast %squeeze3A : i32 to index
          %swap3A_181 = arith.constant 32 : index
          %swap3A_182 = tpu.vector_load %arg10[%swap3A_180, %swap3A_181] {strides = array<i32>} : memref<320x128xf32, #tpu.memory_space<vmem>>, vector<16xf32>,
          tpu.vector_store %arg10[%swap3A_180, %swap3A_181], %max3A_179 {strides = array<i32>} : memref<320x128xf32, #tpu.memory_space<vmem>>, vector<16xf32>,
          %get3A_183 = arith.index_cast %while3A_150 : i32 to index
          %get3A_184 = arith.constant 48 : index
          %get3A_185 = tpu.vector_load %arg15[%get3A_183, %get3A_184] {strides = array<i32>} : memref<128x128xf32, #tpu.memory_space<vmem>>, vector<16xf32>,
          %get3A_186 = arith.index_cast %squeeze3A : i32 to index
          %get3A_187 = arith.constant 48 : index
          %get3A_188 = tpu.vector_load %arg10[%get3A_186, %get3A_187] {strides = array<i32>} : memref<320x128xf32, #tpu.memory_space<vmem>>, vector<16xf32>,
          %max3A_189 = arith.maximumf %get3A_188, %get3A_185 : vector<16xf32>
          %swap3A_190 = arith.index_cast %squeeze3A : i32 to index
          %swap3A_191 = arith.constant 48 : index
          %swap3A_192 = tpu.vector_load %arg10[%swap3A_190, %swap3A_191] {strides = array<i32>} : memref<320x128xf32, #tpu.memory_space<vmem>>, vector<16xf32>,
          tpu.vector_store %arg10[%swap3A_190, %swap3A_191], %max3A_189 {strides = array<i32>} : memref<320x128xf32, #tpu.memory_space<vmem>>, vector<16xf32>,
          %get3A_193 = arith.index_cast %while3A_150 : i32 to index
          %get3A_194 = arith.constant 64 : index
          %get3A_195 = tpu.vector_load %arg15[%get3A_193, %get3A_194] {strides = array<i32>} : memref<128x128xf32, #tpu.memory_space<vmem>>, vector<16xf32>,
          %get3A_196 = arith.index_cast %squeeze3A : i32 to index
          %get3A_197 = arith.constant 64 : index
          %get3A_198 = tpu.vector_load %arg10[%get3A_196, %get3A_197] {strides = array<i32>} : memref<320x128xf32, #tpu.memory_space<vmem>>, vector<16xf32>,
          %max3A_199 = arith.maximumf %get3A_198, %get3A_195 : vector<16xf32>
          %swap3A_200 = arith.index_cast %squeeze3A : i32 to index
          %swap3A_201 = arith.constant 64 : index
          %swap3A_202 = tpu.vector_load %arg10[%swap3A_200, %swap3A_201] {strides = array<i32>} : memref<320x128xf32, #tpu.memory_space<vmem>>, vector<16xf32>,
          tpu.vector_store %arg10[%swap3A_200, %swap3A_201], %max3A_199 {strides = array<i32>} : memref<320x128xf32, #tpu.memory_space<vmem>>, vector<16xf32>,
          %get3A_203 = arith.index_cast %while3A_150 : i32 to index
          %get3A_204 = arith.constant 80 : index
          %get3A_205 = tpu.vector_load %arg15[%get3A_203, %get3A_204] {strides = array<i32>} : memref<128x128xf32, #tpu.memory_space<vmem>>, vector<16xf32>,
          %get3A_206 = arith.index_cast %squeeze3A : i32 to index
          %get3A_207 = arith.constant 80 : index
          %get3A_208 = tpu.vector_load %arg10[%get3A_206, %get3A_207] {strides = array<i32>} : memref<320x128xf32, #tpu.memory_space<vmem>>, vector<16xf32>,
          %max3A_209 = arith.maximumf %get3A_208, %get3A_205 : vector<16xf32>
          %swap3A_210 = arith.index_cast %squeeze3A : i32 to index
          %swap3A_211 = arith.constant 80 : index
          %swap3A_212 = tpu.vector_load %arg10[%swap3A_210, %swap3A_211] {strides = array<i32>} : memref<320x128xf32, #tpu.memory_space<vmem>>, vector<16xf32>,
          tpu.vector_store %arg10[%swap3A_210, %swap3A_211], %max3A_209 {strides = array<i32>} : memref<320x128xf32, #tpu.memory_space<vmem>>, vector<16xf32>,
          %get3A_213 = arith.index_cast %while3A_150 : i32 to index
          %get3A_214 = arith.constant 96 : index
          %get3A_215 = tpu.vector_load %arg15[%get3A_213, %get3A_214] {strides = array<i32>} : memref<128x128xf32, #tpu.memory_space<vmem>>, vector<16xf32>,
          %get3A_216 = arith.index_cast %squeeze3A : i32 to index
          %get3A_217 = arith.constant 96 : index
          %get3A_218 = tpu.vector_load %arg10[%get3A_216, %get3A_217] {strides = array<i32>} : memref<320x128xf32, #tpu.memory_space<vmem>>, vector<16xf32>,
          %max3A_219 = arith.maximumf %get3A_218, %get3A_215 : vector<16xf32>
          %swap3A_220 = arith.index_cast %squeeze3A : i32 to index
          %swap3A_221 = arith.constant 96 : index
          %swap3A_222 = tpu.vector_load %arg10[%swap3A_220, %swap3A_221] {strides = array<i32>} : memref<320x128xf32, #tpu.memory_space<vmem>>, vector<16xf32>,
          tpu.vector_store %arg10[%swap3A_220, %swap3A_221], %max3A_219 {strides = array<i32>} : memref<320x128xf32, #tpu.memory_space<vmem>>, vector<16xf32>,
          %get3A_223 = arith.index_cast %while3A_150 : i32 to index
          %get3A_224 = arith.constant 112 : index
          %get3A_225 = tpu.vector_load %arg15[%get3A_223, %get3A_224] {strides = array<i32>} : memref<128x128xf32, #tpu.memory_space<vmem>>, vector<16xf32>,
          %get3A_226 = arith.index_cast %squeeze3A : i32 to index
          %get3A_227 = arith.constant 112 : index
          %get3A_228 = tpu.vector_load %arg10[%get3A_226, %get3A_227] {strides = array<i32>} : memref<320x128xf32, #tpu.memory_space<vmem>>, vector<16xf32>,
          %max3A_229 = arith.maximumf %get3A_228, %get3A_225 : vector<16xf32>
          %swap3A_230 = arith.index_cast %squeeze3A : i32 to index
          %swap3A_231 = arith.constant 112 : index
          %swap3A_232 = tpu.vector_load %arg10[%swap3A_230, %swap3A_231] {strides = array<i32>} : memref<320x128xf32, #tpu.memory_space<vmem>>, vector<16xf32>,
          tpu.vector_store %arg10[%swap3A_230, %swap3A_231], %max3A_229 {strides = array<i32>} : memref<320x128xf32, #tpu.memory_space<vmem>>, vector<16xf32>,
        }
        %while3A_149 = arith.constant 1 : i32
        scf.for %while3A_150 = %while3A_147 to %while3A_143 step %while3A_149  : i32 {
          %mul3A_151 = arith.constant 128 : i32
          %mul3A_152 = arith.muli %while3A_127, %mul3A_151 : i32
          %add3A_153 = arith.addi %mul3A_152, %while3A_150 : i32
          %get3A = arith.index_cast %add3A_153 : i32 to index
          %get3A_154 = tpu.vector_load %arg14[%get3A] {strides = array<i32>} : memref<2048xi32, #tpu.memory_space<vmem>>, vector<16xi32>,
          %slice3A = vector.extract_strided_slice %get3A_154 {offsets = [0], sizes = [1], strides = [1]} : vector<16xi32> to vector<1xi32>
          %squeeze3A = vector.extract %slice3A[0] : i32 from vector<1xi32>
          %get3A_155 = arith.index_cast %while3A_150 : i32 to index
          %get3A_156 = arith.constant 0 : index
          %get3A_157 = tpu.vector_load %arg15[%get3A_155, %get3A_156] {strides = array<i32>} : memref<128x128xf32, #tpu.memory_space<vmem>>, vector<16xf32>,
          %get3A_158 = arith.index_cast %squeeze3A : i32 to index
          %get3A_159 = arith.constant 0 : index
          %get3A_160 = tpu.vector_load %arg10[%get3A_158, %get3A_159] {strides = array<i32>} : memref<320x128xf32, #tpu.memory_space<vmem>>, vector<16xf32>,
          %max3A = arith.maximumf %get3A_160, %get3A_157 : vector<16xf32>
          %swap3A = arith.index_cast %squeeze3A : i32 to index
          %swap3A_161 = arith.constant 0 : index
          %swap3A_162 = tpu.vector_load %arg10[%swap3A, %swap3A_161] {strides = array<i32>} : memref<320x128xf32, #tpu.memory_space<vmem>>, vector<16xf32>,
          tpu.vector_store %arg10[%swap3A, %swap3A_161], %max3A {strides = array<i32>} : memref<320x128xf32, #tpu.memory_space<vmem>>, vector<16xf32>,
          %get3A_163 = arith.index_cast %while3A_150 : i32 to index
          %get3A_164 = arith.constant 16 : index
          %get3A_165 = tpu.vector_load %arg15[%get3A_163, %get3A_164] {strides = array<i32>} : memref<128x128xf32, #tpu.memory_space<vmem>>, vector<16xf32>,
          %get3A_166 = arith.index_cast %squeeze3A : i32 to index
          %get3A_167 = arith.constant 16 : index
          %get3A_168 = tpu.vector_load %arg10[%get3A_166, %get3A_167] {strides = array<i32>} : memref<320x128xf32, #tpu.memory_space<vmem>>, vector<16xf32>,
          %max3A_169 = arith.maximumf %get3A_168, %get3A_165 : vector<16xf32>
          %swap3A_170 = arith.index_cast %squeeze3A : i32 to index
          %swap3A_171 = arith.constant 16 : index
          %swap3A_172 = tpu.vector_load %arg10[%swap3A_170, %swap3A_171] {strides = array<i32>} : memref<320x128xf32, #tpu.memory_space<vmem>>, vector<16xf32>,
          tpu.vector_store %arg10[%swap3A_170, %swap3A_171], %max3A_169 {strides = array<i32>} : memref<320x128xf32, #tpu.memory_space<vmem>>, vector<16xf32>,
          %get3A_173 = arith.index_cast %while3A_150 : i32 to index
          %get3A_174 = arith.constant 32 : index
          %get3A_175 = tpu.vector_load %arg15[%get3A_173, %get3A_174] {strides = array<i32>} : memref<128x128xf32, #tpu.memory_space<vmem>>, vector<16xf32>,
          %get3A_176 = arith.index_cast %squeeze3A : i32 to index
          %get3A_177 = arith.constant 32 : index
          %get3A_178 = tpu.vector_load %arg10[%get3A_176, %get3A_177] {strides = array<i32>} : memref<320x128xf32, #tpu.memory_space<vmem>>, vector<16xf32>,
          %max3A_179 = arith.maximumf %get3A_178, %get3A_175 : vector<16xf32>
          %swap3A_180 = arith.index_cast %squeeze3A : i32 to index
          %swap3A_181 = arith.constant 32 : index
          %swap3A_182 = tpu.vector_load %arg10[%swap3A_180, %swap3A_181] {strides = array<i32>} : memref<320x128xf32, #tpu.memory_space<vmem>>, vector<16xf32>,
          tpu.vector_store %arg10[%swap3A_180, %swap3A_181], %max3A_179 {strides = array<i32>} : memref<320x128xf32, #tpu.memory_space<vmem>>, vector<16xf32>,
          %get3A_183 = arith.index_cast %while3A_150 : i32 to index
          %get3A_184 = arith.constant 48 : index
          %get3A_185 = tpu.vector_load %arg15[%get3A_183, %get3A_184] {strides = array<i32>} : memref<128x128xf32, #tpu.memory_space<vmem>>, vector<16xf32>,
          %get3A_186 = arith.index_cast %squeeze3A : i32 to index
          %get3A_187 = arith.constant 48 : index
          %get3A_188 = tpu.vector_load %arg10[%get3A_186, %get3A_187] {strides = array<i32>} : memref<320x128xf32, #tpu.memory_space<vmem>>, vector<16xf32>,
          %max3A_189 = arith.maximumf %get3A_188, %get3A_185 : vector<16xf32>
          %swap3A_190 = arith.index_cast %squeeze3A : i32 to index
          %swap3A_191 = arith.constant 48 : index
          %swap3A_192 = tpu.vector_load %arg10[%swap3A_190, %swap3A_191] {strides = array<i32>} : memref<320x128xf32, #tpu.memory_space<vmem>>, vector<16xf32>,
          tpu.vector_store %arg10[%swap3A_190, %swap3A_191], %max3A_189 {strides = array<i32>} : memref<320x128xf32, #tpu.memory_space<vmem>>, vector<16xf32>,
          %get3A_193 = arith.index_cast %while3A_150 : i32 to index
          %get3A_194 = arith.constant 64 : index
          %get3A_195 = tpu.vector_load %arg15[%get3A_193, %get3A_194] {strides = array<i32>} : memref<128x128xf32, #tpu.memory_space<vmem>>, vector<16xf32>,
          %get3A_196 = arith.index_cast %squeeze3A : i32 to index
          %get3A_197 = arith.constant 64 : index
          %get3A_198 = tpu.vector_load %arg10[%get3A_196, %get3A_197] {strides = array<i32>} : memref<320x128xf32, #tpu.memory_space<vmem>>, vector<16xf32>,
          %max3A_199 = arith.maximumf %get3A_198, %get3A_195 : vector<16xf32>
          %swap3A_200 = arith.index_cast %squeeze3A : i32 to index
          %swap3A_201 = arith.constant 64 : index
          %swap3A_202 = tpu.vector_load %arg10[%swap3A_200, %swap3A_201] {strides = array<i32>} : memref<320x128xf32, #tpu.memory_space<vmem>>, vector<16xf32>,
          tpu.vector_store %arg10[%swap3A_200, %swap3A_201], %max3A_199 {strides = array<i32>} : memref<320x128xf32, #tpu.memory_space<vmem>>, vector<16xf32>,
          %get3A_203 = arith.index_cast %while3A_150 : i32 to index
          %get3A_204 = arith.constant 80 : index
          %get3A_205 = tpu.vector_load %arg15[%get3A_203, %get3A_204] {strides = array<i32>} : memref<128x128xf32, #tpu.memory_space<vmem>>, vector<16xf32>,
          %get3A_206 = arith.index_cast %squeeze3A : i32 to index
          %get3A_207 = arith.constant 80 : index
          %get3A_208 = tpu.vector_load %arg10[%get3A_206, %get3A_207] {strides = array<i32>} : memref<320x128xf32, #tpu.memory_space<vmem>>, vector<16xf32>,
          %max3A_209 = arith.maximumf %get3A_208, %get3A_205 : vector<16xf32>
          %swap3A_210 = arith.index_cast %squeeze3A : i32 to index
          %swap3A_211 = arith.constant 80 : index
          %swap3A_212 = tpu.vector_load %arg10[%swap3A_210, %swap3A_211] {strides = array<i32>} : memref<320x128xf32, #tpu.memory_space<vmem>>, vector<16xf32>,
          tpu.vector_store %arg10[%swap3A_210, %swap3A_211], %max3A_209 {strides = array<i32>} : memref<320x128xf32, #tpu.memory_space<vmem>>, vector<16xf32>,
          %get3A_213 = arith.index_cast %while3A_150 : i32 to index
          %get3A_214 = arith.constant 96 : index
          %get3A_215 = tpu.vector_load %arg15[%get3A_213, %get3A_214] {strides = array<i32>} : memref<128x128xf32, #tpu.memory_space<vmem>>, vector<16xf32>,
          %get3A_216 = arith.index_cast %squeeze3A : i32 to index
          %get3A_217 = arith.constant 96 : index
          %get3A_218 = tpu.vector_load %arg10[%get3A_216, %get3A_217] {strides = array<i32>} : memref<320x128xf32, #tpu.memory_space<vmem>>, vector<16xf32>,
          %max3A_219 = arith.maximumf %get3A_218, %get3A_215 : vector<16xf32>
          %swap3A_220 = arith.index_cast %squeeze3A : i32 to index
          %swap3A_221 = arith.constant 96 : index
          %swap3A_222 = tpu.vector_load %arg10[%swap3A_220, %swap3A_221] {strides = array<i32>} : memref<320x128xf32, #tpu.memory_space<vmem>>, vector<16xf32>,
          tpu.vector_store %arg10[%swap3A_220, %swap3A_221], %max3A_219 {strides = array<i32>} : memref<320x128xf32, #tpu.memory_space<vmem>>, vector<16xf32>,
          %get3A_223 = arith.index_cast %while3A_150 : i32 to index
          %get3A_224 = arith.constant 112 : index
          %get3A_225 = tpu.vector_load %arg15[%get3A_223, %get3A_224] {strides = array<i32>} : memref<128x128xf32, #tpu.memory_space<vmem>>, vector<16xf32>,
          %get3A_226 = arith.index_cast %squeeze3A : i32 to index
          %get3A_227 = arith.constant 112 : index
          %get3A_228 = tpu.vector_load %arg10[%get3A_226, %get3A_227] {strides = array<i32>} : memref<320x128xf32, #tpu.memory_space<vmem>>, vector<16xf32>,
          %max3A_229 = arith.maximumf %get3A_228, %get3A_225 : vector<16xf32>
          %swap3A_230 = arith.index_cast %squeeze3A : i32 to index
          %swap3A_231 = arith.constant 112 : index
          %swap3A_232 = tpu.vector_load %arg10[%swap3A_230, %swap3A_231] {strides = array<i32>} : memref<320x128xf32, #tpu.memory_space<vmem>>, vector<16xf32>,
          tpu.vector_store %arg10[%swap3A_230, %swap3A_231], %max3A_229 {strides = array<i32>} : memref<320x128xf32, #tpu.memory_space<vmem>>, vector<16xf32>,
        }
      }
      %while3A_126 = arith.constant 1 : i32
      scf.for %while3A_127 = %while3A_124 to %while3A_120 step %while3A_126  : i32 {
        %mul3A_128 = arith.constant 128 : i32
        %mul3A_129 = arith.muli %while3A_127, %mul3A_128 : i32
        %dma_start3A = tpu.memref_slice %arg13[%mul3A_129] : memref<2048xi32, #tpu.memory_space<vmem>> -> memref<128xi32, #tpu.memory_space<vmem>>
        %dma_start3A_130 = arith.constant 0 : i32
        %dma_start3A_131 = arith.constant 0 : i32
        %dma_start3A_132 = tpu.memref_slice %arg4[%dma_start3A_130, %dma_start3A_131] : memref<122880x128xf32, #tpu.memory_space<hbm>> -> memref<122880x128xf32, #tpu.memory_space<hbm>>
        tpu.enqueue_indirect_dma source(%dma_start3A_132 : memref<122880x128xf32, #tpu.memory_space<hbm>>) target(%arg15 : memref<128x128xf32, #tpu.memory_space<vmem>>) offsets(%dma_start3A : memref<128xi32, #tpu.memory_space<vmem>>) semaphore(%arg16 : memref<!tpu.dma_semaphore, #tpu.memory_space<semaphore_mem>>)
        %dma_wait3A = tpu.memref_slice %arg13[%mul3A_129] : memref<2048xi32, #tpu.memory_space<vmem>> -> memref<128xi32, #tpu.memory_space<vmem>>
        %dma_wait3A_133 = arith.constant 0 : i32
        %dma_wait3A_134 = arith.constant 0 : i32
        %dma_wait3A_135 = tpu.memref_slice %arg4[%dma_wait3A_133, %dma_wait3A_134] : memref<122880x128xf32, #tpu.memory_space<hbm>> -> memref<122880x128xf32, #tpu.memory_space<hbm>>
        tpu.wait_indirect_dma semaphore(%arg16 : memref<!tpu.dma_semaphore, #tpu.memory_space<semaphore_mem>>) src(%dma_wait3A_135 : memref<122880x128xf32, #tpu.memory_space<hbm>>) dst(%arg15 : memref<128x128xf32, #tpu.memory_space<vmem>>)
        %mul3A_136 = arith.constant 128 : i32
        %mul3A_137 = arith.muli %while3A_127, %mul3A_136 : i32
        %sub3A_138 = arith.subi %scan3A_96, %mul3A_137 : i32
        %min3A = arith.constant 128 : i32
        %min3A_139 = arith.minsi %min3A, %sub3A_138 : i32
        %while3A_140 = arith.constant 0 : i32
        %while3A_141 = arith.constant 0 : i32
        %while3A_142 = arith.subi %min3A_139, %while3A_141 : i32
        %while3A_143 = arith.addi %while3A_141, %while3A_142 : i32
        %while3A_144 = arith.constant 1 : i32
        %while3A_145 = arith.divsi %while3A_142, %while3A_144 : i32
        %while3A_146 = arith.muli %while3A_145, %while3A_144 : i32
        %while3A_147 = arith.addi %while3A_141, %while3A_146 : i32
        %while3A_148 = arith.constant 1 : i32
        scf.for %while3A_150 = %while3A_141 to %while3A_147 step %while3A_148  : i32 {
          %mul3A_151 = arith.constant 128 : i32
          %mul3A_152 = arith.muli %while3A_127, %mul3A_151 : i32
          %add3A_153 = arith.addi %mul3A_152, %while3A_150 : i32
          %get3A = arith.index_cast %add3A_153 : i32 to index
          %get3A_154 = tpu.vector_load %arg14[%get3A] {strides = array<i32>} : memref<2048xi32, #tpu.memory_space<vmem>>, vector<16xi32>,
          %slice3A = vector.extract_strided_slice %get3A_154 {offsets = [0], sizes = [1], strides = [1]} : vector<16xi32> to vector<1xi32>
          %squeeze3A = vector.extract %slice3A[0] : i32 from vector<1xi32>
          %get3A_155 = arith.index_cast %while3A_150 : i32 to index
          %get3A_156 = arith.constant 0 : index
          %get3A_157 = tpu.vector_load %arg15[%get3A_155, %get3A_156] {strides = array<i32>} : memref<128x128xf32, #tpu.memory_space<vmem>>, vector<16xf32>,
          %get3A_158 = arith.index_cast %squeeze3A : i32 to index
          %get3A_159 = arith.constant 0 : index
          %get3A_160 = tpu.vector_load %arg10[%get3A_158, %get3A_159] {strides = array<i32>} : memref<320x128xf32, #tpu.memory_space<vmem>>, vector<16xf32>,
          %max3A = arith.maximumf %get3A_160, %get3A_157 : vector<16xf32>
          %swap3A = arith.index_cast %squeeze3A : i32 to index
          %swap3A_161 = arith.constant 0 : index
          %swap3A_162 = tpu.vector_load %arg10[%swap3A, %swap3A_161] {strides = array<i32>} : memref<320x128xf32, #tpu.memory_space<vmem>>, vector<16xf32>,
          tpu.vector_store %arg10[%swap3A, %swap3A_161], %max3A {strides = array<i32>} : memref<320x128xf32, #tpu.memory_space<vmem>>, vector<16xf32>,
          %get3A_163 = arith.index_cast %while3A_150 : i32 to index
          %get3A_164 = arith.constant 16 : index
          %get3A_165 = tpu.vector_load %arg15[%get3A_163, %get3A_164] {strides = array<i32>} : memref<128x128xf32, #tpu.memory_space<vmem>>, vector<16xf32>,
          %get3A_166 = arith.index_cast %squeeze3A : i32 to index
          %get3A_167 = arith.constant 16 : index
          %get3A_168 = tpu.vector_load %arg10[%get3A_166, %get3A_167] {strides = array<i32>} : memref<320x128xf32, #tpu.memory_space<vmem>>, vector<16xf32>,
          %max3A_169 = arith.maximumf %get3A_168, %get3A_165 : vector<16xf32>
          %swap3A_170 = arith.index_cast %squeeze3A : i32 to index
          %swap3A_171 = arith.constant 16 : index
          %swap3A_172 = tpu.vector_load %arg10[%swap3A_170, %swap3A_171] {strides = array<i32>} : memref<320x128xf32, #tpu.memory_space<vmem>>, vector<16xf32>,
          tpu.vector_store %arg10[%swap3A_170, %swap3A_171], %max3A_169 {strides = array<i32>} : memref<320x128xf32, #tpu.memory_space<vmem>>, vector<16xf32>,
          %get3A_173 = arith.index_cast %while3A_150 : i32 to index
          %get3A_174 = arith.constant 32 : index
          %get3A_175 = tpu.vector_load %arg15[%get3A_173, %get3A_174] {strides = array<i32>} : memref<128x128xf32, #tpu.memory_space<vmem>>, vector<16xf32>,
          %get3A_176 = arith.index_cast %squeeze3A : i32 to index
          %get3A_177 = arith.constant 32 : index
          %get3A_178 = tpu.vector_load %arg10[%get3A_176, %get3A_177] {strides = array<i32>} : memref<320x128xf32, #tpu.memory_space<vmem>>, vector<16xf32>,
          %max3A_179 = arith.maximumf %get3A_178, %get3A_175 : vector<16xf32>
          %swap3A_180 = arith.index_cast %squeeze3A : i32 to index
          %swap3A_181 = arith.constant 32 : index
          %swap3A_182 = tpu.vector_load %arg10[%swap3A_180, %swap3A_181] {strides = array<i32>} : memref<320x128xf32, #tpu.memory_space<vmem>>, vector<16xf32>,
          tpu.vector_store %arg10[%swap3A_180, %swap3A_181], %max3A_179 {strides = array<i32>} : memref<320x128xf32, #tpu.memory_space<vmem>>, vector<16xf32>,
          %get3A_183 = arith.index_cast %while3A_150 : i32 to index
          %get3A_184 = arith.constant 48 : index
          %get3A_185 = tpu.vector_load %arg15[%get3A_183, %get3A_184] {strides = array<i32>} : memref<128x128xf32, #tpu.memory_space<vmem>>, vector<16xf32>,
          %get3A_186 = arith.index_cast %squeeze3A : i32 to index
          %get3A_187 = arith.constant 48 : index
          %get3A_188 = tpu.vector_load %arg10[%get3A_186, %get3A_187] {strides = array<i32>} : memref<320x128xf32, #tpu.memory_space<vmem>>, vector<16xf32>,
          %max3A_189 = arith.maximumf %get3A_188, %get3A_185 : vector<16xf32>
          %swap3A_190 = arith.index_cast %squeeze3A : i32 to index
          %swap3A_191 = arith.constant 48 : index
          %swap3A_192 = tpu.vector_load %arg10[%swap3A_190, %swap3A_191] {strides = array<i32>} : memref<320x128xf32, #tpu.memory_space<vmem>>, vector<16xf32>,
          tpu.vector_store %arg10[%swap3A_190, %swap3A_191], %max3A_189 {strides = array<i32>} : memref<320x128xf32, #tpu.memory_space<vmem>>, vector<16xf32>,
          %get3A_193 = arith.index_cast %while3A_150 : i32 to index
          %get3A_194 = arith.constant 64 : index
          %get3A_195 = tpu.vector_load %arg15[%get3A_193, %get3A_194] {strides = array<i32>} : memref<128x128xf32, #tpu.memory_space<vmem>>, vector<16xf32>,
          %get3A_196 = arith.index_cast %squeeze3A : i32 to index
          %get3A_197 = arith.constant 64 : index
          %get3A_198 = tpu.vector_load %arg10[%get3A_196, %get3A_197] {strides = array<i32>} : memref<320x128xf32, #tpu.memory_space<vmem>>, vector<16xf32>,
          %max3A_199 = arith.maximumf %get3A_198, %get3A_195 : vector<16xf32>
          %swap3A_200 = arith.index_cast %squeeze3A : i32 to index
          %swap3A_201 = arith.constant 64 : index
          %swap3A_202 = tpu.vector_load %arg10[%swap3A_200, %swap3A_201] {strides = array<i32>} : memref<320x128xf32, #tpu.memory_space<vmem>>, vector<16xf32>,
          tpu.vector_store %arg10[%swap3A_200, %swap3A_201], %max3A_199 {strides = array<i32>} : memref<320x128xf32, #tpu.memory_space<vmem>>, vector<16xf32>,
          %get3A_203 = arith.index_cast %while3A_150 : i32 to index
          %get3A_204 = arith.constant 80 : index
          %get3A_205 = tpu.vector_load %arg15[%get3A_203, %get3A_204] {strides = array<i32>} : memref<128x128xf32, #tpu.memory_space<vmem>>, vector<16xf32>,
          %get3A_206 = arith.index_cast %squeeze3A : i32 to index
          %get3A_207 = arith.constant 80 : index
          %get3A_208 = tpu.vector_load %arg10[%get3A_206, %get3A_207] {strides = array<i32>} : memref<320x128xf32, #tpu.memory_space<vmem>>, vector<16xf32>,
          %max3A_209 = arith.maximumf %get3A_208, %get3A_205 : vector<16xf32>
          %swap3A_210 = arith.index_cast %squeeze3A : i32 to index
          %swap3A_211 = arith.constant 80 : index
          %swap3A_212 = tpu.vector_load %arg10[%swap3A_210, %swap3A_211] {strides = array<i32>} : memref<320x128xf32, #tpu.memory_space<vmem>>, vector<16xf32>,
          tpu.vector_store %arg10[%swap3A_210, %swap3A_211], %max3A_209 {strides = array<i32>} : memref<320x128xf32, #tpu.memory_space<vmem>>, vector<16xf32>,
          %get3A_213 = arith.index_cast %while3A_150 : i32 to index
          %get3A_214 = arith.constant 96 : index
          %get3A_215 = tpu.vector_load %arg15[%get3A_213, %get3A_214] {strides = array<i32>} : memref<128x128xf32, #tpu.memory_space<vmem>>, vector<16xf32>,
          %get3A_216 = arith.index_cast %squeeze3A : i32 to index
          %get3A_217 = arith.constant 96 : index
          %get3A_218 = tpu.vector_load %arg10[%get3A_216, %get3A_217] {strides = array<i32>} : memref<320x128xf32, #tpu.memory_space<vmem>>, vector<16xf32>,
          %max3A_219 = arith.maximumf %get3A_218, %get3A_215 : vector<16xf32>
          %swap3A_220 = arith.index_cast %squeeze3A : i32 to index
          %swap3A_221 = arith.constant 96 : index
          %swap3A_222 = tpu.vector_load %arg10[%swap3A_220, %swap3A_221] {strides = array<i32>} : memref<320x128xf32, #tpu.memory_space<vmem>>, vector<16xf32>,
          tpu.vector_store %arg10[%swap3A_220, %swap3A_221], %max3A_219 {strides = array<i32>} : memref<320x128xf32, #tpu.memory_space<vmem>>, vector<16xf32>,
          %get3A_223 = arith.index_cast %while3A_150 : i32 to index
          %get3A_224 = arith.constant 112 : index
          %get3A_225 = tpu.vector_load %arg15[%get3A_223, %get3A_224] {strides = array<i32>} : memref<128x128xf32, #tpu.memory_space<vmem>>, vector<16xf32>,
          %get3A_226 = arith.index_cast %squeeze3A : i32 to index
          %get3A_227 = arith.constant 112 : index
          %get3A_228 = tpu.vector_load %arg10[%get3A_226, %get3A_227] {strides = array<i32>} : memref<320x128xf32, #tpu.memory_space<vmem>>, vector<16xf32>,
          %max3A_229 = arith.maximumf %get3A_228, %get3A_225 : vector<16xf32>
          %swap3A_230 = arith.index_cast %squeeze3A : i32 to index
          %swap3A_231 = arith.constant 112 : index
          %swap3A_232 = tpu.vector_load %arg10[%swap3A_230, %swap3A_231] {strides = array<i32>} : memref<320x128xf32, #tpu.memory_space<vmem>>, vector<16xf32>,
          tpu.vector_store %arg10[%swap3A_230, %swap3A_231], %max3A_229 {strides = array<i32>} : memref<320x128xf32, #tpu.memory_space<vmem>>, vector<16xf32>,
        }
        %while3A_149 = arith.constant 1 : i32
        scf.for %while3A_150 = %while3A_147 to %while3A_143 step %while3A_149  : i32 {
          %mul3A_151 = arith.constant 128 : i32
          %mul3A_152 = arith.muli %while3A_127, %mul3A_151 : i32
          %add3A_153 = arith.addi %mul3A_152, %while3A_150 : i32
          %get3A = arith.index_cast %add3A_153 : i32 to index
          %get3A_154 = tpu.vector_load %arg14[%get3A] {strides = array<i32>} : memref<2048xi32, #tpu.memory_space<vmem>>, vector<16xi32>,
          %slice3A = vector.extract_strided_slice %get3A_154 {offsets = [0], sizes = [1], strides = [1]} : vector<16xi32> to vector<1xi32>
          %squeeze3A = vector.extract %slice3A[0] : i32 from vector<1xi32>
          %get3A_155 = arith.index_cast %while3A_150 : i32 to index
          %get3A_156 = arith.constant 0 : index
          %get3A_157 = tpu.vector_load %arg15[%get3A_155, %get3A_156] {strides = array<i32>} : memref<128x128xf32, #tpu.memory_space<vmem>>, vector<16xf32>,
          %get3A_158 = arith.index_cast %squeeze3A : i32 to index
          %get3A_159 = arith.constant 0 : index
          %get3A_160 = tpu.vector_load %arg10[%get3A_158, %get3A_159] {strides = array<i32>} : memref<320x128xf32, #tpu.memory_space<vmem>>, vector<16xf32>,
          %max3A = arith.maximumf %get3A_160, %get3A_157 : vector<16xf32>
          %swap3A = arith.index_cast %squeeze3A : i32 to index
          %swap3A_161 = arith.constant 0 : index
          %swap3A_162 = tpu.vector_load %arg10[%swap3A, %swap3A_161] {strides = array<i32>} : memref<320x128xf32, #tpu.memory_space<vmem>>, vector<16xf32>,
          tpu.vector_store %arg10[%swap3A, %swap3A_161], %max3A {strides = array<i32>} : memref<320x128xf32, #tpu.memory_space<vmem>>, vector<16xf32>,
          %get3A_163 = arith.index_cast %while3A_150 : i32 to index
          %get3A_164 = arith.constant 16 : index
          %get3A_165 = tpu.vector_load %arg15[%get3A_163, %get3A_164] {strides = array<i32>} : memref<128x128xf32, #tpu.memory_space<vmem>>, vector<16xf32>,
          %get3A_166 = arith.index_cast %squeeze3A : i32 to index
          %get3A_167 = arith.constant 16 : index
          %get3A_168 = tpu.vector_load %arg10[%get3A_166, %get3A_167] {strides = array<i32>} : memref<320x128xf32, #tpu.memory_space<vmem>>, vector<16xf32>,
          %max3A_169 = arith.maximumf %get3A_168, %get3A_165 : vector<16xf32>
          %swap3A_170 = arith.index_cast %squeeze3A : i32 to index
          %swap3A_171 = arith.constant 16 : index
          %swap3A_172 = tpu.vector_load %arg10[%swap3A_170, %swap3A_171] {strides = array<i32>} : memref<320x128xf32, #tpu.memory_space<vmem>>, vector<16xf32>,
          tpu.vector_store %arg10[%swap3A_170, %swap3A_171], %max3A_169 {strides = array<i32>} : memref<320x128xf32, #tpu.memory_space<vmem>>, vector<16xf32>,
          %get3A_173 = arith.index_cast %while3A_150 : i32 to index
          %get3A_174 = arith.constant 32 : index
          %get3A_175 = tpu.vector_load %arg15[%get3A_173, %get3A_174] {strides = array<i32>} : memref<128x128xf32, #tpu.memory_space<vmem>>, vector<16xf32>,
          %get3A_176 = arith.index_cast %squeeze3A : i32 to index
          %get3A_177 = arith.constant 32 : index
          %get3A_178 = tpu.vector_load %arg10[%get3A_176, %get3A_177] {strides = array<i32>} : memref<320x128xf32, #tpu.memory_space<vmem>>, vector<16xf32>,
          %max3A_179 = arith.maximumf %get3A_178, %get3A_175 : vector<16xf32>
          %swap3A_180 = arith.index_cast %squeeze3A : i32 to index
          %swap3A_181 = arith.constant 32 : index
          %swap3A_182 = tpu.vector_load %arg10[%swap3A_180, %swap3A_181] {strides = array<i32>} : memref<320x128xf32, #tpu.memory_space<vmem>>, vector<16xf32>,
          tpu.vector_store %arg10[%swap3A_180, %swap3A_181], %max3A_179 {strides = array<i32>} : memref<320x128xf32, #tpu.memory_space<vmem>>, vector<16xf32>,
          %get3A_183 = arith.index_cast %while3A_150 : i32 to index
          %get3A_184 = arith.constant 48 : index
          %get3A_185 = tpu.vector_load %arg15[%get3A_183, %get3A_184] {strides = array<i32>} : memref<128x128xf32, #tpu.memory_space<vmem>>, vector<16xf32>,
          %get3A_186 = arith.index_cast %squeeze3A : i32 to index
          %get3A_187 = arith.constant 48 : index
          %get3A_188 = tpu.vector_load %arg10[%get3A_186, %get3A_187] {strides = array<i32>} : memref<320x128xf32, #tpu.memory_space<vmem>>, vector<16xf32>,
          %max3A_189 = arith.maximumf %get3A_188, %get3A_185 : vector<16xf32>
          %swap3A_190 = arith.index_cast %squeeze3A : i32 to index
          %swap3A_191 = arith.constant 48 : index
          %swap3A_192 = tpu.vector_load %arg10[%swap3A_190, %swap3A_191] {strides = array<i32>} : memref<320x128xf32, #tpu.memory_space<vmem>>, vector<16xf32>,
          tpu.vector_store %arg10[%swap3A_190, %swap3A_191], %max3A_189 {strides = array<i32>} : memref<320x128xf32, #tpu.memory_space<vmem>>, vector<16xf32>,
          %get3A_193 = arith.index_cast %while3A_150 : i32 to index
          %get3A_194 = arith.constant 64 : index
          %get3A_195 = tpu.vector_load %arg15[%get3A_193, %get3A_194] {strides = array<i32>} : memref<128x128xf32, #tpu.memory_space<vmem>>, vector<16xf32>,
          %get3A_196 = arith.index_cast %squeeze3A : i32 to index
          %get3A_197 = arith.constant 64 : index
          %get3A_198 = tpu.vector_load %arg10[%get3A_196, %get3A_197] {strides = array<i32>} : memref<320x128xf32, #tpu.memory_space<vmem>>, vector<16xf32>,
          %max3A_199 = arith.maximumf %get3A_198, %get3A_195 : vector<16xf32>
          %swap3A_200 = arith.index_cast %squeeze3A : i32 to index
          %swap3A_201 = arith.constant 64 : index
          %swap3A_202 = tpu.vector_load %arg10[%swap3A_200, %swap3A_201] {strides = array<i32>} : memref<320x128xf32, #tpu.memory_space<vmem>>, vector<16xf32>,
          tpu.vector_store %arg10[%swap3A_200, %swap3A_201], %max3A_199 {strides = array<i32>} : memref<320x128xf32, #tpu.memory_space<vmem>>, vector<16xf32>,
          %get3A_203 = arith.index_cast %while3A_150 : i32 to index
          %get3A_204 = arith.constant 80 : index
          %get3A_205 = tpu.vector_load %arg15[%get3A_203, %get3A_204] {strides = array<i32>} : memref<128x128xf32, #tpu.memory_space<vmem>>, vector<16xf32>,
          %get3A_206 = arith.index_cast %squeeze3A : i32 to index
          %get3A_207 = arith.constant 80 : index
          %get3A_208 = tpu.vector_load %arg10[%get3A_206, %get3A_207] {strides = array<i32>} : memref<320x128xf32, #tpu.memory_space<vmem>>, vector<16xf32>,
          %max3A_209 = arith.maximumf %get3A_208, %get3A_205 : vector<16xf32>
          %swap3A_210 = arith.index_cast %squeeze3A : i32 to index
          %swap3A_211 = arith.constant 80 : index
          %swap3A_212 = tpu.vector_load %arg10[%swap3A_210, %swap3A_211] {strides = array<i32>} : memref<320x128xf32, #tpu.memory_space<vmem>>, vector<16xf32>,
          tpu.vector_store %arg10[%swap3A_210, %swap3A_211], %max3A_209 {strides = array<i32>} : memref<320x128xf32, #tpu.memory_space<vmem>>, vector<16xf32>,
          %get3A_213 = arith.index_cast %while3A_150 : i32 to index
          %get3A_214 = arith.constant 96 : index
          %get3A_215 = tpu.vector_load %arg15[%get3A_213, %get3A_214] {strides = array<i32>} : memref<128x128xf32, #tpu.memory_space<vmem>>, vector<16xf32>,
          %get3A_216 = arith.index_cast %squeeze3A : i32 to index
          %get3A_217 = arith.constant 96 : index
          %get3A_218 = tpu.vector_load %arg10[%get3A_216, %get3A_217] {strides = array<i32>} : memref<320x128xf32, #tpu.memory_space<vmem>>, vector<16xf32>,
          %max3A_219 = arith.maximumf %get3A_218, %get3A_215 : vector<16xf32>
          %swap3A_220 = arith.index_cast %squeeze3A : i32 to index
          %swap3A_221 = arith.constant 96 : index
          %swap3A_222 = tpu.vector_load %arg10[%swap3A_220, %swap3A_221] {strides = array<i32>} : memref<320x128xf32, #tpu.memory_space<vmem>>, vector<16xf32>,
          tpu.vector_store %arg10[%swap3A_220, %swap3A_221], %max3A_219 {strides = array<i32>} : memref<320x128xf32, #tpu.memory_space<vmem>>, vector<16xf32>,
          %get3A_223 = arith.index_cast %while3A_150 : i32 to index
          %get3A_224 = arith.constant 112 : index
          %get3A_225 = tpu.vector_load %arg15[%get3A_223, %get3A_224] {strides = array<i32>} : memref<128x128xf32, #tpu.memory_space<vmem>>, vector<16xf32>,
          %get3A_226 = arith.index_cast %squeeze3A : i32 to index
          %get3A_227 = arith.constant 112 : index
          %get3A_228 = tpu.vector_load %arg10[%get3A_226, %get3A_227] {strides = array<i32>} : memref<320x128xf32, #tpu.memory_space<vmem>>, vector<16xf32>,
          %max3A_229 = arith.maximumf %get3A_228, %get3A_225 : vector<16xf32>
          %swap3A_230 = arith.index_cast %squeeze3A : i32 to index
          %swap3A_231 = arith.constant 112 : index
          %swap3A_232 = tpu.vector_load %arg10[%swap3A_230, %swap3A_231] {strides = array<i32>} : memref<320x128xf32, #tpu.memory_space<vmem>>, vector<16xf32>,
          tpu.vector_store %arg10[%swap3A_230, %swap3A_231], %max3A_229 {strides = array<i32>} : memref<320x128xf32, #tpu.memory_space<vmem>>, vector<16xf32>,
        }
      }
    }
    %scan3A_43 = arith.constant 60 : i32
    %scan3A_44 = arith.constant 0 : i32
    %scan3A_45 = arith.constant 0 : i32
    %scan3A_46 = arith.constant 320 : i32
    %scan3A_47 = arith.addi %scan3A_45, %scan3A_46 : i32
    %scan3A_48 = arith.constant 1 : i32
    scf.for %scan3A_86 = %scan3A_45 to %scan3A_47 step %scan3A_48  : i32 {
      %get3A = arith.index_cast %scan3A_86 : i32 to index
      %get3A_87 = arith.constant 0 : index
      %get3A_88 = tpu.vector_load %arg10[%get3A, %get3A_87] {strides = array<i32>} : memref<320x128xf32, #tpu.memory_space<vmem>>, vector<16xf32>,
      %lt3A = arith.constant -9.99999968E+37 : f32
      %lt3A_89 = vector.broadcast %lt3A : f32 to vector<16xf32>
      %lt3A_90 = arith.cmpf olt, %get3A_88, %lt3A_89 : vector<16xf32>
      %broadcast_in_dim3A = arith.constant 0.000000e+00 : f32
      %broadcast_in_dim3A_91 = vector.broadcast %broadcast_in_dim3A : f32 to vector<16xf32>
      %select_n3A = arith.select %lt3A_90, %broadcast_in_dim3A_91, %get3A_88 : vector<16xi1>, vector<16xf32>
      %swap3A = arith.index_cast %scan3A_86 : i32 to index
      %swap3A_92 = arith.constant 0 : index
      %swap3A_93 = tpu.vector_load %arg10[%swap3A, %swap3A_92] {strides = array<i32>} : memref<320x128xf32, #tpu.memory_space<vmem>>, vector<16xf32>,
      tpu.vector_store %arg10[%swap3A, %swap3A_92], %select_n3A {strides = array<i32>} : memref<320x128xf32, #tpu.memory_space<vmem>>, vector<16xf32>,
      %get3A_94 = arith.index_cast %scan3A_86 : i32 to index
      %get3A_95 = arith.constant 16 : index
      %get3A_96 = tpu.vector_load %arg10[%get3A_94, %get3A_95] {strides = array<i32>} : memref<320x128xf32, #tpu.memory_space<vmem>>, vector<16xf32>,
      %lt3A_97 = arith.constant -9.99999968E+37 : f32
      %lt3A_98 = vector.broadcast %lt3A_97 : f32 to vector<16xf32>
      %lt3A_99 = arith.cmpf olt, %get3A_96, %lt3A_98 : vector<16xf32>
      %broadcast_in_dim3A_100 = arith.constant 0.000000e+00 : f32
      %broadcast_in_dim3A_101 = vector.broadcast %broadcast_in_dim3A_100 : f32 to vector<16xf32>
      %select_n3A_102 = arith.select %lt3A_99, %broadcast_in_dim3A_101, %get3A_96 : vector<16xi1>, vector<16xf32>
      %swap3A_103 = arith.index_cast %scan3A_86 : i32 to index
      %swap3A_104 = arith.constant 16 : index
      %swap3A_105 = tpu.vector_load %arg10[%swap3A_103, %swap3A_104] {strides = array<i32>} : memref<320x128xf32, #tpu.memory_space<vmem>>, vector<16xf32>,
      tpu.vector_store %arg10[%swap3A_103, %swap3A_104], %select_n3A_102 {strides = array<i32>} : memref<320x128xf32, #tpu.memory_space<vmem>>, vector<16xf32>,
      %get3A_106 = arith.index_cast %scan3A_86 : i32 to index
      %get3A_107 = arith.constant 32 : index
      %get3A_108 = tpu.vector_load %arg10[%get3A_106, %get3A_107] {strides = array<i32>} : memref<320x128xf32, #tpu.memory_space<vmem>>, vector<16xf32>,
      %lt3A_109 = arith.constant -9.99999968E+37 : f32
      %lt3A_110 = vector.broadcast %lt3A_109 : f32 to vector<16xf32>
      %lt3A_111 = arith.cmpf olt, %get3A_108, %lt3A_110 : vector<16xf32>
      %broadcast_in_dim3A_112 = arith.constant 0.000000e+00 : f32
      %broadcast_in_dim3A_113 = vector.broadcast %broadcast_in_dim3A_112 : f32 to vector<16xf32>
      %select_n3A_114 = arith.select %lt3A_111, %broadcast_in_dim3A_113, %get3A_108 : vector<16xi1>, vector<16xf32>
      %swap3A_115 = arith.index_cast %scan3A_86 : i32 to index
      %swap3A_116 = arith.constant 32 : index
      %swap3A_117 = tpu.vector_load %arg10[%swap3A_115, %swap3A_116] {strides = array<i32>} : memref<320x128xf32, #tpu.memory_space<vmem>>, vector<16xf32>,
      tpu.vector_store %arg10[%swap3A_115, %swap3A_116], %select_n3A_114 {strides = array<i32>} : memref<320x128xf32, #tpu.memory_space<vmem>>, vector<16xf32>,
      %get3A_118 = arith.index_cast %scan3A_86 : i32 to index
      %get3A_119 = arith.constant 48 : index
      %get3A_120 = tpu.vector_load %arg10[%get3A_118, %get3A_119] {strides = array<i32>} : memref<320x128xf32, #tpu.memory_space<vmem>>, vector<16xf32>,
      %lt3A_121 = arith.constant -9.99999968E+37 : f32
      %lt3A_122 = vector.broadcast %lt3A_121 : f32 to vector<16xf32>
      %lt3A_123 = arith.cmpf olt, %get3A_120, %lt3A_122 : vector<16xf32>
      %broadcast_in_dim3A_124 = arith.constant 0.000000e+00 : f32
      %broadcast_in_dim3A_125 = vector.broadcast %broadcast_in_dim3A_124 : f32 to vector<16xf32>
      %select_n3A_126 = arith.select %lt3A_123, %broadcast_in_dim3A_125, %get3A_120 : vector<16xi1>, vector<16xf32>
      %swap3A_127 = arith.index_cast %scan3A_86 : i32 to index
      %swap3A_128 = arith.constant 48 : index
      %swap3A_129 = tpu.vector_load %arg10[%swap3A_127, %swap3A_128] {strides = array<i32>} : memref<320x128xf32, #tpu.memory_space<vmem>>, vector<16xf32>,
      tpu.vector_store %arg10[%swap3A_127, %swap3A_128], %select_n3A_126 {strides = array<i32>} : memref<320x128xf32, #tpu.memory_space<vmem>>, vector<16xf32>,
      %get3A_130 = arith.index_cast %scan3A_86 : i32 to index
      %get3A_131 = arith.constant 64 : index
      %get3A_132 = tpu.vector_load %arg10[%get3A_130, %get3A_131] {strides = array<i32>} : memref<320x128xf32, #tpu.memory_space<vmem>>, vector<16xf32>,
      %lt3A_133 = arith.constant -9.99999968E+37 : f32
      %lt3A_134 = vector.broadcast %lt3A_133 : f32 to vector<16xf32>
      %lt3A_135 = arith.cmpf olt, %get3A_132, %lt3A_134 : vector<16xf32>
      %broadcast_in_dim3A_136 = arith.constant 0.000000e+00 : f32
      %broadcast_in_dim3A_137 = vector.broadcast %broadcast_in_dim3A_136 : f32 to vector<16xf32>
      %select_n3A_138 = arith.select %lt3A_135, %broadcast_in_dim3A_137, %get3A_132 : vector<16xi1>, vector<16xf32>
      %swap3A_139 = arith.index_cast %scan3A_86 : i32 to index
      %swap3A_140 = arith.constant 64 : index
      %swap3A_141 = tpu.vector_load %arg10[%swap3A_139, %swap3A_140] {strides = array<i32>} : memref<320x128xf32, #tpu.memory_space<vmem>>, vector<16xf32>,
      tpu.vector_store %arg10[%swap3A_139, %swap3A_140], %select_n3A_138 {strides = array<i32>} : memref<320x128xf32, #tpu.memory_space<vmem>>, vector<16xf32>,
      %get3A_142 = arith.index_cast %scan3A_86 : i32 to index
      %get3A_143 = arith.constant 80 : index
      %get3A_144 = tpu.vector_load %arg10[%get3A_142, %get3A_143] {strides = array<i32>} : memref<320x128xf32, #tpu.memory_space<vmem>>, vector<16xf32>,
      %lt3A_145 = arith.constant -9.99999968E+37 : f32
      %lt3A_146 = vector.broadcast %lt3A_145 : f32 to vector<16xf32>
      %lt3A_147 = arith.cmpf olt, %get3A_144, %lt3A_146 : vector<16xf32>
      %broadcast_in_dim3A_148 = arith.constant 0.000000e+00 : f32
      %broadcast_in_dim3A_149 = vector.broadcast %broadcast_in_dim3A_148 : f32 to vector<16xf32>
      %select_n3A_150 = arith.select %lt3A_147, %broadcast_in_dim3A_149, %get3A_144 : vector<16xi1>, vector<16xf32>
      %swap3A_151 = arith.index_cast %scan3A_86 : i32 to index
      %swap3A_152 = arith.constant 80 : index
      %swap3A_153 = tpu.vector_load %arg10[%swap3A_151, %swap3A_152] {strides = array<i32>} : memref<320x128xf32, #tpu.memory_space<vmem>>, vector<16xf32>,
      tpu.vector_store %arg10[%swap3A_151, %swap3A_152], %select_n3A_150 {strides = array<i32>} : memref<320x128xf32, #tpu.memory_space<vmem>>, vector<16xf32>,
      %get3A_154 = arith.index_cast %scan3A_86 : i32 to index
      %get3A_155 = arith.constant 96 : index
      %get3A_156 = tpu.vector_load %arg10[%get3A_154, %get3A_155] {strides = array<i32>} : memref<320x128xf32, #tpu.memory_space<vmem>>, vector<16xf32>,
      %lt3A_157 = arith.constant -9.99999968E+37 : f32
      %lt3A_158 = vector.broadcast %lt3A_157 : f32 to vector<16xf32>
      %lt3A_159 = arith.cmpf olt, %get3A_156, %lt3A_158 : vector<16xf32>
      %broadcast_in_dim3A_160 = arith.constant 0.000000e+00 : f32
      %broadcast_in_dim3A_161 = vector.broadcast %broadcast_in_dim3A_160 : f32 to vector<16xf32>
      %select_n3A_162 = arith.select %lt3A_159, %broadcast_in_dim3A_161, %get3A_156 : vector<16xi1>, vector<16xf32>
      %swap3A_163 = arith.index_cast %scan3A_86 : i32 to index
      %swap3A_164 = arith.constant 96 : index
      %swap3A_165 = tpu.vector_load %arg10[%swap3A_163, %swap3A_164] {strides = array<i32>} : memref<320x128xf32, #tpu.memory_space<vmem>>, vector<16xf32>,
      tpu.vector_store %arg10[%swap3A_163, %swap3A_164], %select_n3A_162 {strides = array<i32>} : memref<320x128xf32, #tpu.memory_space<vmem>>, vector<16xf32>,
      %get3A_166 = arith.index_cast %scan3A_86 : i32 to index
      %get3A_167 = arith.constant 112 : index
      %get3A_168 = tpu.vector_load %arg10[%get3A_166, %get3A_167] {strides = array<i32>} : memref<320x128xf32, #tpu.memory_space<vmem>>, vector<16xf32>,
      %lt3A_169 = arith.constant -9.99999968E+37 : f32
      %lt3A_170 = vector.broadcast %lt3A_169 : f32 to vector<16xf32>
      %lt3A_171 = arith.cmpf olt, %get3A_168, %lt3A_170 : vector<16xf32>
      %broadcast_in_dim3A_172 = arith.constant 0.000000e+00 : f32
      %broadcast_in_dim3A_173 = vector.broadcast %broadcast_in_dim3A_172 : f32 to vector<16xf32>
      %select_n3A_174 = arith.select %lt3A_171, %broadcast_in_dim3A_173, %get3A_168 : vector<16xi1>, vector<16xf32>
      %swap3A_175 = arith.index_cast %scan3A_86 : i32 to index
      %swap3A_176 = arith.constant 112 : index
      %swap3A_177 = tpu.vector_load %arg10[%swap3A_175, %swap3A_176] {strides = array<i32>} : memref<320x128xf32, #tpu.memory_space<vmem>>, vector<16xf32>,
      tpu.vector_store %arg10[%swap3A_175, %swap3A_176], %select_n3A_174 {strides = array<i32>} : memref<320x128xf32, #tpu.memory_space<vmem>>, vector<16xf32>,
    }
    %scan3A_49 = arith.constant 320 : i32
    %scan3A_50 = arith.constant 0 : i32
    %scan3A_51 = arith.constant 0 : i32
    %scan3A_52 = arith.constant 128 : i32
    %scan3A_53 = arith.addi %scan3A_51, %scan3A_52 : i32
    %scan3A_54 = arith.constant 1 : i32
    scf.for %scan3A_86 = %scan3A_51 to %scan3A_53 step %scan3A_54  : i32 {
      %broadcast_in_dim3A = arith.constant 0 : i32
      %broadcast_in_dim3A_87 = vector.broadcast %broadcast_in_dim3A : i32 to vector<16xi32>
      %mul3A_88 = arith.constant 16 : i32
      %mul3A_89 = arith.muli %scan3A_86, %mul3A_88 : i32
      %swap3A = arith.index_cast %mul3A_89 : i32 to index
      %swap3A_90 = tpu.vector_load %arg13[%swap3A] {strides = array<i32>} : memref<2048xi32, #tpu.memory_space<vmem>>, vector<16xi32>,
      tpu.vector_store %arg13[%swap3A], %broadcast_in_dim3A_87 {strides = array<i32>} : memref<2048xi32, #tpu.memory_space<vmem>>, vector<16xi32>,
    }
    %scan3A_55 = arith.constant 128 : i32
    %scan3A_56 = arith.constant 0 : i32
    %scan3A_57 = arith.constant 0 : i32
    %scan3A_58 = arith.constant 160 : i32
    %scan3A_59 = arith.addi %scan3A_57, %scan3A_58 : i32
    %scan3A_60 = arith.constant 1 : i32
    scf.for %scan3A_86 = %scan3A_57 to %scan3A_59 step %scan3A_60  : i32 {
      %mul3A_87 = arith.constant 2000 : i32
      %mul3A_88 = arith.muli %scan3A_86, %mul3A_87 : i32
      "tpu.region"() ({
        %run_scoped3A = tpu.sem_alloc : memref<!tpu.dma_semaphore, #tpu.memory_space<semaphore_mem>>
        %dma_start3A = tpu.memref_slice %arg5[%mul3A_88] : memref<320000xi32, #tpu.memory_space<hbm>> -> memref<2000xi32, #tpu.memory_space<hbm>>
        %dma_start3A_127 = tpu.memref_slice %arg5[%mul3A_88] : memref<320000xi32, #tpu.memory_space<hbm>> -> memref<2000xi32, #tpu.memory_space<hbm>>
        tpu.enqueue_dma source(%dma_start3A_127 : memref<2000xi32, #tpu.memory_space<hbm>>) target(%arg12 : memref<2000xi32, #tpu.memory_space<vmem>>) target_semaphore(%run_scoped3A : memref<!tpu.dma_semaphore, #tpu.memory_space<semaphore_mem>>)
        %dma_wait3A = tpu.memref_slice %arg5[%mul3A_88] : memref<320000xi32, #tpu.memory_space<hbm>> -> memref<2000xi32, #tpu.memory_space<hbm>>
        %dma_wait3A_128 = tpu.memref_slice %arg5[%mul3A_88] : memref<320000xi32, #tpu.memory_space<hbm>> -> memref<2000xi32, #tpu.memory_space<hbm>>
        tpu.wait_dma2 semaphore(%run_scoped3A : memref<!tpu.dma_semaphore, #tpu.memory_space<semaphore_mem>>) src(%dma_wait3A_128 : memref<2000xi32, #tpu.memory_space<hbm>>) dst(%arg12 : memref<2000xi32, #tpu.memory_space<vmem>>)
        tpu.yield
      }) : () -> ()
      %mul3A_89 = arith.constant 2000 : i32
      %mul3A_90 = arith.muli %scan3A_86, %mul3A_89 : i32
      %scan3A_91 = arith.constant 0 : i32
      %scan3A_92 = arith.constant 0 : i32
      %scan3A_93 = arith.constant 125 : i32
      %scan3A_94 = arith.addi %scan3A_92, %scan3A_93 : i32
      %scan3A_95 = arith.constant 1 : i32
      %scan3A_96 = scf.for %scan3A_127 = %scan3A_92 to %scan3A_94 step %scan3A_95 iter_args(%scan3A_128 = %scan3A_91) -> (i32)  : i32 {
        %mul3A_129 = arith.constant 16 : i32
        %mul3A_130 = arith.muli %scan3A_127, %mul3A_129 : i32
        %get3A = arith.index_cast %mul3A_130 : i32 to index
        %get3A_131 = tpu.vector_load %arg12[%get3A] {strides = array<i32>} : memref<2000xi32, #tpu.memory_space<vmem>>, vector<16xi32>,
        %mul3A_132 = arith.constant 16 : i32
        %mul3A_133 = arith.muli %scan3A_127, %mul3A_132 : i32
        %add3A_134 = arith.addi %mul3A_90, %mul3A_133 : i32
        %add3A_135 = vector.broadcast %add3A_134 : i32 to vector<16xi32>
        %add3A_136 = arith.addi %add3A_135, %iota3A : vector<16xi32>
        %ge3A = vector.broadcast %mul3A_2 : i32 to vector<16xi32>
        %ge3A_137 = arith.cmpi sge, %get3A_131, %ge3A : vector<16xi32>
        %add3A_138 = arith.constant 320 : i32
        %add3A_139 = arith.addi %mul3A_2, %add3A_138 : i32
        %lt3A = vector.broadcast %add3A_139 : i32 to vector<16xi32>
        %lt3A_140 = arith.cmpi slt, %get3A_131, %lt3A : vector<16xi32>
        %and3A_141 = arith.andi %ge3A_137, %lt3A_140 : vector<16xi1>
        %jit3A_142 = arith.constant 1 : i32
        %jit3A_143 = arith.constant 0 : i32
        %broadcast_in_dim3A = vector.broadcast %jit3A_142 : i32 to vector<16xi32>
        %broadcast_in_dim3A_144 = vector.broadcast %jit3A_143 : i32 to vector<16xi32>
        %select_n3A_145 = arith.select %and3A_141, %broadcast_in_dim3A, %broadcast_in_dim3A_144 : vector<16xi1>, vector<16xi32>
        %broadcast_in_dim3A_146 = arith.constant true
        %broadcast_in_dim3A_147 = vector.broadcast %broadcast_in_dim3A_146 : i1 to vector<16xi1>
        %masked_cumsum3A = tpu.scan <sum>, %select_n3A_145 masked %broadcast_in_dim3A_147 : vector<16xi32>, vector<16xi1> -> vector<16xi32>
        %add3A_148 = vector.broadcast %scan3A_128 : i32 to vector<16xi32>
        %add3A_149 = arith.addi %add3A_148, %masked_cumsum3A : vector<16xi32>
        %sub3A_150 = arith.constant 1 : i32
        %sub3A_151 = vector.broadcast %sub3A_150 : i32 to vector<16xi32>
        %sub3A_152 = arith.subi %add3A_149, %sub3A_151 : vector<16xi32>
        tpu.vector_store_idx %arg13[%sub3A_152], %add3A_136 masked %and3A_141 : memref<2048xi32, #tpu.memory_space<vmem>>[vector<16xi32>], vector<16xi32>, vector<16xi1>
        %sub3A_153 = vector.broadcast %mul3A_2 : i32 to vector<16xi32>
        %sub3A_154 = arith.subi %get3A_131, %sub3A_153 : vector<16xi32>
        tpu.vector_store_idx %arg14[%sub3A_152], %sub3A_154 masked %and3A_141 : memref<2048xi32, #tpu.memory_space<vmem>>[vector<16xi32>], vector<16xi32>, vector<16xi1>
        %slice3A = vector.extract_strided_slice %masked_cumsum3A {offsets = [15], sizes = [1], strides = [1]} : vector<16xi32> to vector<1xi32>
        %squeeze3A = vector.extract %slice3A[0] : i32 from vector<1xi32>
        %add3A_155 = arith.addi %scan3A_128, %squeeze3A : i32
        scf.yield %add3A_155 : i32
      }
      %scan3A_97 = arith.constant 125 : i32
      %add3A_98 = arith.constant 128 : i32
      %add3A_99 = arith.addi %scan3A_96, %add3A_98 : i32
      %sub3A = arith.constant 1 : i32
      %sub3A_100 = arith.subi %add3A_99, %sub3A : i32
      %jit3A = arith.constant 128 : i32
      %div3A = arith.divsi %sub3A_100, %jit3A : i32
      %sign3A = arith.constant 0 : i32
      %sign3A_101 = arith.cmpi sgt, %sub3A_100, %sign3A : i32
      %sign3A_102 = arith.extui %sign3A_101 : i1 to i32
      %sign3A_103 = arith.constant 0 : i32
      %sign3A_104 = arith.cmpi slt, %sub3A_100, %sign3A_103 : i32
      %sign3A_105 = arith.extui %sign3A_104 : i1 to i32
      %sign3A_106 = arith.subi %sign3A_102, %sign3A_105 : i32
      %sign3A_107 = arith.constant 0 : i32
      %sign3A_108 = arith.cmpi sgt, %jit3A, %sign3A_107 : i32
      %sign3A_109 = arith.extui %sign3A_108 : i1 to i32
      %sign3A_110 = arith.constant 0 : i32
      %sign3A_111 = arith.cmpi slt, %jit3A, %sign3A_110 : i32
      %sign3A_112 = arith.extui %sign3A_111 : i1 to i32
      %sign3A_113 = arith.subi %sign3A_109, %sign3A_112 : i32
      %ne3A = arith.cmpi ne, %sign3A_106, %sign3A_113 : i32
      %rem3A = arith.remsi %sub3A_100, %jit3A : i32
      %ne3A_114 = arith.constant 0 : i32
      %ne3A_115 = arith.cmpi ne, %rem3A, %ne3A_114 : i32
      %and3A = arith.andi %ne3A, %ne3A_115 : i1
      %sub3A_116 = arith.constant 1 : i32
      %sub3A_117 = arith.subi %div3A, %sub3A_116 : i32
      %select_n3A = arith.select %and3A, %sub3A_117, %div3A : i32
      %while3A = arith.constant 0 : i32
      %while3A_118 = arith.constant 0 : i32
      %while3A_119 = arith.subi %select_n3A, %while3A_118 : i32
      %while3A_120 = arith.addi %while3A_118, %while3A_119 : i32
      %while3A_121 = arith.constant 1 : i32
      %while3A_122 = arith.divsi %while3A_119, %while3A_121 : i32
      %while3A_123 = arith.muli %while3A_122, %while3A_121 : i32
      %while3A_124 = arith.addi %while3A_118, %while3A_123 : i32
      %while3A_125 = arith.constant 1 : i32
      scf.for %while3A_127 = %while3A_118 to %while3A_124 step %while3A_125  : i32 {
        %mul3A_128 = arith.constant 128 : i32
        %mul3A_129 = arith.muli %while3A_127, %mul3A_128 : i32
        %dma_start3A = tpu.memref_slice %arg13[%mul3A_129] : memref<2048xi32, #tpu.memory_space<vmem>> -> memref<128xi32, #tpu.memory_space<vmem>>
        %dma_start3A_130 = arith.constant 0 : i32
        %dma_start3A_131 = arith.constant 0 : i32
        %dma_start3A_132 = tpu.memref_slice %arg2[%dma_start3A_130, %dma_start3A_131] : memref<323584x128xf32, #tpu.memory_space<hbm>> -> memref<323584x128xf32, #tpu.memory_space<hbm>>
        tpu.enqueue_indirect_dma source(%dma_start3A_132 : memref<323584x128xf32, #tpu.memory_space<hbm>>) target(%arg15 : memref<128x128xf32, #tpu.memory_space<vmem>>) offsets(%dma_start3A : memref<128xi32, #tpu.memory_space<vmem>>) semaphore(%arg16 : memref<!tpu.dma_semaphore, #tpu.memory_space<semaphore_mem>>)
        %dma_wait3A = tpu.memref_slice %arg13[%mul3A_129] : memref<2048xi32, #tpu.memory_space<vmem>> -> memref<128xi32, #tpu.memory_space<vmem>>
        %dma_wait3A_133 = arith.constant 0 : i32
        %dma_wait3A_134 = arith.constant 0 : i32
        %dma_wait3A_135 = tpu.memref_slice %arg2[%dma_wait3A_133, %dma_wait3A_134] : memref<323584x128xf32, #tpu.memory_space<hbm>> -> memref<323584x128xf32, #tpu.memory_space<hbm>>
        tpu.wait_indirect_dma semaphore(%arg16 : memref<!tpu.dma_semaphore, #tpu.memory_space<semaphore_mem>>) src(%dma_wait3A_135 : memref<323584x128xf32, #tpu.memory_space<hbm>>) dst(%arg15 : memref<128x128xf32, #tpu.memory_space<vmem>>)
        %mul3A_136 = arith.constant 128 : i32
        %mul3A_137 = arith.muli %while3A_127, %mul3A_136 : i32
        %sub3A_138 = arith.subi %scan3A_96, %mul3A_137 : i32
        %min3A = arith.constant 128 : i32
        %min3A_139 = arith.minsi %min3A, %sub3A_138 : i32
        %while3A_140 = arith.constant 0 : i32
        %while3A_141 = arith.constant 0 : i32
        %while3A_142 = arith.subi %min3A_139, %while3A_141 : i32
        %while3A_143 = arith.addi %while3A_141, %while3A_142 : i32
        %while3A_144 = arith.constant 1 : i32
        %while3A_145 = arith.divsi %while3A_142, %while3A_144 : i32
        %while3A_146 = arith.muli %while3A_145, %while3A_144 : i32
        %while3A_147 = arith.addi %while3A_141, %while3A_146 : i32
        %while3A_148 = arith.constant 1 : i32
        scf.for %while3A_150 = %while3A_141 to %while3A_147 step %while3A_148  : i32 {
          %mul3A_151 = arith.constant 128 : i32
          %mul3A_152 = arith.muli %while3A_127, %mul3A_151 : i32
          %add3A_153 = arith.addi %mul3A_152, %while3A_150 : i32
          %get3A = arith.index_cast %add3A_153 : i32 to index
          %get3A_154 = tpu.vector_load %arg14[%get3A] {strides = array<i32>} : memref<2048xi32, #tpu.memory_space<vmem>>, vector<16xi32>,
          %slice3A = vector.extract_strided_slice %get3A_154 {offsets = [0], sizes = [1], strides = [1]} : vector<16xi32> to vector<1xi32>
          %squeeze3A = vector.extract %slice3A[0] : i32 from vector<1xi32>
          %get3A_155 = arith.index_cast %while3A_150 : i32 to index
          %get3A_156 = arith.constant 0 : index
          %get3A_157 = tpu.vector_load %arg15[%get3A_155, %get3A_156] {strides = array<i32>} : memref<128x128xf32, #tpu.memory_space<vmem>>, vector<16xf32>,
          %get3A_158 = arith.index_cast %squeeze3A : i32 to index
          %get3A_159 = arith.constant 0 : index
          %get3A_160 = tpu.vector_load %arg11[%get3A_158, %get3A_159] {strides = array<i32>} : memref<320x128xf32, #tpu.memory_space<vmem>>, vector<16xf32>,
          %get3A_161 = arith.index_cast %squeeze3A : i32 to index
          %get3A_162 = arith.constant 0 : index
          %get3A_163 = tpu.vector_load %arg10[%get3A_161, %get3A_162] {strides = array<i32>} : memref<320x128xf32, #tpu.memory_space<vmem>>, vector<16xf32>,
          %sub3A_164 = arith.subf %get3A_157, %get3A_163 : vector<16xf32>
          %mul3A_165 = arith.constant 1.200000e+01 : f32
          %mul3A_166 = vector.broadcast %mul3A_165 : f32 to vector<16xf32>
          %mul3A_167 = arith.mulf %mul3A_166, %sub3A_164 : vector<16xf32>
          %exp3A = math.exp %mul3A_167 : vector<16xf32>
          %add3A_168 = arith.addf %get3A_160, %exp3A : vector<16xf32>
          %swap3A = arith.index_cast %squeeze3A : i32 to index
          %swap3A_169 = arith.constant 0 : index
          %swap3A_170 = tpu.vector_load %arg11[%swap3A, %swap3A_169] {strides = array<i32>} : memref<320x128xf32, #tpu.memory_space<vmem>>, vector<16xf32>,
          tpu.vector_store %arg11[%swap3A, %swap3A_169], %add3A_168 {strides = array<i32>} : memref<320x128xf32, #tpu.memory_space<vmem>>, vector<16xf32>,
          %get3A_171 = arith.index_cast %while3A_150 : i32 to index
          %get3A_172 = arith.constant 16 : index
          %get3A_173 = tpu.vector_load %arg15[%get3A_171, %get3A_172] {strides = array<i32>} : memref<128x128xf32, #tpu.memory_space<vmem>>, vector<16xf32>,
          %get3A_174 = arith.index_cast %squeeze3A : i32 to index
          %get3A_175 = arith.constant 16 : index
          %get3A_176 = tpu.vector_load %arg11[%get3A_174, %get3A_175] {strides = array<i32>} : memref<320x128xf32, #tpu.memory_space<vmem>>, vector<16xf32>,
          %get3A_177 = arith.index_cast %squeeze3A : i32 to index
          %get3A_178 = arith.constant 16 : index
          %get3A_179 = tpu.vector_load %arg10[%get3A_177, %get3A_178] {strides = array<i32>} : memref<320x128xf32, #tpu.memory_space<vmem>>, vector<16xf32>,
          %sub3A_180 = arith.subf %get3A_173, %get3A_179 : vector<16xf32>
          %mul3A_181 = arith.constant 1.200000e+01 : f32
          %mul3A_182 = vector.broadcast %mul3A_181 : f32 to vector<16xf32>
          %mul3A_183 = arith.mulf %mul3A_182, %sub3A_180 : vector<16xf32>
          %exp3A_184 = math.exp %mul3A_183 : vector<16xf32>
          %add3A_185 = arith.addf %get3A_176, %exp3A_184 : vector<16xf32>
          %swap3A_186 = arith.index_cast %squeeze3A : i32 to index
          %swap3A_187 = arith.constant 16 : index
          %swap3A_188 = tpu.vector_load %arg11[%swap3A_186, %swap3A_187] {strides = array<i32>} : memref<320x128xf32, #tpu.memory_space<vmem>>, vector<16xf32>,
          tpu.vector_store %arg11[%swap3A_186, %swap3A_187], %add3A_185 {strides = array<i32>} : memref<320x128xf32, #tpu.memory_space<vmem>>, vector<16xf32>,
          %get3A_189 = arith.index_cast %while3A_150 : i32 to index
          %get3A_190 = arith.constant 32 : index
          %get3A_191 = tpu.vector_load %arg15[%get3A_189, %get3A_190] {strides = array<i32>} : memref<128x128xf32, #tpu.memory_space<vmem>>, vector<16xf32>,
          %get3A_192 = arith.index_cast %squeeze3A : i32 to index
          %get3A_193 = arith.constant 32 : index
          %get3A_194 = tpu.vector_load %arg11[%get3A_192, %get3A_193] {strides = array<i32>} : memref<320x128xf32, #tpu.memory_space<vmem>>, vector<16xf32>,
          %get3A_195 = arith.index_cast %squeeze3A : i32 to index
          %get3A_196 = arith.constant 32 : index
          %get3A_197 = tpu.vector_load %arg10[%get3A_195, %get3A_196] {strides = array<i32>} : memref<320x128xf32, #tpu.memory_space<vmem>>, vector<16xf32>,
          %sub3A_198 = arith.subf %get3A_191, %get3A_197 : vector<16xf32>
          %mul3A_199 = arith.constant 1.200000e+01 : f32
          %mul3A_200 = vector.broadcast %mul3A_199 : f32 to vector<16xf32>
          %mul3A_201 = arith.mulf %mul3A_200, %sub3A_198 : vector<16xf32>
          %exp3A_202 = math.exp %mul3A_201 : vector<16xf32>
          %add3A_203 = arith.addf %get3A_194, %exp3A_202 : vector<16xf32>
          %swap3A_204 = arith.index_cast %squeeze3A : i32 to index
          %swap3A_205 = arith.constant 32 : index
          %swap3A_206 = tpu.vector_load %arg11[%swap3A_204, %swap3A_205] {strides = array<i32>} : memref<320x128xf32, #tpu.memory_space<vmem>>, vector<16xf32>,
          tpu.vector_store %arg11[%swap3A_204, %swap3A_205], %add3A_203 {strides = array<i32>} : memref<320x128xf32, #tpu.memory_space<vmem>>, vector<16xf32>,
          %get3A_207 = arith.index_cast %while3A_150 : i32 to index
          %get3A_208 = arith.constant 48 : index
          %get3A_209 = tpu.vector_load %arg15[%get3A_207, %get3A_208] {strides = array<i32>} : memref<128x128xf32, #tpu.memory_space<vmem>>, vector<16xf32>,
          %get3A_210 = arith.index_cast %squeeze3A : i32 to index
          %get3A_211 = arith.constant 48 : index
          %get3A_212 = tpu.vector_load %arg11[%get3A_210, %get3A_211] {strides = array<i32>} : memref<320x128xf32, #tpu.memory_space<vmem>>, vector<16xf32>,
          %get3A_213 = arith.index_cast %squeeze3A : i32 to index
          %get3A_214 = arith.constant 48 : index
          %get3A_215 = tpu.vector_load %arg10[%get3A_213, %get3A_214] {strides = array<i32>} : memref<320x128xf32, #tpu.memory_space<vmem>>, vector<16xf32>,
          %sub3A_216 = arith.subf %get3A_209, %get3A_215 : vector<16xf32>
          %mul3A_217 = arith.constant 1.200000e+01 : f32
          %mul3A_218 = vector.broadcast %mul3A_217 : f32 to vector<16xf32>
          %mul3A_219 = arith.mulf %mul3A_218, %sub3A_216 : vector<16xf32>
          %exp3A_220 = math.exp %mul3A_219 : vector<16xf32>
          %add3A_221 = arith.addf %get3A_212, %exp3A_220 : vector<16xf32>
          %swap3A_222 = arith.index_cast %squeeze3A : i32 to index
          %swap3A_223 = arith.constant 48 : index
          %swap3A_224 = tpu.vector_load %arg11[%swap3A_222, %swap3A_223] {strides = array<i32>} : memref<320x128xf32, #tpu.memory_space<vmem>>, vector<16xf32>,
          tpu.vector_store %arg11[%swap3A_222, %swap3A_223], %add3A_221 {strides = array<i32>} : memref<320x128xf32, #tpu.memory_space<vmem>>, vector<16xf32>,
          %get3A_225 = arith.index_cast %while3A_150 : i32 to index
          %get3A_226 = arith.constant 64 : index
          %get3A_227 = tpu.vector_load %arg15[%get3A_225, %get3A_226] {strides = array<i32>} : memref<128x128xf32, #tpu.memory_space<vmem>>, vector<16xf32>,
          %get3A_228 = arith.index_cast %squeeze3A : i32 to index
          %get3A_229 = arith.constant 64 : index
          %get3A_230 = tpu.vector_load %arg11[%get3A_228, %get3A_229] {strides = array<i32>} : memref<320x128xf32, #tpu.memory_space<vmem>>, vector<16xf32>,
          %get3A_231 = arith.index_cast %squeeze3A : i32 to index
          %get3A_232 = arith.constant 64 : index
          %get3A_233 = tpu.vector_load %arg10[%get3A_231, %get3A_232] {strides = array<i32>} : memref<320x128xf32, #tpu.memory_space<vmem>>, vector<16xf32>,
          %sub3A_234 = arith.subf %get3A_227, %get3A_233 : vector<16xf32>
          %mul3A_235 = arith.constant 1.200000e+01 : f32
          %mul3A_236 = vector.broadcast %mul3A_235 : f32 to vector<16xf32>
          %mul3A_237 = arith.mulf %mul3A_236, %sub3A_234 : vector<16xf32>
          %exp3A_238 = math.exp %mul3A_237 : vector<16xf32>
          %add3A_239 = arith.addf %get3A_230, %exp3A_238 : vector<16xf32>
          %swap3A_240 = arith.index_cast %squeeze3A : i32 to index
          %swap3A_241 = arith.constant 64 : index
          %swap3A_242 = tpu.vector_load %arg11[%swap3A_240, %swap3A_241] {strides = array<i32>} : memref<320x128xf32, #tpu.memory_space<vmem>>, vector<16xf32>,
          tpu.vector_store %arg11[%swap3A_240, %swap3A_241], %add3A_239 {strides = array<i32>} : memref<320x128xf32, #tpu.memory_space<vmem>>, vector<16xf32>,
          %get3A_243 = arith.index_cast %while3A_150 : i32 to index
          %get3A_244 = arith.constant 80 : index
          %get3A_245 = tpu.vector_load %arg15[%get3A_243, %get3A_244] {strides = array<i32>} : memref<128x128xf32, #tpu.memory_space<vmem>>, vector<16xf32>,
          %get3A_246 = arith.index_cast %squeeze3A : i32 to index
          %get3A_247 = arith.constant 80 : index
          %get3A_248 = tpu.vector_load %arg11[%get3A_246, %get3A_247] {strides = array<i32>} : memref<320x128xf32, #tpu.memory_space<vmem>>, vector<16xf32>,
          %get3A_249 = arith.index_cast %squeeze3A : i32 to index
          %get3A_250 = arith.constant 80 : index
          %get3A_251 = tpu.vector_load %arg10[%get3A_249, %get3A_250] {strides = array<i32>} : memref<320x128xf32, #tpu.memory_space<vmem>>, vector<16xf32>,
          %sub3A_252 = arith.subf %get3A_245, %get3A_251 : vector<16xf32>
          %mul3A_253 = arith.constant 1.200000e+01 : f32
          %mul3A_254 = vector.broadcast %mul3A_253 : f32 to vector<16xf32>
          %mul3A_255 = arith.mulf %mul3A_254, %sub3A_252 : vector<16xf32>
          %exp3A_256 = math.exp %mul3A_255 : vector<16xf32>
          %add3A_257 = arith.addf %get3A_248, %exp3A_256 : vector<16xf32>
          %swap3A_258 = arith.index_cast %squeeze3A : i32 to index
          %swap3A_259 = arith.constant 80 : index
          %swap3A_260 = tpu.vector_load %arg11[%swap3A_258, %swap3A_259] {strides = array<i32>} : memref<320x128xf32, #tpu.memory_space<vmem>>, vector<16xf32>,
          tpu.vector_store %arg11[%swap3A_258, %swap3A_259], %add3A_257 {strides = array<i32>} : memref<320x128xf32, #tpu.memory_space<vmem>>, vector<16xf32>,
          %get3A_261 = arith.index_cast %while3A_150 : i32 to index
          %get3A_262 = arith.constant 96 : index
          %get3A_263 = tpu.vector_load %arg15[%get3A_261, %get3A_262] {strides = array<i32>} : memref<128x128xf32, #tpu.memory_space<vmem>>, vector<16xf32>,
          %get3A_264 = arith.index_cast %squeeze3A : i32 to index
          %get3A_265 = arith.constant 96 : index
          %get3A_266 = tpu.vector_load %arg11[%get3A_264, %get3A_265] {strides = array<i32>} : memref<320x128xf32, #tpu.memory_space<vmem>>, vector<16xf32>,
          %get3A_267 = arith.index_cast %squeeze3A : i32 to index
          %get3A_268 = arith.constant 96 : index
          %get3A_269 = tpu.vector_load %arg10[%get3A_267, %get3A_268] {strides = array<i32>} : memref<320x128xf32, #tpu.memory_space<vmem>>, vector<16xf32>,
          %sub3A_270 = arith.subf %get3A_263, %get3A_269 : vector<16xf32>
          %mul3A_271 = arith.constant 1.200000e+01 : f32
          %mul3A_272 = vector.broadcast %mul3A_271 : f32 to vector<16xf32>
          %mul3A_273 = arith.mulf %mul3A_272, %sub3A_270 : vector<16xf32>
          %exp3A_274 = math.exp %mul3A_273 : vector<16xf32>
          %add3A_275 = arith.addf %get3A_266, %exp3A_274 : vector<16xf32>
          %swap3A_276 = arith.index_cast %squeeze3A : i32 to index
          %swap3A_277 = arith.constant 96 : index
          %swap3A_278 = tpu.vector_load %arg11[%swap3A_276, %swap3A_277] {strides = array<i32>} : memref<320x128xf32, #tpu.memory_space<vmem>>, vector<16xf32>,
          tpu.vector_store %arg11[%swap3A_276, %swap3A_277], %add3A_275 {strides = array<i32>} : memref<320x128xf32, #tpu.memory_space<vmem>>, vector<16xf32>,
          %get3A_279 = arith.index_cast %while3A_150 : i32 to index
          %get3A_280 = arith.constant 112 : index
          %get3A_281 = tpu.vector_load %arg15[%get3A_279, %get3A_280] {strides = array<i32>} : memref<128x128xf32, #tpu.memory_space<vmem>>, vector<16xf32>,
          %get3A_282 = arith.index_cast %squeeze3A : i32 to index
          %get3A_283 = arith.constant 112 : index
          %get3A_284 = tpu.vector_load %arg11[%get3A_282, %get3A_283] {strides = array<i32>} : memref<320x128xf32, #tpu.memory_space<vmem>>, vector<16xf32>,
          %get3A_285 = arith.index_cast %squeeze3A : i32 to index
          %get3A_286 = arith.constant 112 : index
          %get3A_287 = tpu.vector_load %arg10[%get3A_285, %get3A_286] {strides = array<i32>} : memref<320x128xf32, #tpu.memory_space<vmem>>, vector<16xf32>,
          %sub3A_288 = arith.subf %get3A_281, %get3A_287 : vector<16xf32>
          %mul3A_289 = arith.constant 1.200000e+01 : f32
          %mul3A_290 = vector.broadcast %mul3A_289 : f32 to vector<16xf32>
          %mul3A_291 = arith.mulf %mul3A_290, %sub3A_288 : vector<16xf32>
          %exp3A_292 = math.exp %mul3A_291 : vector<16xf32>
          %add3A_293 = arith.addf %get3A_284, %exp3A_292 : vector<16xf32>
          %swap3A_294 = arith.index_cast %squeeze3A : i32 to index
          %swap3A_295 = arith.constant 112 : index
          %swap3A_296 = tpu.vector_load %arg11[%swap3A_294, %swap3A_295] {strides = array<i32>} : memref<320x128xf32, #tpu.memory_space<vmem>>, vector<16xf32>,
          tpu.vector_store %arg11[%swap3A_294, %swap3A_295], %add3A_293 {strides = array<i32>} : memref<320x128xf32, #tpu.memory_space<vmem>>, vector<16xf32>,
        }
        %while3A_149 = arith.constant 1 : i32
        scf.for %while3A_150 = %while3A_147 to %while3A_143 step %while3A_149  : i32 {
          %mul3A_151 = arith.constant 128 : i32
          %mul3A_152 = arith.muli %while3A_127, %mul3A_151 : i32
          %add3A_153 = arith.addi %mul3A_152, %while3A_150 : i32
          %get3A = arith.index_cast %add3A_153 : i32 to index
          %get3A_154 = tpu.vector_load %arg14[%get3A] {strides = array<i32>} : memref<2048xi32, #tpu.memory_space<vmem>>, vector<16xi32>,
          %slice3A = vector.extract_strided_slice %get3A_154 {offsets = [0], sizes = [1], strides = [1]} : vector<16xi32> to vector<1xi32>
          %squeeze3A = vector.extract %slice3A[0] : i32 from vector<1xi32>
          %get3A_155 = arith.index_cast %while3A_150 : i32 to index
          %get3A_156 = arith.constant 0 : index
          %get3A_157 = tpu.vector_load %arg15[%get3A_155, %get3A_156] {strides = array<i32>} : memref<128x128xf32, #tpu.memory_space<vmem>>, vector<16xf32>,
          %get3A_158 = arith.index_cast %squeeze3A : i32 to index
          %get3A_159 = arith.constant 0 : index
          %get3A_160 = tpu.vector_load %arg11[%get3A_158, %get3A_159] {strides = array<i32>} : memref<320x128xf32, #tpu.memory_space<vmem>>, vector<16xf32>,
          %get3A_161 = arith.index_cast %squeeze3A : i32 to index
          %get3A_162 = arith.constant 0 : index
          %get3A_163 = tpu.vector_load %arg10[%get3A_161, %get3A_162] {strides = array<i32>} : memref<320x128xf32, #tpu.memory_space<vmem>>, vector<16xf32>,
          %sub3A_164 = arith.subf %get3A_157, %get3A_163 : vector<16xf32>
          %mul3A_165 = arith.constant 1.200000e+01 : f32
          %mul3A_166 = vector.broadcast %mul3A_165 : f32 to vector<16xf32>
          %mul3A_167 = arith.mulf %mul3A_166, %sub3A_164 : vector<16xf32>
          %exp3A = math.exp %mul3A_167 : vector<16xf32>
          %add3A_168 = arith.addf %get3A_160, %exp3A : vector<16xf32>
          %swap3A = arith.index_cast %squeeze3A : i32 to index
          %swap3A_169 = arith.constant 0 : index
          %swap3A_170 = tpu.vector_load %arg11[%swap3A, %swap3A_169] {strides = array<i32>} : memref<320x128xf32, #tpu.memory_space<vmem>>, vector<16xf32>,
          tpu.vector_store %arg11[%swap3A, %swap3A_169], %add3A_168 {strides = array<i32>} : memref<320x128xf32, #tpu.memory_space<vmem>>, vector<16xf32>,
          %get3A_171 = arith.index_cast %while3A_150 : i32 to index
          %get3A_172 = arith.constant 16 : index
          %get3A_173 = tpu.vector_load %arg15[%get3A_171, %get3A_172] {strides = array<i32>} : memref<128x128xf32, #tpu.memory_space<vmem>>, vector<16xf32>,
          %get3A_174 = arith.index_cast %squeeze3A : i32 to index
          %get3A_175 = arith.constant 16 : index
          %get3A_176 = tpu.vector_load %arg11[%get3A_174, %get3A_175] {strides = array<i32>} : memref<320x128xf32, #tpu.memory_space<vmem>>, vector<16xf32>,
          %get3A_177 = arith.index_cast %squeeze3A : i32 to index
          %get3A_178 = arith.constant 16 : index
          %get3A_179 = tpu.vector_load %arg10[%get3A_177, %get3A_178] {strides = array<i32>} : memref<320x128xf32, #tpu.memory_space<vmem>>, vector<16xf32>,
          %sub3A_180 = arith.subf %get3A_173, %get3A_179 : vector<16xf32>
          %mul3A_181 = arith.constant 1.200000e+01 : f32
          %mul3A_182 = vector.broadcast %mul3A_181 : f32 to vector<16xf32>
          %mul3A_183 = arith.mulf %mul3A_182, %sub3A_180 : vector<16xf32>
          %exp3A_184 = math.exp %mul3A_183 : vector<16xf32>
          %add3A_185 = arith.addf %get3A_176, %exp3A_184 : vector<16xf32>
          %swap3A_186 = arith.index_cast %squeeze3A : i32 to index
          %swap3A_187 = arith.constant 16 : index
          %swap3A_188 = tpu.vector_load %arg11[%swap3A_186, %swap3A_187] {strides = array<i32>} : memref<320x128xf32, #tpu.memory_space<vmem>>, vector<16xf32>,
          tpu.vector_store %arg11[%swap3A_186, %swap3A_187], %add3A_185 {strides = array<i32>} : memref<320x128xf32, #tpu.memory_space<vmem>>, vector<16xf32>,
          %get3A_189 = arith.index_cast %while3A_150 : i32 to index
          %get3A_190 = arith.constant 32 : index
          %get3A_191 = tpu.vector_load %arg15[%get3A_189, %get3A_190] {strides = array<i32>} : memref<128x128xf32, #tpu.memory_space<vmem>>, vector<16xf32>,
          %get3A_192 = arith.index_cast %squeeze3A : i32 to index
          %get3A_193 = arith.constant 32 : index
          %get3A_194 = tpu.vector_load %arg11[%get3A_192, %get3A_193] {strides = array<i32>} : memref<320x128xf32, #tpu.memory_space<vmem>>, vector<16xf32>,
          %get3A_195 = arith.index_cast %squeeze3A : i32 to index
          %get3A_196 = arith.constant 32 : index
          %get3A_197 = tpu.vector_load %arg10[%get3A_195, %get3A_196] {strides = array<i32>} : memref<320x128xf32, #tpu.memory_space<vmem>>, vector<16xf32>,
          %sub3A_198 = arith.subf %get3A_191, %get3A_197 : vector<16xf32>
          %mul3A_199 = arith.constant 1.200000e+01 : f32
          %mul3A_200 = vector.broadcast %mul3A_199 : f32 to vector<16xf32>
          %mul3A_201 = arith.mulf %mul3A_200, %sub3A_198 : vector<16xf32>
          %exp3A_202 = math.exp %mul3A_201 : vector<16xf32>
          %add3A_203 = arith.addf %get3A_194, %exp3A_202 : vector<16xf32>
          %swap3A_204 = arith.index_cast %squeeze3A : i32 to index
          %swap3A_205 = arith.constant 32 : index
          %swap3A_206 = tpu.vector_load %arg11[%swap3A_204, %swap3A_205] {strides = array<i32>} : memref<320x128xf32, #tpu.memory_space<vmem>>, vector<16xf32>,
          tpu.vector_store %arg11[%swap3A_204, %swap3A_205], %add3A_203 {strides = array<i32>} : memref<320x128xf32, #tpu.memory_space<vmem>>, vector<16xf32>,
          %get3A_207 = arith.index_cast %while3A_150 : i32 to index
          %get3A_208 = arith.constant 48 : index
          %get3A_209 = tpu.vector_load %arg15[%get3A_207, %get3A_208] {strides = array<i32>} : memref<128x128xf32, #tpu.memory_space<vmem>>, vector<16xf32>,
          %get3A_210 = arith.index_cast %squeeze3A : i32 to index
          %get3A_211 = arith.constant 48 : index
          %get3A_212 = tpu.vector_load %arg11[%get3A_210, %get3A_211] {strides = array<i32>} : memref<320x128xf32, #tpu.memory_space<vmem>>, vector<16xf32>,
          %get3A_213 = arith.index_cast %squeeze3A : i32 to index
          %get3A_214 = arith.constant 48 : index
          %get3A_215 = tpu.vector_load %arg10[%get3A_213, %get3A_214] {strides = array<i32>} : memref<320x128xf32, #tpu.memory_space<vmem>>, vector<16xf32>,
          %sub3A_216 = arith.subf %get3A_209, %get3A_215 : vector<16xf32>
          %mul3A_217 = arith.constant 1.200000e+01 : f32
          %mul3A_218 = vector.broadcast %mul3A_217 : f32 to vector<16xf32>
          %mul3A_219 = arith.mulf %mul3A_218, %sub3A_216 : vector<16xf32>
          %exp3A_220 = math.exp %mul3A_219 : vector<16xf32>
          %add3A_221 = arith.addf %get3A_212, %exp3A_220 : vector<16xf32>
          %swap3A_222 = arith.index_cast %squeeze3A : i32 to index
          %swap3A_223 = arith.constant 48 : index
          %swap3A_224 = tpu.vector_load %arg11[%swap3A_222, %swap3A_223] {strides = array<i32>} : memref<320x128xf32, #tpu.memory_space<vmem>>, vector<16xf32>,
          tpu.vector_store %arg11[%swap3A_222, %swap3A_223], %add3A_221 {strides = array<i32>} : memref<320x128xf32, #tpu.memory_space<vmem>>, vector<16xf32>,
          %get3A_225 = arith.index_cast %while3A_150 : i32 to index
          %get3A_226 = arith.constant 64 : index
          %get3A_227 = tpu.vector_load %arg15[%get3A_225, %get3A_226] {strides = array<i32>} : memref<128x128xf32, #tpu.memory_space<vmem>>, vector<16xf32>,
          %get3A_228 = arith.index_cast %squeeze3A : i32 to index
          %get3A_229 = arith.constant 64 : index
          %get3A_230 = tpu.vector_load %arg11[%get3A_228, %get3A_229] {strides = array<i32>} : memref<320x128xf32, #tpu.memory_space<vmem>>, vector<16xf32>,
          %get3A_231 = arith.index_cast %squeeze3A : i32 to index
          %get3A_232 = arith.constant 64 : index
          %get3A_233 = tpu.vector_load %arg10[%get3A_231, %get3A_232] {strides = array<i32>} : memref<320x128xf32, #tpu.memory_space<vmem>>, vector<16xf32>,
          %sub3A_234 = arith.subf %get3A_227, %get3A_233 : vector<16xf32>
          %mul3A_235 = arith.constant 1.200000e+01 : f32
          %mul3A_236 = vector.broadcast %mul3A_235 : f32 to vector<16xf32>
          %mul3A_237 = arith.mulf %mul3A_236, %sub3A_234 : vector<16xf32>
          %exp3A_238 = math.exp %mul3A_237 : vector<16xf32>
          %add3A_239 = arith.addf %get3A_230, %exp3A_238 : vector<16xf32>
          %swap3A_240 = arith.index_cast %squeeze3A : i32 to index
          %swap3A_241 = arith.constant 64 : index
          %swap3A_242 = tpu.vector_load %arg11[%swap3A_240, %swap3A_241] {strides = array<i32>} : memref<320x128xf32, #tpu.memory_space<vmem>>, vector<16xf32>,
          tpu.vector_store %arg11[%swap3A_240, %swap3A_241], %add3A_239 {strides = array<i32>} : memref<320x128xf32, #tpu.memory_space<vmem>>, vector<16xf32>,
          %get3A_243 = arith.index_cast %while3A_150 : i32 to index
          %get3A_244 = arith.constant 80 : index
          %get3A_245 = tpu.vector_load %arg15[%get3A_243, %get3A_244] {strides = array<i32>} : memref<128x128xf32, #tpu.memory_space<vmem>>, vector<16xf32>,
          %get3A_246 = arith.index_cast %squeeze3A : i32 to index
          %get3A_247 = arith.constant 80 : index
          %get3A_248 = tpu.vector_load %arg11[%get3A_246, %get3A_247] {strides = array<i32>} : memref<320x128xf32, #tpu.memory_space<vmem>>, vector<16xf32>,
          %get3A_249 = arith.index_cast %squeeze3A : i32 to index
          %get3A_250 = arith.constant 80 : index
          %get3A_251 = tpu.vector_load %arg10[%get3A_249, %get3A_250] {strides = array<i32>} : memref<320x128xf32, #tpu.memory_space<vmem>>, vector<16xf32>,
          %sub3A_252 = arith.subf %get3A_245, %get3A_251 : vector<16xf32>
          %mul3A_253 = arith.constant 1.200000e+01 : f32
          %mul3A_254 = vector.broadcast %mul3A_253 : f32 to vector<16xf32>
          %mul3A_255 = arith.mulf %mul3A_254, %sub3A_252 : vector<16xf32>
          %exp3A_256 = math.exp %mul3A_255 : vector<16xf32>
          %add3A_257 = arith.addf %get3A_248, %exp3A_256 : vector<16xf32>
          %swap3A_258 = arith.index_cast %squeeze3A : i32 to index
          %swap3A_259 = arith.constant 80 : index
          %swap3A_260 = tpu.vector_load %arg11[%swap3A_258, %swap3A_259] {strides = array<i32>} : memref<320x128xf32, #tpu.memory_space<vmem>>, vector<16xf32>,
          tpu.vector_store %arg11[%swap3A_258, %swap3A_259], %add3A_257 {strides = array<i32>} : memref<320x128xf32, #tpu.memory_space<vmem>>, vector<16xf32>,
          %get3A_261 = arith.index_cast %while3A_150 : i32 to index
          %get3A_262 = arith.constant 96 : index
          %get3A_263 = tpu.vector_load %arg15[%get3A_261, %get3A_262] {strides = array<i32>} : memref<128x128xf32, #tpu.memory_space<vmem>>, vector<16xf32>,
          %get3A_264 = arith.index_cast %squeeze3A : i32 to index
          %get3A_265 = arith.constant 96 : index
          %get3A_266 = tpu.vector_load %arg11[%get3A_264, %get3A_265] {strides = array<i32>} : memref<320x128xf32, #tpu.memory_space<vmem>>, vector<16xf32>,
          %get3A_267 = arith.index_cast %squeeze3A : i32 to index
          %get3A_268 = arith.constant 96 : index
          %get3A_269 = tpu.vector_load %arg10[%get3A_267, %get3A_268] {strides = array<i32>} : memref<320x128xf32, #tpu.memory_space<vmem>>, vector<16xf32>,
          %sub3A_270 = arith.subf %get3A_263, %get3A_269 : vector<16xf32>
          %mul3A_271 = arith.constant 1.200000e+01 : f32
          %mul3A_272 = vector.broadcast %mul3A_271 : f32 to vector<16xf32>
          %mul3A_273 = arith.mulf %mul3A_272, %sub3A_270 : vector<16xf32>
          %exp3A_274 = math.exp %mul3A_273 : vector<16xf32>
          %add3A_275 = arith.addf %get3A_266, %exp3A_274 : vector<16xf32>
          %swap3A_276 = arith.index_cast %squeeze3A : i32 to index
          %swap3A_277 = arith.constant 96 : index
          %swap3A_278 = tpu.vector_load %arg11[%swap3A_276, %swap3A_277] {strides = array<i32>} : memref<320x128xf32, #tpu.memory_space<vmem>>, vector<16xf32>,
          tpu.vector_store %arg11[%swap3A_276, %swap3A_277], %add3A_275 {strides = array<i32>} : memref<320x128xf32, #tpu.memory_space<vmem>>, vector<16xf32>,
          %get3A_279 = arith.index_cast %while3A_150 : i32 to index
          %get3A_280 = arith.constant 112 : index
          %get3A_281 = tpu.vector_load %arg15[%get3A_279, %get3A_280] {strides = array<i32>} : memref<128x128xf32, #tpu.memory_space<vmem>>, vector<16xf32>,
          %get3A_282 = arith.index_cast %squeeze3A : i32 to index
          %get3A_283 = arith.constant 112 : index
          %get3A_284 = tpu.vector_load %arg11[%get3A_282, %get3A_283] {strides = array<i32>} : memref<320x128xf32, #tpu.memory_space<vmem>>, vector<16xf32>,
          %get3A_285 = arith.index_cast %squeeze3A : i32 to index
          %get3A_286 = arith.constant 112 : index
          %get3A_287 = tpu.vector_load %arg10[%get3A_285, %get3A_286] {strides = array<i32>} : memref<320x128xf32, #tpu.memory_space<vmem>>, vector<16xf32>,
          %sub3A_288 = arith.subf %get3A_281, %get3A_287 : vector<16xf32>
          %mul3A_289 = arith.constant 1.200000e+01 : f32
          %mul3A_290 = vector.broadcast %mul3A_289 : f32 to vector<16xf32>
          %mul3A_291 = arith.mulf %mul3A_290, %sub3A_288 : vector<16xf32>
          %exp3A_292 = math.exp %mul3A_291 : vector<16xf32>
          %add3A_293 = arith.addf %get3A_284, %exp3A_292 : vector<16xf32>
          %swap3A_294 = arith.index_cast %squeeze3A : i32 to index
          %swap3A_295 = arith.constant 112 : index
          %swap3A_296 = tpu.vector_load %arg11[%swap3A_294, %swap3A_295] {strides = array<i32>} : memref<320x128xf32, #tpu.memory_space<vmem>>, vector<16xf32>,
          tpu.vector_store %arg11[%swap3A_294, %swap3A_295], %add3A_293 {strides = array<i32>} : memref<320x128xf32, #tpu.memory_space<vmem>>, vector<16xf32>,
        }
      }
      %while3A_126 = arith.constant 1 : i32
      scf.for %while3A_127 = %while3A_124 to %while3A_120 step %while3A_126  : i32 {
        %mul3A_128 = arith.constant 128 : i32
        %mul3A_129 = arith.muli %while3A_127, %mul3A_128 : i32
        %dma_start3A = tpu.memref_slice %arg13[%mul3A_129] : memref<2048xi32, #tpu.memory_space<vmem>> -> memref<128xi32, #tpu.memory_space<vmem>>
        %dma_start3A_130 = arith.constant 0 : i32
        %dma_start3A_131 = arith.constant 0 : i32
        %dma_start3A_132 = tpu.memref_slice %arg2[%dma_start3A_130, %dma_start3A_131] : memref<323584x128xf32, #tpu.memory_space<hbm>> -> memref<323584x128xf32, #tpu.memory_space<hbm>>
        tpu.enqueue_indirect_dma source(%dma_start3A_132 : memref<323584x128xf32, #tpu.memory_space<hbm>>) target(%arg15 : memref<128x128xf32, #tpu.memory_space<vmem>>) offsets(%dma_start3A : memref<128xi32, #tpu.memory_space<vmem>>) semaphore(%arg16 : memref<!tpu.dma_semaphore, #tpu.memory_space<semaphore_mem>>)
        %dma_wait3A = tpu.memref_slice %arg13[%mul3A_129] : memref<2048xi32, #tpu.memory_space<vmem>> -> memref<128xi32, #tpu.memory_space<vmem>>
        %dma_wait3A_133 = arith.constant 0 : i32
        %dma_wait3A_134 = arith.constant 0 : i32
        %dma_wait3A_135 = tpu.memref_slice %arg2[%dma_wait3A_133, %dma_wait3A_134] : memref<323584x128xf32, #tpu.memory_space<hbm>> -> memref<323584x128xf32, #tpu.memory_space<hbm>>
        tpu.wait_indirect_dma semaphore(%arg16 : memref<!tpu.dma_semaphore, #tpu.memory_space<semaphore_mem>>) src(%dma_wait3A_135 : memref<323584x128xf32, #tpu.memory_space<hbm>>) dst(%arg15 : memref<128x128xf32, #tpu.memory_space<vmem>>)
        %mul3A_136 = arith.constant 128 : i32
        %mul3A_137 = arith.muli %while3A_127, %mul3A_136 : i32
        %sub3A_138 = arith.subi %scan3A_96, %mul3A_137 : i32
        %min3A = arith.constant 128 : i32
        %min3A_139 = arith.minsi %min3A, %sub3A_138 : i32
        %while3A_140 = arith.constant 0 : i32
        %while3A_141 = arith.constant 0 : i32
        %while3A_142 = arith.subi %min3A_139, %while3A_141 : i32
        %while3A_143 = arith.addi %while3A_141, %while3A_142 : i32
        %while3A_144 = arith.constant 1 : i32
        %while3A_145 = arith.divsi %while3A_142, %while3A_144 : i32
        %while3A_146 = arith.muli %while3A_145, %while3A_144 : i32
        %while3A_147 = arith.addi %while3A_141, %while3A_146 : i32
        %while3A_148 = arith.constant 1 : i32
        scf.for %while3A_150 = %while3A_141 to %while3A_147 step %while3A_148  : i32 {
          %mul3A_151 = arith.constant 128 : i32
          %mul3A_152 = arith.muli %while3A_127, %mul3A_151 : i32
          %add3A_153 = arith.addi %mul3A_152, %while3A_150 : i32
          %get3A = arith.index_cast %add3A_153 : i32 to index
          %get3A_154 = tpu.vector_load %arg14[%get3A] {strides = array<i32>} : memref<2048xi32, #tpu.memory_space<vmem>>, vector<16xi32>,
          %slice3A = vector.extract_strided_slice %get3A_154 {offsets = [0], sizes = [1], strides = [1]} : vector<16xi32> to vector<1xi32>
          %squeeze3A = vector.extract %slice3A[0] : i32 from vector<1xi32>
          %get3A_155 = arith.index_cast %while3A_150 : i32 to index
          %get3A_156 = arith.constant 0 : index
          %get3A_157 = tpu.vector_load %arg15[%get3A_155, %get3A_156] {strides = array<i32>} : memref<128x128xf32, #tpu.memory_space<vmem>>, vector<16xf32>,
          %get3A_158 = arith.index_cast %squeeze3A : i32 to index
          %get3A_159 = arith.constant 0 : index
          %get3A_160 = tpu.vector_load %arg11[%get3A_158, %get3A_159] {strides = array<i32>} : memref<320x128xf32, #tpu.memory_space<vmem>>, vector<16xf32>,
          %get3A_161 = arith.index_cast %squeeze3A : i32 to index
          %get3A_162 = arith.constant 0 : index
          %get3A_163 = tpu.vector_load %arg10[%get3A_161, %get3A_162] {strides = array<i32>} : memref<320x128xf32, #tpu.memory_space<vmem>>, vector<16xf32>,
          %sub3A_164 = arith.subf %get3A_157, %get3A_163 : vector<16xf32>
          %mul3A_165 = arith.constant 1.200000e+01 : f32
          %mul3A_166 = vector.broadcast %mul3A_165 : f32 to vector<16xf32>
          %mul3A_167 = arith.mulf %mul3A_166, %sub3A_164 : vector<16xf32>
          %exp3A = math.exp %mul3A_167 : vector<16xf32>
          %add3A_168 = arith.addf %get3A_160, %exp3A : vector<16xf32>
          %swap3A = arith.index_cast %squeeze3A : i32 to index
          %swap3A_169 = arith.constant 0 : index
          %swap3A_170 = tpu.vector_load %arg11[%swap3A, %swap3A_169] {strides = array<i32>} : memref<320x128xf32, #tpu.memory_space<vmem>>, vector<16xf32>,
          tpu.vector_store %arg11[%swap3A, %swap3A_169], %add3A_168 {strides = array<i32>} : memref<320x128xf32, #tpu.memory_space<vmem>>, vector<16xf32>,
          %get3A_171 = arith.index_cast %while3A_150 : i32 to index
          %get3A_172 = arith.constant 16 : index
          %get3A_173 = tpu.vector_load %arg15[%get3A_171, %get3A_172] {strides = array<i32>} : memref<128x128xf32, #tpu.memory_space<vmem>>, vector<16xf32>,
          %get3A_174 = arith.index_cast %squeeze3A : i32 to index
          %get3A_175 = arith.constant 16 : index
          %get3A_176 = tpu.vector_load %arg11[%get3A_174, %get3A_175] {strides = array<i32>} : memref<320x128xf32, #tpu.memory_space<vmem>>, vector<16xf32>,
          %get3A_177 = arith.index_cast %squeeze3A : i32 to index
          %get3A_178 = arith.constant 16 : index
          %get3A_179 = tpu.vector_load %arg10[%get3A_177, %get3A_178] {strides = array<i32>} : memref<320x128xf32, #tpu.memory_space<vmem>>, vector<16xf32>,
          %sub3A_180 = arith.subf %get3A_173, %get3A_179 : vector<16xf32>
          %mul3A_181 = arith.constant 1.200000e+01 : f32
          %mul3A_182 = vector.broadcast %mul3A_181 : f32 to vector<16xf32>
          %mul3A_183 = arith.mulf %mul3A_182, %sub3A_180 : vector<16xf32>
          %exp3A_184 = math.exp %mul3A_183 : vector<16xf32>
          %add3A_185 = arith.addf %get3A_176, %exp3A_184 : vector<16xf32>
          %swap3A_186 = arith.index_cast %squeeze3A : i32 to index
          %swap3A_187 = arith.constant 16 : index
          %swap3A_188 = tpu.vector_load %arg11[%swap3A_186, %swap3A_187] {strides = array<i32>} : memref<320x128xf32, #tpu.memory_space<vmem>>, vector<16xf32>,
          tpu.vector_store %arg11[%swap3A_186, %swap3A_187], %add3A_185 {strides = array<i32>} : memref<320x128xf32, #tpu.memory_space<vmem>>, vector<16xf32>,
          %get3A_189 = arith.index_cast %while3A_150 : i32 to index
          %get3A_190 = arith.constant 32 : index
          %get3A_191 = tpu.vector_load %arg15[%get3A_189, %get3A_190] {strides = array<i32>} : memref<128x128xf32, #tpu.memory_space<vmem>>, vector<16xf32>,
          %get3A_192 = arith.index_cast %squeeze3A : i32 to index
          %get3A_193 = arith.constant 32 : index
          %get3A_194 = tpu.vector_load %arg11[%get3A_192, %get3A_193] {strides = array<i32>} : memref<320x128xf32, #tpu.memory_space<vmem>>, vector<16xf32>,
          %get3A_195 = arith.index_cast %squeeze3A : i32 to index
          %get3A_196 = arith.constant 32 : index
          %get3A_197 = tpu.vector_load %arg10[%get3A_195, %get3A_196] {strides = array<i32>} : memref<320x128xf32, #tpu.memory_space<vmem>>, vector<16xf32>,
          %sub3A_198 = arith.subf %get3A_191, %get3A_197 : vector<16xf32>
          %mul3A_199 = arith.constant 1.200000e+01 : f32
          %mul3A_200 = vector.broadcast %mul3A_199 : f32 to vector<16xf32>
          %mul3A_201 = arith.mulf %mul3A_200, %sub3A_198 : vector<16xf32>
          %exp3A_202 = math.exp %mul3A_201 : vector<16xf32>
          %add3A_203 = arith.addf %get3A_194, %exp3A_202 : vector<16xf32>
          %swap3A_204 = arith.index_cast %squeeze3A : i32 to index
          %swap3A_205 = arith.constant 32 : index
          %swap3A_206 = tpu.vector_load %arg11[%swap3A_204, %swap3A_205] {strides = array<i32>} : memref<320x128xf32, #tpu.memory_space<vmem>>, vector<16xf32>,
          tpu.vector_store %arg11[%swap3A_204, %swap3A_205], %add3A_203 {strides = array<i32>} : memref<320x128xf32, #tpu.memory_space<vmem>>, vector<16xf32>,
          %get3A_207 = arith.index_cast %while3A_150 : i32 to index
          %get3A_208 = arith.constant 48 : index
          %get3A_209 = tpu.vector_load %arg15[%get3A_207, %get3A_208] {strides = array<i32>} : memref<128x128xf32, #tpu.memory_space<vmem>>, vector<16xf32>,
          %get3A_210 = arith.index_cast %squeeze3A : i32 to index
          %get3A_211 = arith.constant 48 : index
          %get3A_212 = tpu.vector_load %arg11[%get3A_210, %get3A_211] {strides = array<i32>} : memref<320x128xf32, #tpu.memory_space<vmem>>, vector<16xf32>,
          %get3A_213 = arith.index_cast %squeeze3A : i32 to index
          %get3A_214 = arith.constant 48 : index
          %get3A_215 = tpu.vector_load %arg10[%get3A_213, %get3A_214] {strides = array<i32>} : memref<320x128xf32, #tpu.memory_space<vmem>>, vector<16xf32>,
          %sub3A_216 = arith.subf %get3A_209, %get3A_215 : vector<16xf32>
          %mul3A_217 = arith.constant 1.200000e+01 : f32
          %mul3A_218 = vector.broadcast %mul3A_217 : f32 to vector<16xf32>
          %mul3A_219 = arith.mulf %mul3A_218, %sub3A_216 : vector<16xf32>
          %exp3A_220 = math.exp %mul3A_219 : vector<16xf32>
          %add3A_221 = arith.addf %get3A_212, %exp3A_220 : vector<16xf32>
          %swap3A_222 = arith.index_cast %squeeze3A : i32 to index
          %swap3A_223 = arith.constant 48 : index
          %swap3A_224 = tpu.vector_load %arg11[%swap3A_222, %swap3A_223] {strides = array<i32>} : memref<320x128xf32, #tpu.memory_space<vmem>>, vector<16xf32>,
          tpu.vector_store %arg11[%swap3A_222, %swap3A_223], %add3A_221 {strides = array<i32>} : memref<320x128xf32, #tpu.memory_space<vmem>>, vector<16xf32>,
          %get3A_225 = arith.index_cast %while3A_150 : i32 to index
          %get3A_226 = arith.constant 64 : index
          %get3A_227 = tpu.vector_load %arg15[%get3A_225, %get3A_226] {strides = array<i32>} : memref<128x128xf32, #tpu.memory_space<vmem>>, vector<16xf32>,
          %get3A_228 = arith.index_cast %squeeze3A : i32 to index
          %get3A_229 = arith.constant 64 : index
          %get3A_230 = tpu.vector_load %arg11[%get3A_228, %get3A_229] {strides = array<i32>} : memref<320x128xf32, #tpu.memory_space<vmem>>, vector<16xf32>,
          %get3A_231 = arith.index_cast %squeeze3A : i32 to index
          %get3A_232 = arith.constant 64 : index
          %get3A_233 = tpu.vector_load %arg10[%get3A_231, %get3A_232] {strides = array<i32>} : memref<320x128xf32, #tpu.memory_space<vmem>>, vector<16xf32>,
          %sub3A_234 = arith.subf %get3A_227, %get3A_233 : vector<16xf32>
          %mul3A_235 = arith.constant 1.200000e+01 : f32
          %mul3A_236 = vector.broadcast %mul3A_235 : f32 to vector<16xf32>
          %mul3A_237 = arith.mulf %mul3A_236, %sub3A_234 : vector<16xf32>
          %exp3A_238 = math.exp %mul3A_237 : vector<16xf32>
          %add3A_239 = arith.addf %get3A_230, %exp3A_238 : vector<16xf32>
          %swap3A_240 = arith.index_cast %squeeze3A : i32 to index
          %swap3A_241 = arith.constant 64 : index
          %swap3A_242 = tpu.vector_load %arg11[%swap3A_240, %swap3A_241] {strides = array<i32>} : memref<320x128xf32, #tpu.memory_space<vmem>>, vector<16xf32>,
          tpu.vector_store %arg11[%swap3A_240, %swap3A_241], %add3A_239 {strides = array<i32>} : memref<320x128xf32, #tpu.memory_space<vmem>>, vector<16xf32>,
          %get3A_243 = arith.index_cast %while3A_150 : i32 to index
          %get3A_244 = arith.constant 80 : index
          %get3A_245 = tpu.vector_load %arg15[%get3A_243, %get3A_244] {strides = array<i32>} : memref<128x128xf32, #tpu.memory_space<vmem>>, vector<16xf32>,
          %get3A_246 = arith.index_cast %squeeze3A : i32 to index
          %get3A_247 = arith.constant 80 : index
          %get3A_248 = tpu.vector_load %arg11[%get3A_246, %get3A_247] {strides = array<i32>} : memref<320x128xf32, #tpu.memory_space<vmem>>, vector<16xf32>,
          %get3A_249 = arith.index_cast %squeeze3A : i32 to index
          %get3A_250 = arith.constant 80 : index
          %get3A_251 = tpu.vector_load %arg10[%get3A_249, %get3A_250] {strides = array<i32>} : memref<320x128xf32, #tpu.memory_space<vmem>>, vector<16xf32>,
          %sub3A_252 = arith.subf %get3A_245, %get3A_251 : vector<16xf32>
          %mul3A_253 = arith.constant 1.200000e+01 : f32
          %mul3A_254 = vector.broadcast %mul3A_253 : f32 to vector<16xf32>
          %mul3A_255 = arith.mulf %mul3A_254, %sub3A_252 : vector<16xf32>
          %exp3A_256 = math.exp %mul3A_255 : vector<16xf32>
          %add3A_257 = arith.addf %get3A_248, %exp3A_256 : vector<16xf32>
          %swap3A_258 = arith.index_cast %squeeze3A : i32 to index
          %swap3A_259 = arith.constant 80 : index
          %swap3A_260 = tpu.vector_load %arg11[%swap3A_258, %swap3A_259] {strides = array<i32>} : memref<320x128xf32, #tpu.memory_space<vmem>>, vector<16xf32>,
          tpu.vector_store %arg11[%swap3A_258, %swap3A_259], %add3A_257 {strides = array<i32>} : memref<320x128xf32, #tpu.memory_space<vmem>>, vector<16xf32>,
          %get3A_261 = arith.index_cast %while3A_150 : i32 to index
          %get3A_262 = arith.constant 96 : index
          %get3A_263 = tpu.vector_load %arg15[%get3A_261, %get3A_262] {strides = array<i32>} : memref<128x128xf32, #tpu.memory_space<vmem>>, vector<16xf32>,
          %get3A_264 = arith.index_cast %squeeze3A : i32 to index
          %get3A_265 = arith.constant 96 : index
          %get3A_266 = tpu.vector_load %arg11[%get3A_264, %get3A_265] {strides = array<i32>} : memref<320x128xf32, #tpu.memory_space<vmem>>, vector<16xf32>,
          %get3A_267 = arith.index_cast %squeeze3A : i32 to index
          %get3A_268 = arith.constant 96 : index
          %get3A_269 = tpu.vector_load %arg10[%get3A_267, %get3A_268] {strides = array<i32>} : memref<320x128xf32, #tpu.memory_space<vmem>>, vector<16xf32>,
          %sub3A_270 = arith.subf %get3A_263, %get3A_269 : vector<16xf32>
          %mul3A_271 = arith.constant 1.200000e+01 : f32
          %mul3A_272 = vector.broadcast %mul3A_271 : f32 to vector<16xf32>
          %mul3A_273 = arith.mulf %mul3A_272, %sub3A_270 : vector<16xf32>
          %exp3A_274 = math.exp %mul3A_273 : vector<16xf32>
          %add3A_275 = arith.addf %get3A_266, %exp3A_274 : vector<16xf32>
          %swap3A_276 = arith.index_cast %squeeze3A : i32 to index
          %swap3A_277 = arith.constant 96 : index
          %swap3A_278 = tpu.vector_load %arg11[%swap3A_276, %swap3A_277] {strides = array<i32>} : memref<320x128xf32, #tpu.memory_space<vmem>>, vector<16xf32>,
          tpu.vector_store %arg11[%swap3A_276, %swap3A_277], %add3A_275 {strides = array<i32>} : memref<320x128xf32, #tpu.memory_space<vmem>>, vector<16xf32>,
          %get3A_279 = arith.index_cast %while3A_150 : i32 to index
          %get3A_280 = arith.constant 112 : index
          %get3A_281 = tpu.vector_load %arg15[%get3A_279, %get3A_280] {strides = array<i32>} : memref<128x128xf32, #tpu.memory_space<vmem>>, vector<16xf32>,
          %get3A_282 = arith.index_cast %squeeze3A : i32 to index
          %get3A_283 = arith.constant 112 : index
          %get3A_284 = tpu.vector_load %arg11[%get3A_282, %get3A_283] {strides = array<i32>} : memref<320x128xf32, #tpu.memory_space<vmem>>, vector<16xf32>,
          %get3A_285 = arith.index_cast %squeeze3A : i32 to index
          %get3A_286 = arith.constant 112 : index
          %get3A_287 = tpu.vector_load %arg10[%get3A_285, %get3A_286] {strides = array<i32>} : memref<320x128xf32, #tpu.memory_space<vmem>>, vector<16xf32>,
          %sub3A_288 = arith.subf %get3A_281, %get3A_287 : vector<16xf32>
          %mul3A_289 = arith.constant 1.200000e+01 : f32
          %mul3A_290 = vector.broadcast %mul3A_289 : f32 to vector<16xf32>
          %mul3A_291 = arith.mulf %mul3A_290, %sub3A_288 : vector<16xf32>
          %exp3A_292 = math.exp %mul3A_291 : vector<16xf32>
          %add3A_293 = arith.addf %get3A_284, %exp3A_292 : vector<16xf32>
          %swap3A_294 = arith.index_cast %squeeze3A : i32 to index
          %swap3A_295 = arith.constant 112 : index
          %swap3A_296 = tpu.vector_load %arg11[%swap3A_294, %swap3A_295] {strides = array<i32>} : memref<320x128xf32, #tpu.memory_space<vmem>>, vector<16xf32>,
          tpu.vector_store %arg11[%swap3A_294, %swap3A_295], %add3A_293 {strides = array<i32>} : memref<320x128xf32, #tpu.memory_space<vmem>>, vector<16xf32>,
        }
        %while3A_149 = arith.constant 1 : i32
        scf.for %while3A_150 = %while3A_147 to %while3A_143 step %while3A_149  : i32 {
          %mul3A_151 = arith.constant 128 : i32
          %mul3A_152 = arith.muli %while3A_127, %mul3A_151 : i32
          %add3A_153 = arith.addi %mul3A_152, %while3A_150 : i32
          %get3A = arith.index_cast %add3A_153 : i32 to index
          %get3A_154 = tpu.vector_load %arg14[%get3A] {strides = array<i32>} : memref<2048xi32, #tpu.memory_space<vmem>>, vector<16xi32>,
          %slice3A = vector.extract_strided_slice %get3A_154 {offsets = [0], sizes = [1], strides = [1]} : vector<16xi32> to vector<1xi32>
          %squeeze3A = vector.extract %slice3A[0] : i32 from vector<1xi32>
          %get3A_155 = arith.index_cast %while3A_150 : i32 to index
          %get3A_156 = arith.constant 0 : index
          %get3A_157 = tpu.vector_load %arg15[%get3A_155, %get3A_156] {strides = array<i32>} : memref<128x128xf32, #tpu.memory_space<vmem>>, vector<16xf32>,
          %get3A_158 = arith.index_cast %squeeze3A : i32 to index
          %get3A_159 = arith.constant 0 : index
          %get3A_160 = tpu.vector_load %arg11[%get3A_158, %get3A_159] {strides = array<i32>} : memref<320x128xf32, #tpu.memory_space<vmem>>, vector<16xf32>,
          %get3A_161 = arith.index_cast %squeeze3A : i32 to index
          %get3A_162 = arith.constant 0 : index
          %get3A_163 = tpu.vector_load %arg10[%get3A_161, %get3A_162] {strides = array<i32>} : memref<320x128xf32, #tpu.memory_space<vmem>>, vector<16xf32>,
          %sub3A_164 = arith.subf %get3A_157, %get3A_163 : vector<16xf32>
          %mul3A_165 = arith.constant 1.200000e+01 : f32
          %mul3A_166 = vector.broadcast %mul3A_165 : f32 to vector<16xf32>
          %mul3A_167 = arith.mulf %mul3A_166, %sub3A_164 : vector<16xf32>
          %exp3A = math.exp %mul3A_167 : vector<16xf32>
          %add3A_168 = arith.addf %get3A_160, %exp3A : vector<16xf32>
          %swap3A = arith.index_cast %squeeze3A : i32 to index
          %swap3A_169 = arith.constant 0 : index
          %swap3A_170 = tpu.vector_load %arg11[%swap3A, %swap3A_169] {strides = array<i32>} : memref<320x128xf32, #tpu.memory_space<vmem>>, vector<16xf32>,
          tpu.vector_store %arg11[%swap3A, %swap3A_169], %add3A_168 {strides = array<i32>} : memref<320x128xf32, #tpu.memory_space<vmem>>, vector<16xf32>,
          %get3A_171 = arith.index_cast %while3A_150 : i32 to index
          %get3A_172 = arith.constant 16 : index
          %get3A_173 = tpu.vector_load %arg15[%get3A_171, %get3A_172] {strides = array<i32>} : memref<128x128xf32, #tpu.memory_space<vmem>>, vector<16xf32>,
          %get3A_174 = arith.index_cast %squeeze3A : i32 to index
          %get3A_175 = arith.constant 16 : index
          %get3A_176 = tpu.vector_load %arg11[%get3A_174, %get3A_175] {strides = array<i32>} : memref<320x128xf32, #tpu.memory_space<vmem>>, vector<16xf32>,
          %get3A_177 = arith.index_cast %squeeze3A : i32 to index
          %get3A_178 = arith.constant 16 : index
          %get3A_179 = tpu.vector_load %arg10[%get3A_177, %get3A_178] {strides = array<i32>} : memref<320x128xf32, #tpu.memory_space<vmem>>, vector<16xf32>,
          %sub3A_180 = arith.subf %get3A_173, %get3A_179 : vector<16xf32>
          %mul3A_181 = arith.constant 1.200000e+01 : f32
          %mul3A_182 = vector.broadcast %mul3A_181 : f32 to vector<16xf32>
          %mul3A_183 = arith.mulf %mul3A_182, %sub3A_180 : vector<16xf32>
          %exp3A_184 = math.exp %mul3A_183 : vector<16xf32>
          %add3A_185 = arith.addf %get3A_176, %exp3A_184 : vector<16xf32>
          %swap3A_186 = arith.index_cast %squeeze3A : i32 to index
          %swap3A_187 = arith.constant 16 : index
          %swap3A_188 = tpu.vector_load %arg11[%swap3A_186, %swap3A_187] {strides = array<i32>} : memref<320x128xf32, #tpu.memory_space<vmem>>, vector<16xf32>,
          tpu.vector_store %arg11[%swap3A_186, %swap3A_187], %add3A_185 {strides = array<i32>} : memref<320x128xf32, #tpu.memory_space<vmem>>, vector<16xf32>,
          %get3A_189 = arith.index_cast %while3A_150 : i32 to index
          %get3A_190 = arith.constant 32 : index
          %get3A_191 = tpu.vector_load %arg15[%get3A_189, %get3A_190] {strides = array<i32>} : memref<128x128xf32, #tpu.memory_space<vmem>>, vector<16xf32>,
          %get3A_192 = arith.index_cast %squeeze3A : i32 to index
          %get3A_193 = arith.constant 32 : index
          %get3A_194 = tpu.vector_load %arg11[%get3A_192, %get3A_193] {strides = array<i32>} : memref<320x128xf32, #tpu.memory_space<vmem>>, vector<16xf32>,
          %get3A_195 = arith.index_cast %squeeze3A : i32 to index
          %get3A_196 = arith.constant 32 : index
          %get3A_197 = tpu.vector_load %arg10[%get3A_195, %get3A_196] {strides = array<i32>} : memref<320x128xf32, #tpu.memory_space<vmem>>, vector<16xf32>,
          %sub3A_198 = arith.subf %get3A_191, %get3A_197 : vector<16xf32>
          %mul3A_199 = arith.constant 1.200000e+01 : f32
          %mul3A_200 = vector.broadcast %mul3A_199 : f32 to vector<16xf32>
          %mul3A_201 = arith.mulf %mul3A_200, %sub3A_198 : vector<16xf32>
          %exp3A_202 = math.exp %mul3A_201 : vector<16xf32>
          %add3A_203 = arith.addf %get3A_194, %exp3A_202 : vector<16xf32>
          %swap3A_204 = arith.index_cast %squeeze3A : i32 to index
          %swap3A_205 = arith.constant 32 : index
          %swap3A_206 = tpu.vector_load %arg11[%swap3A_204, %swap3A_205] {strides = array<i32>} : memref<320x128xf32, #tpu.memory_space<vmem>>, vector<16xf32>,
          tpu.vector_store %arg11[%swap3A_204, %swap3A_205], %add3A_203 {strides = array<i32>} : memref<320x128xf32, #tpu.memory_space<vmem>>, vector<16xf32>,
          %get3A_207 = arith.index_cast %while3A_150 : i32 to index
          %get3A_208 = arith.constant 48 : index
          %get3A_209 = tpu.vector_load %arg15[%get3A_207, %get3A_208] {strides = array<i32>} : memref<128x128xf32, #tpu.memory_space<vmem>>, vector<16xf32>,
          %get3A_210 = arith.index_cast %squeeze3A : i32 to index
          %get3A_211 = arith.constant 48 : index
          %get3A_212 = tpu.vector_load %arg11[%get3A_210, %get3A_211] {strides = array<i32>} : memref<320x128xf32, #tpu.memory_space<vmem>>, vector<16xf32>,
          %get3A_213 = arith.index_cast %squeeze3A : i32 to index
          %get3A_214 = arith.constant 48 : index
          %get3A_215 = tpu.vector_load %arg10[%get3A_213, %get3A_214] {strides = array<i32>} : memref<320x128xf32, #tpu.memory_space<vmem>>, vector<16xf32>,
          %sub3A_216 = arith.subf %get3A_209, %get3A_215 : vector<16xf32>
          %mul3A_217 = arith.constant 1.200000e+01 : f32
          %mul3A_218 = vector.broadcast %mul3A_217 : f32 to vector<16xf32>
          %mul3A_219 = arith.mulf %mul3A_218, %sub3A_216 : vector<16xf32>
          %exp3A_220 = math.exp %mul3A_219 : vector<16xf32>
          %add3A_221 = arith.addf %get3A_212, %exp3A_220 : vector<16xf32>
          %swap3A_222 = arith.index_cast %squeeze3A : i32 to index
          %swap3A_223 = arith.constant 48 : index
          %swap3A_224 = tpu.vector_load %arg11[%swap3A_222, %swap3A_223] {strides = array<i32>} : memref<320x128xf32, #tpu.memory_space<vmem>>, vector<16xf32>,
          tpu.vector_store %arg11[%swap3A_222, %swap3A_223], %add3A_221 {strides = array<i32>} : memref<320x128xf32, #tpu.memory_space<vmem>>, vector<16xf32>,
          %get3A_225 = arith.index_cast %while3A_150 : i32 to index
          %get3A_226 = arith.constant 64 : index
          %get3A_227 = tpu.vector_load %arg15[%get3A_225, %get3A_226] {strides = array<i32>} : memref<128x128xf32, #tpu.memory_space<vmem>>, vector<16xf32>,
          %get3A_228 = arith.index_cast %squeeze3A : i32 to index
          %get3A_229 = arith.constant 64 : index
          %get3A_230 = tpu.vector_load %arg11[%get3A_228, %get3A_229] {strides = array<i32>} : memref<320x128xf32, #tpu.memory_space<vmem>>, vector<16xf32>,
          %get3A_231 = arith.index_cast %squeeze3A : i32 to index
          %get3A_232 = arith.constant 64 : index
          %get3A_233 = tpu.vector_load %arg10[%get3A_231, %get3A_232] {strides = array<i32>} : memref<320x128xf32, #tpu.memory_space<vmem>>, vector<16xf32>,
          %sub3A_234 = arith.subf %get3A_227, %get3A_233 : vector<16xf32>
          %mul3A_235 = arith.constant 1.200000e+01 : f32
          %mul3A_236 = vector.broadcast %mul3A_235 : f32 to vector<16xf32>
          %mul3A_237 = arith.mulf %mul3A_236, %sub3A_234 : vector<16xf32>
          %exp3A_238 = math.exp %mul3A_237 : vector<16xf32>
          %add3A_239 = arith.addf %get3A_230, %exp3A_238 : vector<16xf32>
          %swap3A_240 = arith.index_cast %squeeze3A : i32 to index
          %swap3A_241 = arith.constant 64 : index
          %swap3A_242 = tpu.vector_load %arg11[%swap3A_240, %swap3A_241] {strides = array<i32>} : memref<320x128xf32, #tpu.memory_space<vmem>>, vector<16xf32>,
          tpu.vector_store %arg11[%swap3A_240, %swap3A_241], %add3A_239 {strides = array<i32>} : memref<320x128xf32, #tpu.memory_space<vmem>>, vector<16xf32>,
          %get3A_243 = arith.index_cast %while3A_150 : i32 to index
          %get3A_244 = arith.constant 80 : index
          %get3A_245 = tpu.vector_load %arg15[%get3A_243, %get3A_244] {strides = array<i32>} : memref<128x128xf32, #tpu.memory_space<vmem>>, vector<16xf32>,
          %get3A_246 = arith.index_cast %squeeze3A : i32 to index
          %get3A_247 = arith.constant 80 : index
          %get3A_248 = tpu.vector_load %arg11[%get3A_246, %get3A_247] {strides = array<i32>} : memref<320x128xf32, #tpu.memory_space<vmem>>, vector<16xf32>,
          %get3A_249 = arith.index_cast %squeeze3A : i32 to index
          %get3A_250 = arith.constant 80 : index
          %get3A_251 = tpu.vector_load %arg10[%get3A_249, %get3A_250] {strides = array<i32>} : memref<320x128xf32, #tpu.memory_space<vmem>>, vector<16xf32>,
          %sub3A_252 = arith.subf %get3A_245, %get3A_251 : vector<16xf32>
          %mul3A_253 = arith.constant 1.200000e+01 : f32
          %mul3A_254 = vector.broadcast %mul3A_253 : f32 to vector<16xf32>
          %mul3A_255 = arith.mulf %mul3A_254, %sub3A_252 : vector<16xf32>
          %exp3A_256 = math.exp %mul3A_255 : vector<16xf32>
          %add3A_257 = arith.addf %get3A_248, %exp3A_256 : vector<16xf32>
          %swap3A_258 = arith.index_cast %squeeze3A : i32 to index
          %swap3A_259 = arith.constant 80 : index
          %swap3A_260 = tpu.vector_load %arg11[%swap3A_258, %swap3A_259] {strides = array<i32>} : memref<320x128xf32, #tpu.memory_space<vmem>>, vector<16xf32>,
          tpu.vector_store %arg11[%swap3A_258, %swap3A_259], %add3A_257 {strides = array<i32>} : memref<320x128xf32, #tpu.memory_space<vmem>>, vector<16xf32>,
          %get3A_261 = arith.index_cast %while3A_150 : i32 to index
          %get3A_262 = arith.constant 96 : index
          %get3A_263 = tpu.vector_load %arg15[%get3A_261, %get3A_262] {strides = array<i32>} : memref<128x128xf32, #tpu.memory_space<vmem>>, vector<16xf32>,
          %get3A_264 = arith.index_cast %squeeze3A : i32 to index
          %get3A_265 = arith.constant 96 : index
          %get3A_266 = tpu.vector_load %arg11[%get3A_264, %get3A_265] {strides = array<i32>} : memref<320x128xf32, #tpu.memory_space<vmem>>, vector<16xf32>,
          %get3A_267 = arith.index_cast %squeeze3A : i32 to index
          %get3A_268 = arith.constant 96 : index
          %get3A_269 = tpu.vector_load %arg10[%get3A_267, %get3A_268] {strides = array<i32>} : memref<320x128xf32, #tpu.memory_space<vmem>>, vector<16xf32>,
          %sub3A_270 = arith.subf %get3A_263, %get3A_269 : vector<16xf32>
          %mul3A_271 = arith.constant 1.200000e+01 : f32
          %mul3A_272 = vector.broadcast %mul3A_271 : f32 to vector<16xf32>
          %mul3A_273 = arith.mulf %mul3A_272, %sub3A_270 : vector<16xf32>
          %exp3A_274 = math.exp %mul3A_273 : vector<16xf32>
          %add3A_275 = arith.addf %get3A_266, %exp3A_274 : vector<16xf32>
          %swap3A_276 = arith.index_cast %squeeze3A : i32 to index
          %swap3A_277 = arith.constant 96 : index
          %swap3A_278 = tpu.vector_load %arg11[%swap3A_276, %swap3A_277] {strides = array<i32>} : memref<320x128xf32, #tpu.memory_space<vmem>>, vector<16xf32>,
          tpu.vector_store %arg11[%swap3A_276, %swap3A_277], %add3A_275 {strides = array<i32>} : memref<320x128xf32, #tpu.memory_space<vmem>>, vector<16xf32>,
          %get3A_279 = arith.index_cast %while3A_150 : i32 to index
          %get3A_280 = arith.constant 112 : index
          %get3A_281 = tpu.vector_load %arg15[%get3A_279, %get3A_280] {strides = array<i32>} : memref<128x128xf32, #tpu.memory_space<vmem>>, vector<16xf32>,
          %get3A_282 = arith.index_cast %squeeze3A : i32 to index
          %get3A_283 = arith.constant 112 : index
          %get3A_284 = tpu.vector_load %arg11[%get3A_282, %get3A_283] {strides = array<i32>} : memref<320x128xf32, #tpu.memory_space<vmem>>, vector<16xf32>,
          %get3A_285 = arith.index_cast %squeeze3A : i32 to index
          %get3A_286 = arith.constant 112 : index
          %get3A_287 = tpu.vector_load %arg10[%get3A_285, %get3A_286] {strides = array<i32>} : memref<320x128xf32, #tpu.memory_space<vmem>>, vector<16xf32>,
          %sub3A_288 = arith.subf %get3A_281, %get3A_287 : vector<16xf32>
          %mul3A_289 = arith.constant 1.200000e+01 : f32
          %mul3A_290 = vector.broadcast %mul3A_289 : f32 to vector<16xf32>
          %mul3A_291 = arith.mulf %mul3A_290, %sub3A_288 : vector<16xf32>
          %exp3A_292 = math.exp %mul3A_291 : vector<16xf32>
          %add3A_293 = arith.addf %get3A_284, %exp3A_292 : vector<16xf32>
          %swap3A_294 = arith.index_cast %squeeze3A : i32 to index
          %swap3A_295 = arith.constant 112 : index
          %swap3A_296 = tpu.vector_load %arg11[%swap3A_294, %swap3A_295] {strides = array<i32>} : memref<320x128xf32, #tpu.memory_space<vmem>>, vector<16xf32>,
          tpu.vector_store %arg11[%swap3A_294, %swap3A_295], %add3A_293 {strides = array<i32>} : memref<320x128xf32, #tpu.memory_space<vmem>>, vector<16xf32>,
        }
      }
    }
    %scan3A_61 = arith.constant 160 : i32
    %scan3A_62 = arith.constant 0 : i32
    %scan3A_63 = arith.constant 0 : i32
    %scan3A_64 = arith.constant 128 : i32
    %scan3A_65 = arith.addi %scan3A_63, %scan3A_64 : i32
    %scan3A_66 = arith.constant 1 : i32
    scf.for %scan3A_86 = %scan3A_63 to %scan3A_65 step %scan3A_66  : i32 {
      %broadcast_in_dim3A = arith.constant 0 : i32
      %broadcast_in_dim3A_87 = vector.broadcast %broadcast_in_dim3A : i32 to vector<16xi32>
      %mul3A_88 = arith.constant 16 : i32
      %mul3A_89 = arith.muli %scan3A_86, %mul3A_88 : i32
      %swap3A = arith.index_cast %mul3A_89 : i32 to index
      %swap3A_90 = tpu.vector_load %arg13[%swap3A] {strides = array<i32>} : memref<2048xi32, #tpu.memory_space<vmem>>, vector<16xi32>,
      tpu.vector_store %arg13[%swap3A], %broadcast_in_dim3A_87 {strides = array<i32>} : memref<2048xi32, #tpu.memory_space<vmem>>, vector<16xi32>,
    }
    %scan3A_67 = arith.constant 128 : i32
    %scan3A_68 = arith.constant 0 : i32
    %scan3A_69 = arith.constant 0 : i32
    %scan3A_70 = arith.constant 40 : i32
    %scan3A_71 = arith.addi %scan3A_69, %scan3A_70 : i32
    %scan3A_72 = arith.constant 1 : i32
    scf.for %scan3A_86 = %scan3A_69 to %scan3A_71 step %scan3A_72  : i32 {
      %mul3A_87 = arith.constant 2000 : i32
      %mul3A_88 = arith.muli %scan3A_86, %mul3A_87 : i32
      "tpu.region"() ({
        %run_scoped3A = tpu.sem_alloc : memref<!tpu.dma_semaphore, #tpu.memory_space<semaphore_mem>>
        %dma_start3A = tpu.memref_slice %arg6[%mul3A_88] : memref<80000xi32, #tpu.memory_space<hbm>> -> memref<2000xi32, #tpu.memory_space<hbm>>
        %dma_start3A_127 = tpu.memref_slice %arg6[%mul3A_88] : memref<80000xi32, #tpu.memory_space<hbm>> -> memref<2000xi32, #tpu.memory_space<hbm>>
        tpu.enqueue_dma source(%dma_start3A_127 : memref<2000xi32, #tpu.memory_space<hbm>>) target(%arg12 : memref<2000xi32, #tpu.memory_space<vmem>>) target_semaphore(%run_scoped3A : memref<!tpu.dma_semaphore, #tpu.memory_space<semaphore_mem>>)
        %dma_wait3A = tpu.memref_slice %arg6[%mul3A_88] : memref<80000xi32, #tpu.memory_space<hbm>> -> memref<2000xi32, #tpu.memory_space<hbm>>
        %dma_wait3A_128 = tpu.memref_slice %arg6[%mul3A_88] : memref<80000xi32, #tpu.memory_space<hbm>> -> memref<2000xi32, #tpu.memory_space<hbm>>
        tpu.wait_dma2 semaphore(%run_scoped3A : memref<!tpu.dma_semaphore, #tpu.memory_space<semaphore_mem>>) src(%dma_wait3A_128 : memref<2000xi32, #tpu.memory_space<hbm>>) dst(%arg12 : memref<2000xi32, #tpu.memory_space<vmem>>)
        tpu.yield
      }) : () -> ()
      %mul3A_89 = arith.constant 2000 : i32
      %mul3A_90 = arith.muli %scan3A_86, %mul3A_89 : i32
      %scan3A_91 = arith.constant 0 : i32
      %scan3A_92 = arith.constant 0 : i32
      %scan3A_93 = arith.constant 125 : i32
      %scan3A_94 = arith.addi %scan3A_92, %scan3A_93 : i32
      %scan3A_95 = arith.constant 1 : i32
      %scan3A_96 = scf.for %scan3A_127 = %scan3A_92 to %scan3A_94 step %scan3A_95 iter_args(%scan3A_128 = %scan3A_91) -> (i32)  : i32 {
        %mul3A_129 = arith.constant 16 : i32
        %mul3A_130 = arith.muli %scan3A_127, %mul3A_129 : i32
        %get3A = arith.index_cast %mul3A_130 : i32 to index
        %get3A_131 = tpu.vector_load %arg12[%get3A] {strides = array<i32>} : memref<2000xi32, #tpu.memory_space<vmem>>, vector<16xi32>,
        %mul3A_132 = arith.constant 16 : i32
        %mul3A_133 = arith.muli %scan3A_127, %mul3A_132 : i32
        %add3A_134 = arith.addi %mul3A_90, %mul3A_133 : i32
        %add3A_135 = vector.broadcast %add3A_134 : i32 to vector<16xi32>
        %add3A_136 = arith.addi %add3A_135, %iota3A : vector<16xi32>
        %ge3A = vector.broadcast %mul3A_2 : i32 to vector<16xi32>
        %ge3A_137 = arith.cmpi sge, %get3A_131, %ge3A : vector<16xi32>
        %add3A_138 = arith.constant 320 : i32
        %add3A_139 = arith.addi %mul3A_2, %add3A_138 : i32
        %lt3A = vector.broadcast %add3A_139 : i32 to vector<16xi32>
        %lt3A_140 = arith.cmpi slt, %get3A_131, %lt3A : vector<16xi32>
        %and3A_141 = arith.andi %ge3A_137, %lt3A_140 : vector<16xi1>
        %jit3A_142 = arith.constant 1 : i32
        %jit3A_143 = arith.constant 0 : i32
        %broadcast_in_dim3A = vector.broadcast %jit3A_142 : i32 to vector<16xi32>
        %broadcast_in_dim3A_144 = vector.broadcast %jit3A_143 : i32 to vector<16xi32>
        %select_n3A_145 = arith.select %and3A_141, %broadcast_in_dim3A, %broadcast_in_dim3A_144 : vector<16xi1>, vector<16xi32>
        %broadcast_in_dim3A_146 = arith.constant true
        %broadcast_in_dim3A_147 = vector.broadcast %broadcast_in_dim3A_146 : i1 to vector<16xi1>
        %masked_cumsum3A = tpu.scan <sum>, %select_n3A_145 masked %broadcast_in_dim3A_147 : vector<16xi32>, vector<16xi1> -> vector<16xi32>
        %add3A_148 = vector.broadcast %scan3A_128 : i32 to vector<16xi32>
        %add3A_149 = arith.addi %add3A_148, %masked_cumsum3A : vector<16xi32>
        %sub3A_150 = arith.constant 1 : i32
        %sub3A_151 = vector.broadcast %sub3A_150 : i32 to vector<16xi32>
        %sub3A_152 = arith.subi %add3A_149, %sub3A_151 : vector<16xi32>
        tpu.vector_store_idx %arg13[%sub3A_152], %add3A_136 masked %and3A_141 : memref<2048xi32, #tpu.memory_space<vmem>>[vector<16xi32>], vector<16xi32>, vector<16xi1>
        %sub3A_153 = vector.broadcast %mul3A_2 : i32 to vector<16xi32>
        %sub3A_154 = arith.subi %get3A_131, %sub3A_153 : vector<16xi32>
        tpu.vector_store_idx %arg14[%sub3A_152], %sub3A_154 masked %and3A_141 : memref<2048xi32, #tpu.memory_space<vmem>>[vector<16xi32>], vector<16xi32>, vector<16xi1>
        %slice3A = vector.extract_strided_slice %masked_cumsum3A {offsets = [15], sizes = [1], strides = [1]} : vector<16xi32> to vector<1xi32>
        %squeeze3A = vector.extract %slice3A[0] : i32 from vector<1xi32>
        %add3A_155 = arith.addi %scan3A_128, %squeeze3A : i32
        scf.yield %add3A_155 : i32
      }
      %scan3A_97 = arith.constant 125 : i32
      %add3A_98 = arith.constant 128 : i32
      %add3A_99 = arith.addi %scan3A_96, %add3A_98 : i32
      %sub3A = arith.constant 1 : i32
      %sub3A_100 = arith.subi %add3A_99, %sub3A : i32
      %jit3A = arith.constant 128 : i32
      %div3A = arith.divsi %sub3A_100, %jit3A : i32
      %sign3A = arith.constant 0 : i32
      %sign3A_101 = arith.cmpi sgt, %sub3A_100, %sign3A : i32
      %sign3A_102 = arith.extui %sign3A_101 : i1 to i32
      %sign3A_103 = arith.constant 0 : i32
      %sign3A_104 = arith.cmpi slt, %sub3A_100, %sign3A_103 : i32
      %sign3A_105 = arith.extui %sign3A_104 : i1 to i32
      %sign3A_106 = arith.subi %sign3A_102, %sign3A_105 : i32
      %sign3A_107 = arith.constant 0 : i32
      %sign3A_108 = arith.cmpi sgt, %jit3A, %sign3A_107 : i32
      %sign3A_109 = arith.extui %sign3A_108 : i1 to i32
      %sign3A_110 = arith.constant 0 : i32
      %sign3A_111 = arith.cmpi slt, %jit3A, %sign3A_110 : i32
      %sign3A_112 = arith.extui %sign3A_111 : i1 to i32
      %sign3A_113 = arith.subi %sign3A_109, %sign3A_112 : i32
      %ne3A = arith.cmpi ne, %sign3A_106, %sign3A_113 : i32
      %rem3A = arith.remsi %sub3A_100, %jit3A : i32
      %ne3A_114 = arith.constant 0 : i32
      %ne3A_115 = arith.cmpi ne, %rem3A, %ne3A_114 : i32
      %and3A = arith.andi %ne3A, %ne3A_115 : i1
      %sub3A_116 = arith.constant 1 : i32
      %sub3A_117 = arith.subi %div3A, %sub3A_116 : i32
      %select_n3A = arith.select %and3A, %sub3A_117, %div3A : i32
      %while3A = arith.constant 0 : i32
      %while3A_118 = arith.constant 0 : i32
      %while3A_119 = arith.subi %select_n3A, %while3A_118 : i32
      %while3A_120 = arith.addi %while3A_118, %while3A_119 : i32
      %while3A_121 = arith.constant 1 : i32
      %while3A_122 = arith.divsi %while3A_119, %while3A_121 : i32
      %while3A_123 = arith.muli %while3A_122, %while3A_121 : i32
      %while3A_124 = arith.addi %while3A_118, %while3A_123 : i32
      %while3A_125 = arith.constant 1 : i32
      scf.for %while3A_127 = %while3A_118 to %while3A_124 step %while3A_125  : i32 {
        %mul3A_128 = arith.constant 128 : i32
        %mul3A_129 = arith.muli %while3A_127, %mul3A_128 : i32
        %dma_start3A = tpu.memref_slice %arg13[%mul3A_129] : memref<2048xi32, #tpu.memory_space<vmem>> -> memref<128xi32, #tpu.memory_space<vmem>>
        %dma_start3A_130 = arith.constant 0 : i32
        %dma_start3A_131 = arith.constant 0 : i32
        %dma_start3A_132 = tpu.memref_slice %arg3[%dma_start3A_130, %dma_start3A_131] : memref<81920x128xf32, #tpu.memory_space<hbm>> -> memref<81920x128xf32, #tpu.memory_space<hbm>>
        tpu.enqueue_indirect_dma source(%dma_start3A_132 : memref<81920x128xf32, #tpu.memory_space<hbm>>) target(%arg15 : memref<128x128xf32, #tpu.memory_space<vmem>>) offsets(%dma_start3A : memref<128xi32, #tpu.memory_space<vmem>>) semaphore(%arg16 : memref<!tpu.dma_semaphore, #tpu.memory_space<semaphore_mem>>)
        %dma_wait3A = tpu.memref_slice %arg13[%mul3A_129] : memref<2048xi32, #tpu.memory_space<vmem>> -> memref<128xi32, #tpu.memory_space<vmem>>
        %dma_wait3A_133 = arith.constant 0 : i32
        %dma_wait3A_134 = arith.constant 0 : i32
        %dma_wait3A_135 = tpu.memref_slice %arg3[%dma_wait3A_133, %dma_wait3A_134] : memref<81920x128xf32, #tpu.memory_space<hbm>> -> memref<81920x128xf32, #tpu.memory_space<hbm>>
        tpu.wait_indirect_dma semaphore(%arg16 : memref<!tpu.dma_semaphore, #tpu.memory_space<semaphore_mem>>) src(%dma_wait3A_135 : memref<81920x128xf32, #tpu.memory_space<hbm>>) dst(%arg15 : memref<128x128xf32, #tpu.memory_space<vmem>>)
        %mul3A_136 = arith.constant 128 : i32
        %mul3A_137 = arith.muli %while3A_127, %mul3A_136 : i32
        %sub3A_138 = arith.subi %scan3A_96, %mul3A_137 : i32
        %min3A = arith.constant 128 : i32
        %min3A_139 = arith.minsi %min3A, %sub3A_138 : i32
        %while3A_140 = arith.constant 0 : i32
        %while3A_141 = arith.constant 0 : i32
        %while3A_142 = arith.subi %min3A_139, %while3A_141 : i32
        %while3A_143 = arith.addi %while3A_141, %while3A_142 : i32
        %while3A_144 = arith.constant 1 : i32
        %while3A_145 = arith.divsi %while3A_142, %while3A_144 : i32
        %while3A_146 = arith.muli %while3A_145, %while3A_144 : i32
        %while3A_147 = arith.addi %while3A_141, %while3A_146 : i32
        %while3A_148 = arith.constant 1 : i32
        scf.for %while3A_150 = %while3A_141 to %while3A_147 step %while3A_148  : i32 {
          %mul3A_151 = arith.constant 128 : i32
          %mul3A_152 = arith.muli %while3A_127, %mul3A_151 : i32
          %add3A_153 = arith.addi %mul3A_152, %while3A_150 : i32
          %get3A = arith.index_cast %add3A_153 : i32 to index
          %get3A_154 = tpu.vector_load %arg14[%get3A] {strides = array<i32>} : memref<2048xi32, #tpu.memory_space<vmem>>, vector<16xi32>,
          %slice3A = vector.extract_strided_slice %get3A_154 {offsets = [0], sizes = [1], strides = [1]} : vector<16xi32> to vector<1xi32>
          %squeeze3A = vector.extract %slice3A[0] : i32 from vector<1xi32>
          %get3A_155 = arith.index_cast %while3A_150 : i32 to index
          %get3A_156 = arith.constant 0 : index
          %get3A_157 = tpu.vector_load %arg15[%get3A_155, %get3A_156] {strides = array<i32>} : memref<128x128xf32, #tpu.memory_space<vmem>>, vector<16xf32>,
          %get3A_158 = arith.index_cast %squeeze3A : i32 to index
          %get3A_159 = arith.constant 0 : index
          %get3A_160 = tpu.vector_load %arg11[%get3A_158, %get3A_159] {strides = array<i32>} : memref<320x128xf32, #tpu.memory_space<vmem>>, vector<16xf32>,
          %get3A_161 = arith.index_cast %squeeze3A : i32 to index
          %get3A_162 = arith.constant 0 : index
          %get3A_163 = tpu.vector_load %arg10[%get3A_161, %get3A_162] {strides = array<i32>} : memref<320x128xf32, #tpu.memory_space<vmem>>, vector<16xf32>,
          %sub3A_164 = arith.subf %get3A_157, %get3A_163 : vector<16xf32>
          %mul3A_165 = arith.constant 1.200000e+01 : f32
          %mul3A_166 = vector.broadcast %mul3A_165 : f32 to vector<16xf32>
          %mul3A_167 = arith.mulf %mul3A_166, %sub3A_164 : vector<16xf32>
          %exp3A = math.exp %mul3A_167 : vector<16xf32>
          %add3A_168 = arith.addf %get3A_160, %exp3A : vector<16xf32>
          %swap3A = arith.index_cast %squeeze3A : i32 to index
          %swap3A_169 = arith.constant 0 : index
          %swap3A_170 = tpu.vector_load %arg11[%swap3A, %swap3A_169] {strides = array<i32>} : memref<320x128xf32, #tpu.memory_space<vmem>>, vector<16xf32>,
          tpu.vector_store %arg11[%swap3A, %swap3A_169], %add3A_168 {strides = array<i32>} : memref<320x128xf32, #tpu.memory_space<vmem>>, vector<16xf32>,
          %get3A_171 = arith.index_cast %while3A_150 : i32 to index
          %get3A_172 = arith.constant 16 : index
          %get3A_173 = tpu.vector_load %arg15[%get3A_171, %get3A_172] {strides = array<i32>} : memref<128x128xf32, #tpu.memory_space<vmem>>, vector<16xf32>,
          %get3A_174 = arith.index_cast %squeeze3A : i32 to index
          %get3A_175 = arith.constant 16 : index
          %get3A_176 = tpu.vector_load %arg11[%get3A_174, %get3A_175] {strides = array<i32>} : memref<320x128xf32, #tpu.memory_space<vmem>>, vector<16xf32>,
          %get3A_177 = arith.index_cast %squeeze3A : i32 to index
          %get3A_178 = arith.constant 16 : index
          %get3A_179 = tpu.vector_load %arg10[%get3A_177, %get3A_178] {strides = array<i32>} : memref<320x128xf32, #tpu.memory_space<vmem>>, vector<16xf32>,
          %sub3A_180 = arith.subf %get3A_173, %get3A_179 : vector<16xf32>
          %mul3A_181 = arith.constant 1.200000e+01 : f32
          %mul3A_182 = vector.broadcast %mul3A_181 : f32 to vector<16xf32>
          %mul3A_183 = arith.mulf %mul3A_182, %sub3A_180 : vector<16xf32>
          %exp3A_184 = math.exp %mul3A_183 : vector<16xf32>
          %add3A_185 = arith.addf %get3A_176, %exp3A_184 : vector<16xf32>
          %swap3A_186 = arith.index_cast %squeeze3A : i32 to index
          %swap3A_187 = arith.constant 16 : index
          %swap3A_188 = tpu.vector_load %arg11[%swap3A_186, %swap3A_187] {strides = array<i32>} : memref<320x128xf32, #tpu.memory_space<vmem>>, vector<16xf32>,
          tpu.vector_store %arg11[%swap3A_186, %swap3A_187], %add3A_185 {strides = array<i32>} : memref<320x128xf32, #tpu.memory_space<vmem>>, vector<16xf32>,
          %get3A_189 = arith.index_cast %while3A_150 : i32 to index
          %get3A_190 = arith.constant 32 : index
          %get3A_191 = tpu.vector_load %arg15[%get3A_189, %get3A_190] {strides = array<i32>} : memref<128x128xf32, #tpu.memory_space<vmem>>, vector<16xf32>,
          %get3A_192 = arith.index_cast %squeeze3A : i32 to index
          %get3A_193 = arith.constant 32 : index
          %get3A_194 = tpu.vector_load %arg11[%get3A_192, %get3A_193] {strides = array<i32>} : memref<320x128xf32, #tpu.memory_space<vmem>>, vector<16xf32>,
          %get3A_195 = arith.index_cast %squeeze3A : i32 to index
          %get3A_196 = arith.constant 32 : index
          %get3A_197 = tpu.vector_load %arg10[%get3A_195, %get3A_196] {strides = array<i32>} : memref<320x128xf32, #tpu.memory_space<vmem>>, vector<16xf32>,
          %sub3A_198 = arith.subf %get3A_191, %get3A_197 : vector<16xf32>
          %mul3A_199 = arith.constant 1.200000e+01 : f32
          %mul3A_200 = vector.broadcast %mul3A_199 : f32 to vector<16xf32>
          %mul3A_201 = arith.mulf %mul3A_200, %sub3A_198 : vector<16xf32>
          %exp3A_202 = math.exp %mul3A_201 : vector<16xf32>
          %add3A_203 = arith.addf %get3A_194, %exp3A_202 : vector<16xf32>
          %swap3A_204 = arith.index_cast %squeeze3A : i32 to index
          %swap3A_205 = arith.constant 32 : index
          %swap3A_206 = tpu.vector_load %arg11[%swap3A_204, %swap3A_205] {strides = array<i32>} : memref<320x128xf32, #tpu.memory_space<vmem>>, vector<16xf32>,
          tpu.vector_store %arg11[%swap3A_204, %swap3A_205], %add3A_203 {strides = array<i32>} : memref<320x128xf32, #tpu.memory_space<vmem>>, vector<16xf32>,
          %get3A_207 = arith.index_cast %while3A_150 : i32 to index
          %get3A_208 = arith.constant 48 : index
          %get3A_209 = tpu.vector_load %arg15[%get3A_207, %get3A_208] {strides = array<i32>} : memref<128x128xf32, #tpu.memory_space<vmem>>, vector<16xf32>,
          %get3A_210 = arith.index_cast %squeeze3A : i32 to index
          %get3A_211 = arith.constant 48 : index
          %get3A_212 = tpu.vector_load %arg11[%get3A_210, %get3A_211] {strides = array<i32>} : memref<320x128xf32, #tpu.memory_space<vmem>>, vector<16xf32>,
          %get3A_213 = arith.index_cast %squeeze3A : i32 to index
          %get3A_214 = arith.constant 48 : index
          %get3A_215 = tpu.vector_load %arg10[%get3A_213, %get3A_214] {strides = array<i32>} : memref<320x128xf32, #tpu.memory_space<vmem>>, vector<16xf32>,
          %sub3A_216 = arith.subf %get3A_209, %get3A_215 : vector<16xf32>
          %mul3A_217 = arith.constant 1.200000e+01 : f32
          %mul3A_218 = vector.broadcast %mul3A_217 : f32 to vector<16xf32>
          %mul3A_219 = arith.mulf %mul3A_218, %sub3A_216 : vector<16xf32>
          %exp3A_220 = math.exp %mul3A_219 : vector<16xf32>
          %add3A_221 = arith.addf %get3A_212, %exp3A_220 : vector<16xf32>
          %swap3A_222 = arith.index_cast %squeeze3A : i32 to index
          %swap3A_223 = arith.constant 48 : index
          %swap3A_224 = tpu.vector_load %arg11[%swap3A_222, %swap3A_223] {strides = array<i32>} : memref<320x128xf32, #tpu.memory_space<vmem>>, vector<16xf32>,
          tpu.vector_store %arg11[%swap3A_222, %swap3A_223], %add3A_221 {strides = array<i32>} : memref<320x128xf32, #tpu.memory_space<vmem>>, vector<16xf32>,
          %get3A_225 = arith.index_cast %while3A_150 : i32 to index
          %get3A_226 = arith.constant 64 : index
          %get3A_227 = tpu.vector_load %arg15[%get3A_225, %get3A_226] {strides = array<i32>} : memref<128x128xf32, #tpu.memory_space<vmem>>, vector<16xf32>,
          %get3A_228 = arith.index_cast %squeeze3A : i32 to index
          %get3A_229 = arith.constant 64 : index
          %get3A_230 = tpu.vector_load %arg11[%get3A_228, %get3A_229] {strides = array<i32>} : memref<320x128xf32, #tpu.memory_space<vmem>>, vector<16xf32>,
          %get3A_231 = arith.index_cast %squeeze3A : i32 to index
          %get3A_232 = arith.constant 64 : index
          %get3A_233 = tpu.vector_load %arg10[%get3A_231, %get3A_232] {strides = array<i32>} : memref<320x128xf32, #tpu.memory_space<vmem>>, vector<16xf32>,
          %sub3A_234 = arith.subf %get3A_227, %get3A_233 : vector<16xf32>
          %mul3A_235 = arith.constant 1.200000e+01 : f32
          %mul3A_236 = vector.broadcast %mul3A_235 : f32 to vector<16xf32>
          %mul3A_237 = arith.mulf %mul3A_236, %sub3A_234 : vector<16xf32>
          %exp3A_238 = math.exp %mul3A_237 : vector<16xf32>
          %add3A_239 = arith.addf %get3A_230, %exp3A_238 : vector<16xf32>
          %swap3A_240 = arith.index_cast %squeeze3A : i32 to index
          %swap3A_241 = arith.constant 64 : index
          %swap3A_242 = tpu.vector_load %arg11[%swap3A_240, %swap3A_241] {strides = array<i32>} : memref<320x128xf32, #tpu.memory_space<vmem>>, vector<16xf32>,
          tpu.vector_store %arg11[%swap3A_240, %swap3A_241], %add3A_239 {strides = array<i32>} : memref<320x128xf32, #tpu.memory_space<vmem>>, vector<16xf32>,
          %get3A_243 = arith.index_cast %while3A_150 : i32 to index
          %get3A_244 = arith.constant 80 : index
          %get3A_245 = tpu.vector_load %arg15[%get3A_243, %get3A_244] {strides = array<i32>} : memref<128x128xf32, #tpu.memory_space<vmem>>, vector<16xf32>,
          %get3A_246 = arith.index_cast %squeeze3A : i32 to index
          %get3A_247 = arith.constant 80 : index
          %get3A_248 = tpu.vector_load %arg11[%get3A_246, %get3A_247] {strides = array<i32>} : memref<320x128xf32, #tpu.memory_space<vmem>>, vector<16xf32>,
          %get3A_249 = arith.index_cast %squeeze3A : i32 to index
          %get3A_250 = arith.constant 80 : index
          %get3A_251 = tpu.vector_load %arg10[%get3A_249, %get3A_250] {strides = array<i32>} : memref<320x128xf32, #tpu.memory_space<vmem>>, vector<16xf32>,
          %sub3A_252 = arith.subf %get3A_245, %get3A_251 : vector<16xf32>
          %mul3A_253 = arith.constant 1.200000e+01 : f32
          %mul3A_254 = vector.broadcast %mul3A_253 : f32 to vector<16xf32>
          %mul3A_255 = arith.mulf %mul3A_254, %sub3A_252 : vector<16xf32>
          %exp3A_256 = math.exp %mul3A_255 : vector<16xf32>
          %add3A_257 = arith.addf %get3A_248, %exp3A_256 : vector<16xf32>
          %swap3A_258 = arith.index_cast %squeeze3A : i32 to index
          %swap3A_259 = arith.constant 80 : index
          %swap3A_260 = tpu.vector_load %arg11[%swap3A_258, %swap3A_259] {strides = array<i32>} : memref<320x128xf32, #tpu.memory_space<vmem>>, vector<16xf32>,
          tpu.vector_store %arg11[%swap3A_258, %swap3A_259], %add3A_257 {strides = array<i32>} : memref<320x128xf32, #tpu.memory_space<vmem>>, vector<16xf32>,
          %get3A_261 = arith.index_cast %while3A_150 : i32 to index
          %get3A_262 = arith.constant 96 : index
          %get3A_263 = tpu.vector_load %arg15[%get3A_261, %get3A_262] {strides = array<i32>} : memref<128x128xf32, #tpu.memory_space<vmem>>, vector<16xf32>,
          %get3A_264 = arith.index_cast %squeeze3A : i32 to index
          %get3A_265 = arith.constant 96 : index
          %get3A_266 = tpu.vector_load %arg11[%get3A_264, %get3A_265] {strides = array<i32>} : memref<320x128xf32, #tpu.memory_space<vmem>>, vector<16xf32>,
          %get3A_267 = arith.index_cast %squeeze3A : i32 to index
          %get3A_268 = arith.constant 96 : index
          %get3A_269 = tpu.vector_load %arg10[%get3A_267, %get3A_268] {strides = array<i32>} : memref<320x128xf32, #tpu.memory_space<vmem>>, vector<16xf32>,
          %sub3A_270 = arith.subf %get3A_263, %get3A_269 : vector<16xf32>
          %mul3A_271 = arith.constant 1.200000e+01 : f32
          %mul3A_272 = vector.broadcast %mul3A_271 : f32 to vector<16xf32>
          %mul3A_273 = arith.mulf %mul3A_272, %sub3A_270 : vector<16xf32>
          %exp3A_274 = math.exp %mul3A_273 : vector<16xf32>
          %add3A_275 = arith.addf %get3A_266, %exp3A_274 : vector<16xf32>
          %swap3A_276 = arith.index_cast %squeeze3A : i32 to index
          %swap3A_277 = arith.constant 96 : index
          %swap3A_278 = tpu.vector_load %arg11[%swap3A_276, %swap3A_277] {strides = array<i32>} : memref<320x128xf32, #tpu.memory_space<vmem>>, vector<16xf32>,
          tpu.vector_store %arg11[%swap3A_276, %swap3A_277], %add3A_275 {strides = array<i32>} : memref<320x128xf32, #tpu.memory_space<vmem>>, vector<16xf32>,
          %get3A_279 = arith.index_cast %while3A_150 : i32 to index
          %get3A_280 = arith.constant 112 : index
          %get3A_281 = tpu.vector_load %arg15[%get3A_279, %get3A_280] {strides = array<i32>} : memref<128x128xf32, #tpu.memory_space<vmem>>, vector<16xf32>,
          %get3A_282 = arith.index_cast %squeeze3A : i32 to index
          %get3A_283 = arith.constant 112 : index
          %get3A_284 = tpu.vector_load %arg11[%get3A_282, %get3A_283] {strides = array<i32>} : memref<320x128xf32, #tpu.memory_space<vmem>>, vector<16xf32>,
          %get3A_285 = arith.index_cast %squeeze3A : i32 to index
          %get3A_286 = arith.constant 112 : index
          %get3A_287 = tpu.vector_load %arg10[%get3A_285, %get3A_286] {strides = array<i32>} : memref<320x128xf32, #tpu.memory_space<vmem>>, vector<16xf32>,
          %sub3A_288 = arith.subf %get3A_281, %get3A_287 : vector<16xf32>
          %mul3A_289 = arith.constant 1.200000e+01 : f32
          %mul3A_290 = vector.broadcast %mul3A_289 : f32 to vector<16xf32>
          %mul3A_291 = arith.mulf %mul3A_290, %sub3A_288 : vector<16xf32>
          %exp3A_292 = math.exp %mul3A_291 : vector<16xf32>
          %add3A_293 = arith.addf %get3A_284, %exp3A_292 : vector<16xf32>
          %swap3A_294 = arith.index_cast %squeeze3A : i32 to index
          %swap3A_295 = arith.constant 112 : index
          %swap3A_296 = tpu.vector_load %arg11[%swap3A_294, %swap3A_295] {strides = array<i32>} : memref<320x128xf32, #tpu.memory_space<vmem>>, vector<16xf32>,
          tpu.vector_store %arg11[%swap3A_294, %swap3A_295], %add3A_293 {strides = array<i32>} : memref<320x128xf32, #tpu.memory_space<vmem>>, vector<16xf32>,
        }
        %while3A_149 = arith.constant 1 : i32
        scf.for %while3A_150 = %while3A_147 to %while3A_143 step %while3A_149  : i32 {
          %mul3A_151 = arith.constant 128 : i32
          %mul3A_152 = arith.muli %while3A_127, %mul3A_151 : i32
          %add3A_153 = arith.addi %mul3A_152, %while3A_150 : i32
          %get3A = arith.index_cast %add3A_153 : i32 to index
          %get3A_154 = tpu.vector_load %arg14[%get3A] {strides = array<i32>} : memref<2048xi32, #tpu.memory_space<vmem>>, vector<16xi32>,
          %slice3A = vector.extract_strided_slice %get3A_154 {offsets = [0], sizes = [1], strides = [1]} : vector<16xi32> to vector<1xi32>
          %squeeze3A = vector.extract %slice3A[0] : i32 from vector<1xi32>
          %get3A_155 = arith.index_cast %while3A_150 : i32 to index
          %get3A_156 = arith.constant 0 : index
          %get3A_157 = tpu.vector_load %arg15[%get3A_155, %get3A_156] {strides = array<i32>} : memref<128x128xf32, #tpu.memory_space<vmem>>, vector<16xf32>,
          %get3A_158 = arith.index_cast %squeeze3A : i32 to index
          %get3A_159 = arith.constant 0 : index
          %get3A_160 = tpu.vector_load %arg11[%get3A_158, %get3A_159] {strides = array<i32>} : memref<320x128xf32, #tpu.memory_space<vmem>>, vector<16xf32>,
          %get3A_161 = arith.index_cast %squeeze3A : i32 to index
          %get3A_162 = arith.constant 0 : index
          %get3A_163 = tpu.vector_load %arg10[%get3A_161, %get3A_162] {strides = array<i32>} : memref<320x128xf32, #tpu.memory_space<vmem>>, vector<16xf32>,
          %sub3A_164 = arith.subf %get3A_157, %get3A_163 : vector<16xf32>
          %mul3A_165 = arith.constant 1.200000e+01 : f32
          %mul3A_166 = vector.broadcast %mul3A_165 : f32 to vector<16xf32>
          %mul3A_167 = arith.mulf %mul3A_166, %sub3A_164 : vector<16xf32>
          %exp3A = math.exp %mul3A_167 : vector<16xf32>
          %add3A_168 = arith.addf %get3A_160, %exp3A : vector<16xf32>
          %swap3A = arith.index_cast %squeeze3A : i32 to index
          %swap3A_169 = arith.constant 0 : index
          %swap3A_170 = tpu.vector_load %arg11[%swap3A, %swap3A_169] {strides = array<i32>} : memref<320x128xf32, #tpu.memory_space<vmem>>, vector<16xf32>,
          tpu.vector_store %arg11[%swap3A, %swap3A_169], %add3A_168 {strides = array<i32>} : memref<320x128xf32, #tpu.memory_space<vmem>>, vector<16xf32>,
          %get3A_171 = arith.index_cast %while3A_150 : i32 to index
          %get3A_172 = arith.constant 16 : index
          %get3A_173 = tpu.vector_load %arg15[%get3A_171, %get3A_172] {strides = array<i32>} : memref<128x128xf32, #tpu.memory_space<vmem>>, vector<16xf32>,
          %get3A_174 = arith.index_cast %squeeze3A : i32 to index
          %get3A_175 = arith.constant 16 : index
          %get3A_176 = tpu.vector_load %arg11[%get3A_174, %get3A_175] {strides = array<i32>} : memref<320x128xf32, #tpu.memory_space<vmem>>, vector<16xf32>,
          %get3A_177 = arith.index_cast %squeeze3A : i32 to index
          %get3A_178 = arith.constant 16 : index
          %get3A_179 = tpu.vector_load %arg10[%get3A_177, %get3A_178] {strides = array<i32>} : memref<320x128xf32, #tpu.memory_space<vmem>>, vector<16xf32>,
          %sub3A_180 = arith.subf %get3A_173, %get3A_179 : vector<16xf32>
          %mul3A_181 = arith.constant 1.200000e+01 : f32
          %mul3A_182 = vector.broadcast %mul3A_181 : f32 to vector<16xf32>
          %mul3A_183 = arith.mulf %mul3A_182, %sub3A_180 : vector<16xf32>
          %exp3A_184 = math.exp %mul3A_183 : vector<16xf32>
          %add3A_185 = arith.addf %get3A_176, %exp3A_184 : vector<16xf32>
          %swap3A_186 = arith.index_cast %squeeze3A : i32 to index
          %swap3A_187 = arith.constant 16 : index
          %swap3A_188 = tpu.vector_load %arg11[%swap3A_186, %swap3A_187] {strides = array<i32>} : memref<320x128xf32, #tpu.memory_space<vmem>>, vector<16xf32>,
          tpu.vector_store %arg11[%swap3A_186, %swap3A_187], %add3A_185 {strides = array<i32>} : memref<320x128xf32, #tpu.memory_space<vmem>>, vector<16xf32>,
          %get3A_189 = arith.index_cast %while3A_150 : i32 to index
          %get3A_190 = arith.constant 32 : index
          %get3A_191 = tpu.vector_load %arg15[%get3A_189, %get3A_190] {strides = array<i32>} : memref<128x128xf32, #tpu.memory_space<vmem>>, vector<16xf32>,
          %get3A_192 = arith.index_cast %squeeze3A : i32 to index
          %get3A_193 = arith.constant 32 : index
          %get3A_194 = tpu.vector_load %arg11[%get3A_192, %get3A_193] {strides = array<i32>} : memref<320x128xf32, #tpu.memory_space<vmem>>, vector<16xf32>,
          %get3A_195 = arith.index_cast %squeeze3A : i32 to index
          %get3A_196 = arith.constant 32 : index
          %get3A_197 = tpu.vector_load %arg10[%get3A_195, %get3A_196] {strides = array<i32>} : memref<320x128xf32, #tpu.memory_space<vmem>>, vector<16xf32>,
          %sub3A_198 = arith.subf %get3A_191, %get3A_197 : vector<16xf32>
          %mul3A_199 = arith.constant 1.200000e+01 : f32
          %mul3A_200 = vector.broadcast %mul3A_199 : f32 to vector<16xf32>
          %mul3A_201 = arith.mulf %mul3A_200, %sub3A_198 : vector<16xf32>
          %exp3A_202 = math.exp %mul3A_201 : vector<16xf32>
          %add3A_203 = arith.addf %get3A_194, %exp3A_202 : vector<16xf32>
          %swap3A_204 = arith.index_cast %squeeze3A : i32 to index
          %swap3A_205 = arith.constant 32 : index
          %swap3A_206 = tpu.vector_load %arg11[%swap3A_204, %swap3A_205] {strides = array<i32>} : memref<320x128xf32, #tpu.memory_space<vmem>>, vector<16xf32>,
          tpu.vector_store %arg11[%swap3A_204, %swap3A_205], %add3A_203 {strides = array<i32>} : memref<320x128xf32, #tpu.memory_space<vmem>>, vector<16xf32>,
          %get3A_207 = arith.index_cast %while3A_150 : i32 to index
          %get3A_208 = arith.constant 48 : index
          %get3A_209 = tpu.vector_load %arg15[%get3A_207, %get3A_208] {strides = array<i32>} : memref<128x128xf32, #tpu.memory_space<vmem>>, vector<16xf32>,
          %get3A_210 = arith.index_cast %squeeze3A : i32 to index
          %get3A_211 = arith.constant 48 : index
          %get3A_212 = tpu.vector_load %arg11[%get3A_210, %get3A_211] {strides = array<i32>} : memref<320x128xf32, #tpu.memory_space<vmem>>, vector<16xf32>,
          %get3A_213 = arith.index_cast %squeeze3A : i32 to index
          %get3A_214 = arith.constant 48 : index
          %get3A_215 = tpu.vector_load %arg10[%get3A_213, %get3A_214] {strides = array<i32>} : memref<320x128xf32, #tpu.memory_space<vmem>>, vector<16xf32>,
          %sub3A_216 = arith.subf %get3A_209, %get3A_215 : vector<16xf32>
          %mul3A_217 = arith.constant 1.200000e+01 : f32
          %mul3A_218 = vector.broadcast %mul3A_217 : f32 to vector<16xf32>
          %mul3A_219 = arith.mulf %mul3A_218, %sub3A_216 : vector<16xf32>
          %exp3A_220 = math.exp %mul3A_219 : vector<16xf32>
          %add3A_221 = arith.addf %get3A_212, %exp3A_220 : vector<16xf32>
          %swap3A_222 = arith.index_cast %squeeze3A : i32 to index
          %swap3A_223 = arith.constant 48 : index
          %swap3A_224 = tpu.vector_load %arg11[%swap3A_222, %swap3A_223] {strides = array<i32>} : memref<320x128xf32, #tpu.memory_space<vmem>>, vector<16xf32>,
          tpu.vector_store %arg11[%swap3A_222, %swap3A_223], %add3A_221 {strides = array<i32>} : memref<320x128xf32, #tpu.memory_space<vmem>>, vector<16xf32>,
          %get3A_225 = arith.index_cast %while3A_150 : i32 to index
          %get3A_226 = arith.constant 64 : index
          %get3A_227 = tpu.vector_load %arg15[%get3A_225, %get3A_226] {strides = array<i32>} : memref<128x128xf32, #tpu.memory_space<vmem>>, vector<16xf32>,
          %get3A_228 = arith.index_cast %squeeze3A : i32 to index
          %get3A_229 = arith.constant 64 : index
          %get3A_230 = tpu.vector_load %arg11[%get3A_228, %get3A_229] {strides = array<i32>} : memref<320x128xf32, #tpu.memory_space<vmem>>, vector<16xf32>,
          %get3A_231 = arith.index_cast %squeeze3A : i32 to index
          %get3A_232 = arith.constant 64 : index
          %get3A_233 = tpu.vector_load %arg10[%get3A_231, %get3A_232] {strides = array<i32>} : memref<320x128xf32, #tpu.memory_space<vmem>>, vector<16xf32>,
          %sub3A_234 = arith.subf %get3A_227, %get3A_233 : vector<16xf32>
          %mul3A_235 = arith.constant 1.200000e+01 : f32
          %mul3A_236 = vector.broadcast %mul3A_235 : f32 to vector<16xf32>
          %mul3A_237 = arith.mulf %mul3A_236, %sub3A_234 : vector<16xf32>
          %exp3A_238 = math.exp %mul3A_237 : vector<16xf32>
          %add3A_239 = arith.addf %get3A_230, %exp3A_238 : vector<16xf32>
          %swap3A_240 = arith.index_cast %squeeze3A : i32 to index
          %swap3A_241 = arith.constant 64 : index
          %swap3A_242 = tpu.vector_load %arg11[%swap3A_240, %swap3A_241] {strides = array<i32>} : memref<320x128xf32, #tpu.memory_space<vmem>>, vector<16xf32>,
          tpu.vector_store %arg11[%swap3A_240, %swap3A_241], %add3A_239 {strides = array<i32>} : memref<320x128xf32, #tpu.memory_space<vmem>>, vector<16xf32>,
          %get3A_243 = arith.index_cast %while3A_150 : i32 to index
          %get3A_244 = arith.constant 80 : index
          %get3A_245 = tpu.vector_load %arg15[%get3A_243, %get3A_244] {strides = array<i32>} : memref<128x128xf32, #tpu.memory_space<vmem>>, vector<16xf32>,
          %get3A_246 = arith.index_cast %squeeze3A : i32 to index
          %get3A_247 = arith.constant 80 : index
          %get3A_248 = tpu.vector_load %arg11[%get3A_246, %get3A_247] {strides = array<i32>} : memref<320x128xf32, #tpu.memory_space<vmem>>, vector<16xf32>,
          %get3A_249 = arith.index_cast %squeeze3A : i32 to index
          %get3A_250 = arith.constant 80 : index
          %get3A_251 = tpu.vector_load %arg10[%get3A_249, %get3A_250] {strides = array<i32>} : memref<320x128xf32, #tpu.memory_space<vmem>>, vector<16xf32>,
          %sub3A_252 = arith.subf %get3A_245, %get3A_251 : vector<16xf32>
          %mul3A_253 = arith.constant 1.200000e+01 : f32
          %mul3A_254 = vector.broadcast %mul3A_253 : f32 to vector<16xf32>
          %mul3A_255 = arith.mulf %mul3A_254, %sub3A_252 : vector<16xf32>
          %exp3A_256 = math.exp %mul3A_255 : vector<16xf32>
          %add3A_257 = arith.addf %get3A_248, %exp3A_256 : vector<16xf32>
          %swap3A_258 = arith.index_cast %squeeze3A : i32 to index
          %swap3A_259 = arith.constant 80 : index
          %swap3A_260 = tpu.vector_load %arg11[%swap3A_258, %swap3A_259] {strides = array<i32>} : memref<320x128xf32, #tpu.memory_space<vmem>>, vector<16xf32>,
          tpu.vector_store %arg11[%swap3A_258, %swap3A_259], %add3A_257 {strides = array<i32>} : memref<320x128xf32, #tpu.memory_space<vmem>>, vector<16xf32>,
          %get3A_261 = arith.index_cast %while3A_150 : i32 to index
          %get3A_262 = arith.constant 96 : index
          %get3A_263 = tpu.vector_load %arg15[%get3A_261, %get3A_262] {strides = array<i32>} : memref<128x128xf32, #tpu.memory_space<vmem>>, vector<16xf32>,
          %get3A_264 = arith.index_cast %squeeze3A : i32 to index
          %get3A_265 = arith.constant 96 : index
          %get3A_266 = tpu.vector_load %arg11[%get3A_264, %get3A_265] {strides = array<i32>} : memref<320x128xf32, #tpu.memory_space<vmem>>, vector<16xf32>,
          %get3A_267 = arith.index_cast %squeeze3A : i32 to index
          %get3A_268 = arith.constant 96 : index
          %get3A_269 = tpu.vector_load %arg10[%get3A_267, %get3A_268] {strides = array<i32>} : memref<320x128xf32, #tpu.memory_space<vmem>>, vector<16xf32>,
          %sub3A_270 = arith.subf %get3A_263, %get3A_269 : vector<16xf32>
          %mul3A_271 = arith.constant 1.200000e+01 : f32
          %mul3A_272 = vector.broadcast %mul3A_271 : f32 to vector<16xf32>
          %mul3A_273 = arith.mulf %mul3A_272, %sub3A_270 : vector<16xf32>
          %exp3A_274 = math.exp %mul3A_273 : vector<16xf32>
          %add3A_275 = arith.addf %get3A_266, %exp3A_274 : vector<16xf32>
          %swap3A_276 = arith.index_cast %squeeze3A : i32 to index
          %swap3A_277 = arith.constant 96 : index
          %swap3A_278 = tpu.vector_load %arg11[%swap3A_276, %swap3A_277] {strides = array<i32>} : memref<320x128xf32, #tpu.memory_space<vmem>>, vector<16xf32>,
          tpu.vector_store %arg11[%swap3A_276, %swap3A_277], %add3A_275 {strides = array<i32>} : memref<320x128xf32, #tpu.memory_space<vmem>>, vector<16xf32>,
          %get3A_279 = arith.index_cast %while3A_150 : i32 to index
          %get3A_280 = arith.constant 112 : index
          %get3A_281 = tpu.vector_load %arg15[%get3A_279, %get3A_280] {strides = array<i32>} : memref<128x128xf32, #tpu.memory_space<vmem>>, vector<16xf32>,
          %get3A_282 = arith.index_cast %squeeze3A : i32 to index
          %get3A_283 = arith.constant 112 : index
          %get3A_284 = tpu.vector_load %arg11[%get3A_282, %get3A_283] {strides = array<i32>} : memref<320x128xf32, #tpu.memory_space<vmem>>, vector<16xf32>,
          %get3A_285 = arith.index_cast %squeeze3A : i32 to index
          %get3A_286 = arith.constant 112 : index
          %get3A_287 = tpu.vector_load %arg10[%get3A_285, %get3A_286] {strides = array<i32>} : memref<320x128xf32, #tpu.memory_space<vmem>>, vector<16xf32>,
          %sub3A_288 = arith.subf %get3A_281, %get3A_287 : vector<16xf32>
          %mul3A_289 = arith.constant 1.200000e+01 : f32
          %mul3A_290 = vector.broadcast %mul3A_289 : f32 to vector<16xf32>
          %mul3A_291 = arith.mulf %mul3A_290, %sub3A_288 : vector<16xf32>
          %exp3A_292 = math.exp %mul3A_291 : vector<16xf32>
          %add3A_293 = arith.addf %get3A_284, %exp3A_292 : vector<16xf32>
          %swap3A_294 = arith.index_cast %squeeze3A : i32 to index
          %swap3A_295 = arith.constant 112 : index
          %swap3A_296 = tpu.vector_load %arg11[%swap3A_294, %swap3A_295] {strides = array<i32>} : memref<320x128xf32, #tpu.memory_space<vmem>>, vector<16xf32>,
          tpu.vector_store %arg11[%swap3A_294, %swap3A_295], %add3A_293 {strides = array<i32>} : memref<320x128xf32, #tpu.memory_space<vmem>>, vector<16xf32>,
        }
      }
      %while3A_126 = arith.constant 1 : i32
      scf.for %while3A_127 = %while3A_124 to %while3A_120 step %while3A_126  : i32 {
        %mul3A_128 = arith.constant 128 : i32
        %mul3A_129 = arith.muli %while3A_127, %mul3A_128 : i32
        %dma_start3A = tpu.memref_slice %arg13[%mul3A_129] : memref<2048xi32, #tpu.memory_space<vmem>> -> memref<128xi32, #tpu.memory_space<vmem>>
        %dma_start3A_130 = arith.constant 0 : i32
        %dma_start3A_131 = arith.constant 0 : i32
        %dma_start3A_132 = tpu.memref_slice %arg3[%dma_start3A_130, %dma_start3A_131] : memref<81920x128xf32, #tpu.memory_space<hbm>> -> memref<81920x128xf32, #tpu.memory_space<hbm>>
        tpu.enqueue_indirect_dma source(%dma_start3A_132 : memref<81920x128xf32, #tpu.memory_space<hbm>>) target(%arg15 : memref<128x128xf32, #tpu.memory_space<vmem>>) offsets(%dma_start3A : memref<128xi32, #tpu.memory_space<vmem>>) semaphore(%arg16 : memref<!tpu.dma_semaphore, #tpu.memory_space<semaphore_mem>>)
        %dma_wait3A = tpu.memref_slice %arg13[%mul3A_129] : memref<2048xi32, #tpu.memory_space<vmem>> -> memref<128xi32, #tpu.memory_space<vmem>>
        %dma_wait3A_133 = arith.constant 0 : i32
        %dma_wait3A_134 = arith.constant 0 : i32
        %dma_wait3A_135 = tpu.memref_slice %arg3[%dma_wait3A_133, %dma_wait3A_134] : memref<81920x128xf32, #tpu.memory_space<hbm>> -> memref<81920x128xf32, #tpu.memory_space<hbm>>
        tpu.wait_indirect_dma semaphore(%arg16 : memref<!tpu.dma_semaphore, #tpu.memory_space<semaphore_mem>>) src(%dma_wait3A_135 : memref<81920x128xf32, #tpu.memory_space<hbm>>) dst(%arg15 : memref<128x128xf32, #tpu.memory_space<vmem>>)
        %mul3A_136 = arith.constant 128 : i32
        %mul3A_137 = arith.muli %while3A_127, %mul3A_136 : i32
        %sub3A_138 = arith.subi %scan3A_96, %mul3A_137 : i32
        %min3A = arith.constant 128 : i32
        %min3A_139 = arith.minsi %min3A, %sub3A_138 : i32
        %while3A_140 = arith.constant 0 : i32
        %while3A_141 = arith.constant 0 : i32
        %while3A_142 = arith.subi %min3A_139, %while3A_141 : i32
        %while3A_143 = arith.addi %while3A_141, %while3A_142 : i32
        %while3A_144 = arith.constant 1 : i32
        %while3A_145 = arith.divsi %while3A_142, %while3A_144 : i32
        %while3A_146 = arith.muli %while3A_145, %while3A_144 : i32
        %while3A_147 = arith.addi %while3A_141, %while3A_146 : i32
        %while3A_148 = arith.constant 1 : i32
        scf.for %while3A_150 = %while3A_141 to %while3A_147 step %while3A_148  : i32 {
          %mul3A_151 = arith.constant 128 : i32
          %mul3A_152 = arith.muli %while3A_127, %mul3A_151 : i32
          %add3A_153 = arith.addi %mul3A_152, %while3A_150 : i32
          %get3A = arith.index_cast %add3A_153 : i32 to index
          %get3A_154 = tpu.vector_load %arg14[%get3A] {strides = array<i32>} : memref<2048xi32, #tpu.memory_space<vmem>>, vector<16xi32>,
          %slice3A = vector.extract_strided_slice %get3A_154 {offsets = [0], sizes = [1], strides = [1]} : vector<16xi32> to vector<1xi32>
          %squeeze3A = vector.extract %slice3A[0] : i32 from vector<1xi32>
          %get3A_155 = arith.index_cast %while3A_150 : i32 to index
          %get3A_156 = arith.constant 0 : index
          %get3A_157 = tpu.vector_load %arg15[%get3A_155, %get3A_156] {strides = array<i32>} : memref<128x128xf32, #tpu.memory_space<vmem>>, vector<16xf32>,
          %get3A_158 = arith.index_cast %squeeze3A : i32 to index
          %get3A_159 = arith.constant 0 : index
          %get3A_160 = tpu.vector_load %arg11[%get3A_158, %get3A_159] {strides = array<i32>} : memref<320x128xf32, #tpu.memory_space<vmem>>, vector<16xf32>,
          %get3A_161 = arith.index_cast %squeeze3A : i32 to index
          %get3A_162 = arith.constant 0 : index
          %get3A_163 = tpu.vector_load %arg10[%get3A_161, %get3A_162] {strides = array<i32>} : memref<320x128xf32, #tpu.memory_space<vmem>>, vector<16xf32>,
          %sub3A_164 = arith.subf %get3A_157, %get3A_163 : vector<16xf32>
          %mul3A_165 = arith.constant 1.200000e+01 : f32
          %mul3A_166 = vector.broadcast %mul3A_165 : f32 to vector<16xf32>
          %mul3A_167 = arith.mulf %mul3A_166, %sub3A_164 : vector<16xf32>
          %exp3A = math.exp %mul3A_167 : vector<16xf32>
          %add3A_168 = arith.addf %get3A_160, %exp3A : vector<16xf32>
          %swap3A = arith.index_cast %squeeze3A : i32 to index
          %swap3A_169 = arith.constant 0 : index
          %swap3A_170 = tpu.vector_load %arg11[%swap3A, %swap3A_169] {strides = array<i32>} : memref<320x128xf32, #tpu.memory_space<vmem>>, vector<16xf32>,
          tpu.vector_store %arg11[%swap3A, %swap3A_169], %add3A_168 {strides = array<i32>} : memref<320x128xf32, #tpu.memory_space<vmem>>, vector<16xf32>,
          %get3A_171 = arith.index_cast %while3A_150 : i32 to index
          %get3A_172 = arith.constant 16 : index
          %get3A_173 = tpu.vector_load %arg15[%get3A_171, %get3A_172] {strides = array<i32>} : memref<128x128xf32, #tpu.memory_space<vmem>>, vector<16xf32>,
          %get3A_174 = arith.index_cast %squeeze3A : i32 to index
          %get3A_175 = arith.constant 16 : index
          %get3A_176 = tpu.vector_load %arg11[%get3A_174, %get3A_175] {strides = array<i32>} : memref<320x128xf32, #tpu.memory_space<vmem>>, vector<16xf32>,
          %get3A_177 = arith.index_cast %squeeze3A : i32 to index
          %get3A_178 = arith.constant 16 : index
          %get3A_179 = tpu.vector_load %arg10[%get3A_177, %get3A_178] {strides = array<i32>} : memref<320x128xf32, #tpu.memory_space<vmem>>, vector<16xf32>,
          %sub3A_180 = arith.subf %get3A_173, %get3A_179 : vector<16xf32>
          %mul3A_181 = arith.constant 1.200000e+01 : f32
          %mul3A_182 = vector.broadcast %mul3A_181 : f32 to vector<16xf32>
          %mul3A_183 = arith.mulf %mul3A_182, %sub3A_180 : vector<16xf32>
          %exp3A_184 = math.exp %mul3A_183 : vector<16xf32>
          %add3A_185 = arith.addf %get3A_176, %exp3A_184 : vector<16xf32>
          %swap3A_186 = arith.index_cast %squeeze3A : i32 to index
          %swap3A_187 = arith.constant 16 : index
          %swap3A_188 = tpu.vector_load %arg11[%swap3A_186, %swap3A_187] {strides = array<i32>} : memref<320x128xf32, #tpu.memory_space<vmem>>, vector<16xf32>,
          tpu.vector_store %arg11[%swap3A_186, %swap3A_187], %add3A_185 {strides = array<i32>} : memref<320x128xf32, #tpu.memory_space<vmem>>, vector<16xf32>,
          %get3A_189 = arith.index_cast %while3A_150 : i32 to index
          %get3A_190 = arith.constant 32 : index
          %get3A_191 = tpu.vector_load %arg15[%get3A_189, %get3A_190] {strides = array<i32>} : memref<128x128xf32, #tpu.memory_space<vmem>>, vector<16xf32>,
          %get3A_192 = arith.index_cast %squeeze3A : i32 to index
          %get3A_193 = arith.constant 32 : index
          %get3A_194 = tpu.vector_load %arg11[%get3A_192, %get3A_193] {strides = array<i32>} : memref<320x128xf32, #tpu.memory_space<vmem>>, vector<16xf32>,
          %get3A_195 = arith.index_cast %squeeze3A : i32 to index
          %get3A_196 = arith.constant 32 : index
          %get3A_197 = tpu.vector_load %arg10[%get3A_195, %get3A_196] {strides = array<i32>} : memref<320x128xf32, #tpu.memory_space<vmem>>, vector<16xf32>,
          %sub3A_198 = arith.subf %get3A_191, %get3A_197 : vector<16xf32>
          %mul3A_199 = arith.constant 1.200000e+01 : f32
          %mul3A_200 = vector.broadcast %mul3A_199 : f32 to vector<16xf32>
          %mul3A_201 = arith.mulf %mul3A_200, %sub3A_198 : vector<16xf32>
          %exp3A_202 = math.exp %mul3A_201 : vector<16xf32>
          %add3A_203 = arith.addf %get3A_194, %exp3A_202 : vector<16xf32>
          %swap3A_204 = arith.index_cast %squeeze3A : i32 to index
          %swap3A_205 = arith.constant 32 : index
          %swap3A_206 = tpu.vector_load %arg11[%swap3A_204, %swap3A_205] {strides = array<i32>} : memref<320x128xf32, #tpu.memory_space<vmem>>, vector<16xf32>,
          tpu.vector_store %arg11[%swap3A_204, %swap3A_205], %add3A_203 {strides = array<i32>} : memref<320x128xf32, #tpu.memory_space<vmem>>, vector<16xf32>,
          %get3A_207 = arith.index_cast %while3A_150 : i32 to index
          %get3A_208 = arith.constant 48 : index
          %get3A_209 = tpu.vector_load %arg15[%get3A_207, %get3A_208] {strides = array<i32>} : memref<128x128xf32, #tpu.memory_space<vmem>>, vector<16xf32>,
          %get3A_210 = arith.index_cast %squeeze3A : i32 to index
          %get3A_211 = arith.constant 48 : index
          %get3A_212 = tpu.vector_load %arg11[%get3A_210, %get3A_211] {strides = array<i32>} : memref<320x128xf32, #tpu.memory_space<vmem>>, vector<16xf32>,
          %get3A_213 = arith.index_cast %squeeze3A : i32 to index
          %get3A_214 = arith.constant 48 : index
          %get3A_215 = tpu.vector_load %arg10[%get3A_213, %get3A_214] {strides = array<i32>} : memref<320x128xf32, #tpu.memory_space<vmem>>, vector<16xf32>,
          %sub3A_216 = arith.subf %get3A_209, %get3A_215 : vector<16xf32>
          %mul3A_217 = arith.constant 1.200000e+01 : f32
          %mul3A_218 = vector.broadcast %mul3A_217 : f32 to vector<16xf32>
          %mul3A_219 = arith.mulf %mul3A_218, %sub3A_216 : vector<16xf32>
          %exp3A_220 = math.exp %mul3A_219 : vector<16xf32>
          %add3A_221 = arith.addf %get3A_212, %exp3A_220 : vector<16xf32>
          %swap3A_222 = arith.index_cast %squeeze3A : i32 to index
          %swap3A_223 = arith.constant 48 : index
          %swap3A_224 = tpu.vector_load %arg11[%swap3A_222, %swap3A_223] {strides = array<i32>} : memref<320x128xf32, #tpu.memory_space<vmem>>, vector<16xf32>,
          tpu.vector_store %arg11[%swap3A_222, %swap3A_223], %add3A_221 {strides = array<i32>} : memref<320x128xf32, #tpu.memory_space<vmem>>, vector<16xf32>,
          %get3A_225 = arith.index_cast %while3A_150 : i32 to index
          %get3A_226 = arith.constant 64 : index
          %get3A_227 = tpu.vector_load %arg15[%get3A_225, %get3A_226] {strides = array<i32>} : memref<128x128xf32, #tpu.memory_space<vmem>>, vector<16xf32>,
          %get3A_228 = arith.index_cast %squeeze3A : i32 to index
          %get3A_229 = arith.constant 64 : index
          %get3A_230 = tpu.vector_load %arg11[%get3A_228, %get3A_229] {strides = array<i32>} : memref<320x128xf32, #tpu.memory_space<vmem>>, vector<16xf32>,
          %get3A_231 = arith.index_cast %squeeze3A : i32 to index
          %get3A_232 = arith.constant 64 : index
          %get3A_233 = tpu.vector_load %arg10[%get3A_231, %get3A_232] {strides = array<i32>} : memref<320x128xf32, #tpu.memory_space<vmem>>, vector<16xf32>,
          %sub3A_234 = arith.subf %get3A_227, %get3A_233 : vector<16xf32>
          %mul3A_235 = arith.constant 1.200000e+01 : f32
          %mul3A_236 = vector.broadcast %mul3A_235 : f32 to vector<16xf32>
          %mul3A_237 = arith.mulf %mul3A_236, %sub3A_234 : vector<16xf32>
          %exp3A_238 = math.exp %mul3A_237 : vector<16xf32>
          %add3A_239 = arith.addf %get3A_230, %exp3A_238 : vector<16xf32>
          %swap3A_240 = arith.index_cast %squeeze3A : i32 to index
          %swap3A_241 = arith.constant 64 : index
          %swap3A_242 = tpu.vector_load %arg11[%swap3A_240, %swap3A_241] {strides = array<i32>} : memref<320x128xf32, #tpu.memory_space<vmem>>, vector<16xf32>,
          tpu.vector_store %arg11[%swap3A_240, %swap3A_241], %add3A_239 {strides = array<i32>} : memref<320x128xf32, #tpu.memory_space<vmem>>, vector<16xf32>,
          %get3A_243 = arith.index_cast %while3A_150 : i32 to index
          %get3A_244 = arith.constant 80 : index
          %get3A_245 = tpu.vector_load %arg15[%get3A_243, %get3A_244] {strides = array<i32>} : memref<128x128xf32, #tpu.memory_space<vmem>>, vector<16xf32>,
          %get3A_246 = arith.index_cast %squeeze3A : i32 to index
          %get3A_247 = arith.constant 80 : index
          %get3A_248 = tpu.vector_load %arg11[%get3A_246, %get3A_247] {strides = array<i32>} : memref<320x128xf32, #tpu.memory_space<vmem>>, vector<16xf32>,
          %get3A_249 = arith.index_cast %squeeze3A : i32 to index
          %get3A_250 = arith.constant 80 : index
          %get3A_251 = tpu.vector_load %arg10[%get3A_249, %get3A_250] {strides = array<i32>} : memref<320x128xf32, #tpu.memory_space<vmem>>, vector<16xf32>,
          %sub3A_252 = arith.subf %get3A_245, %get3A_251 : vector<16xf32>
          %mul3A_253 = arith.constant 1.200000e+01 : f32
          %mul3A_254 = vector.broadcast %mul3A_253 : f32 to vector<16xf32>
          %mul3A_255 = arith.mulf %mul3A_254, %sub3A_252 : vector<16xf32>
          %exp3A_256 = math.exp %mul3A_255 : vector<16xf32>
          %add3A_257 = arith.addf %get3A_248, %exp3A_256 : vector<16xf32>
          %swap3A_258 = arith.index_cast %squeeze3A : i32 to index
          %swap3A_259 = arith.constant 80 : index
          %swap3A_260 = tpu.vector_load %arg11[%swap3A_258, %swap3A_259] {strides = array<i32>} : memref<320x128xf32, #tpu.memory_space<vmem>>, vector<16xf32>,
          tpu.vector_store %arg11[%swap3A_258, %swap3A_259], %add3A_257 {strides = array<i32>} : memref<320x128xf32, #tpu.memory_space<vmem>>, vector<16xf32>,
          %get3A_261 = arith.index_cast %while3A_150 : i32 to index
          %get3A_262 = arith.constant 96 : index
          %get3A_263 = tpu.vector_load %arg15[%get3A_261, %get3A_262] {strides = array<i32>} : memref<128x128xf32, #tpu.memory_space<vmem>>, vector<16xf32>,
          %get3A_264 = arith.index_cast %squeeze3A : i32 to index
          %get3A_265 = arith.constant 96 : index
          %get3A_266 = tpu.vector_load %arg11[%get3A_264, %get3A_265] {strides = array<i32>} : memref<320x128xf32, #tpu.memory_space<vmem>>, vector<16xf32>,
          %get3A_267 = arith.index_cast %squeeze3A : i32 to index
          %get3A_268 = arith.constant 96 : index
          %get3A_269 = tpu.vector_load %arg10[%get3A_267, %get3A_268] {strides = array<i32>} : memref<320x128xf32, #tpu.memory_space<vmem>>, vector<16xf32>,
          %sub3A_270 = arith.subf %get3A_263, %get3A_269 : vector<16xf32>
          %mul3A_271 = arith.constant 1.200000e+01 : f32
          %mul3A_272 = vector.broadcast %mul3A_271 : f32 to vector<16xf32>
          %mul3A_273 = arith.mulf %mul3A_272, %sub3A_270 : vector<16xf32>
          %exp3A_274 = math.exp %mul3A_273 : vector<16xf32>
          %add3A_275 = arith.addf %get3A_266, %exp3A_274 : vector<16xf32>
          %swap3A_276 = arith.index_cast %squeeze3A : i32 to index
          %swap3A_277 = arith.constant 96 : index
          %swap3A_278 = tpu.vector_load %arg11[%swap3A_276, %swap3A_277] {strides = array<i32>} : memref<320x128xf32, #tpu.memory_space<vmem>>, vector<16xf32>,
          tpu.vector_store %arg11[%swap3A_276, %swap3A_277], %add3A_275 {strides = array<i32>} : memref<320x128xf32, #tpu.memory_space<vmem>>, vector<16xf32>,
          %get3A_279 = arith.index_cast %while3A_150 : i32 to index
          %get3A_280 = arith.constant 112 : index
          %get3A_281 = tpu.vector_load %arg15[%get3A_279, %get3A_280] {strides = array<i32>} : memref<128x128xf32, #tpu.memory_space<vmem>>, vector<16xf32>,
          %get3A_282 = arith.index_cast %squeeze3A : i32 to index
          %get3A_283 = arith.constant 112 : index
          %get3A_284 = tpu.vector_load %arg11[%get3A_282, %get3A_283] {strides = array<i32>} : memref<320x128xf32, #tpu.memory_space<vmem>>, vector<16xf32>,
          %get3A_285 = arith.index_cast %squeeze3A : i32 to index
          %get3A_286 = arith.constant 112 : index
          %get3A_287 = tpu.vector_load %arg10[%get3A_285, %get3A_286] {strides = array<i32>} : memref<320x128xf32, #tpu.memory_space<vmem>>, vector<16xf32>,
          %sub3A_288 = arith.subf %get3A_281, %get3A_287 : vector<16xf32>
          %mul3A_289 = arith.constant 1.200000e+01 : f32
          %mul3A_290 = vector.broadcast %mul3A_289 : f32 to vector<16xf32>
          %mul3A_291 = arith.mulf %mul3A_290, %sub3A_288 : vector<16xf32>
          %exp3A_292 = math.exp %mul3A_291 : vector<16xf32>
          %add3A_293 = arith.addf %get3A_284, %exp3A_292 : vector<16xf32>
          %swap3A_294 = arith.index_cast %squeeze3A : i32 to index
          %swap3A_295 = arith.constant 112 : index
          %swap3A_296 = tpu.vector_load %arg11[%swap3A_294, %swap3A_295] {strides = array<i32>} : memref<320x128xf32, #tpu.memory_space<vmem>>, vector<16xf32>,
          tpu.vector_store %arg11[%swap3A_294, %swap3A_295], %add3A_293 {strides = array<i32>} : memref<320x128xf32, #tpu.memory_space<vmem>>, vector<16xf32>,
        }
        %while3A_149 = arith.constant 1 : i32
        scf.for %while3A_150 = %while3A_147 to %while3A_143 step %while3A_149  : i32 {
          %mul3A_151 = arith.constant 128 : i32
          %mul3A_152 = arith.muli %while3A_127, %mul3A_151 : i32
          %add3A_153 = arith.addi %mul3A_152, %while3A_150 : i32
          %get3A = arith.index_cast %add3A_153 : i32 to index
          %get3A_154 = tpu.vector_load %arg14[%get3A] {strides = array<i32>} : memref<2048xi32, #tpu.memory_space<vmem>>, vector<16xi32>,
          %slice3A = vector.extract_strided_slice %get3A_154 {offsets = [0], sizes = [1], strides = [1]} : vector<16xi32> to vector<1xi32>
          %squeeze3A = vector.extract %slice3A[0] : i32 from vector<1xi32>
          %get3A_155 = arith.index_cast %while3A_150 : i32 to index
          %get3A_156 = arith.constant 0 : index
          %get3A_157 = tpu.vector_load %arg15[%get3A_155, %get3A_156] {strides = array<i32>} : memref<128x128xf32, #tpu.memory_space<vmem>>, vector<16xf32>,
          %get3A_158 = arith.index_cast %squeeze3A : i32 to index
          %get3A_159 = arith.constant 0 : index
          %get3A_160 = tpu.vector_load %arg11[%get3A_158, %get3A_159] {strides = array<i32>} : memref<320x128xf32, #tpu.memory_space<vmem>>, vector<16xf32>,
          %get3A_161 = arith.index_cast %squeeze3A : i32 to index
          %get3A_162 = arith.constant 0 : index
          %get3A_163 = tpu.vector_load %arg10[%get3A_161, %get3A_162] {strides = array<i32>} : memref<320x128xf32, #tpu.memory_space<vmem>>, vector<16xf32>,
          %sub3A_164 = arith.subf %get3A_157, %get3A_163 : vector<16xf32>
          %mul3A_165 = arith.constant 1.200000e+01 : f32
          %mul3A_166 = vector.broadcast %mul3A_165 : f32 to vector<16xf32>
          %mul3A_167 = arith.mulf %mul3A_166, %sub3A_164 : vector<16xf32>
          %exp3A = math.exp %mul3A_167 : vector<16xf32>
          %add3A_168 = arith.addf %get3A_160, %exp3A : vector<16xf32>
          %swap3A = arith.index_cast %squeeze3A : i32 to index
          %swap3A_169 = arith.constant 0 : index
          %swap3A_170 = tpu.vector_load %arg11[%swap3A, %swap3A_169] {strides = array<i32>} : memref<320x128xf32, #tpu.memory_space<vmem>>, vector<16xf32>,
          tpu.vector_store %arg11[%swap3A, %swap3A_169], %add3A_168 {strides = array<i32>} : memref<320x128xf32, #tpu.memory_space<vmem>>, vector<16xf32>,
          %get3A_171 = arith.index_cast %while3A_150 : i32 to index
          %get3A_172 = arith.constant 16 : index
          %get3A_173 = tpu.vector_load %arg15[%get3A_171, %get3A_172] {strides = array<i32>} : memref<128x128xf32, #tpu.memory_space<vmem>>, vector<16xf32>,
          %get3A_174 = arith.index_cast %squeeze3A : i32 to index
          %get3A_175 = arith.constant 16 : index
          %get3A_176 = tpu.vector_load %arg11[%get3A_174, %get3A_175] {strides = array<i32>} : memref<320x128xf32, #tpu.memory_space<vmem>>, vector<16xf32>,
          %get3A_177 = arith.index_cast %squeeze3A : i32 to index
          %get3A_178 = arith.constant 16 : index
          %get3A_179 = tpu.vector_load %arg10[%get3A_177, %get3A_178] {strides = array<i32>} : memref<320x128xf32, #tpu.memory_space<vmem>>, vector<16xf32>,
          %sub3A_180 = arith.subf %get3A_173, %get3A_179 : vector<16xf32>
          %mul3A_181 = arith.constant 1.200000e+01 : f32
          %mul3A_182 = vector.broadcast %mul3A_181 : f32 to vector<16xf32>
          %mul3A_183 = arith.mulf %mul3A_182, %sub3A_180 : vector<16xf32>
          %exp3A_184 = math.exp %mul3A_183 : vector<16xf32>
          %add3A_185 = arith.addf %get3A_176, %exp3A_184 : vector<16xf32>
          %swap3A_186 = arith.index_cast %squeeze3A : i32 to index
          %swap3A_187 = arith.constant 16 : index
          %swap3A_188 = tpu.vector_load %arg11[%swap3A_186, %swap3A_187] {strides = array<i32>} : memref<320x128xf32, #tpu.memory_space<vmem>>, vector<16xf32>,
          tpu.vector_store %arg11[%swap3A_186, %swap3A_187], %add3A_185 {strides = array<i32>} : memref<320x128xf32, #tpu.memory_space<vmem>>, vector<16xf32>,
          %get3A_189 = arith.index_cast %while3A_150 : i32 to index
          %get3A_190 = arith.constant 32 : index
          %get3A_191 = tpu.vector_load %arg15[%get3A_189, %get3A_190] {strides = array<i32>} : memref<128x128xf32, #tpu.memory_space<vmem>>, vector<16xf32>,
          %get3A_192 = arith.index_cast %squeeze3A : i32 to index
          %get3A_193 = arith.constant 32 : index
          %get3A_194 = tpu.vector_load %arg11[%get3A_192, %get3A_193] {strides = array<i32>} : memref<320x128xf32, #tpu.memory_space<vmem>>, vector<16xf32>,
          %get3A_195 = arith.index_cast %squeeze3A : i32 to index
          %get3A_196 = arith.constant 32 : index
          %get3A_197 = tpu.vector_load %arg10[%get3A_195, %get3A_196] {strides = array<i32>} : memref<320x128xf32, #tpu.memory_space<vmem>>, vector<16xf32>,
          %sub3A_198 = arith.subf %get3A_191, %get3A_197 : vector<16xf32>
          %mul3A_199 = arith.constant 1.200000e+01 : f32
          %mul3A_200 = vector.broadcast %mul3A_199 : f32 to vector<16xf32>
          %mul3A_201 = arith.mulf %mul3A_200, %sub3A_198 : vector<16xf32>
          %exp3A_202 = math.exp %mul3A_201 : vector<16xf32>
          %add3A_203 = arith.addf %get3A_194, %exp3A_202 : vector<16xf32>
          %swap3A_204 = arith.index_cast %squeeze3A : i32 to index
          %swap3A_205 = arith.constant 32 : index
          %swap3A_206 = tpu.vector_load %arg11[%swap3A_204, %swap3A_205] {strides = array<i32>} : memref<320x128xf32, #tpu.memory_space<vmem>>, vector<16xf32>,
          tpu.vector_store %arg11[%swap3A_204, %swap3A_205], %add3A_203 {strides = array<i32>} : memref<320x128xf32, #tpu.memory_space<vmem>>, vector<16xf32>,
          %get3A_207 = arith.index_cast %while3A_150 : i32 to index
          %get3A_208 = arith.constant 48 : index
          %get3A_209 = tpu.vector_load %arg15[%get3A_207, %get3A_208] {strides = array<i32>} : memref<128x128xf32, #tpu.memory_space<vmem>>, vector<16xf32>,
          %get3A_210 = arith.index_cast %squeeze3A : i32 to index
          %get3A_211 = arith.constant 48 : index
          %get3A_212 = tpu.vector_load %arg11[%get3A_210, %get3A_211] {strides = array<i32>} : memref<320x128xf32, #tpu.memory_space<vmem>>, vector<16xf32>,
          %get3A_213 = arith.index_cast %squeeze3A : i32 to index
          %get3A_214 = arith.constant 48 : index
          %get3A_215 = tpu.vector_load %arg10[%get3A_213, %get3A_214] {strides = array<i32>} : memref<320x128xf32, #tpu.memory_space<vmem>>, vector<16xf32>,
          %sub3A_216 = arith.subf %get3A_209, %get3A_215 : vector<16xf32>
          %mul3A_217 = arith.constant 1.200000e+01 : f32
          %mul3A_218 = vector.broadcast %mul3A_217 : f32 to vector<16xf32>
          %mul3A_219 = arith.mulf %mul3A_218, %sub3A_216 : vector<16xf32>
          %exp3A_220 = math.exp %mul3A_219 : vector<16xf32>
          %add3A_221 = arith.addf %get3A_212, %exp3A_220 : vector<16xf32>
          %swap3A_222 = arith.index_cast %squeeze3A : i32 to index
          %swap3A_223 = arith.constant 48 : index
          %swap3A_224 = tpu.vector_load %arg11[%swap3A_222, %swap3A_223] {strides = array<i32>} : memref<320x128xf32, #tpu.memory_space<vmem>>, vector<16xf32>,
          tpu.vector_store %arg11[%swap3A_222, %swap3A_223], %add3A_221 {strides = array<i32>} : memref<320x128xf32, #tpu.memory_space<vmem>>, vector<16xf32>,
          %get3A_225 = arith.index_cast %while3A_150 : i32 to index
          %get3A_226 = arith.constant 64 : index
          %get3A_227 = tpu.vector_load %arg15[%get3A_225, %get3A_226] {strides = array<i32>} : memref<128x128xf32, #tpu.memory_space<vmem>>, vector<16xf32>,
          %get3A_228 = arith.index_cast %squeeze3A : i32 to index
          %get3A_229 = arith.constant 64 : index
          %get3A_230 = tpu.vector_load %arg11[%get3A_228, %get3A_229] {strides = array<i32>} : memref<320x128xf32, #tpu.memory_space<vmem>>, vector<16xf32>,
          %get3A_231 = arith.index_cast %squeeze3A : i32 to index
          %get3A_232 = arith.constant 64 : index
          %get3A_233 = tpu.vector_load %arg10[%get3A_231, %get3A_232] {strides = array<i32>} : memref<320x128xf32, #tpu.memory_space<vmem>>, vector<16xf32>,
          %sub3A_234 = arith.subf %get3A_227, %get3A_233 : vector<16xf32>
          %mul3A_235 = arith.constant 1.200000e+01 : f32
          %mul3A_236 = vector.broadcast %mul3A_235 : f32 to vector<16xf32>
          %mul3A_237 = arith.mulf %mul3A_236, %sub3A_234 : vector<16xf32>
          %exp3A_238 = math.exp %mul3A_237 : vector<16xf32>
          %add3A_239 = arith.addf %get3A_230, %exp3A_238 : vector<16xf32>
          %swap3A_240 = arith.index_cast %squeeze3A : i32 to index
          %swap3A_241 = arith.constant 64 : index
          %swap3A_242 = tpu.vector_load %arg11[%swap3A_240, %swap3A_241] {strides = array<i32>} : memref<320x128xf32, #tpu.memory_space<vmem>>, vector<16xf32>,
          tpu.vector_store %arg11[%swap3A_240, %swap3A_241], %add3A_239 {strides = array<i32>} : memref<320x128xf32, #tpu.memory_space<vmem>>, vector<16xf32>,
          %get3A_243 = arith.index_cast %while3A_150 : i32 to index
          %get3A_244 = arith.constant 80 : index
          %get3A_245 = tpu.vector_load %arg15[%get3A_243, %get3A_244] {strides = array<i32>} : memref<128x128xf32, #tpu.memory_space<vmem>>, vector<16xf32>,
          %get3A_246 = arith.index_cast %squeeze3A : i32 to index
          %get3A_247 = arith.constant 80 : index
          %get3A_248 = tpu.vector_load %arg11[%get3A_246, %get3A_247] {strides = array<i32>} : memref<320x128xf32, #tpu.memory_space<vmem>>, vector<16xf32>,
          %get3A_249 = arith.index_cast %squeeze3A : i32 to index
          %get3A_250 = arith.constant 80 : index
          %get3A_251 = tpu.vector_load %arg10[%get3A_249, %get3A_250] {strides = array<i32>} : memref<320x128xf32, #tpu.memory_space<vmem>>, vector<16xf32>,
          %sub3A_252 = arith.subf %get3A_245, %get3A_251 : vector<16xf32>
          %mul3A_253 = arith.constant 1.200000e+01 : f32
          %mul3A_254 = vector.broadcast %mul3A_253 : f32 to vector<16xf32>
          %mul3A_255 = arith.mulf %mul3A_254, %sub3A_252 : vector<16xf32>
          %exp3A_256 = math.exp %mul3A_255 : vector<16xf32>
          %add3A_257 = arith.addf %get3A_248, %exp3A_256 : vector<16xf32>
          %swap3A_258 = arith.index_cast %squeeze3A : i32 to index
          %swap3A_259 = arith.constant 80 : index
          %swap3A_260 = tpu.vector_load %arg11[%swap3A_258, %swap3A_259] {strides = array<i32>} : memref<320x128xf32, #tpu.memory_space<vmem>>, vector<16xf32>,
          tpu.vector_store %arg11[%swap3A_258, %swap3A_259], %add3A_257 {strides = array<i32>} : memref<320x128xf32, #tpu.memory_space<vmem>>, vector<16xf32>,
          %get3A_261 = arith.index_cast %while3A_150 : i32 to index
          %get3A_262 = arith.constant 96 : index
          %get3A_263 = tpu.vector_load %arg15[%get3A_261, %get3A_262] {strides = array<i32>} : memref<128x128xf32, #tpu.memory_space<vmem>>, vector<16xf32>,
          %get3A_264 = arith.index_cast %squeeze3A : i32 to index
          %get3A_265 = arith.constant 96 : index
          %get3A_266 = tpu.vector_load %arg11[%get3A_264, %get3A_265] {strides = array<i32>} : memref<320x128xf32, #tpu.memory_space<vmem>>, vector<16xf32>,
          %get3A_267 = arith.index_cast %squeeze3A : i32 to index
          %get3A_268 = arith.constant 96 : index
          %get3A_269 = tpu.vector_load %arg10[%get3A_267, %get3A_268] {strides = array<i32>} : memref<320x128xf32, #tpu.memory_space<vmem>>, vector<16xf32>,
          %sub3A_270 = arith.subf %get3A_263, %get3A_269 : vector<16xf32>
          %mul3A_271 = arith.constant 1.200000e+01 : f32
          %mul3A_272 = vector.broadcast %mul3A_271 : f32 to vector<16xf32>
          %mul3A_273 = arith.mulf %mul3A_272, %sub3A_270 : vector<16xf32>
          %exp3A_274 = math.exp %mul3A_273 : vector<16xf32>
          %add3A_275 = arith.addf %get3A_266, %exp3A_274 : vector<16xf32>
          %swap3A_276 = arith.index_cast %squeeze3A : i32 to index
          %swap3A_277 = arith.constant 96 : index
          %swap3A_278 = tpu.vector_load %arg11[%swap3A_276, %swap3A_277] {strides = array<i32>} : memref<320x128xf32, #tpu.memory_space<vmem>>, vector<16xf32>,
          tpu.vector_store %arg11[%swap3A_276, %swap3A_277], %add3A_275 {strides = array<i32>} : memref<320x128xf32, #tpu.memory_space<vmem>>, vector<16xf32>,
          %get3A_279 = arith.index_cast %while3A_150 : i32 to index
          %get3A_280 = arith.constant 112 : index
          %get3A_281 = tpu.vector_load %arg15[%get3A_279, %get3A_280] {strides = array<i32>} : memref<128x128xf32, #tpu.memory_space<vmem>>, vector<16xf32>,
          %get3A_282 = arith.index_cast %squeeze3A : i32 to index
          %get3A_283 = arith.constant 112 : index
          %get3A_284 = tpu.vector_load %arg11[%get3A_282, %get3A_283] {strides = array<i32>} : memref<320x128xf32, #tpu.memory_space<vmem>>, vector<16xf32>,
          %get3A_285 = arith.index_cast %squeeze3A : i32 to index
          %get3A_286 = arith.constant 112 : index
          %get3A_287 = tpu.vector_load %arg10[%get3A_285, %get3A_286] {strides = array<i32>} : memref<320x128xf32, #tpu.memory_space<vmem>>, vector<16xf32>,
          %sub3A_288 = arith.subf %get3A_281, %get3A_287 : vector<16xf32>
          %mul3A_289 = arith.constant 1.200000e+01 : f32
          %mul3A_290 = vector.broadcast %mul3A_289 : f32 to vector<16xf32>
          %mul3A_291 = arith.mulf %mul3A_290, %sub3A_288 : vector<16xf32>
          %exp3A_292 = math.exp %mul3A_291 : vector<16xf32>
          %add3A_293 = arith.addf %get3A_284, %exp3A_292 : vector<16xf32>
          %swap3A_294 = arith.index_cast %squeeze3A : i32 to index
          %swap3A_295 = arith.constant 112 : index
          %swap3A_296 = tpu.vector_load %arg11[%swap3A_294, %swap3A_295] {strides = array<i32>} : memref<320x128xf32, #tpu.memory_space<vmem>>, vector<16xf32>,
          tpu.vector_store %arg11[%swap3A_294, %swap3A_295], %add3A_293 {strides = array<i32>} : memref<320x128xf32, #tpu.memory_space<vmem>>, vector<16xf32>,
        }
      }
    }
    %scan3A_73 = arith.constant 40 : i32
    %scan3A_74 = arith.constant 0 : i32
    %scan3A_75 = arith.constant 0 : i32
    %scan3A_76 = arith.constant 128 : i32
    %scan3A_77 = arith.addi %scan3A_75, %scan3A_76 : i32
    %scan3A_78 = arith.constant 1 : i32
    scf.for %scan3A_86 = %scan3A_75 to %scan3A_77 step %scan3A_78  : i32 {
      %broadcast_in_dim3A = arith.constant 0 : i32
      %broadcast_in_dim3A_87 = vector.broadcast %broadcast_in_dim3A : i32 to vector<16xi32>
      %mul3A_88 = arith.constant 16 : i32
      %mul3A_89 = arith.muli %scan3A_86, %mul3A_88 : i32
      %swap3A = arith.index_cast %mul3A_89 : i32 to index
      %swap3A_90 = tpu.vector_load %arg13[%swap3A] {strides = array<i32>} : memref<2048xi32, #tpu.memory_space<vmem>>, vector<16xi32>,
      tpu.vector_store %arg13[%swap3A], %broadcast_in_dim3A_87 {strides = array<i32>} : memref<2048xi32, #tpu.memory_space<vmem>>, vector<16xi32>,
    }
    %scan3A_79 = arith.constant 128 : i32
    %scan3A_80 = arith.constant 0 : i32
    %scan3A_81 = arith.constant 0 : i32
    %scan3A_82 = arith.constant 60 : i32
    %scan3A_83 = arith.addi %scan3A_81, %scan3A_82 : i32
    %scan3A_84 = arith.constant 1 : i32
    scf.for %scan3A_86 = %scan3A_81 to %scan3A_83 step %scan3A_84  : i32 {
      %mul3A_87 = arith.constant 2000 : i32
      %mul3A_88 = arith.muli %scan3A_86, %mul3A_87 : i32
      "tpu.region"() ({
        %run_scoped3A = tpu.sem_alloc : memref<!tpu.dma_semaphore, #tpu.memory_space<semaphore_mem>>
        %dma_start3A = tpu.memref_slice %arg7[%mul3A_88] : memref<120000xi32, #tpu.memory_space<hbm>> -> memref<2000xi32, #tpu.memory_space<hbm>>
        %dma_start3A_127 = tpu.memref_slice %arg7[%mul3A_88] : memref<120000xi32, #tpu.memory_space<hbm>> -> memref<2000xi32, #tpu.memory_space<hbm>>
        tpu.enqueue_dma source(%dma_start3A_127 : memref<2000xi32, #tpu.memory_space<hbm>>) target(%arg12 : memref<2000xi32, #tpu.memory_space<vmem>>) target_semaphore(%run_scoped3A : memref<!tpu.dma_semaphore, #tpu.memory_space<semaphore_mem>>)
        %dma_wait3A = tpu.memref_slice %arg7[%mul3A_88] : memref<120000xi32, #tpu.memory_space<hbm>> -> memref<2000xi32, #tpu.memory_space<hbm>>
        %dma_wait3A_128 = tpu.memref_slice %arg7[%mul3A_88] : memref<120000xi32, #tpu.memory_space<hbm>> -> memref<2000xi32, #tpu.memory_space<hbm>>
        tpu.wait_dma2 semaphore(%run_scoped3A : memref<!tpu.dma_semaphore, #tpu.memory_space<semaphore_mem>>) src(%dma_wait3A_128 : memref<2000xi32, #tpu.memory_space<hbm>>) dst(%arg12 : memref<2000xi32, #tpu.memory_space<vmem>>)
        tpu.yield
      }) : () -> ()
      %mul3A_89 = arith.constant 2000 : i32
      %mul3A_90 = arith.muli %scan3A_86, %mul3A_89 : i32
      %scan3A_91 = arith.constant 0 : i32
      %scan3A_92 = arith.constant 0 : i32
      %scan3A_93 = arith.constant 125 : i32
      %scan3A_94 = arith.addi %scan3A_92, %scan3A_93 : i32
      %scan3A_95 = arith.constant 1 : i32
      %scan3A_96 = scf.for %scan3A_127 = %scan3A_92 to %scan3A_94 step %scan3A_95 iter_args(%scan3A_128 = %scan3A_91) -> (i32)  : i32 {
        %mul3A_129 = arith.constant 16 : i32
        %mul3A_130 = arith.muli %scan3A_127, %mul3A_129 : i32
        %get3A = arith.index_cast %mul3A_130 : i32 to index
        %get3A_131 = tpu.vector_load %arg12[%get3A] {strides = array<i32>} : memref<2000xi32, #tpu.memory_space<vmem>>, vector<16xi32>,
        %mul3A_132 = arith.constant 16 : i32
        %mul3A_133 = arith.muli %scan3A_127, %mul3A_132 : i32
        %add3A_134 = arith.addi %mul3A_90, %mul3A_133 : i32
        %add3A_135 = vector.broadcast %add3A_134 : i32 to vector<16xi32>
        %add3A_136 = arith.addi %add3A_135, %iota3A : vector<16xi32>
        %ge3A = vector.broadcast %mul3A_2 : i32 to vector<16xi32>
        %ge3A_137 = arith.cmpi sge, %get3A_131, %ge3A : vector<16xi32>
        %add3A_138 = arith.constant 320 : i32
        %add3A_139 = arith.addi %mul3A_2, %add3A_138 : i32
        %lt3A = vector.broadcast %add3A_139 : i32 to vector<16xi32>
        %lt3A_140 = arith.cmpi slt, %get3A_131, %lt3A : vector<16xi32>
        %and3A_141 = arith.andi %ge3A_137, %lt3A_140 : vector<16xi1>
        %jit3A_142 = arith.constant 1 : i32
        %jit3A_143 = arith.constant 0 : i32
        %broadcast_in_dim3A = vector.broadcast %jit3A_142 : i32 to vector<16xi32>
        %broadcast_in_dim3A_144 = vector.broadcast %jit3A_143 : i32 to vector<16xi32>
        %select_n3A_145 = arith.select %and3A_141, %broadcast_in_dim3A, %broadcast_in_dim3A_144 : vector<16xi1>, vector<16xi32>
        %broadcast_in_dim3A_146 = arith.constant true
        %broadcast_in_dim3A_147 = vector.broadcast %broadcast_in_dim3A_146 : i1 to vector<16xi1>
        %masked_cumsum3A = tpu.scan <sum>, %select_n3A_145 masked %broadcast_in_dim3A_147 : vector<16xi32>, vector<16xi1> -> vector<16xi32>
        %add3A_148 = vector.broadcast %scan3A_128 : i32 to vector<16xi32>
        %add3A_149 = arith.addi %add3A_148, %masked_cumsum3A : vector<16xi32>
        %sub3A_150 = arith.constant 1 : i32
        %sub3A_151 = vector.broadcast %sub3A_150 : i32 to vector<16xi32>
        %sub3A_152 = arith.subi %add3A_149, %sub3A_151 : vector<16xi32>
        tpu.vector_store_idx %arg13[%sub3A_152], %add3A_136 masked %and3A_141 : memref<2048xi32, #tpu.memory_space<vmem>>[vector<16xi32>], vector<16xi32>, vector<16xi1>
        %sub3A_153 = vector.broadcast %mul3A_2 : i32 to vector<16xi32>
        %sub3A_154 = arith.subi %get3A_131, %sub3A_153 : vector<16xi32>
        tpu.vector_store_idx %arg14[%sub3A_152], %sub3A_154 masked %and3A_141 : memref<2048xi32, #tpu.memory_space<vmem>>[vector<16xi32>], vector<16xi32>, vector<16xi1>
        %slice3A = vector.extract_strided_slice %masked_cumsum3A {offsets = [15], sizes = [1], strides = [1]} : vector<16xi32> to vector<1xi32>
        %squeeze3A = vector.extract %slice3A[0] : i32 from vector<1xi32>
        %add3A_155 = arith.addi %scan3A_128, %squeeze3A : i32
        scf.yield %add3A_155 : i32
      }
      %scan3A_97 = arith.constant 125 : i32
      %add3A_98 = arith.constant 128 : i32
      %add3A_99 = arith.addi %scan3A_96, %add3A_98 : i32
      %sub3A = arith.constant 1 : i32
      %sub3A_100 = arith.subi %add3A_99, %sub3A : i32
      %jit3A = arith.constant 128 : i32
      %div3A = arith.divsi %sub3A_100, %jit3A : i32
      %sign3A = arith.constant 0 : i32
      %sign3A_101 = arith.cmpi sgt, %sub3A_100, %sign3A : i32
      %sign3A_102 = arith.extui %sign3A_101 : i1 to i32
      %sign3A_103 = arith.constant 0 : i32
      %sign3A_104 = arith.cmpi slt, %sub3A_100, %sign3A_103 : i32
      %sign3A_105 = arith.extui %sign3A_104 : i1 to i32
      %sign3A_106 = arith.subi %sign3A_102, %sign3A_105 : i32
      %sign3A_107 = arith.constant 0 : i32
      %sign3A_108 = arith.cmpi sgt, %jit3A, %sign3A_107 : i32
      %sign3A_109 = arith.extui %sign3A_108 : i1 to i32
      %sign3A_110 = arith.constant 0 : i32
      %sign3A_111 = arith.cmpi slt, %jit3A, %sign3A_110 : i32
      %sign3A_112 = arith.extui %sign3A_111 : i1 to i32
      %sign3A_113 = arith.subi %sign3A_109, %sign3A_112 : i32
      %ne3A = arith.cmpi ne, %sign3A_106, %sign3A_113 : i32
      %rem3A = arith.remsi %sub3A_100, %jit3A : i32
      %ne3A_114 = arith.constant 0 : i32
      %ne3A_115 = arith.cmpi ne, %rem3A, %ne3A_114 : i32
      %and3A = arith.andi %ne3A, %ne3A_115 : i1
      %sub3A_116 = arith.constant 1 : i32
      %sub3A_117 = arith.subi %div3A, %sub3A_116 : i32
      %select_n3A = arith.select %and3A, %sub3A_117, %div3A : i32
      %while3A = arith.constant 0 : i32
      %while3A_118 = arith.constant 0 : i32
      %while3A_119 = arith.subi %select_n3A, %while3A_118 : i32
      %while3A_120 = arith.addi %while3A_118, %while3A_119 : i32
      %while3A_121 = arith.constant 1 : i32
      %while3A_122 = arith.divsi %while3A_119, %while3A_121 : i32
      %while3A_123 = arith.muli %while3A_122, %while3A_121 : i32
      %while3A_124 = arith.addi %while3A_118, %while3A_123 : i32
      %while3A_125 = arith.constant 1 : i32
      scf.for %while3A_127 = %while3A_118 to %while3A_124 step %while3A_125  : i32 {
        %mul3A_128 = arith.constant 128 : i32
        %mul3A_129 = arith.muli %while3A_127, %mul3A_128 : i32
        %dma_start3A = tpu.memref_slice %arg13[%mul3A_129] : memref<2048xi32, #tpu.memory_space<vmem>> -> memref<128xi32, #tpu.memory_space<vmem>>
        %dma_start3A_130 = arith.constant 0 : i32
        %dma_start3A_131 = arith.constant 0 : i32
        %dma_start3A_132 = tpu.memref_slice %arg4[%dma_start3A_130, %dma_start3A_131] : memref<122880x128xf32, #tpu.memory_space<hbm>> -> memref<122880x128xf32, #tpu.memory_space<hbm>>
        tpu.enqueue_indirect_dma source(%dma_start3A_132 : memref<122880x128xf32, #tpu.memory_space<hbm>>) target(%arg15 : memref<128x128xf32, #tpu.memory_space<vmem>>) offsets(%dma_start3A : memref<128xi32, #tpu.memory_space<vmem>>) semaphore(%arg16 : memref<!tpu.dma_semaphore, #tpu.memory_space<semaphore_mem>>)
        %dma_wait3A = tpu.memref_slice %arg13[%mul3A_129] : memref<2048xi32, #tpu.memory_space<vmem>> -> memref<128xi32, #tpu.memory_space<vmem>>
        %dma_wait3A_133 = arith.constant 0 : i32
        %dma_wait3A_134 = arith.constant 0 : i32
        %dma_wait3A_135 = tpu.memref_slice %arg4[%dma_wait3A_133, %dma_wait3A_134] : memref<122880x128xf32, #tpu.memory_space<hbm>> -> memref<122880x128xf32, #tpu.memory_space<hbm>>
        tpu.wait_indirect_dma semaphore(%arg16 : memref<!tpu.dma_semaphore, #tpu.memory_space<semaphore_mem>>) src(%dma_wait3A_135 : memref<122880x128xf32, #tpu.memory_space<hbm>>) dst(%arg15 : memref<128x128xf32, #tpu.memory_space<vmem>>)
        %mul3A_136 = arith.constant 128 : i32
        %mul3A_137 = arith.muli %while3A_127, %mul3A_136 : i32
        %sub3A_138 = arith.subi %scan3A_96, %mul3A_137 : i32
        %min3A = arith.constant 128 : i32
        %min3A_139 = arith.minsi %min3A, %sub3A_138 : i32
        %while3A_140 = arith.constant 0 : i32
        %while3A_141 = arith.constant 0 : i32
        %while3A_142 = arith.subi %min3A_139, %while3A_141 : i32
        %while3A_143 = arith.addi %while3A_141, %while3A_142 : i32
        %while3A_144 = arith.constant 1 : i32
        %while3A_145 = arith.divsi %while3A_142, %while3A_144 : i32
        %while3A_146 = arith.muli %while3A_145, %while3A_144 : i32
        %while3A_147 = arith.addi %while3A_141, %while3A_146 : i32
        %while3A_148 = arith.constant 1 : i32
        scf.for %while3A_150 = %while3A_141 to %while3A_147 step %while3A_148  : i32 {
          %mul3A_151 = arith.constant 128 : i32
          %mul3A_152 = arith.muli %while3A_127, %mul3A_151 : i32
          %add3A_153 = arith.addi %mul3A_152, %while3A_150 : i32
          %get3A = arith.index_cast %add3A_153 : i32 to index
          %get3A_154 = tpu.vector_load %arg14[%get3A] {strides = array<i32>} : memref<2048xi32, #tpu.memory_space<vmem>>, vector<16xi32>,
          %slice3A = vector.extract_strided_slice %get3A_154 {offsets = [0], sizes = [1], strides = [1]} : vector<16xi32> to vector<1xi32>
          %squeeze3A = vector.extract %slice3A[0] : i32 from vector<1xi32>
          %get3A_155 = arith.index_cast %while3A_150 : i32 to index
          %get3A_156 = arith.constant 0 : index
          %get3A_157 = tpu.vector_load %arg15[%get3A_155, %get3A_156] {strides = array<i32>} : memref<128x128xf32, #tpu.memory_space<vmem>>, vector<16xf32>,
          %get3A_158 = arith.index_cast %squeeze3A : i32 to index
          %get3A_159 = arith.constant 0 : index
          %get3A_160 = tpu.vector_load %arg11[%get3A_158, %get3A_159] {strides = array<i32>} : memref<320x128xf32, #tpu.memory_space<vmem>>, vector<16xf32>,
          %get3A_161 = arith.index_cast %squeeze3A : i32 to index
          %get3A_162 = arith.constant 0 : index
          %get3A_163 = tpu.vector_load %arg10[%get3A_161, %get3A_162] {strides = array<i32>} : memref<320x128xf32, #tpu.memory_space<vmem>>, vector<16xf32>,
          %sub3A_164 = arith.subf %get3A_157, %get3A_163 : vector<16xf32>
          %mul3A_165 = arith.constant 1.200000e+01 : f32
          %mul3A_166 = vector.broadcast %mul3A_165 : f32 to vector<16xf32>
          %mul3A_167 = arith.mulf %mul3A_166, %sub3A_164 : vector<16xf32>
          %exp3A = math.exp %mul3A_167 : vector<16xf32>
          %add3A_168 = arith.addf %get3A_160, %exp3A : vector<16xf32>
          %swap3A = arith.index_cast %squeeze3A : i32 to index
          %swap3A_169 = arith.constant 0 : index
          %swap3A_170 = tpu.vector_load %arg11[%swap3A, %swap3A_169] {strides = array<i32>} : memref<320x128xf32, #tpu.memory_space<vmem>>, vector<16xf32>,
          tpu.vector_store %arg11[%swap3A, %swap3A_169], %add3A_168 {strides = array<i32>} : memref<320x128xf32, #tpu.memory_space<vmem>>, vector<16xf32>,
          %get3A_171 = arith.index_cast %while3A_150 : i32 to index
          %get3A_172 = arith.constant 16 : index
          %get3A_173 = tpu.vector_load %arg15[%get3A_171, %get3A_172] {strides = array<i32>} : memref<128x128xf32, #tpu.memory_space<vmem>>, vector<16xf32>,
          %get3A_174 = arith.index_cast %squeeze3A : i32 to index
          %get3A_175 = arith.constant 16 : index
          %get3A_176 = tpu.vector_load %arg11[%get3A_174, %get3A_175] {strides = array<i32>} : memref<320x128xf32, #tpu.memory_space<vmem>>, vector<16xf32>,
          %get3A_177 = arith.index_cast %squeeze3A : i32 to index
          %get3A_178 = arith.constant 16 : index
          %get3A_179 = tpu.vector_load %arg10[%get3A_177, %get3A_178] {strides = array<i32>} : memref<320x128xf32, #tpu.memory_space<vmem>>, vector<16xf32>,
          %sub3A_180 = arith.subf %get3A_173, %get3A_179 : vector<16xf32>
          %mul3A_181 = arith.constant 1.200000e+01 : f32
          %mul3A_182 = vector.broadcast %mul3A_181 : f32 to vector<16xf32>
          %mul3A_183 = arith.mulf %mul3A_182, %sub3A_180 : vector<16xf32>
          %exp3A_184 = math.exp %mul3A_183 : vector<16xf32>
          %add3A_185 = arith.addf %get3A_176, %exp3A_184 : vector<16xf32>
          %swap3A_186 = arith.index_cast %squeeze3A : i32 to index
          %swap3A_187 = arith.constant 16 : index
          %swap3A_188 = tpu.vector_load %arg11[%swap3A_186, %swap3A_187] {strides = array<i32>} : memref<320x128xf32, #tpu.memory_space<vmem>>, vector<16xf32>,
          tpu.vector_store %arg11[%swap3A_186, %swap3A_187], %add3A_185 {strides = array<i32>} : memref<320x128xf32, #tpu.memory_space<vmem>>, vector<16xf32>,
          %get3A_189 = arith.index_cast %while3A_150 : i32 to index
          %get3A_190 = arith.constant 32 : index
          %get3A_191 = tpu.vector_load %arg15[%get3A_189, %get3A_190] {strides = array<i32>} : memref<128x128xf32, #tpu.memory_space<vmem>>, vector<16xf32>,
          %get3A_192 = arith.index_cast %squeeze3A : i32 to index
          %get3A_193 = arith.constant 32 : index
          %get3A_194 = tpu.vector_load %arg11[%get3A_192, %get3A_193] {strides = array<i32>} : memref<320x128xf32, #tpu.memory_space<vmem>>, vector<16xf32>,
          %get3A_195 = arith.index_cast %squeeze3A : i32 to index
          %get3A_196 = arith.constant 32 : index
          %get3A_197 = tpu.vector_load %arg10[%get3A_195, %get3A_196] {strides = array<i32>} : memref<320x128xf32, #tpu.memory_space<vmem>>, vector<16xf32>,
          %sub3A_198 = arith.subf %get3A_191, %get3A_197 : vector<16xf32>
          %mul3A_199 = arith.constant 1.200000e+01 : f32
          %mul3A_200 = vector.broadcast %mul3A_199 : f32 to vector<16xf32>
          %mul3A_201 = arith.mulf %mul3A_200, %sub3A_198 : vector<16xf32>
          %exp3A_202 = math.exp %mul3A_201 : vector<16xf32>
          %add3A_203 = arith.addf %get3A_194, %exp3A_202 : vector<16xf32>
          %swap3A_204 = arith.index_cast %squeeze3A : i32 to index
          %swap3A_205 = arith.constant 32 : index
          %swap3A_206 = tpu.vector_load %arg11[%swap3A_204, %swap3A_205] {strides = array<i32>} : memref<320x128xf32, #tpu.memory_space<vmem>>, vector<16xf32>,
          tpu.vector_store %arg11[%swap3A_204, %swap3A_205], %add3A_203 {strides = array<i32>} : memref<320x128xf32, #tpu.memory_space<vmem>>, vector<16xf32>,
          %get3A_207 = arith.index_cast %while3A_150 : i32 to index
          %get3A_208 = arith.constant 48 : index
          %get3A_209 = tpu.vector_load %arg15[%get3A_207, %get3A_208] {strides = array<i32>} : memref<128x128xf32, #tpu.memory_space<vmem>>, vector<16xf32>,
          %get3A_210 = arith.index_cast %squeeze3A : i32 to index
          %get3A_211 = arith.constant 48 : index
          %get3A_212 = tpu.vector_load %arg11[%get3A_210, %get3A_211] {strides = array<i32>} : memref<320x128xf32, #tpu.memory_space<vmem>>, vector<16xf32>,
          %get3A_213 = arith.index_cast %squeeze3A : i32 to index
          %get3A_214 = arith.constant 48 : index
          %get3A_215 = tpu.vector_load %arg10[%get3A_213, %get3A_214] {strides = array<i32>} : memref<320x128xf32, #tpu.memory_space<vmem>>, vector<16xf32>,
          %sub3A_216 = arith.subf %get3A_209, %get3A_215 : vector<16xf32>
          %mul3A_217 = arith.constant 1.200000e+01 : f32
          %mul3A_218 = vector.broadcast %mul3A_217 : f32 to vector<16xf32>
          %mul3A_219 = arith.mulf %mul3A_218, %sub3A_216 : vector<16xf32>
          %exp3A_220 = math.exp %mul3A_219 : vector<16xf32>
          %add3A_221 = arith.addf %get3A_212, %exp3A_220 : vector<16xf32>
          %swap3A_222 = arith.index_cast %squeeze3A : i32 to index
          %swap3A_223 = arith.constant 48 : index
          %swap3A_224 = tpu.vector_load %arg11[%swap3A_222, %swap3A_223] {strides = array<i32>} : memref<320x128xf32, #tpu.memory_space<vmem>>, vector<16xf32>,
          tpu.vector_store %arg11[%swap3A_222, %swap3A_223], %add3A_221 {strides = array<i32>} : memref<320x128xf32, #tpu.memory_space<vmem>>, vector<16xf32>,
          %get3A_225 = arith.index_cast %while3A_150 : i32 to index
          %get3A_226 = arith.constant 64 : index
          %get3A_227 = tpu.vector_load %arg15[%get3A_225, %get3A_226] {strides = array<i32>} : memref<128x128xf32, #tpu.memory_space<vmem>>, vector<16xf32>,
          %get3A_228 = arith.index_cast %squeeze3A : i32 to index
          %get3A_229 = arith.constant 64 : index
          %get3A_230 = tpu.vector_load %arg11[%get3A_228, %get3A_229] {strides = array<i32>} : memref<320x128xf32, #tpu.memory_space<vmem>>, vector<16xf32>,
          %get3A_231 = arith.index_cast %squeeze3A : i32 to index
          %get3A_232 = arith.constant 64 : index
          %get3A_233 = tpu.vector_load %arg10[%get3A_231, %get3A_232] {strides = array<i32>} : memref<320x128xf32, #tpu.memory_space<vmem>>, vector<16xf32>,
          %sub3A_234 = arith.subf %get3A_227, %get3A_233 : vector<16xf32>
          %mul3A_235 = arith.constant 1.200000e+01 : f32
          %mul3A_236 = vector.broadcast %mul3A_235 : f32 to vector<16xf32>
          %mul3A_237 = arith.mulf %mul3A_236, %sub3A_234 : vector<16xf32>
          %exp3A_238 = math.exp %mul3A_237 : vector<16xf32>
          %add3A_239 = arith.addf %get3A_230, %exp3A_238 : vector<16xf32>
          %swap3A_240 = arith.index_cast %squeeze3A : i32 to index
          %swap3A_241 = arith.constant 64 : index
          %swap3A_242 = tpu.vector_load %arg11[%swap3A_240, %swap3A_241] {strides = array<i32>} : memref<320x128xf32, #tpu.memory_space<vmem>>, vector<16xf32>,
          tpu.vector_store %arg11[%swap3A_240, %swap3A_241], %add3A_239 {strides = array<i32>} : memref<320x128xf32, #tpu.memory_space<vmem>>, vector<16xf32>,
          %get3A_243 = arith.index_cast %while3A_150 : i32 to index
          %get3A_244 = arith.constant 80 : index
          %get3A_245 = tpu.vector_load %arg15[%get3A_243, %get3A_244] {strides = array<i32>} : memref<128x128xf32, #tpu.memory_space<vmem>>, vector<16xf32>,
          %get3A_246 = arith.index_cast %squeeze3A : i32 to index
          %get3A_247 = arith.constant 80 : index
          %get3A_248 = tpu.vector_load %arg11[%get3A_246, %get3A_247] {strides = array<i32>} : memref<320x128xf32, #tpu.memory_space<vmem>>, vector<16xf32>,
          %get3A_249 = arith.index_cast %squeeze3A : i32 to index
          %get3A_250 = arith.constant 80 : index
          %get3A_251 = tpu.vector_load %arg10[%get3A_249, %get3A_250] {strides = array<i32>} : memref<320x128xf32, #tpu.memory_space<vmem>>, vector<16xf32>,
          %sub3A_252 = arith.subf %get3A_245, %get3A_251 : vector<16xf32>
          %mul3A_253 = arith.constant 1.200000e+01 : f32
          %mul3A_254 = vector.broadcast %mul3A_253 : f32 to vector<16xf32>
          %mul3A_255 = arith.mulf %mul3A_254, %sub3A_252 : vector<16xf32>
          %exp3A_256 = math.exp %mul3A_255 : vector<16xf32>
          %add3A_257 = arith.addf %get3A_248, %exp3A_256 : vector<16xf32>
          %swap3A_258 = arith.index_cast %squeeze3A : i32 to index
          %swap3A_259 = arith.constant 80 : index
          %swap3A_260 = tpu.vector_load %arg11[%swap3A_258, %swap3A_259] {strides = array<i32>} : memref<320x128xf32, #tpu.memory_space<vmem>>, vector<16xf32>,
          tpu.vector_store %arg11[%swap3A_258, %swap3A_259], %add3A_257 {strides = array<i32>} : memref<320x128xf32, #tpu.memory_space<vmem>>, vector<16xf32>,
          %get3A_261 = arith.index_cast %while3A_150 : i32 to index
          %get3A_262 = arith.constant 96 : index
          %get3A_263 = tpu.vector_load %arg15[%get3A_261, %get3A_262] {strides = array<i32>} : memref<128x128xf32, #tpu.memory_space<vmem>>, vector<16xf32>,
          %get3A_264 = arith.index_cast %squeeze3A : i32 to index
          %get3A_265 = arith.constant 96 : index
          %get3A_266 = tpu.vector_load %arg11[%get3A_264, %get3A_265] {strides = array<i32>} : memref<320x128xf32, #tpu.memory_space<vmem>>, vector<16xf32>,
          %get3A_267 = arith.index_cast %squeeze3A : i32 to index
          %get3A_268 = arith.constant 96 : index
          %get3A_269 = tpu.vector_load %arg10[%get3A_267, %get3A_268] {strides = array<i32>} : memref<320x128xf32, #tpu.memory_space<vmem>>, vector<16xf32>,
          %sub3A_270 = arith.subf %get3A_263, %get3A_269 : vector<16xf32>
          %mul3A_271 = arith.constant 1.200000e+01 : f32
          %mul3A_272 = vector.broadcast %mul3A_271 : f32 to vector<16xf32>
          %mul3A_273 = arith.mulf %mul3A_272, %sub3A_270 : vector<16xf32>
          %exp3A_274 = math.exp %mul3A_273 : vector<16xf32>
          %add3A_275 = arith.addf %get3A_266, %exp3A_274 : vector<16xf32>
          %swap3A_276 = arith.index_cast %squeeze3A : i32 to index
          %swap3A_277 = arith.constant 96 : index
          %swap3A_278 = tpu.vector_load %arg11[%swap3A_276, %swap3A_277] {strides = array<i32>} : memref<320x128xf32, #tpu.memory_space<vmem>>, vector<16xf32>,
          tpu.vector_store %arg11[%swap3A_276, %swap3A_277], %add3A_275 {strides = array<i32>} : memref<320x128xf32, #tpu.memory_space<vmem>>, vector<16xf32>,
          %get3A_279 = arith.index_cast %while3A_150 : i32 to index
          %get3A_280 = arith.constant 112 : index
          %get3A_281 = tpu.vector_load %arg15[%get3A_279, %get3A_280] {strides = array<i32>} : memref<128x128xf32, #tpu.memory_space<vmem>>, vector<16xf32>,
          %get3A_282 = arith.index_cast %squeeze3A : i32 to index
          %get3A_283 = arith.constant 112 : index
          %get3A_284 = tpu.vector_load %arg11[%get3A_282, %get3A_283] {strides = array<i32>} : memref<320x128xf32, #tpu.memory_space<vmem>>, vector<16xf32>,
          %get3A_285 = arith.index_cast %squeeze3A : i32 to index
          %get3A_286 = arith.constant 112 : index
          %get3A_287 = tpu.vector_load %arg10[%get3A_285, %get3A_286] {strides = array<i32>} : memref<320x128xf32, #tpu.memory_space<vmem>>, vector<16xf32>,
          %sub3A_288 = arith.subf %get3A_281, %get3A_287 : vector<16xf32>
          %mul3A_289 = arith.constant 1.200000e+01 : f32
          %mul3A_290 = vector.broadcast %mul3A_289 : f32 to vector<16xf32>
          %mul3A_291 = arith.mulf %mul3A_290, %sub3A_288 : vector<16xf32>
          %exp3A_292 = math.exp %mul3A_291 : vector<16xf32>
          %add3A_293 = arith.addf %get3A_284, %exp3A_292 : vector<16xf32>
          %swap3A_294 = arith.index_cast %squeeze3A : i32 to index
          %swap3A_295 = arith.constant 112 : index
          %swap3A_296 = tpu.vector_load %arg11[%swap3A_294, %swap3A_295] {strides = array<i32>} : memref<320x128xf32, #tpu.memory_space<vmem>>, vector<16xf32>,
          tpu.vector_store %arg11[%swap3A_294, %swap3A_295], %add3A_293 {strides = array<i32>} : memref<320x128xf32, #tpu.memory_space<vmem>>, vector<16xf32>,
        }
        %while3A_149 = arith.constant 1 : i32
        scf.for %while3A_150 = %while3A_147 to %while3A_143 step %while3A_149  : i32 {
          %mul3A_151 = arith.constant 128 : i32
          %mul3A_152 = arith.muli %while3A_127, %mul3A_151 : i32
          %add3A_153 = arith.addi %mul3A_152, %while3A_150 : i32
          %get3A = arith.index_cast %add3A_153 : i32 to index
          %get3A_154 = tpu.vector_load %arg14[%get3A] {strides = array<i32>} : memref<2048xi32, #tpu.memory_space<vmem>>, vector<16xi32>,
          %slice3A = vector.extract_strided_slice %get3A_154 {offsets = [0], sizes = [1], strides = [1]} : vector<16xi32> to vector<1xi32>
          %squeeze3A = vector.extract %slice3A[0] : i32 from vector<1xi32>
          %get3A_155 = arith.index_cast %while3A_150 : i32 to index
          %get3A_156 = arith.constant 0 : index
          %get3A_157 = tpu.vector_load %arg15[%get3A_155, %get3A_156] {strides = array<i32>} : memref<128x128xf32, #tpu.memory_space<vmem>>, vector<16xf32>,
          %get3A_158 = arith.index_cast %squeeze3A : i32 to index
          %get3A_159 = arith.constant 0 : index
          %get3A_160 = tpu.vector_load %arg11[%get3A_158, %get3A_159] {strides = array<i32>} : memref<320x128xf32, #tpu.memory_space<vmem>>, vector<16xf32>,
          %get3A_161 = arith.index_cast %squeeze3A : i32 to index
          %get3A_162 = arith.constant 0 : index
          %get3A_163 = tpu.vector_load %arg10[%get3A_161, %get3A_162] {strides = array<i32>} : memref<320x128xf32, #tpu.memory_space<vmem>>, vector<16xf32>,
          %sub3A_164 = arith.subf %get3A_157, %get3A_163 : vector<16xf32>
          %mul3A_165 = arith.constant 1.200000e+01 : f32
          %mul3A_166 = vector.broadcast %mul3A_165 : f32 to vector<16xf32>
          %mul3A_167 = arith.mulf %mul3A_166, %sub3A_164 : vector<16xf32>
          %exp3A = math.exp %mul3A_167 : vector<16xf32>
          %add3A_168 = arith.addf %get3A_160, %exp3A : vector<16xf32>
          %swap3A = arith.index_cast %squeeze3A : i32 to index
          %swap3A_169 = arith.constant 0 : index
          %swap3A_170 = tpu.vector_load %arg11[%swap3A, %swap3A_169] {strides = array<i32>} : memref<320x128xf32, #tpu.memory_space<vmem>>, vector<16xf32>,
          tpu.vector_store %arg11[%swap3A, %swap3A_169], %add3A_168 {strides = array<i32>} : memref<320x128xf32, #tpu.memory_space<vmem>>, vector<16xf32>,
          %get3A_171 = arith.index_cast %while3A_150 : i32 to index
          %get3A_172 = arith.constant 16 : index
          %get3A_173 = tpu.vector_load %arg15[%get3A_171, %get3A_172] {strides = array<i32>} : memref<128x128xf32, #tpu.memory_space<vmem>>, vector<16xf32>,
          %get3A_174 = arith.index_cast %squeeze3A : i32 to index
          %get3A_175 = arith.constant 16 : index
          %get3A_176 = tpu.vector_load %arg11[%get3A_174, %get3A_175] {strides = array<i32>} : memref<320x128xf32, #tpu.memory_space<vmem>>, vector<16xf32>,
          %get3A_177 = arith.index_cast %squeeze3A : i32 to index
          %get3A_178 = arith.constant 16 : index
          %get3A_179 = tpu.vector_load %arg10[%get3A_177, %get3A_178] {strides = array<i32>} : memref<320x128xf32, #tpu.memory_space<vmem>>, vector<16xf32>,
          %sub3A_180 = arith.subf %get3A_173, %get3A_179 : vector<16xf32>
          %mul3A_181 = arith.constant 1.200000e+01 : f32
          %mul3A_182 = vector.broadcast %mul3A_181 : f32 to vector<16xf32>
          %mul3A_183 = arith.mulf %mul3A_182, %sub3A_180 : vector<16xf32>
          %exp3A_184 = math.exp %mul3A_183 : vector<16xf32>
          %add3A_185 = arith.addf %get3A_176, %exp3A_184 : vector<16xf32>
          %swap3A_186 = arith.index_cast %squeeze3A : i32 to index
          %swap3A_187 = arith.constant 16 : index
          %swap3A_188 = tpu.vector_load %arg11[%swap3A_186, %swap3A_187] {strides = array<i32>} : memref<320x128xf32, #tpu.memory_space<vmem>>, vector<16xf32>,
          tpu.vector_store %arg11[%swap3A_186, %swap3A_187], %add3A_185 {strides = array<i32>} : memref<320x128xf32, #tpu.memory_space<vmem>>, vector<16xf32>,
          %get3A_189 = arith.index_cast %while3A_150 : i32 to index
          %get3A_190 = arith.constant 32 : index
          %get3A_191 = tpu.vector_load %arg15[%get3A_189, %get3A_190] {strides = array<i32>} : memref<128x128xf32, #tpu.memory_space<vmem>>, vector<16xf32>,
          %get3A_192 = arith.index_cast %squeeze3A : i32 to index
          %get3A_193 = arith.constant 32 : index
          %get3A_194 = tpu.vector_load %arg11[%get3A_192, %get3A_193] {strides = array<i32>} : memref<320x128xf32, #tpu.memory_space<vmem>>, vector<16xf32>,
          %get3A_195 = arith.index_cast %squeeze3A : i32 to index
          %get3A_196 = arith.constant 32 : index
          %get3A_197 = tpu.vector_load %arg10[%get3A_195, %get3A_196] {strides = array<i32>} : memref<320x128xf32, #tpu.memory_space<vmem>>, vector<16xf32>,
          %sub3A_198 = arith.subf %get3A_191, %get3A_197 : vector<16xf32>
          %mul3A_199 = arith.constant 1.200000e+01 : f32
          %mul3A_200 = vector.broadcast %mul3A_199 : f32 to vector<16xf32>
          %mul3A_201 = arith.mulf %mul3A_200, %sub3A_198 : vector<16xf32>
          %exp3A_202 = math.exp %mul3A_201 : vector<16xf32>
          %add3A_203 = arith.addf %get3A_194, %exp3A_202 : vector<16xf32>
          %swap3A_204 = arith.index_cast %squeeze3A : i32 to index
          %swap3A_205 = arith.constant 32 : index
          %swap3A_206 = tpu.vector_load %arg11[%swap3A_204, %swap3A_205] {strides = array<i32>} : memref<320x128xf32, #tpu.memory_space<vmem>>, vector<16xf32>,
          tpu.vector_store %arg11[%swap3A_204, %swap3A_205], %add3A_203 {strides = array<i32>} : memref<320x128xf32, #tpu.memory_space<vmem>>, vector<16xf32>,
          %get3A_207 = arith.index_cast %while3A_150 : i32 to index
          %get3A_208 = arith.constant 48 : index
          %get3A_209 = tpu.vector_load %arg15[%get3A_207, %get3A_208] {strides = array<i32>} : memref<128x128xf32, #tpu.memory_space<vmem>>, vector<16xf32>,
          %get3A_210 = arith.index_cast %squeeze3A : i32 to index
          %get3A_211 = arith.constant 48 : index
          %get3A_212 = tpu.vector_load %arg11[%get3A_210, %get3A_211] {strides = array<i32>} : memref<320x128xf32, #tpu.memory_space<vmem>>, vector<16xf32>,
          %get3A_213 = arith.index_cast %squeeze3A : i32 to index
          %get3A_214 = arith.constant 48 : index
          %get3A_215 = tpu.vector_load %arg10[%get3A_213, %get3A_214] {strides = array<i32>} : memref<320x128xf32, #tpu.memory_space<vmem>>, vector<16xf32>,
          %sub3A_216 = arith.subf %get3A_209, %get3A_215 : vector<16xf32>
          %mul3A_217 = arith.constant 1.200000e+01 : f32
          %mul3A_218 = vector.broadcast %mul3A_217 : f32 to vector<16xf32>
          %mul3A_219 = arith.mulf %mul3A_218, %sub3A_216 : vector<16xf32>
          %exp3A_220 = math.exp %mul3A_219 : vector<16xf32>
          %add3A_221 = arith.addf %get3A_212, %exp3A_220 : vector<16xf32>
          %swap3A_222 = arith.index_cast %squeeze3A : i32 to index
          %swap3A_223 = arith.constant 48 : index
          %swap3A_224 = tpu.vector_load %arg11[%swap3A_222, %swap3A_223] {strides = array<i32>} : memref<320x128xf32, #tpu.memory_space<vmem>>, vector<16xf32>,
          tpu.vector_store %arg11[%swap3A_222, %swap3A_223], %add3A_221 {strides = array<i32>} : memref<320x128xf32, #tpu.memory_space<vmem>>, vector<16xf32>,
          %get3A_225 = arith.index_cast %while3A_150 : i32 to index
          %get3A_226 = arith.constant 64 : index
          %get3A_227 = tpu.vector_load %arg15[%get3A_225, %get3A_226] {strides = array<i32>} : memref<128x128xf32, #tpu.memory_space<vmem>>, vector<16xf32>,
          %get3A_228 = arith.index_cast %squeeze3A : i32 to index
          %get3A_229 = arith.constant 64 : index
          %get3A_230 = tpu.vector_load %arg11[%get3A_228, %get3A_229] {strides = array<i32>} : memref<320x128xf32, #tpu.memory_space<vmem>>, vector<16xf32>,
          %get3A_231 = arith.index_cast %squeeze3A : i32 to index
          %get3A_232 = arith.constant 64 : index
          %get3A_233 = tpu.vector_load %arg10[%get3A_231, %get3A_232] {strides = array<i32>} : memref<320x128xf32, #tpu.memory_space<vmem>>, vector<16xf32>,
          %sub3A_234 = arith.subf %get3A_227, %get3A_233 : vector<16xf32>
          %mul3A_235 = arith.constant 1.200000e+01 : f32
          %mul3A_236 = vector.broadcast %mul3A_235 : f32 to vector<16xf32>
          %mul3A_237 = arith.mulf %mul3A_236, %sub3A_234 : vector<16xf32>
          %exp3A_238 = math.exp %mul3A_237 : vector<16xf32>
          %add3A_239 = arith.addf %get3A_230, %exp3A_238 : vector<16xf32>
          %swap3A_240 = arith.index_cast %squeeze3A : i32 to index
          %swap3A_241 = arith.constant 64 : index
          %swap3A_242 = tpu.vector_load %arg11[%swap3A_240, %swap3A_241] {strides = array<i32>} : memref<320x128xf32, #tpu.memory_space<vmem>>, vector<16xf32>,
          tpu.vector_store %arg11[%swap3A_240, %swap3A_241], %add3A_239 {strides = array<i32>} : memref<320x128xf32, #tpu.memory_space<vmem>>, vector<16xf32>,
          %get3A_243 = arith.index_cast %while3A_150 : i32 to index
          %get3A_244 = arith.constant 80 : index
          %get3A_245 = tpu.vector_load %arg15[%get3A_243, %get3A_244] {strides = array<i32>} : memref<128x128xf32, #tpu.memory_space<vmem>>, vector<16xf32>,
          %get3A_246 = arith.index_cast %squeeze3A : i32 to index
          %get3A_247 = arith.constant 80 : index
          %get3A_248 = tpu.vector_load %arg11[%get3A_246, %get3A_247] {strides = array<i32>} : memref<320x128xf32, #tpu.memory_space<vmem>>, vector<16xf32>,
          %get3A_249 = arith.index_cast %squeeze3A : i32 to index
          %get3A_250 = arith.constant 80 : index
          %get3A_251 = tpu.vector_load %arg10[%get3A_249, %get3A_250] {strides = array<i32>} : memref<320x128xf32, #tpu.memory_space<vmem>>, vector<16xf32>,
          %sub3A_252 = arith.subf %get3A_245, %get3A_251 : vector<16xf32>
          %mul3A_253 = arith.constant 1.200000e+01 : f32
          %mul3A_254 = vector.broadcast %mul3A_253 : f32 to vector<16xf32>
          %mul3A_255 = arith.mulf %mul3A_254, %sub3A_252 : vector<16xf32>
          %exp3A_256 = math.exp %mul3A_255 : vector<16xf32>
          %add3A_257 = arith.addf %get3A_248, %exp3A_256 : vector<16xf32>
          %swap3A_258 = arith.index_cast %squeeze3A : i32 to index
          %swap3A_259 = arith.constant 80 : index
          %swap3A_260 = tpu.vector_load %arg11[%swap3A_258, %swap3A_259] {strides = array<i32>} : memref<320x128xf32, #tpu.memory_space<vmem>>, vector<16xf32>,
          tpu.vector_store %arg11[%swap3A_258, %swap3A_259], %add3A_257 {strides = array<i32>} : memref<320x128xf32, #tpu.memory_space<vmem>>, vector<16xf32>,
          %get3A_261 = arith.index_cast %while3A_150 : i32 to index
          %get3A_262 = arith.constant 96 : index
          %get3A_263 = tpu.vector_load %arg15[%get3A_261, %get3A_262] {strides = array<i32>} : memref<128x128xf32, #tpu.memory_space<vmem>>, vector<16xf32>,
          %get3A_264 = arith.index_cast %squeeze3A : i32 to index
          %get3A_265 = arith.constant 96 : index
          %get3A_266 = tpu.vector_load %arg11[%get3A_264, %get3A_265] {strides = array<i32>} : memref<320x128xf32, #tpu.memory_space<vmem>>, vector<16xf32>,
          %get3A_267 = arith.index_cast %squeeze3A : i32 to index
          %get3A_268 = arith.constant 96 : index
          %get3A_269 = tpu.vector_load %arg10[%get3A_267, %get3A_268] {strides = array<i32>} : memref<320x128xf32, #tpu.memory_space<vmem>>, vector<16xf32>,
          %sub3A_270 = arith.subf %get3A_263, %get3A_269 : vector<16xf32>
          %mul3A_271 = arith.constant 1.200000e+01 : f32
          %mul3A_272 = vector.broadcast %mul3A_271 : f32 to vector<16xf32>
          %mul3A_273 = arith.mulf %mul3A_272, %sub3A_270 : vector<16xf32>
          %exp3A_274 = math.exp %mul3A_273 : vector<16xf32>
          %add3A_275 = arith.addf %get3A_266, %exp3A_274 : vector<16xf32>
          %swap3A_276 = arith.index_cast %squeeze3A : i32 to index
          %swap3A_277 = arith.constant 96 : index
          %swap3A_278 = tpu.vector_load %arg11[%swap3A_276, %swap3A_277] {strides = array<i32>} : memref<320x128xf32, #tpu.memory_space<vmem>>, vector<16xf32>,
          tpu.vector_store %arg11[%swap3A_276, %swap3A_277], %add3A_275 {strides = array<i32>} : memref<320x128xf32, #tpu.memory_space<vmem>>, vector<16xf32>,
          %get3A_279 = arith.index_cast %while3A_150 : i32 to index
          %get3A_280 = arith.constant 112 : index
          %get3A_281 = tpu.vector_load %arg15[%get3A_279, %get3A_280] {strides = array<i32>} : memref<128x128xf32, #tpu.memory_space<vmem>>, vector<16xf32>,
          %get3A_282 = arith.index_cast %squeeze3A : i32 to index
          %get3A_283 = arith.constant 112 : index
          %get3A_284 = tpu.vector_load %arg11[%get3A_282, %get3A_283] {strides = array<i32>} : memref<320x128xf32, #tpu.memory_space<vmem>>, vector<16xf32>,
          %get3A_285 = arith.index_cast %squeeze3A : i32 to index
          %get3A_286 = arith.constant 112 : index
          %get3A_287 = tpu.vector_load %arg10[%get3A_285, %get3A_286] {strides = array<i32>} : memref<320x128xf32, #tpu.memory_space<vmem>>, vector<16xf32>,
          %sub3A_288 = arith.subf %get3A_281, %get3A_287 : vector<16xf32>
          %mul3A_289 = arith.constant 1.200000e+01 : f32
          %mul3A_290 = vector.broadcast %mul3A_289 : f32 to vector<16xf32>
          %mul3A_291 = arith.mulf %mul3A_290, %sub3A_288 : vector<16xf32>
          %exp3A_292 = math.exp %mul3A_291 : vector<16xf32>
          %add3A_293 = arith.addf %get3A_284, %exp3A_292 : vector<16xf32>
          %swap3A_294 = arith.index_cast %squeeze3A : i32 to index
          %swap3A_295 = arith.constant 112 : index
          %swap3A_296 = tpu.vector_load %arg11[%swap3A_294, %swap3A_295] {strides = array<i32>} : memref<320x128xf32, #tpu.memory_space<vmem>>, vector<16xf32>,
          tpu.vector_store %arg11[%swap3A_294, %swap3A_295], %add3A_293 {strides = array<i32>} : memref<320x128xf32, #tpu.memory_space<vmem>>, vector<16xf32>,
        }
      }
      %while3A_126 = arith.constant 1 : i32
      scf.for %while3A_127 = %while3A_124 to %while3A_120 step %while3A_126  : i32 {
        %mul3A_128 = arith.constant 128 : i32
        %mul3A_129 = arith.muli %while3A_127, %mul3A_128 : i32
        %dma_start3A = tpu.memref_slice %arg13[%mul3A_129] : memref<2048xi32, #tpu.memory_space<vmem>> -> memref<128xi32, #tpu.memory_space<vmem>>
        %dma_start3A_130 = arith.constant 0 : i32
        %dma_start3A_131 = arith.constant 0 : i32
        %dma_start3A_132 = tpu.memref_slice %arg4[%dma_start3A_130, %dma_start3A_131] : memref<122880x128xf32, #tpu.memory_space<hbm>> -> memref<122880x128xf32, #tpu.memory_space<hbm>>
        tpu.enqueue_indirect_dma source(%dma_start3A_132 : memref<122880x128xf32, #tpu.memory_space<hbm>>) target(%arg15 : memref<128x128xf32, #tpu.memory_space<vmem>>) offsets(%dma_start3A : memref<128xi32, #tpu.memory_space<vmem>>) semaphore(%arg16 : memref<!tpu.dma_semaphore, #tpu.memory_space<semaphore_mem>>)
        %dma_wait3A = tpu.memref_slice %arg13[%mul3A_129] : memref<2048xi32, #tpu.memory_space<vmem>> -> memref<128xi32, #tpu.memory_space<vmem>>
        %dma_wait3A_133 = arith.constant 0 : i32
        %dma_wait3A_134 = arith.constant 0 : i32
        %dma_wait3A_135 = tpu.memref_slice %arg4[%dma_wait3A_133, %dma_wait3A_134] : memref<122880x128xf32, #tpu.memory_space<hbm>> -> memref<122880x128xf32, #tpu.memory_space<hbm>>
        tpu.wait_indirect_dma semaphore(%arg16 : memref<!tpu.dma_semaphore, #tpu.memory_space<semaphore_mem>>) src(%dma_wait3A_135 : memref<122880x128xf32, #tpu.memory_space<hbm>>) dst(%arg15 : memref<128x128xf32, #tpu.memory_space<vmem>>)
        %mul3A_136 = arith.constant 128 : i32
        %mul3A_137 = arith.muli %while3A_127, %mul3A_136 : i32
        %sub3A_138 = arith.subi %scan3A_96, %mul3A_137 : i32
        %min3A = arith.constant 128 : i32
        %min3A_139 = arith.minsi %min3A, %sub3A_138 : i32
        %while3A_140 = arith.constant 0 : i32
        %while3A_141 = arith.constant 0 : i32
        %while3A_142 = arith.subi %min3A_139, %while3A_141 : i32
        %while3A_143 = arith.addi %while3A_141, %while3A_142 : i32
        %while3A_144 = arith.constant 1 : i32
        %while3A_145 = arith.divsi %while3A_142, %while3A_144 : i32
        %while3A_146 = arith.muli %while3A_145, %while3A_144 : i32
        %while3A_147 = arith.addi %while3A_141, %while3A_146 : i32
        %while3A_148 = arith.constant 1 : i32
        scf.for %while3A_150 = %while3A_141 to %while3A_147 step %while3A_148  : i32 {
          %mul3A_151 = arith.constant 128 : i32
          %mul3A_152 = arith.muli %while3A_127, %mul3A_151 : i32
          %add3A_153 = arith.addi %mul3A_152, %while3A_150 : i32
          %get3A = arith.index_cast %add3A_153 : i32 to index
          %get3A_154 = tpu.vector_load %arg14[%get3A] {strides = array<i32>} : memref<2048xi32, #tpu.memory_space<vmem>>, vector<16xi32>,
          %slice3A = vector.extract_strided_slice %get3A_154 {offsets = [0], sizes = [1], strides = [1]} : vector<16xi32> to vector<1xi32>
          %squeeze3A = vector.extract %slice3A[0] : i32 from vector<1xi32>
          %get3A_155 = arith.index_cast %while3A_150 : i32 to index
          %get3A_156 = arith.constant 0 : index
          %get3A_157 = tpu.vector_load %arg15[%get3A_155, %get3A_156] {strides = array<i32>} : memref<128x128xf32, #tpu.memory_space<vmem>>, vector<16xf32>,
          %get3A_158 = arith.index_cast %squeeze3A : i32 to index
          %get3A_159 = arith.constant 0 : index
          %get3A_160 = tpu.vector_load %arg11[%get3A_158, %get3A_159] {strides = array<i32>} : memref<320x128xf32, #tpu.memory_space<vmem>>, vector<16xf32>,
          %get3A_161 = arith.index_cast %squeeze3A : i32 to index
          %get3A_162 = arith.constant 0 : index
          %get3A_163 = tpu.vector_load %arg10[%get3A_161, %get3A_162] {strides = array<i32>} : memref<320x128xf32, #tpu.memory_space<vmem>>, vector<16xf32>,
          %sub3A_164 = arith.subf %get3A_157, %get3A_163 : vector<16xf32>
          %mul3A_165 = arith.constant 1.200000e+01 : f32
          %mul3A_166 = vector.broadcast %mul3A_165 : f32 to vector<16xf32>
          %mul3A_167 = arith.mulf %mul3A_166, %sub3A_164 : vector<16xf32>
          %exp3A = math.exp %mul3A_167 : vector<16xf32>
          %add3A_168 = arith.addf %get3A_160, %exp3A : vector<16xf32>
          %swap3A = arith.index_cast %squeeze3A : i32 to index
          %swap3A_169 = arith.constant 0 : index
          %swap3A_170 = tpu.vector_load %arg11[%swap3A, %swap3A_169] {strides = array<i32>} : memref<320x128xf32, #tpu.memory_space<vmem>>, vector<16xf32>,
          tpu.vector_store %arg11[%swap3A, %swap3A_169], %add3A_168 {strides = array<i32>} : memref<320x128xf32, #tpu.memory_space<vmem>>, vector<16xf32>,
          %get3A_171 = arith.index_cast %while3A_150 : i32 to index
          %get3A_172 = arith.constant 16 : index
          %get3A_173 = tpu.vector_load %arg15[%get3A_171, %get3A_172] {strides = array<i32>} : memref<128x128xf32, #tpu.memory_space<vmem>>, vector<16xf32>,
          %get3A_174 = arith.index_cast %squeeze3A : i32 to index
          %get3A_175 = arith.constant 16 : index
          %get3A_176 = tpu.vector_load %arg11[%get3A_174, %get3A_175] {strides = array<i32>} : memref<320x128xf32, #tpu.memory_space<vmem>>, vector<16xf32>,
          %get3A_177 = arith.index_cast %squeeze3A : i32 to index
          %get3A_178 = arith.constant 16 : index
          %get3A_179 = tpu.vector_load %arg10[%get3A_177, %get3A_178] {strides = array<i32>} : memref<320x128xf32, #tpu.memory_space<vmem>>, vector<16xf32>,
          %sub3A_180 = arith.subf %get3A_173, %get3A_179 : vector<16xf32>
          %mul3A_181 = arith.constant 1.200000e+01 : f32
          %mul3A_182 = vector.broadcast %mul3A_181 : f32 to vector<16xf32>
          %mul3A_183 = arith.mulf %mul3A_182, %sub3A_180 : vector<16xf32>
          %exp3A_184 = math.exp %mul3A_183 : vector<16xf32>
          %add3A_185 = arith.addf %get3A_176, %exp3A_184 : vector<16xf32>
          %swap3A_186 = arith.index_cast %squeeze3A : i32 to index
          %swap3A_187 = arith.constant 16 : index
          %swap3A_188 = tpu.vector_load %arg11[%swap3A_186, %swap3A_187] {strides = array<i32>} : memref<320x128xf32, #tpu.memory_space<vmem>>, vector<16xf32>,
          tpu.vector_store %arg11[%swap3A_186, %swap3A_187], %add3A_185 {strides = array<i32>} : memref<320x128xf32, #tpu.memory_space<vmem>>, vector<16xf32>,
          %get3A_189 = arith.index_cast %while3A_150 : i32 to index
          %get3A_190 = arith.constant 32 : index
          %get3A_191 = tpu.vector_load %arg15[%get3A_189, %get3A_190] {strides = array<i32>} : memref<128x128xf32, #tpu.memory_space<vmem>>, vector<16xf32>,
          %get3A_192 = arith.index_cast %squeeze3A : i32 to index
          %get3A_193 = arith.constant 32 : index
          %get3A_194 = tpu.vector_load %arg11[%get3A_192, %get3A_193] {strides = array<i32>} : memref<320x128xf32, #tpu.memory_space<vmem>>, vector<16xf32>,
          %get3A_195 = arith.index_cast %squeeze3A : i32 to index
          %get3A_196 = arith.constant 32 : index
          %get3A_197 = tpu.vector_load %arg10[%get3A_195, %get3A_196] {strides = array<i32>} : memref<320x128xf32, #tpu.memory_space<vmem>>, vector<16xf32>,
          %sub3A_198 = arith.subf %get3A_191, %get3A_197 : vector<16xf32>
          %mul3A_199 = arith.constant 1.200000e+01 : f32
          %mul3A_200 = vector.broadcast %mul3A_199 : f32 to vector<16xf32>
          %mul3A_201 = arith.mulf %mul3A_200, %sub3A_198 : vector<16xf32>
          %exp3A_202 = math.exp %mul3A_201 : vector<16xf32>
          %add3A_203 = arith.addf %get3A_194, %exp3A_202 : vector<16xf32>
          %swap3A_204 = arith.index_cast %squeeze3A : i32 to index
          %swap3A_205 = arith.constant 32 : index
          %swap3A_206 = tpu.vector_load %arg11[%swap3A_204, %swap3A_205] {strides = array<i32>} : memref<320x128xf32, #tpu.memory_space<vmem>>, vector<16xf32>,
          tpu.vector_store %arg11[%swap3A_204, %swap3A_205], %add3A_203 {strides = array<i32>} : memref<320x128xf32, #tpu.memory_space<vmem>>, vector<16xf32>,
          %get3A_207 = arith.index_cast %while3A_150 : i32 to index
          %get3A_208 = arith.constant 48 : index
          %get3A_209 = tpu.vector_load %arg15[%get3A_207, %get3A_208] {strides = array<i32>} : memref<128x128xf32, #tpu.memory_space<vmem>>, vector<16xf32>,
          %get3A_210 = arith.index_cast %squeeze3A : i32 to index
          %get3A_211 = arith.constant 48 : index
          %get3A_212 = tpu.vector_load %arg11[%get3A_210, %get3A_211] {strides = array<i32>} : memref<320x128xf32, #tpu.memory_space<vmem>>, vector<16xf32>,
          %get3A_213 = arith.index_cast %squeeze3A : i32 to index
          %get3A_214 = arith.constant 48 : index
          %get3A_215 = tpu.vector_load %arg10[%get3A_213, %get3A_214] {strides = array<i32>} : memref<320x128xf32, #tpu.memory_space<vmem>>, vector<16xf32>,
          %sub3A_216 = arith.subf %get3A_209, %get3A_215 : vector<16xf32>
          %mul3A_217 = arith.constant 1.200000e+01 : f32
          %mul3A_218 = vector.broadcast %mul3A_217 : f32 to vector<16xf32>
          %mul3A_219 = arith.mulf %mul3A_218, %sub3A_216 : vector<16xf32>
          %exp3A_220 = math.exp %mul3A_219 : vector<16xf32>
          %add3A_221 = arith.addf %get3A_212, %exp3A_220 : vector<16xf32>
          %swap3A_222 = arith.index_cast %squeeze3A : i32 to index
          %swap3A_223 = arith.constant 48 : index
          %swap3A_224 = tpu.vector_load %arg11[%swap3A_222, %swap3A_223] {strides = array<i32>} : memref<320x128xf32, #tpu.memory_space<vmem>>, vector<16xf32>,
          tpu.vector_store %arg11[%swap3A_222, %swap3A_223], %add3A_221 {strides = array<i32>} : memref<320x128xf32, #tpu.memory_space<vmem>>, vector<16xf32>,
          %get3A_225 = arith.index_cast %while3A_150 : i32 to index
          %get3A_226 = arith.constant 64 : index
          %get3A_227 = tpu.vector_load %arg15[%get3A_225, %get3A_226] {strides = array<i32>} : memref<128x128xf32, #tpu.memory_space<vmem>>, vector<16xf32>,
          %get3A_228 = arith.index_cast %squeeze3A : i32 to index
          %get3A_229 = arith.constant 64 : index
          %get3A_230 = tpu.vector_load %arg11[%get3A_228, %get3A_229] {strides = array<i32>} : memref<320x128xf32, #tpu.memory_space<vmem>>, vector<16xf32>,
          %get3A_231 = arith.index_cast %squeeze3A : i32 to index
          %get3A_232 = arith.constant 64 : index
          %get3A_233 = tpu.vector_load %arg10[%get3A_231, %get3A_232] {strides = array<i32>} : memref<320x128xf32, #tpu.memory_space<vmem>>, vector<16xf32>,
          %sub3A_234 = arith.subf %get3A_227, %get3A_233 : vector<16xf32>
          %mul3A_235 = arith.constant 1.200000e+01 : f32
          %mul3A_236 = vector.broadcast %mul3A_235 : f32 to vector<16xf32>
          %mul3A_237 = arith.mulf %mul3A_236, %sub3A_234 : vector<16xf32>
          %exp3A_238 = math.exp %mul3A_237 : vector<16xf32>
          %add3A_239 = arith.addf %get3A_230, %exp3A_238 : vector<16xf32>
          %swap3A_240 = arith.index_cast %squeeze3A : i32 to index
          %swap3A_241 = arith.constant 64 : index
          %swap3A_242 = tpu.vector_load %arg11[%swap3A_240, %swap3A_241] {strides = array<i32>} : memref<320x128xf32, #tpu.memory_space<vmem>>, vector<16xf32>,
          tpu.vector_store %arg11[%swap3A_240, %swap3A_241], %add3A_239 {strides = array<i32>} : memref<320x128xf32, #tpu.memory_space<vmem>>, vector<16xf32>,
          %get3A_243 = arith.index_cast %while3A_150 : i32 to index
          %get3A_244 = arith.constant 80 : index
          %get3A_245 = tpu.vector_load %arg15[%get3A_243, %get3A_244] {strides = array<i32>} : memref<128x128xf32, #tpu.memory_space<vmem>>, vector<16xf32>,
          %get3A_246 = arith.index_cast %squeeze3A : i32 to index
          %get3A_247 = arith.constant 80 : index
          %get3A_248 = tpu.vector_load %arg11[%get3A_246, %get3A_247] {strides = array<i32>} : memref<320x128xf32, #tpu.memory_space<vmem>>, vector<16xf32>,
          %get3A_249 = arith.index_cast %squeeze3A : i32 to index
          %get3A_250 = arith.constant 80 : index
          %get3A_251 = tpu.vector_load %arg10[%get3A_249, %get3A_250] {strides = array<i32>} : memref<320x128xf32, #tpu.memory_space<vmem>>, vector<16xf32>,
          %sub3A_252 = arith.subf %get3A_245, %get3A_251 : vector<16xf32>
          %mul3A_253 = arith.constant 1.200000e+01 : f32
          %mul3A_254 = vector.broadcast %mul3A_253 : f32 to vector<16xf32>
          %mul3A_255 = arith.mulf %mul3A_254, %sub3A_252 : vector<16xf32>
          %exp3A_256 = math.exp %mul3A_255 : vector<16xf32>
          %add3A_257 = arith.addf %get3A_248, %exp3A_256 : vector<16xf32>
          %swap3A_258 = arith.index_cast %squeeze3A : i32 to index
          %swap3A_259 = arith.constant 80 : index
          %swap3A_260 = tpu.vector_load %arg11[%swap3A_258, %swap3A_259] {strides = array<i32>} : memref<320x128xf32, #tpu.memory_space<vmem>>, vector<16xf32>,
          tpu.vector_store %arg11[%swap3A_258, %swap3A_259], %add3A_257 {strides = array<i32>} : memref<320x128xf32, #tpu.memory_space<vmem>>, vector<16xf32>,
          %get3A_261 = arith.index_cast %while3A_150 : i32 to index
          %get3A_262 = arith.constant 96 : index
          %get3A_263 = tpu.vector_load %arg15[%get3A_261, %get3A_262] {strides = array<i32>} : memref<128x128xf32, #tpu.memory_space<vmem>>, vector<16xf32>,
          %get3A_264 = arith.index_cast %squeeze3A : i32 to index
          %get3A_265 = arith.constant 96 : index
          %get3A_266 = tpu.vector_load %arg11[%get3A_264, %get3A_265] {strides = array<i32>} : memref<320x128xf32, #tpu.memory_space<vmem>>, vector<16xf32>,
          %get3A_267 = arith.index_cast %squeeze3A : i32 to index
          %get3A_268 = arith.constant 96 : index
          %get3A_269 = tpu.vector_load %arg10[%get3A_267, %get3A_268] {strides = array<i32>} : memref<320x128xf32, #tpu.memory_space<vmem>>, vector<16xf32>,
          %sub3A_270 = arith.subf %get3A_263, %get3A_269 : vector<16xf32>
          %mul3A_271 = arith.constant 1.200000e+01 : f32
          %mul3A_272 = vector.broadcast %mul3A_271 : f32 to vector<16xf32>
          %mul3A_273 = arith.mulf %mul3A_272, %sub3A_270 : vector<16xf32>
          %exp3A_274 = math.exp %mul3A_273 : vector<16xf32>
          %add3A_275 = arith.addf %get3A_266, %exp3A_274 : vector<16xf32>
          %swap3A_276 = arith.index_cast %squeeze3A : i32 to index
          %swap3A_277 = arith.constant 96 : index
          %swap3A_278 = tpu.vector_load %arg11[%swap3A_276, %swap3A_277] {strides = array<i32>} : memref<320x128xf32, #tpu.memory_space<vmem>>, vector<16xf32>,
          tpu.vector_store %arg11[%swap3A_276, %swap3A_277], %add3A_275 {strides = array<i32>} : memref<320x128xf32, #tpu.memory_space<vmem>>, vector<16xf32>,
          %get3A_279 = arith.index_cast %while3A_150 : i32 to index
          %get3A_280 = arith.constant 112 : index
          %get3A_281 = tpu.vector_load %arg15[%get3A_279, %get3A_280] {strides = array<i32>} : memref<128x128xf32, #tpu.memory_space<vmem>>, vector<16xf32>,
          %get3A_282 = arith.index_cast %squeeze3A : i32 to index
          %get3A_283 = arith.constant 112 : index
          %get3A_284 = tpu.vector_load %arg11[%get3A_282, %get3A_283] {strides = array<i32>} : memref<320x128xf32, #tpu.memory_space<vmem>>, vector<16xf32>,
          %get3A_285 = arith.index_cast %squeeze3A : i32 to index
          %get3A_286 = arith.constant 112 : index
          %get3A_287 = tpu.vector_load %arg10[%get3A_285, %get3A_286] {strides = array<i32>} : memref<320x128xf32, #tpu.memory_space<vmem>>, vector<16xf32>,
          %sub3A_288 = arith.subf %get3A_281, %get3A_287 : vector<16xf32>
          %mul3A_289 = arith.constant 1.200000e+01 : f32
          %mul3A_290 = vector.broadcast %mul3A_289 : f32 to vector<16xf32>
          %mul3A_291 = arith.mulf %mul3A_290, %sub3A_288 : vector<16xf32>
          %exp3A_292 = math.exp %mul3A_291 : vector<16xf32>
          %add3A_293 = arith.addf %get3A_284, %exp3A_292 : vector<16xf32>
          %swap3A_294 = arith.index_cast %squeeze3A : i32 to index
          %swap3A_295 = arith.constant 112 : index
          %swap3A_296 = tpu.vector_load %arg11[%swap3A_294, %swap3A_295] {strides = array<i32>} : memref<320x128xf32, #tpu.memory_space<vmem>>, vector<16xf32>,
          tpu.vector_store %arg11[%swap3A_294, %swap3A_295], %add3A_293 {strides = array<i32>} : memref<320x128xf32, #tpu.memory_space<vmem>>, vector<16xf32>,
        }
        %while3A_149 = arith.constant 1 : i32
        scf.for %while3A_150 = %while3A_147 to %while3A_143 step %while3A_149  : i32 {
          %mul3A_151 = arith.constant 128 : i32
          %mul3A_152 = arith.muli %while3A_127, %mul3A_151 : i32
          %add3A_153 = arith.addi %mul3A_152, %while3A_150 : i32
          %get3A = arith.index_cast %add3A_153 : i32 to index
          %get3A_154 = tpu.vector_load %arg14[%get3A] {strides = array<i32>} : memref<2048xi32, #tpu.memory_space<vmem>>, vector<16xi32>,
          %slice3A = vector.extract_strided_slice %get3A_154 {offsets = [0], sizes = [1], strides = [1]} : vector<16xi32> to vector<1xi32>
          %squeeze3A = vector.extract %slice3A[0] : i32 from vector<1xi32>
          %get3A_155 = arith.index_cast %while3A_150 : i32 to index
          %get3A_156 = arith.constant 0 : index
          %get3A_157 = tpu.vector_load %arg15[%get3A_155, %get3A_156] {strides = array<i32>} : memref<128x128xf32, #tpu.memory_space<vmem>>, vector<16xf32>,
          %get3A_158 = arith.index_cast %squeeze3A : i32 to index
          %get3A_159 = arith.constant 0 : index
          %get3A_160 = tpu.vector_load %arg11[%get3A_158, %get3A_159] {strides = array<i32>} : memref<320x128xf32, #tpu.memory_space<vmem>>, vector<16xf32>,
          %get3A_161 = arith.index_cast %squeeze3A : i32 to index
          %get3A_162 = arith.constant 0 : index
          %get3A_163 = tpu.vector_load %arg10[%get3A_161, %get3A_162] {strides = array<i32>} : memref<320x128xf32, #tpu.memory_space<vmem>>, vector<16xf32>,
          %sub3A_164 = arith.subf %get3A_157, %get3A_163 : vector<16xf32>
          %mul3A_165 = arith.constant 1.200000e+01 : f32
          %mul3A_166 = vector.broadcast %mul3A_165 : f32 to vector<16xf32>
          %mul3A_167 = arith.mulf %mul3A_166, %sub3A_164 : vector<16xf32>
          %exp3A = math.exp %mul3A_167 : vector<16xf32>
          %add3A_168 = arith.addf %get3A_160, %exp3A : vector<16xf32>
          %swap3A = arith.index_cast %squeeze3A : i32 to index
          %swap3A_169 = arith.constant 0 : index
          %swap3A_170 = tpu.vector_load %arg11[%swap3A, %swap3A_169] {strides = array<i32>} : memref<320x128xf32, #tpu.memory_space<vmem>>, vector<16xf32>,
          tpu.vector_store %arg11[%swap3A, %swap3A_169], %add3A_168 {strides = array<i32>} : memref<320x128xf32, #tpu.memory_space<vmem>>, vector<16xf32>,
          %get3A_171 = arith.index_cast %while3A_150 : i32 to index
          %get3A_172 = arith.constant 16 : index
          %get3A_173 = tpu.vector_load %arg15[%get3A_171, %get3A_172] {strides = array<i32>} : memref<128x128xf32, #tpu.memory_space<vmem>>, vector<16xf32>,
          %get3A_174 = arith.index_cast %squeeze3A : i32 to index
          %get3A_175 = arith.constant 16 : index
          %get3A_176 = tpu.vector_load %arg11[%get3A_174, %get3A_175] {strides = array<i32>} : memref<320x128xf32, #tpu.memory_space<vmem>>, vector<16xf32>,
          %get3A_177 = arith.index_cast %squeeze3A : i32 to index
          %get3A_178 = arith.constant 16 : index
          %get3A_179 = tpu.vector_load %arg10[%get3A_177, %get3A_178] {strides = array<i32>} : memref<320x128xf32, #tpu.memory_space<vmem>>, vector<16xf32>,
          %sub3A_180 = arith.subf %get3A_173, %get3A_179 : vector<16xf32>
          %mul3A_181 = arith.constant 1.200000e+01 : f32
          %mul3A_182 = vector.broadcast %mul3A_181 : f32 to vector<16xf32>
          %mul3A_183 = arith.mulf %mul3A_182, %sub3A_180 : vector<16xf32>
          %exp3A_184 = math.exp %mul3A_183 : vector<16xf32>
          %add3A_185 = arith.addf %get3A_176, %exp3A_184 : vector<16xf32>
          %swap3A_186 = arith.index_cast %squeeze3A : i32 to index
          %swap3A_187 = arith.constant 16 : index
          %swap3A_188 = tpu.vector_load %arg11[%swap3A_186, %swap3A_187] {strides = array<i32>} : memref<320x128xf32, #tpu.memory_space<vmem>>, vector<16xf32>,
          tpu.vector_store %arg11[%swap3A_186, %swap3A_187], %add3A_185 {strides = array<i32>} : memref<320x128xf32, #tpu.memory_space<vmem>>, vector<16xf32>,
          %get3A_189 = arith.index_cast %while3A_150 : i32 to index
          %get3A_190 = arith.constant 32 : index
          %get3A_191 = tpu.vector_load %arg15[%get3A_189, %get3A_190] {strides = array<i32>} : memref<128x128xf32, #tpu.memory_space<vmem>>, vector<16xf32>,
          %get3A_192 = arith.index_cast %squeeze3A : i32 to index
          %get3A_193 = arith.constant 32 : index
          %get3A_194 = tpu.vector_load %arg11[%get3A_192, %get3A_193] {strides = array<i32>} : memref<320x128xf32, #tpu.memory_space<vmem>>, vector<16xf32>,
          %get3A_195 = arith.index_cast %squeeze3A : i32 to index
          %get3A_196 = arith.constant 32 : index
          %get3A_197 = tpu.vector_load %arg10[%get3A_195, %get3A_196] {strides = array<i32>} : memref<320x128xf32, #tpu.memory_space<vmem>>, vector<16xf32>,
          %sub3A_198 = arith.subf %get3A_191, %get3A_197 : vector<16xf32>
          %mul3A_199 = arith.constant 1.200000e+01 : f32
          %mul3A_200 = vector.broadcast %mul3A_199 : f32 to vector<16xf32>
          %mul3A_201 = arith.mulf %mul3A_200, %sub3A_198 : vector<16xf32>
          %exp3A_202 = math.exp %mul3A_201 : vector<16xf32>
          %add3A_203 = arith.addf %get3A_194, %exp3A_202 : vector<16xf32>
          %swap3A_204 = arith.index_cast %squeeze3A : i32 to index
          %swap3A_205 = arith.constant 32 : index
          %swap3A_206 = tpu.vector_load %arg11[%swap3A_204, %swap3A_205] {strides = array<i32>} : memref<320x128xf32, #tpu.memory_space<vmem>>, vector<16xf32>,
          tpu.vector_store %arg11[%swap3A_204, %swap3A_205], %add3A_203 {strides = array<i32>} : memref<320x128xf32, #tpu.memory_space<vmem>>, vector<16xf32>,
          %get3A_207 = arith.index_cast %while3A_150 : i32 to index
          %get3A_208 = arith.constant 48 : index
          %get3A_209 = tpu.vector_load %arg15[%get3A_207, %get3A_208] {strides = array<i32>} : memref<128x128xf32, #tpu.memory_space<vmem>>, vector<16xf32>,
          %get3A_210 = arith.index_cast %squeeze3A : i32 to index
          %get3A_211 = arith.constant 48 : index
          %get3A_212 = tpu.vector_load %arg11[%get3A_210, %get3A_211] {strides = array<i32>} : memref<320x128xf32, #tpu.memory_space<vmem>>, vector<16xf32>,
          %get3A_213 = arith.index_cast %squeeze3A : i32 to index
          %get3A_214 = arith.constant 48 : index
          %get3A_215 = tpu.vector_load %arg10[%get3A_213, %get3A_214] {strides = array<i32>} : memref<320x128xf32, #tpu.memory_space<vmem>>, vector<16xf32>,
          %sub3A_216 = arith.subf %get3A_209, %get3A_215 : vector<16xf32>
          %mul3A_217 = arith.constant 1.200000e+01 : f32
          %mul3A_218 = vector.broadcast %mul3A_217 : f32 to vector<16xf32>
          %mul3A_219 = arith.mulf %mul3A_218, %sub3A_216 : vector<16xf32>
          %exp3A_220 = math.exp %mul3A_219 : vector<16xf32>
          %add3A_221 = arith.addf %get3A_212, %exp3A_220 : vector<16xf32>
          %swap3A_222 = arith.index_cast %squeeze3A : i32 to index
          %swap3A_223 = arith.constant 48 : index
          %swap3A_224 = tpu.vector_load %arg11[%swap3A_222, %swap3A_223] {strides = array<i32>} : memref<320x128xf32, #tpu.memory_space<vmem>>, vector<16xf32>,
          tpu.vector_store %arg11[%swap3A_222, %swap3A_223], %add3A_221 {strides = array<i32>} : memref<320x128xf32, #tpu.memory_space<vmem>>, vector<16xf32>,
          %get3A_225 = arith.index_cast %while3A_150 : i32 to index
          %get3A_226 = arith.constant 64 : index
          %get3A_227 = tpu.vector_load %arg15[%get3A_225, %get3A_226] {strides = array<i32>} : memref<128x128xf32, #tpu.memory_space<vmem>>, vector<16xf32>,
          %get3A_228 = arith.index_cast %squeeze3A : i32 to index
          %get3A_229 = arith.constant 64 : index
          %get3A_230 = tpu.vector_load %arg11[%get3A_228, %get3A_229] {strides = array<i32>} : memref<320x128xf32, #tpu.memory_space<vmem>>, vector<16xf32>,
          %get3A_231 = arith.index_cast %squeeze3A : i32 to index
          %get3A_232 = arith.constant 64 : index
          %get3A_233 = tpu.vector_load %arg10[%get3A_231, %get3A_232] {strides = array<i32>} : memref<320x128xf32, #tpu.memory_space<vmem>>, vector<16xf32>,
          %sub3A_234 = arith.subf %get3A_227, %get3A_233 : vector<16xf32>
          %mul3A_235 = arith.constant 1.200000e+01 : f32
          %mul3A_236 = vector.broadcast %mul3A_235 : f32 to vector<16xf32>
          %mul3A_237 = arith.mulf %mul3A_236, %sub3A_234 : vector<16xf32>
          %exp3A_238 = math.exp %mul3A_237 : vector<16xf32>
          %add3A_239 = arith.addf %get3A_230, %exp3A_238 : vector<16xf32>
          %swap3A_240 = arith.index_cast %squeeze3A : i32 to index
          %swap3A_241 = arith.constant 64 : index
          %swap3A_242 = tpu.vector_load %arg11[%swap3A_240, %swap3A_241] {strides = array<i32>} : memref<320x128xf32, #tpu.memory_space<vmem>>, vector<16xf32>,
          tpu.vector_store %arg11[%swap3A_240, %swap3A_241], %add3A_239 {strides = array<i32>} : memref<320x128xf32, #tpu.memory_space<vmem>>, vector<16xf32>,
          %get3A_243 = arith.index_cast %while3A_150 : i32 to index
          %get3A_244 = arith.constant 80 : index
          %get3A_245 = tpu.vector_load %arg15[%get3A_243, %get3A_244] {strides = array<i32>} : memref<128x128xf32, #tpu.memory_space<vmem>>, vector<16xf32>,
          %get3A_246 = arith.index_cast %squeeze3A : i32 to index
          %get3A_247 = arith.constant 80 : index
          %get3A_248 = tpu.vector_load %arg11[%get3A_246, %get3A_247] {strides = array<i32>} : memref<320x128xf32, #tpu.memory_space<vmem>>, vector<16xf32>,
          %get3A_249 = arith.index_cast %squeeze3A : i32 to index
          %get3A_250 = arith.constant 80 : index
          %get3A_251 = tpu.vector_load %arg10[%get3A_249, %get3A_250] {strides = array<i32>} : memref<320x128xf32, #tpu.memory_space<vmem>>, vector<16xf32>,
          %sub3A_252 = arith.subf %get3A_245, %get3A_251 : vector<16xf32>
          %mul3A_253 = arith.constant 1.200000e+01 : f32
          %mul3A_254 = vector.broadcast %mul3A_253 : f32 to vector<16xf32>
          %mul3A_255 = arith.mulf %mul3A_254, %sub3A_252 : vector<16xf32>
          %exp3A_256 = math.exp %mul3A_255 : vector<16xf32>
          %add3A_257 = arith.addf %get3A_248, %exp3A_256 : vector<16xf32>
          %swap3A_258 = arith.index_cast %squeeze3A : i32 to index
          %swap3A_259 = arith.constant 80 : index
          %swap3A_260 = tpu.vector_load %arg11[%swap3A_258, %swap3A_259] {strides = array<i32>} : memref<320x128xf32, #tpu.memory_space<vmem>>, vector<16xf32>,
          tpu.vector_store %arg11[%swap3A_258, %swap3A_259], %add3A_257 {strides = array<i32>} : memref<320x128xf32, #tpu.memory_space<vmem>>, vector<16xf32>,
          %get3A_261 = arith.index_cast %while3A_150 : i32 to index
          %get3A_262 = arith.constant 96 : index
          %get3A_263 = tpu.vector_load %arg15[%get3A_261, %get3A_262] {strides = array<i32>} : memref<128x128xf32, #tpu.memory_space<vmem>>, vector<16xf32>,
          %get3A_264 = arith.index_cast %squeeze3A : i32 to index
          %get3A_265 = arith.constant 96 : index
          %get3A_266 = tpu.vector_load %arg11[%get3A_264, %get3A_265] {strides = array<i32>} : memref<320x128xf32, #tpu.memory_space<vmem>>, vector<16xf32>,
          %get3A_267 = arith.index_cast %squeeze3A : i32 to index
          %get3A_268 = arith.constant 96 : index
          %get3A_269 = tpu.vector_load %arg10[%get3A_267, %get3A_268] {strides = array<i32>} : memref<320x128xf32, #tpu.memory_space<vmem>>, vector<16xf32>,
          %sub3A_270 = arith.subf %get3A_263, %get3A_269 : vector<16xf32>
          %mul3A_271 = arith.constant 1.200000e+01 : f32
          %mul3A_272 = vector.broadcast %mul3A_271 : f32 to vector<16xf32>
          %mul3A_273 = arith.mulf %mul3A_272, %sub3A_270 : vector<16xf32>
          %exp3A_274 = math.exp %mul3A_273 : vector<16xf32>
          %add3A_275 = arith.addf %get3A_266, %exp3A_274 : vector<16xf32>
          %swap3A_276 = arith.index_cast %squeeze3A : i32 to index
          %swap3A_277 = arith.constant 96 : index
          %swap3A_278 = tpu.vector_load %arg11[%swap3A_276, %swap3A_277] {strides = array<i32>} : memref<320x128xf32, #tpu.memory_space<vmem>>, vector<16xf32>,
          tpu.vector_store %arg11[%swap3A_276, %swap3A_277], %add3A_275 {strides = array<i32>} : memref<320x128xf32, #tpu.memory_space<vmem>>, vector<16xf32>,
          %get3A_279 = arith.index_cast %while3A_150 : i32 to index
          %get3A_280 = arith.constant 112 : index
          %get3A_281 = tpu.vector_load %arg15[%get3A_279, %get3A_280] {strides = array<i32>} : memref<128x128xf32, #tpu.memory_space<vmem>>, vector<16xf32>,
          %get3A_282 = arith.index_cast %squeeze3A : i32 to index
          %get3A_283 = arith.constant 112 : index
          %get3A_284 = tpu.vector_load %arg11[%get3A_282, %get3A_283] {strides = array<i32>} : memref<320x128xf32, #tpu.memory_space<vmem>>, vector<16xf32>,
          %get3A_285 = arith.index_cast %squeeze3A : i32 to index
          %get3A_286 = arith.constant 112 : index
          %get3A_287 = tpu.vector_load %arg10[%get3A_285, %get3A_286] {strides = array<i32>} : memref<320x128xf32, #tpu.memory_space<vmem>>, vector<16xf32>,
          %sub3A_288 = arith.subf %get3A_281, %get3A_287 : vector<16xf32>
          %mul3A_289 = arith.constant 1.200000e+01 : f32
          %mul3A_290 = vector.broadcast %mul3A_289 : f32 to vector<16xf32>
          %mul3A_291 = arith.mulf %mul3A_290, %sub3A_288 : vector<16xf32>
          %exp3A_292 = math.exp %mul3A_291 : vector<16xf32>
          %add3A_293 = arith.addf %get3A_284, %exp3A_292 : vector<16xf32>
          %swap3A_294 = arith.index_cast %squeeze3A : i32 to index
          %swap3A_295 = arith.constant 112 : index
          %swap3A_296 = tpu.vector_load %arg11[%swap3A_294, %swap3A_295] {strides = array<i32>} : memref<320x128xf32, #tpu.memory_space<vmem>>, vector<16xf32>,
          tpu.vector_store %arg11[%swap3A_294, %swap3A_295], %add3A_293 {strides = array<i32>} : memref<320x128xf32, #tpu.memory_space<vmem>>, vector<16xf32>,
        }
      }
    }
    %scan3A_85 = arith.constant 60 : i32
    "tpu.region"() ({
      %run_scoped3A = tpu.sem_alloc : memref<!tpu.dma_semaphore, #tpu.memory_space<semaphore_mem>>
      %dma_start3A = arith.constant 0 : i32
      %dma_start3A_86 = tpu.memref_slice %arg8[%mul3A_2, %dma_start3A] : memref<10240x128xf32, #tpu.memory_space<hbm>> -> memref<320x128xf32, #tpu.memory_space<hbm>>
      %dma_start3A_87 = arith.constant 0 : i32
      %dma_start3A_88 = tpu.memref_slice %arg8[%mul3A_2, %dma_start3A_87] : memref<10240x128xf32, #tpu.memory_space<hbm>> -> memref<320x128xf32, #tpu.memory_space<hbm>>
      tpu.enqueue_dma source(%arg10 : memref<320x128xf32, #tpu.memory_space<vmem>>) target(%dma_start3A_88 : memref<320x128xf32, #tpu.memory_space<hbm>>) target_semaphore(%run_scoped3A : memref<!tpu.dma_semaphore, #tpu.memory_space<semaphore_mem>>)
      %dma_wait3A = arith.constant 0 : i32
      %dma_wait3A_89 = tpu.memref_slice %arg8[%mul3A_2, %dma_wait3A] : memref<10240x128xf32, #tpu.memory_space<hbm>> -> memref<320x128xf32, #tpu.memory_space<hbm>>
      %dma_wait3A_90 = arith.constant 0 : i32
      %dma_wait3A_91 = tpu.memref_slice %arg8[%mul3A_2, %dma_wait3A_90] : memref<10240x128xf32, #tpu.memory_space<hbm>> -> memref<320x128xf32, #tpu.memory_space<hbm>>
      tpu.wait_dma2 semaphore(%run_scoped3A : memref<!tpu.dma_semaphore, #tpu.memory_space<semaphore_mem>>) src(%arg10 : memref<320x128xf32, #tpu.memory_space<vmem>>) dst(%dma_wait3A_91 : memref<320x128xf32, #tpu.memory_space<hbm>>)
      tpu.yield
    }) : () -> ()
    "tpu.region"() ({
      %run_scoped3A = tpu.sem_alloc : memref<!tpu.dma_semaphore, #tpu.memory_space<semaphore_mem>>
      %dma_start3A = arith.constant 0 : i32
      %dma_start3A_86 = tpu.memref_slice %arg9[%mul3A_2, %dma_start3A] : memref<10240x128xf32, #tpu.memory_space<hbm>> -> memref<320x128xf32, #tpu.memory_space<hbm>>
      %dma_start3A_87 = arith.constant 0 : i32
      %dma_start3A_88 = tpu.memref_slice %arg9[%mul3A_2, %dma_start3A_87] : memref<10240x128xf32, #tpu.memory_space<hbm>> -> memref<320x128xf32, #tpu.memory_space<hbm>>
      tpu.enqueue_dma source(%arg11 : memref<320x128xf32, #tpu.memory_space<vmem>>) target(%dma_start3A_88 : memref<320x128xf32, #tpu.memory_space<hbm>>) target_semaphore(%run_scoped3A : memref<!tpu.dma_semaphore, #tpu.memory_space<semaphore_mem>>)
      %dma_wait3A = arith.constant 0 : i32
      %dma_wait3A_89 = tpu.memref_slice %arg9[%mul3A_2, %dma_wait3A] : memref<10240x128xf32, #tpu.memory_space<hbm>> -> memref<320x128xf32, #tpu.memory_space<hbm>>
      %dma_wait3A_90 = arith.constant 0 : i32
      %dma_wait3A_91 = tpu.memref_slice %arg9[%mul3A_2, %dma_wait3A_90] : memref<10240x128xf32, #tpu.memory_space<hbm>> -> memref<320x128xf32, #tpu.memory_space<hbm>>
      tpu.wait_dma2 semaphore(%run_scoped3A : memref<!tpu.dma_semaphore, #tpu.memory_space<semaphore_mem>>) src(%arg11 : memref<320x128xf32, #tpu.memory_space<vmem>>) dst(%dma_wait3A_91 : memref<320x128xf32, #tpu.memory_space<hbm>>)
      tpu.yield
    }) : () -> ()
    return
  }
}

module attributes {stable_mosaic.version = 14 : i64} {
  func.func @_mlp_block_kernel(%arg0: i32, %arg1: memref<512x256xf32, #tpu.memory_space<vmem>>, %arg2: memref<256x256xf32, #tpu.memory_space<vmem>>, %arg3: memref<1x256xf32, #tpu.memory_space<vmem>>, %arg4: memref<256x256xf32, #tpu.memory_space<vmem>>, %arg5: memref<1x256xf32, #tpu.memory_space<vmem>>, %arg6: memref<512x256xf32, #tpu.memory_space<vmem>>) attributes {dimension_semantics = [#tpu.dimension_semantics<arbitrary>], iteration_bounds = array<i64: 316>, scalar_prefetch = 0 : i64, scratch_operands = 0 : i64, tpu.core_type = #tpu.core_type<tc>, window_params = [{transform_indices = @transform_0, window_bounds = array<i64: 512, 256>}, {pipeline_mode = #tpu.pipeline_mode<synchronous>, transform_indices = @transform_1, window_bounds = array<i64: 256, 256>}, {pipeline_mode = #tpu.pipeline_mode<synchronous>, transform_indices = @transform_2, window_bounds = array<i64: 1, 256>}, {pipeline_mode = #tpu.pipeline_mode<synchronous>, transform_indices = @transform_3, window_bounds = array<i64: 256, 256>}, {pipeline_mode = #tpu.pipeline_mode<synchronous>, transform_indices = @transform_4, window_bounds = array<i64: 1, 256>}, {transform_indices = @transform_5, window_bounds = array<i64: 512, 256>}]} {
    %get3A = arith.constant 0 : index
    %get3A_0 = arith.constant 0 : index
    %get3A_1 = vector.load %arg1[%get3A, %get3A_0] : memref<512x256xf32, #tpu.memory_space<vmem>>, vector<512x256xf32>
    %get3A_2 = arith.constant 0 : index
    %get3A_3 = arith.constant 0 : index
    %get3A_4 = vector.load %arg2[%get3A_2, %get3A_3] : memref<256x256xf32, #tpu.memory_space<vmem>>, vector<256x256xf32>
    %dot_general3A = arith.constant dense<0.000000e+00> : vector<512x256xf32>
    %dot_general3A_5 = tpu.matmul %get3A_1, %get3A_4, %dot_general3A {dimension_numbers = #tpu.dot_dimension_numbers<[1], [0], [0], [1], [0, 0, 1, 1], [], []>, transpose_lhs_hint = false} : vector<512x256xf32>, vector<256x256xf32>, vector<512x256xf32> -> vector<512x256xf32>
    %get3A_6 = arith.constant 0 : index
    %get3A_7 = arith.constant 0 : index
    %get3A_8 = vector.load %arg3[%get3A_6, %get3A_7] : memref<1x256xf32, #tpu.memory_space<vmem>>, vector<1x256xf32>
    %add3A = vector.broadcast %get3A_8 : vector<1x256xf32> to vector<512x256xf32>
    %add3A_9 = arith.addf %dot_general3A_5, %add3A : vector<512x256xf32>
    %custom_jvp_call3A = arith.constant 0.000000e+00 : f32
    %max3A = vector.broadcast %custom_jvp_call3A : f32 to vector<512x256xf32>
    %max3A_10 = arith.maximumf %add3A_9, %max3A : vector<512x256xf32>
    %sub3A = vector.broadcast %custom_jvp_call3A : f32 to vector<512x256xf32>
    %sub3A_11 = arith.subf %add3A_9, %sub3A : vector<512x256xf32>
    %ne3A = arith.cmpf one, %sub3A_11, %sub3A_11 : vector<512x256xf32>
    %add3A_12 = vector.broadcast %custom_jvp_call3A : f32 to vector<512x256xf32>
    %add3A_13 = arith.addf %add3A_9, %add3A_12 : vector<512x256xf32>
    %abs3A = math.absf %sub3A_11 : vector<512x256xf32>
    %neg3A = arith.constant 0.000000e+00 : f32
    %neg3A_14 = vector.broadcast %neg3A : f32 to vector<512x256xf32>
    %neg3A_15 = arith.subf %neg3A_14, %abs3A : vector<512x256xf32>
    %exp3A = math.exp %neg3A_15 : vector<512x256xf32>
    %log1p3A = math.log1p %exp3A : vector<512x256xf32>
    %add3A_16 = arith.addf %max3A_10, %log1p3A : vector<512x256xf32>
    %select_n3A = arith.select %ne3A, %add3A_13, %add3A_16 : vector<512x256xi1>, vector<512x256xf32>
    %tanh3A = math.tanh %select_n3A : vector<512x256xf32>
    %mul3A = arith.mulf %add3A_9, %tanh3A : vector<512x256xf32>
    %get3A_17 = arith.constant 0 : index
    %get3A_18 = arith.constant 0 : index
    %get3A_19 = vector.load %arg4[%get3A_17, %get3A_18] : memref<256x256xf32, #tpu.memory_space<vmem>>, vector<256x256xf32>
    %dot_general3A_20 = arith.constant dense<0.000000e+00> : vector<512x256xf32>
    %dot_general3A_21 = tpu.matmul %mul3A, %get3A_19, %dot_general3A_20 {dimension_numbers = #tpu.dot_dimension_numbers<[1], [0], [0], [1], [0, 0, 1, 1], [], []>, transpose_lhs_hint = false} : vector<512x256xf32>, vector<256x256xf32>, vector<512x256xf32> -> vector<512x256xf32>
    %add3A_22 = arith.addf %get3A_1, %dot_general3A_21 : vector<512x256xf32>
    %get3A_23 = arith.constant 0 : index
    %get3A_24 = arith.constant 0 : index
    %get3A_25 = vector.load %arg5[%get3A_23, %get3A_24] : memref<1x256xf32, #tpu.memory_space<vmem>>, vector<1x256xf32>
    %add3A_26 = vector.broadcast %get3A_25 : vector<1x256xf32> to vector<512x256xf32>
    %add3A_27 = arith.addf %add3A_22, %add3A_26 : vector<512x256xf32>
    %swap3A = arith.constant 0 : index
    %swap3A_28 = arith.constant 0 : index
    %swap3A_29 = vector.load %arg6[%swap3A, %swap3A_28] : memref<512x256xf32, #tpu.memory_space<vmem>>, vector<512x256xf32>
    tpu.vector_store %arg6[%swap3A, %swap3A_28], %add3A_27 {strides = array<i32>} : memref<512x256xf32, #tpu.memory_space<vmem>>, vector<512x256xf32>,
    return
  }
  func.func @transform_0(%arg0: i32) -> (i32, i32) {
    %c0_i32 = arith.constant 0 : i32
    %c0_i32_0 = arith.constant 0 : i32
    return %arg0, %c0_i32 : i32, i32
  }
  func.func @transform_1(%arg0: i32) -> (i32, i32) {
    %c0_i32 = arith.constant 0 : i32
    %c0_i32_0 = arith.constant 0 : i32
    %c0_i32_1 = arith.constant 0 : i32
    return %c0_i32, %c0_i32_0 : i32, i32
  }
  func.func @transform_2(%arg0: i32) -> (i32, i32) {
    %c0_i32 = arith.constant 0 : i32
    %c0_i32_0 = arith.constant 0 : i32
    %c0_i32_1 = arith.constant 0 : i32
    return %c0_i32, %c0_i32_0 : i32, i32
  }
  func.func @transform_3(%arg0: i32) -> (i32, i32) {
    %c0_i32 = arith.constant 0 : i32
    %c0_i32_0 = arith.constant 0 : i32
    %c0_i32_1 = arith.constant 0 : i32
    return %c0_i32, %c0_i32_0 : i32, i32
  }
  func.func @transform_4(%arg0: i32) -> (i32, i32) {
    %c0_i32 = arith.constant 0 : i32
    %c0_i32_0 = arith.constant 0 : i32
    %c0_i32_1 = arith.constant 0 : i32
    return %c0_i32, %c0_i32_0 : i32, i32
  }
  func.func @transform_5(%arg0: i32) -> (i32, i32) {
    %c0_i32 = arith.constant 0 : i32
    %c0_i32_0 = arith.constant 0 : i32
    return %arg0, %c0_i32 : i32, i32
  }
}

module attributes {stable_mosaic.version = 14 : i64} {
  func.func @_mlp_block_kernel(%arg0: i32, %arg1: memref<512x384xf32, #tpu.memory_space<vmem>>, %arg2: memref<384x384xf32, #tpu.memory_space<vmem>>, %arg3: memref<1x384xf32, #tpu.memory_space<vmem>>, %arg4: memref<384x384xf32, #tpu.memory_space<vmem>>, %arg5: memref<1x384xf32, #tpu.memory_space<vmem>>, %arg6: memref<512x384xf32, #tpu.memory_space<vmem>>) attributes {dimension_semantics = [#tpu.dimension_semantics<arbitrary>], iteration_bounds = array<i64: 80>, scalar_prefetch = 0 : i64, scratch_operands = 0 : i64, tpu.core_type = #tpu.core_type<tc>, window_params = [{transform_indices = @transform_0, window_bounds = array<i64: 512, 384>}, {pipeline_mode = #tpu.pipeline_mode<synchronous>, transform_indices = @transform_1, window_bounds = array<i64: 384, 384>}, {pipeline_mode = #tpu.pipeline_mode<synchronous>, transform_indices = @transform_2, window_bounds = array<i64: 1, 384>}, {pipeline_mode = #tpu.pipeline_mode<synchronous>, transform_indices = @transform_3, window_bounds = array<i64: 384, 384>}, {pipeline_mode = #tpu.pipeline_mode<synchronous>, transform_indices = @transform_4, window_bounds = array<i64: 1, 384>}, {transform_indices = @transform_5, window_bounds = array<i64: 512, 384>}]} {
    %get3A = arith.constant 0 : index
    %get3A_0 = arith.constant 0 : index
    %get3A_1 = vector.load %arg1[%get3A, %get3A_0] : memref<512x384xf32, #tpu.memory_space<vmem>>, vector<512x384xf32>
    %get3A_2 = arith.constant 0 : index
    %get3A_3 = arith.constant 0 : index
    %get3A_4 = vector.load %arg2[%get3A_2, %get3A_3] : memref<384x384xf32, #tpu.memory_space<vmem>>, vector<384x384xf32>
    %dot_general3A = arith.constant dense<0.000000e+00> : vector<512x384xf32>
    %dot_general3A_5 = tpu.matmul %get3A_1, %get3A_4, %dot_general3A {dimension_numbers = #tpu.dot_dimension_numbers<[1], [0], [0], [1], [0, 0, 1, 1], [], []>, transpose_lhs_hint = false} : vector<512x384xf32>, vector<384x384xf32>, vector<512x384xf32> -> vector<512x384xf32>
    %get3A_6 = arith.constant 0 : index
    %get3A_7 = arith.constant 0 : index
    %get3A_8 = vector.load %arg3[%get3A_6, %get3A_7] : memref<1x384xf32, #tpu.memory_space<vmem>>, vector<1x384xf32>
    %add3A = vector.broadcast %get3A_8 : vector<1x384xf32> to vector<512x384xf32>
    %add3A_9 = arith.addf %dot_general3A_5, %add3A : vector<512x384xf32>
    %custom_jvp_call3A = arith.constant 0.000000e+00 : f32
    %max3A = vector.broadcast %custom_jvp_call3A : f32 to vector<512x384xf32>
    %max3A_10 = arith.maximumf %add3A_9, %max3A : vector<512x384xf32>
    %sub3A = vector.broadcast %custom_jvp_call3A : f32 to vector<512x384xf32>
    %sub3A_11 = arith.subf %add3A_9, %sub3A : vector<512x384xf32>
    %ne3A = arith.cmpf one, %sub3A_11, %sub3A_11 : vector<512x384xf32>
    %add3A_12 = vector.broadcast %custom_jvp_call3A : f32 to vector<512x384xf32>
    %add3A_13 = arith.addf %add3A_9, %add3A_12 : vector<512x384xf32>
    %abs3A = math.absf %sub3A_11 : vector<512x384xf32>
    %neg3A = arith.constant 0.000000e+00 : f32
    %neg3A_14 = vector.broadcast %neg3A : f32 to vector<512x384xf32>
    %neg3A_15 = arith.subf %neg3A_14, %abs3A : vector<512x384xf32>
    %exp3A = math.exp %neg3A_15 : vector<512x384xf32>
    %log1p3A = math.log1p %exp3A : vector<512x384xf32>
    %add3A_16 = arith.addf %max3A_10, %log1p3A : vector<512x384xf32>
    %select_n3A = arith.select %ne3A, %add3A_13, %add3A_16 : vector<512x384xi1>, vector<512x384xf32>
    %tanh3A = math.tanh %select_n3A : vector<512x384xf32>
    %mul3A = arith.mulf %add3A_9, %tanh3A : vector<512x384xf32>
    %get3A_17 = arith.constant 0 : index
    %get3A_18 = arith.constant 0 : index
    %get3A_19 = vector.load %arg4[%get3A_17, %get3A_18] : memref<384x384xf32, #tpu.memory_space<vmem>>, vector<384x384xf32>
    %dot_general3A_20 = arith.constant dense<0.000000e+00> : vector<512x384xf32>
    %dot_general3A_21 = tpu.matmul %mul3A, %get3A_19, %dot_general3A_20 {dimension_numbers = #tpu.dot_dimension_numbers<[1], [0], [0], [1], [0, 0, 1, 1], [], []>, transpose_lhs_hint = false} : vector<512x384xf32>, vector<384x384xf32>, vector<512x384xf32> -> vector<512x384xf32>
    %add3A_22 = arith.addf %get3A_1, %dot_general3A_21 : vector<512x384xf32>
    %get3A_23 = arith.constant 0 : index
    %get3A_24 = arith.constant 0 : index
    %get3A_25 = vector.load %arg5[%get3A_23, %get3A_24] : memref<1x384xf32, #tpu.memory_space<vmem>>, vector<1x384xf32>
    %add3A_26 = vector.broadcast %get3A_25 : vector<1x384xf32> to vector<512x384xf32>
    %add3A_27 = arith.addf %add3A_22, %add3A_26 : vector<512x384xf32>
    %swap3A = arith.constant 0 : index
    %swap3A_28 = arith.constant 0 : index
    %swap3A_29 = vector.load %arg6[%swap3A, %swap3A_28] : memref<512x384xf32, #tpu.memory_space<vmem>>, vector<512x384xf32>
    tpu.vector_store %arg6[%swap3A, %swap3A_28], %add3A_27 {strides = array<i32>} : memref<512x384xf32, #tpu.memory_space<vmem>>, vector<512x384xf32>,
    return
  }
  func.func @transform_0(%arg0: i32) -> (i32, i32) {
    %c0_i32 = arith.constant 0 : i32
    %c0_i32_0 = arith.constant 0 : i32
    return %arg0, %c0_i32 : i32, i32
  }
  func.func @transform_1(%arg0: i32) -> (i32, i32) {
    %c0_i32 = arith.constant 0 : i32
    %c0_i32_0 = arith.constant 0 : i32
    %c0_i32_1 = arith.constant 0 : i32
    return %c0_i32, %c0_i32_0 : i32, i32
  }
  func.func @transform_2(%arg0: i32) -> (i32, i32) {
    %c0_i32 = arith.constant 0 : i32
    %c0_i32_0 = arith.constant 0 : i32
    %c0_i32_1 = arith.constant 0 : i32
    return %c0_i32, %c0_i32_0 : i32, i32
  }
  func.func @transform_3(%arg0: i32) -> (i32, i32) {
    %c0_i32 = arith.constant 0 : i32
    %c0_i32_0 = arith.constant 0 : i32
    %c0_i32_1 = arith.constant 0 : i32
    return %c0_i32, %c0_i32_0 : i32, i32
  }
  func.func @transform_4(%arg0: i32) -> (i32, i32) {
    %c0_i32 = arith.constant 0 : i32
    %c0_i32_0 = arith.constant 0 : i32
    %c0_i32_1 = arith.constant 0 : i32
    return %c0_i32, %c0_i32_0 : i32, i32
  }
  func.func @transform_5(%arg0: i32) -> (i32, i32) {
    %c0_i32 = arith.constant 0 : i32
    %c0_i32_0 = arith.constant 0 : i32
    return %arg0, %c0_i32 : i32, i32
  }
}

module attributes {stable_mosaic.version = 14 : i64} {
  func.func @_mlp_block_kernel(%arg0: i32, %arg1: memref<512x128xf32, #tpu.memory_space<vmem>>, %arg2: memref<128x128xf32, #tpu.memory_space<vmem>>, %arg3: memref<1x128xf32, #tpu.memory_space<vmem>>, %arg4: memref<128x128xf32, #tpu.memory_space<vmem>>, %arg5: memref<1x128xf32, #tpu.memory_space<vmem>>, %arg6: memref<512x128xf32, #tpu.memory_space<vmem>>) attributes {dimension_semantics = [#tpu.dimension_semantics<arbitrary>], iteration_bounds = array<i64: 160>, scalar_prefetch = 0 : i64, scratch_operands = 0 : i64, tpu.core_type = #tpu.core_type<tc>, window_params = [{transform_indices = @transform_0, window_bounds = array<i64: 512, 128>}, {pipeline_mode = #tpu.pipeline_mode<synchronous>, transform_indices = @transform_1, window_bounds = array<i64: 128, 128>}, {pipeline_mode = #tpu.pipeline_mode<synchronous>, transform_indices = @transform_2, window_bounds = array<i64: 1, 128>}, {pipeline_mode = #tpu.pipeline_mode<synchronous>, transform_indices = @transform_3, window_bounds = array<i64: 128, 128>}, {pipeline_mode = #tpu.pipeline_mode<synchronous>, transform_indices = @transform_4, window_bounds = array<i64: 1, 128>}, {transform_indices = @transform_5, window_bounds = array<i64: 512, 128>}]} {
    %get3A = arith.constant 0 : index
    %get3A_0 = arith.constant 0 : index
    %get3A_1 = vector.load %arg1[%get3A, %get3A_0] : memref<512x128xf32, #tpu.memory_space<vmem>>, vector<512x128xf32>
    %get3A_2 = arith.constant 0 : index
    %get3A_3 = arith.constant 0 : index
    %get3A_4 = vector.load %arg2[%get3A_2, %get3A_3] : memref<128x128xf32, #tpu.memory_space<vmem>>, vector<128x128xf32>
    %dot_general3A = arith.constant dense<0.000000e+00> : vector<512x128xf32>
    %dot_general3A_5 = tpu.matmul %get3A_1, %get3A_4, %dot_general3A {dimension_numbers = #tpu.dot_dimension_numbers<[1], [0], [0], [1], [0, 0, 1, 1], [], []>, transpose_lhs_hint = false} : vector<512x128xf32>, vector<128x128xf32>, vector<512x128xf32> -> vector<512x128xf32>
    %get3A_6 = arith.constant 0 : index
    %get3A_7 = arith.constant 0 : index
    %get3A_8 = vector.load %arg3[%get3A_6, %get3A_7] : memref<1x128xf32, #tpu.memory_space<vmem>>, vector<1x128xf32>
    %add3A = vector.broadcast %get3A_8 : vector<1x128xf32> to vector<512x128xf32>
    %add3A_9 = arith.addf %dot_general3A_5, %add3A : vector<512x128xf32>
    %custom_jvp_call3A = arith.constant 0.000000e+00 : f32
    %max3A = vector.broadcast %custom_jvp_call3A : f32 to vector<512x128xf32>
    %max3A_10 = arith.maximumf %add3A_9, %max3A : vector<512x128xf32>
    %sub3A = vector.broadcast %custom_jvp_call3A : f32 to vector<512x128xf32>
    %sub3A_11 = arith.subf %add3A_9, %sub3A : vector<512x128xf32>
    %ne3A = arith.cmpf one, %sub3A_11, %sub3A_11 : vector<512x128xf32>
    %add3A_12 = vector.broadcast %custom_jvp_call3A : f32 to vector<512x128xf32>
    %add3A_13 = arith.addf %add3A_9, %add3A_12 : vector<512x128xf32>
    %abs3A = math.absf %sub3A_11 : vector<512x128xf32>
    %neg3A = arith.constant 0.000000e+00 : f32
    %neg3A_14 = vector.broadcast %neg3A : f32 to vector<512x128xf32>
    %neg3A_15 = arith.subf %neg3A_14, %abs3A : vector<512x128xf32>
    %exp3A = math.exp %neg3A_15 : vector<512x128xf32>
    %log1p3A = math.log1p %exp3A : vector<512x128xf32>
    %add3A_16 = arith.addf %max3A_10, %log1p3A : vector<512x128xf32>
    %select_n3A = arith.select %ne3A, %add3A_13, %add3A_16 : vector<512x128xi1>, vector<512x128xf32>
    %tanh3A = math.tanh %select_n3A : vector<512x128xf32>
    %mul3A = arith.mulf %add3A_9, %tanh3A : vector<512x128xf32>
    %get3A_17 = arith.constant 0 : index
    %get3A_18 = arith.constant 0 : index
    %get3A_19 = vector.load %arg4[%get3A_17, %get3A_18] : memref<128x128xf32, #tpu.memory_space<vmem>>, vector<128x128xf32>
    %dot_general3A_20 = arith.constant dense<0.000000e+00> : vector<512x128xf32>
    %dot_general3A_21 = tpu.matmul %mul3A, %get3A_19, %dot_general3A_20 {dimension_numbers = #tpu.dot_dimension_numbers<[1], [0], [0], [1], [0, 0, 1, 1], [], []>, transpose_lhs_hint = false} : vector<512x128xf32>, vector<128x128xf32>, vector<512x128xf32> -> vector<512x128xf32>
    %add3A_22 = arith.addf %get3A_1, %dot_general3A_21 : vector<512x128xf32>
    %get3A_23 = arith.constant 0 : index
    %get3A_24 = arith.constant 0 : index
    %get3A_25 = vector.load %arg5[%get3A_23, %get3A_24] : memref<1x128xf32, #tpu.memory_space<vmem>>, vector<1x128xf32>
    %add3A_26 = vector.broadcast %get3A_25 : vector<1x128xf32> to vector<512x128xf32>
    %add3A_27 = arith.addf %add3A_22, %add3A_26 : vector<512x128xf32>
    %swap3A = arith.constant 0 : index
    %swap3A_28 = arith.constant 0 : index
    %swap3A_29 = vector.load %arg6[%swap3A, %swap3A_28] : memref<512x128xf32, #tpu.memory_space<vmem>>, vector<512x128xf32>
    tpu.vector_store %arg6[%swap3A, %swap3A_28], %add3A_27 {strides = array<i32>} : memref<512x128xf32, #tpu.memory_space<vmem>>, vector<512x128xf32>,
    return
  }
  func.func @transform_0(%arg0: i32) -> (i32, i32) {
    %c0_i32 = arith.constant 0 : i32
    %c0_i32_0 = arith.constant 0 : i32
    return %arg0, %c0_i32 : i32, i32
  }
  func.func @transform_1(%arg0: i32) -> (i32, i32) {
    %c0_i32 = arith.constant 0 : i32
    %c0_i32_0 = arith.constant 0 : i32
    %c0_i32_1 = arith.constant 0 : i32
    return %c0_i32, %c0_i32_0 : i32, i32
  }
  func.func @transform_2(%arg0: i32) -> (i32, i32) {
    %c0_i32 = arith.constant 0 : i32
    %c0_i32_0 = arith.constant 0 : i32
    %c0_i32_1 = arith.constant 0 : i32
    return %c0_i32, %c0_i32_0 : i32, i32
  }
  func.func @transform_3(%arg0: i32) -> (i32, i32) {
    %c0_i32 = arith.constant 0 : i32
    %c0_i32_0 = arith.constant 0 : i32
    %c0_i32_1 = arith.constant 0 : i32
    return %c0_i32, %c0_i32_0 : i32, i32
  }
  func.func @transform_4(%arg0: i32) -> (i32, i32) {
    %c0_i32 = arith.constant 0 : i32
    %c0_i32_0 = arith.constant 0 : i32
    %c0_i32_1 = arith.constant 0 : i32
    return %c0_i32, %c0_i32_0 : i32, i32
  }
  func.func @transform_5(%arg0: i32) -> (i32, i32) {
    %c0_i32 = arith.constant 0 : i32
    %c0_i32_0 = arith.constant 0 : i32
    return %arg0, %c0_i32 : i32, i32
  }
}

module attributes {stable_mosaic.version = 14 : i64} {
  func.func @_update_kernel(%arg0: i32, %arg1: memref<400x128xf32, #tpu.memory_space<vmem>>, %arg2: memref<400x128xf32, #tpu.memory_space<vmem>>, %arg3: memref<400x128xf32, #tpu.memory_space<vmem>>, %arg4: memref<256x256xf32, #tpu.memory_space<vmem>>, %arg5: memref<1x256xf32, #tpu.memory_space<vmem>>, %arg6: memref<256x128xf32, #tpu.memory_space<vmem>>, %arg7: memref<1x128xf32, #tpu.memory_space<vmem>>, %arg8: memref<400x128xf32, #tpu.memory_space<vmem>>) attributes {dimension_semantics = [#tpu.dimension_semantics<arbitrary>], iteration_bounds = array<i64: 25>, scalar_prefetch = 0 : i64, scratch_operands = 0 : i64, tpu.core_type = #tpu.core_type<tc>, window_params = [{transform_indices = @transform_0, window_bounds = array<i64: 400, 128>}, {transform_indices = @transform_1, window_bounds = array<i64: 400, 128>}, {transform_indices = @transform_2, window_bounds = array<i64: 400, 128>}, {pipeline_mode = #tpu.pipeline_mode<synchronous>, transform_indices = @transform_3, window_bounds = array<i64: 256, 256>}, {pipeline_mode = #tpu.pipeline_mode<synchronous>, transform_indices = @transform_4, window_bounds = array<i64: 1, 256>}, {pipeline_mode = #tpu.pipeline_mode<synchronous>, transform_indices = @transform_5, window_bounds = array<i64: 256, 128>}, {pipeline_mode = #tpu.pipeline_mode<synchronous>, transform_indices = @transform_6, window_bounds = array<i64: 1, 128>}, {transform_indices = @transform_7, window_bounds = array<i64: 400, 128>}]} {
    %get3A = arith.constant 0 : index
    %get3A_0 = arith.constant 0 : index
    %get3A_1 = vector.load %arg2[%get3A, %get3A_0] : memref<400x128xf32, #tpu.memory_space<vmem>>, vector<400x128xf32>
    %log3A = math.log %get3A_1 : vector<400x128xf32>
    %mul3A = arith.constant 0.0833333358 : f32
    %mul3A_2 = vector.broadcast %mul3A : f32 to vector<400x128xf32>
    %mul3A_3 = arith.mulf %log3A, %mul3A_2 : vector<400x128xf32>
    %get3A_4 = arith.constant 0 : index
    %get3A_5 = arith.constant 0 : index
    %get3A_6 = vector.load %arg1[%get3A_4, %get3A_5] : memref<400x128xf32, #tpu.memory_space<vmem>>, vector<400x128xf32>
    %add3A = arith.addf %mul3A_3, %get3A_6 : vector<400x128xf32>
    %get3A_7 = arith.constant 0 : index
    %get3A_8 = arith.constant 0 : index
    %get3A_9 = vector.load %arg3[%get3A_7, %get3A_8] : memref<400x128xf32, #tpu.memory_space<vmem>>, vector<400x128xf32>
    %concatenate3A = tpu.concatenate %add3A, %get3A_9 in 1 : vector<400x128xf32>, vector<400x128xf32> -> vector<400x256xf32>
    %get3A_10 = arith.constant 0 : index
    %get3A_11 = arith.constant 0 : index
    %get3A_12 = vector.load %arg4[%get3A_10, %get3A_11] : memref<256x256xf32, #tpu.memory_space<vmem>>, vector<256x256xf32>
    %dot_general3A = arith.constant dense<0.000000e+00> : vector<400x256xf32>
    %dot_general3A_13 = tpu.matmul %concatenate3A, %get3A_12, %dot_general3A {dimension_numbers = #tpu.dot_dimension_numbers<[1], [0], [0], [1], [0, 0, 1, 1], [], []>, transpose_lhs_hint = false} : vector<400x256xf32>, vector<256x256xf32>, vector<400x256xf32> -> vector<400x256xf32>
    %get3A_14 = arith.constant 0 : index
    %get3A_15 = arith.constant 0 : index
    %get3A_16 = vector.load %arg5[%get3A_14, %get3A_15] : memref<1x256xf32, #tpu.memory_space<vmem>>, vector<1x256xf32>
    %add3A_17 = vector.broadcast %get3A_16 : vector<1x256xf32> to vector<400x256xf32>
    %add3A_18 = arith.addf %dot_general3A_13, %add3A_17 : vector<400x256xf32>
    %custom_jvp_call3A = arith.constant 0.000000e+00 : f32
    %max3A = vector.broadcast %custom_jvp_call3A : f32 to vector<400x256xf32>
    %max3A_19 = arith.maximumf %add3A_18, %max3A : vector<400x256xf32>
    %sub3A = vector.broadcast %custom_jvp_call3A : f32 to vector<400x256xf32>
    %sub3A_20 = arith.subf %add3A_18, %sub3A : vector<400x256xf32>
    %ne3A = arith.cmpf one, %sub3A_20, %sub3A_20 : vector<400x256xf32>
    %add3A_21 = vector.broadcast %custom_jvp_call3A : f32 to vector<400x256xf32>
    %add3A_22 = arith.addf %add3A_18, %add3A_21 : vector<400x256xf32>
    %abs3A = math.absf %sub3A_20 : vector<400x256xf32>
    %neg3A = arith.constant 0.000000e+00 : f32
    %neg3A_23 = vector.broadcast %neg3A : f32 to vector<400x256xf32>
    %neg3A_24 = arith.subf %neg3A_23, %abs3A : vector<400x256xf32>
    %exp3A = math.exp %neg3A_24 : vector<400x256xf32>
    %log1p3A = math.log1p %exp3A : vector<400x256xf32>
    %add3A_25 = arith.addf %max3A_19, %log1p3A : vector<400x256xf32>
    %select_n3A = arith.select %ne3A, %add3A_22, %add3A_25 : vector<400x256xi1>, vector<400x256xf32>
    %tanh3A = math.tanh %select_n3A : vector<400x256xf32>
    %mul3A_26 = arith.mulf %add3A_18, %tanh3A : vector<400x256xf32>
    %get3A_27 = arith.constant 0 : index
    %get3A_28 = arith.constant 0 : index
    %get3A_29 = vector.load %arg3[%get3A_27, %get3A_28] : memref<400x128xf32, #tpu.memory_space<vmem>>, vector<400x128xf32>
    %get3A_30 = arith.constant 0 : index
    %get3A_31 = arith.constant 0 : index
    %get3A_32 = vector.load %arg6[%get3A_30, %get3A_31] : memref<256x128xf32, #tpu.memory_space<vmem>>, vector<256x128xf32>
    %dot_general3A_33 = arith.constant dense<0.000000e+00> : vector<400x128xf32>
    %dot_general3A_34 = tpu.matmul %mul3A_26, %get3A_32, %dot_general3A_33 {dimension_numbers = #tpu.dot_dimension_numbers<[1], [0], [0], [1], [0, 0, 1, 1], [], []>, transpose_lhs_hint = false} : vector<400x256xf32>, vector<256x128xf32>, vector<400x128xf32> -> vector<400x128xf32>
    %add3A_35 = arith.addf %get3A_29, %dot_general3A_34 : vector<400x128xf32>
    %get3A_36 = arith.constant 0 : index
    %get3A_37 = arith.constant 0 : index
    %get3A_38 = vector.load %arg7[%get3A_36, %get3A_37] : memref<1x128xf32, #tpu.memory_space<vmem>>, vector<1x128xf32>
    %add3A_39 = vector.broadcast %get3A_38 : vector<1x128xf32> to vector<400x128xf32>
    %add3A_40 = arith.addf %add3A_35, %add3A_39 : vector<400x128xf32>
    %swap3A = arith.constant 0 : index
    %swap3A_41 = arith.constant 0 : index
    %swap3A_42 = vector.load %arg8[%swap3A, %swap3A_41] : memref<400x128xf32, #tpu.memory_space<vmem>>, vector<400x128xf32>
    tpu.vector_store %arg8[%swap3A, %swap3A_41], %add3A_40 {strides = array<i32>} : memref<400x128xf32, #tpu.memory_space<vmem>>, vector<400x128xf32>,
    return
  }
  func.func @transform_0(%arg0: i32) -> (i32, i32) {
    %c0_i32 = arith.constant 0 : i32
    %c0_i32_0 = arith.constant 0 : i32
    return %arg0, %c0_i32 : i32, i32
  }
  func.func @transform_1(%arg0: i32) -> (i32, i32) {
    %c0_i32 = arith.constant 0 : i32
    %c0_i32_0 = arith.constant 0 : i32
    return %arg0, %c0_i32 : i32, i32
  }
  func.func @transform_2(%arg0: i32) -> (i32, i32) {
    %c0_i32 = arith.constant 0 : i32
    %c0_i32_0 = arith.constant 0 : i32
    return %arg0, %c0_i32 : i32, i32
  }
  func.func @transform_3(%arg0: i32) -> (i32, i32) {
    %c0_i32 = arith.constant 0 : i32
    %c0_i32_0 = arith.constant 0 : i32
    %c0_i32_1 = arith.constant 0 : i32
    return %c0_i32, %c0_i32_0 : i32, i32
  }
  func.func @transform_4(%arg0: i32) -> (i32, i32) {
    %c0_i32 = arith.constant 0 : i32
    %c0_i32_0 = arith.constant 0 : i32
    %c0_i32_1 = arith.constant 0 : i32
    return %c0_i32, %c0_i32_0 : i32, i32
  }
  func.func @transform_5(%arg0: i32) -> (i32, i32) {
    %c0_i32 = arith.constant 0 : i32
    %c0_i32_0 = arith.constant 0 : i32
    %c0_i32_1 = arith.constant 0 : i32
    return %c0_i32, %c0_i32_0 : i32, i32
  }
  func.func @transform_6(%arg0: i32) -> (i32, i32) {
    %c0_i32 = arith.constant 0 : i32
    %c0_i32_0 = arith.constant 0 : i32
    %c0_i32_1 = arith.constant 0 : i32
    return %c0_i32, %c0_i32_0 : i32, i32
  }
  func.func @transform_7(%arg0: i32) -> (i32, i32) {
    %c0_i32 = arith.constant 0 : i32
    %c0_i32_0 = arith.constant 0 : i32
    return %arg0, %c0_i32 : i32, i32
  }
}

</mosaic_0001>

<sc_bundles>
// kernel: kernel.11.cloned.1.call-start
scs
__scs_entry_jumppad:
0x0: {  	(pc) =	sbr.rel $0x88, $3  }
0x1: {  	(tag) =	ssettag $0x0;
	lr =	simm.s32 $0x1  }
0x2: {  	[smem:$0x3F8D] =	sst lr;
	_ =	strace $0xD0000000  }
0x3: {  	_ = 	snop  }
0x4: {  	_ = 	snop  }
0x5: {  	_ = 	snop  }
0x6: {  	_ = 	snop  }
0x7: {  	_ = 	snop  }
__scs_overlays_trampoline_lowered:
0x8: {  	[smem:$0x3F9C] =	sst s0  }
0x9: {  	[smem:$0x3F9D] =	sst s1  }
0xa: {  	[smem:$0x3F9E] =	sst s2  }
0xb: {  	[smem:$0x3F9F] =	sst s3  }
0xc: {  	[smem:$0x3FA0] =	sst s4  }
0xd: {  	[smem:$0x3FA1] =	sst s5  }
0xe: {  	[smem:$0x3FA2] =	sst s6  }
0xf: {  	[smem:$0x3FA3] =	sst s7  }
0x10: {  	[smem:$0x3FA4] =	sst s8  }
0x11: {  	[smem:$0x3FA5] =	sst s9;
	s0 =	simm.s32 @!p0 $0x0  }
0x12: {  	s1 =	sld [smem:$0x3F8B];
	s0 =	simm.s32 @p0 $0x1  }
0x13: {  	[smem:$0x3FA6] =	sst s0;
	s0 =	simm.s32 @!p1 $0x0  }
0x14: {  	s2 =	sld [smem:$0x3F8A];
	s0 =	simm.s32 @p1 $0x1  }
0x15: {  	[smem:$0x3FA7] =	sst s0;
	s0 =	simm.s32 @!p2 $0x0  }
0x16: {  	s3 =	sld [smem:$0x3FDB];
	s0 =	simm.s32 @p2 $0x1  }
0x17: {  	s4 =	simm.s32 $0x1BF5;
	[smem:$0x3FA9] =	sst s0  }
0x18: {  	s0 =	sld [smem:$0x3F8C];
	_ =	swait.ge [sflag:s4], $0x0  }
0x19: {  	s7 =	sld [smem:$0x3F8D]  }
0x1a: {  	s8 =	sadd.s32 $0xFFFFE003, lr  }
0x1b: {  	s9 =	sadd.s32 $0xFFFFFEF7, lr;
	s5 =	simm.s32 $0xFFFFFFFF;
	p2 =	slt.u32 s8, $0xFFFFF086  }
0x1c: {  	p1 =	slt.u32 s9, $0xF7A;
	s5 =	simm.s32 @!p2 $0x0  }
0x1d: {  	s5 =	simm.s32 @p1 $0x1;
	p0 =	seq.s32 s7, s2  }
0x1e: {  	s7 =	smul.u32 @!p0 $0xF7A, s2;
	p2 =	seq.s32 @!p0 s5, $0x0  }
0x1f: {  	s9 =	smul.u32 $0xF7A, s1;
	s8 =	simm.s32 @!p0 $0x1BF5;
	p2 =	por !p2, p0  }
0x20: {  	[sflag:s8] =	ssyncset.s32 @!p0 $0xFFFFF086;
	s6 =	sadd.s32 @!p0 s3, s7;
	s7 =	simm.s32 @!p0 $0x108  }
0x21: {  	s3 =	sadd.s32 s3, s9;
	s6 =	sadd.s32 @!p0 $0x88, s6;
	s7 =	simm.s32 @p2 $0x1082  }
0x22: {  	[simem:s7], [sflag:s8] =	dma.local @!p0 [hbm:s6], $0xF7A  }
0x23: {  	s9 =	sor.u32 $0xD0000000, s2;
	s6 =	simm.s32 $0x108;
	_ =	swait.ge @!p0 [sflag:s8], $0x0  }
0x24: {  	s3 =	sadd.s32 $0x88, s3;
	s6 =	simm.s32 @!p1 $0x1082;
	[sflag:s4] =	ssyncset.s32 $0xFFFFF086  }
0x25: {  	[simem:s6], [sflag:s4] =	dma.local [hbm:s3], $0xF7A  }
0x26: {  	[smem:$0x3F8D] =	sst s1;
	(tag) =	ssettag s2;
	_ =	strace s9  }
0x27: {  	s1 =	sld [smem:$0x3F9D]  }
0x28: {  	s2 =	sld [smem:$0x3F9E]  }
0x29: {  	s4 =	sld [smem:$0x3FA0]  }
0x2a: {  	p0 =	seq.s32 s5, $0x0;
	s5 =	sld [smem:$0x3FA1]  }
0x2b: {  	s6 =	sld [smem:$0x3FA2]  }
0x2c: {  	s7 =	sld [smem:$0x3FA3]  }
0x2d: {  	s3 =	simm.s32 $0x108;
	s8 =	sld [smem:$0x3FA4]  }
0x2e: {  	s3 =	simm.s32 @!p0 $0x1082;
	s9 =	sld [smem:$0x3FA5]  }
0x2f: {  	lr =	sadd.s32 s0, s3;
	s0 =	sld [smem:$0x3F9C]  }
0x30: {  	s3 =	sld [smem:$0x3F9F]  }
0x31: {  	[smem:$0x3FA8] =	sst s10  }
0x32: {  	s10 =	sld [smem:$0x3FA6];
	_ =	sdelay $0x3  }
0x33: {  	p0 =	seq.s32 s10, $0x1;
	s10 =	sld [smem:$0x3FA8];
	_ =	sdelay $0x3  }
0x34: {  	[smem:$0x3FA8] =	sst s10  }
0x35: {  	s10 =	sld [smem:$0x3FA7];
	_ =	sdelay $0x3  }
0x36: {  	p1 =	seq.s32 s10, $0x1;
	s10 =	sld [smem:$0x3FA8];
	_ =	sdelay $0x3  }
0x37: {  	[smem:$0x3FA8] =	sst s10  }
0x38: {  	s10 =	sld [smem:$0x3FA9]  }
0x39: {  	_ = 	snop;
	(pc) =	sbr.ind lr, $3  }
0x3a: {  	_ = 	snop  }
0x3b: {  	_ = 	snop  }
0x3c: {  	p2 =	seq.s32 s10, $0x1;
	s10 =	sld [smem:$0x3FA8]  }
0x3d: {  	_ =	shalt  }
0x3e: {  	_ =	shalt  }
0x3f: {  	_ =	shalt  }
0x40: {  	_ =	shalt  }
0x41: {  	_ =	shalt  }
0x42: {  	_ =	shalt  }
0x43: {  	_ =	shalt  }
0x44: {  	_ =	shalt  }
0x45: {  	_ =	shalt  }
0x46: {  	_ =	shalt  }
0x47: {  	_ =	shalt  }
0x48: {  	_ =	shalt  }
0x49: {  	_ =	shalt  }
0x4a: {  	_ =	shalt  }
0x4b: {  	_ =	shalt  }
0x4c: {  	_ =	shalt  }
0x4d: {  	_ =	shalt  }
0x4e: {  	_ =	shalt  }
0x4f: {  	_ =	shalt  }
0x50: {  	_ =	shalt  }
0x51: {  	_ =	shalt  }
0x52: {  	_ =	shalt  }
0x53: {  	_ =	shalt  }
0x54: {  	_ =	shalt  }
0x55: {  	_ =	shalt  }
0x56: {  	_ =	shalt  }
0x57: {  	_ =	shalt  }
0x58: {  	_ =	shalt  }
0x59: {  	_ =	shalt  }
0x5a: {  	_ =	shalt  }
0x5b: {  	_ =	shalt  }
0x5c: {  	_ =	shalt  }
0x5d: {  	_ =	shalt  }
0x5e: {  	_ =	shalt  }
0x5f: {  	_ =	shalt  }
0x60: {  	_ =	shalt  }
0x61: {  	_ =	shalt  }
0x62: {  	_ =	shalt  }
0x63: {  	_ =	shalt  }
0x64: {  	_ =	shalt  }
0x65: {  	_ =	shalt  }
0x66: {  	_ =	shalt  }
0x67: {  	_ =	shalt  }
0x68: {  	_ =	shalt  }
0x69: {  	_ =	shalt  }
0x6a: {  	_ =	shalt  }
0x6b: {  	_ =	shalt  }
0x6c: {  	_ =	shalt  }
0x6d: {  	_ =	shalt  }
0x6e: {  	_ =	shalt  }
0x6f: {  	_ =	shalt  }
0x70: {  	_ =	shalt  }
0x71: {  	_ =	shalt  }
0x72: {  	_ =	shalt  }
0x73: {  	_ =	shalt  }
0x74: {  	_ =	shalt  }
0x75: {  	_ =	shalt  }
0x76: {  	_ =	shalt  }
0x77: {  	_ =	shalt  }
0x78: {  	_ =	shalt  }
0x79: {  	_ =	shalt  }
0x7a: {  	_ =	shalt  }
0x7b: {  	_ =	shalt  }
0x7c: {  	_ =	shalt  }
0x7d: {  	_ =	shalt  }
0x7e: {  	_ =	shalt  }
0x7f: {  	_ =	shalt  }
0x80: {  	_ =	shalt  }
0x81: {  	_ =	shalt  }
0x82: {  	_ =	shalt  }
0x83: {  	_ =	shalt  }
0x84: {  	_ =	shalt  }
0x85: {  	_ =	shalt  }
0x86: {  	_ =	shalt  }
0x87: {  	_ =	shalt  }
.Lfunc_end0:
.L_simem_size_0:
called_computation.1_lowered:
.L_overlay_start_0:
0x88: {  	s2 =	sld [smem:$0x3FD9]  }
0x89: {  	s3 =	sld [smem:$0x3FFE];
	_ =	sdelay $0x1  }
0x8a: {  	s1 =	srdreg.scid  }
0x8b: {  	s0 =	sand.u32 $0x1, s1  }
0x8c: {  	s17 =	sshll.u32 s0, $0xA;
	s2 =	sadd.s32 s3, s2  }
0x8d: {  	s2 =	sadd.s32 s2, s17  }
0x8e: {  	[smem:$0x3FB4] =	sst s2  }
0x8f: {  	_ = 	snop  }
0x90: {  	s2 =	sld [smem:$0x3FC8]  }
0x91: {  	s18 =	sld [smem:$0x3FC7]  }
0x92: {  	s4 =	sld [smem:$0x3FC6];
	(tm) =	ssettm $0x1  }
0x93: {  	s5 =	sld [smem:$0x3FFB];
	_ =	sdelay $0x3  }
0x94: {  	_ =	strace s5  }
0x95: {  	s5 =	sld [smem:$0x3FFC];
	_ =	sdelay $0x3  }
0x96: {  	_ =	strace s5  }
0x97: {  	s5 =	sld [smem:$0x3FFD];
	_ =	sdelay $0x3  }
0x98: {  	_ =	strace s5  }
0x99: {  	_ =	strace $0x8FFFFFFF  }
0x9a: {  	s19 =	sld [smem:$0x3FDB];
	_ =	sdelay $0x1  }
0x9b: {  	s6 =	simm.s32 $_scs_section_size  }
0x9c: {  	s7 =	simm.s32 $_size__tile_overlayer_lowered;
	s8 =	simm.s32 $_tile_overlayer_lowered  }
0x9d: {  	s22 =	simm.s32 $0x1BFF;
	s21 =	sshll.u32 s8, $0x1;
	s5 =	sadd.s32 s6, s19  }
0x9e: {  	s9 =	simm.s32 $0x0;
	s20 =	sshll.u32 s7, $0x1;
	s7 =	sadd.s32 s21, s5  }
0x9f: {  	[timem:s9], [sflag:s22] =	dma.local [hbm:s7], s20  }
0xa0: {  	_ =	swait.ge [sflag:s22], s20  }
0xa1: {  	s6 =	ssub.s32 $0x0, s20;
	[sflag:s22] =	ssyncset.done $0x0  }
0xa2: {  	[sflag:s22] =	ssyncadd.s32 s6;
	_ =	sdelay $0x1  }
0xa3: {  	s23 =	simm.s32 $0x1B8B  }
0xa4: {  	_ =	swait.ge [sflag:s23], $0x1  }
0xa5: {  	[sflag:s23] =	ssyncset.done $0x0  }
0xa6: {  	s25 =	simm.s32 $0x1B8E;
	s24 =	sld [smem:$0x3FFE];
	[sflag:s23] =	ssyncadd.s32 $0xFFFFFFFF  }
0xa7: {  	s26 =	simm.s32 $execute0_lowered;
	[smem:$0x3FD2] =	sst s25  }
0xa8: {  	s7 =	sshll.u32 s26, $0x1;
	_ =	strace $0x80000049;
	[dreg:$0x1] =	wrdreg $0xFFFFFFFF  }
0xa9: {  	s28 =	simm.s32 $_size_execute0_lowered;
	s5 =	sadd.s32 s5, s7;
	[dreg:$0x0] =	wrdreg $0x0  }
0xaa: {  	s7 =	sshll.u32 s28, $0x1;
	[dreg:$0x2] =	wrdreg s5  }
0xab: {  	[dreg:$0x3] =	wrdreg s7  }
0xac: {  	[dreg:$0x4] =	wrdreg $0xC0  }
0xad: {  	_ =	task [dreg:s9], $0x5FFFF  }
0xae: {  	[dreg:$0x1] =	wrdreg $0xFFFFFFFF  }
0xaf: {  	[dreg:$0x0] =	wrdreg $0x60  }
0xb0: {  	[dreg:$0x2] =	wrdreg s24  }
0xb1: {  	[dreg:$0x3] =	wrdreg s2  }
0xb2: {  	[dreg:$0x4] =	wrdreg s18  }
0xb3: {  	[dreg:$0x5] =	wrdreg s4  }
0xb4: {  	[dreg:$0x6] =	wrdreg $0x9  }
0xb5: {  	_ =	task.clear_ibuf [dreg:s9], $0x7FFFF;
	_ =	strace $0x90000049  }
0xb6: {  	s29 =	simm.s32 $0x9;
	_ =	strace $0x8000004B  }
0xb7: {  	_ =	swait.ge [sflag:s29], $0x1  }
0xb8: {  	[sflag:s29] =	ssyncadd.s32 $0xFFFFFFFF  }
0xb9: {  	_ =	strace $0x9000004B  }
0xba: {  	_ =	sfence  }
0xbb: {  	s30 =	sld [smem:$0x0];
	_ =	sdelay $0x2  }
0xbc: {  	s31 =	sshll.u32 s1, $0xD;
	s1 =	sshrl.u32 s1, $0x2  }
0xbd: {  	s3 =	sand.u32 $0x4000, s31;
	s1 =	sadd.s32 s1, s30  }
0xbe: {  	s0 =	sor.u32 s3, s0;
	s1 =	sshll.u32 s1, $0x11  }
0xbf: {  	s0 =	sor.u32 s1, s0  }
0xc0: {  	s0 =	sadd.s32 $0x8F2B, s0  }
0xc1: {  	[sflag:s0] =	ssyncadd.remote.s32 $0x1  }
0xc2: {  	_ =	sfence.sel $0xFFFF  }
0xc3: {  	[dreg:$0x0] =	wrdreg $0xFFFFFFFF;
	(pc) =	sbr.abs _section_cstart, $3  }
0xc4: {  	[dreg:$0x1] =	wrdreg $0xFFFFFFFF  }
0xc5: {  	_ =	task.clear_ibuf [dreg:s9], $0x2FFFF;
	_ =	strace $0x9FFFFFFF  }
0xc6: {  	(tm) =	ssettm $0x7FFFFFFF  }
0xc7: {  	_ =	shalt  }
tec
execute0_lowered:
.L_overlay_start_1:
0x0: {  	(tag) =	ssettag $0x1  }
0x1: {  	s0 =	rddreg [dreg:$0x0]  }
0x2: {  	s1 =	rddreg [dreg:$0x1]  }
0x3: {  	s3 =	rddreg [dreg:$0x2]  }
0x4: {  	s4 =	rddreg [dreg:$0x3];
	s2 =	srdreg.scid  }
0x5: {  	s6 =	stileid.u32;
	s5 =	simm.s32 $0x0;
	s12 =	simm.s32 $0x14000  }
0x6: {  	s13 =	simm.s32 $0x2;
	s14 =	simm.s32 $0x14800;
	s17 =	simm.s32 $0x80  }
0x7: {  	s18 =	simm.s32 $0x15800;
	s2 =	sand.u32 $0x1, s2;
	s6 =	sshll.u32 s6, $0x1  }
0x8: {  	s19 =	simm.s32 $0xA000;
	s20 =	simm.s32 $0x0;
	s7 =	sor.u32 s2, s6  }
0x9: {  	[smem:$0x7FF] =	sst s5;
	s8 =	sadd.s32 $0x3200, s0;
	s9 =	smul.u32 $0x1400, s7  }
.Ltmp0:
0xa: {  	_ =	strace $0x8000004A;
	s2 =	ssub.s32 $0x2, s2;
	(pc) =	sbr.rel .LBB2_1-.Ltmp0, $4  }
0xb: {  	s6 =	sadd.s32 $0x823A00, s0;
	s15 =	smul.u32 $0x140, s7;
	s10 =	sshrl.u32 s2, $0x1  }
0xc: {  	s7 =	sadd.s32 $0x1E3200, s0;
	s2 =	ssub.s32 s2, s10;
	s0 =	sadd.s32 s9, s0  }
0xd: {  	v2 =	vimm.f32 $-3.000000010e+38;
	v3 =	vimm.f32 $1.000000020e-16;
	s16 =	sadd.s32 $0x140, s15;
	s11 =	smax.u32 s2, $0x1;
	v0 =	vmov s15;
	s15 =	simm.s32 $0x15000  }
0xe: {  	v4 =	vimm.s32 $0x0;
	v5 =	vlaneseq.u32;
	s9 =	sadd.s32 $0x323200, s0;
	s10 =	sadd.s32 $0x34B200, s0;
	v1 =	vmov s16;
	s16 =	simm.s32 $0x1  }
.LBB2_83:
0xf: {  	[hbm4b:s9+s5] =	stream.linear.scatter [tilespmem:s5], [sflag:$0x2], $0xA000, $0x38;
	[tilespmem:$0x19800] =	vst v63  }
0x10: {  	s20 =	sadd.s32 $0x1, s20;
	_ =	swait.ge [sflag:s13], $0xA000  }
0x11: {  	p0 =	sne.s32 s20, s11;
	[sflag:s13] =	ssyncset.done $0x0  }
.Ltmp1:
0x12: {  	[sflag:s13] =	ssyncadd.s32 $0xFFFF6000;
	(pc) =	sbr.rel @!p0 .LBB2_84-.Ltmp1, $4  }
0x13: {  	[hbm4b:s10+s5] =	stream.linear.scatter [tilespmem:s19], [sflag:$0x2], $0xA000, $0x38;
	[tilespmem:$0x19800] =	vst v63  }
0x14: {  	_ =	swait.ge [sflag:s13], $0xA000  }
0x15: {  	[sflag:s13] =	ssyncset.done $0x0  }
0x16: {  	[sflag:s13] =	ssyncadd.s32 $0xFFFF6000  }
.LBB2_1:
0x17: {  	s0 =	simm.s32 $0x0;
	s2 =	simm.s32 $0x200  }
.LBB2_2:
0x18: {  	p0 =	sne.s32 s2, $0x27E00;
	[tilespmem:s0+$0xA070] =	vst v3  }
0x19: {  	[tilespmem:s0+$0x0] =	vst v2  }
0x1a: {  	[tilespmem:s0+$0xA000] =	vst v3  }
0x1b: {  	[tilespmem:s0+$0x10] =	vst v2  }
0x1c: {  	[tilespmem:s0+$0xA010] =	vst v3  }
0x1d: {  	[tilespmem:s0+$0x20] =	vst v2  }
0x1e: {  	[tilespmem:s0+$0xA020] =	vst v3  }
0x1f: {  	[tilespmem:s0+$0x30] =	vst v2  }
0x20: {  	[tilespmem:s0+$0xA030] =	vst v3  }
0x21: {  	[tilespmem:s0+$0x40] =	vst v2  }
0x22: {  	[tilespmem:s0+$0xA040] =	vst v3  }
.Ltmp2:
0x23: {  	[tilespmem:s0+$0x50] =	vst v2;
	(pc) =	sbr.rel @p0 .LBB2_2-.Ltmp2, $4  }
0x24: {  	[tilespmem:s0+$0xA050] =	vst v3  }
0x25: {  	[tilespmem:s0+$0x60] =	vst v2  }
0x26: {  	[tilespmem:s0+$0xA060] =	vst v3  }
0x27: {  	[tilespmem:s0+$0x70] =	vst v2;
	s0 =	sshra.s32 s2, $0x2;
	s2 =	sadd.s32 $0x200, s2  }
0x28: {  	[tilespmem:s0+$0xA070] =	vst v3  }
0x29: {  	[tilespmem:s0+$0x0] =	vst v2  }
0x2a: {  	[tilespmem:s0+$0xA000] =	vst v3  }
0x2b: {  	[tilespmem:s0+$0x10] =	vst v2  }
0x2c: {  	[tilespmem:s0+$0xA010] =	vst v3  }
0x2d: {  	[tilespmem:s0+$0x20] =	vst v2  }
0x2e: {  	[tilespmem:s0+$0xA020] =	vst v3  }
0x2f: {  	[tilespmem:s0+$0x30] =	vst v2  }
0x30: {  	[tilespmem:s0+$0xA030] =	vst v3  }
0x31: {  	[tilespmem:s0+$0x40] =	vst v2  }
0x32: {  	[tilespmem:s0+$0xA040] =	vst v3  }
0x33: {  	[tilespmem:s0+$0x50] =	vst v2  }
0x34: {  	[tilespmem:s0+$0xA050] =	vst v3  }
0x35: {  	[tilespmem:s0+$0x60] =	vst v2  }
0x36: {  	[tilespmem:s0+$0xA060] =	vst v3  }
0x37: {  	s22 =	simm.s32 $0x0;
	[tilespmem:s0+$0x70] =	vst v2;
	s0 =	simm.s32 $0x40;
	s2 =	simm.s32 $0x0  }
.LBB2_4:
0x38: {  	p0 =	sne.s32 s0, $0x1FC0;
	[tilespmem:s2+$0x14800] =	vst v4;
	s2 =	smov.u32 s0;
	s0 =	sadd.s32 $0x40, s0  }
.Ltmp3:
0x39: {  	(pc) =	sbr.rel @p0 .LBB2_4-.Ltmp3, $2  }
0x3a: {  	_ =	sdelay $0x2  }
0x3b: {  	s2 =	sshra.s32 s2, $0x2  }
.Ltmp4:
0x3c: {  	(pc) =	sbr.rel .LBB2_6-.Ltmp4, $2  }
0x3d: {  	_ =	sdelay $0x2  }
0x3e: {  	[tilespmem:s2+$0x14800] =	vst v4;
	s23 =	simm.s32 $0x0  }
.LBB2_15:
0x3f: {  	s23 =	sadd.s32 $0x1, s23  }
0x40: {  	p0 =	sne.s32 s23, $0xA0  }
.Ltmp5:
0x41: {  	_ = 	snop;
	(pc) =	sbr.rel @!p0 .LBB2_16-.Ltmp5, $2  }
0x42: {  	_ =	sdelay $0x2  }
0x43: {  	s22 =	sadd.s32 $0x7D0, s22;
	s21 =	simm.s32 $0x0  }
.LBB2_6:
0x44: {  	s0 =	smul.u32 $0x7D0, s23;
	_ =	sdelay $0x1  }
0x45: {  	s0 =	sshrl.u32 s0, $0x3  }
0x46: {  	s2 =	sadd.s32 s1, s0;
	s0 =	simm.s32 $0x0  }
0x47: {  	[tilespmem:s12], [sflag:$0x2] =	stream.linear.gather [hbm4b:s2+s0], $0x7D0, $0x38;
	[tilespmem:$0x19800] =	vst v63  }
0x48: {  	_ =	swait.ge [sflag:s13], $0x7D0  }
0x49: {  	[sflag:s13] =	ssyncset.done $0x0  }
0x4a: {  	s31 =	simm.s32 $0x0;
	[sflag:s13] =	ssyncadd.s32 $0xFFFFF830  }
0x4b: {  	v6 =	vld [tilespmem:s31+$0x14000];
	_ =	sdelay $0x4  }
0x4c: {  	vm0 =	vge.s32 v6, v0;
	vm1 =	vlt.s32 v6, v1  }
0x4d: {  	vm0 =	vmand vm0, vm1  }
0x4e: {  	v7 =	vsel vm0, $0x1, v4  }
0x4f: {  	(xrf0) =	vadd.scan.msk.s32 $0xffff, v7;
	_ =	sdelay $0x2  }
0x50: {  	v7 =	vmov s0  }
0x51: {  	v7 =	vadd.s32 $0xFFFFFFFF, v7  }
0x52: {  	v7 =	vbroadcast v7, $0x0  }
0x53: {  	v8, _, _ =	vpop (xrf0)  }
0x54: {  	v7 =	vadd.s32 v8, v7;
	(v2sf) =	vpush v8, $0xF;
	_ =	sdelay $0x3  }
0x55: {  	v9 =	vor.u32 s22, v5  }
0x56: {  	v6 =	vsub.s32 v6, v0;
	[tilespmem:v7+s14+$0x0] =	vst.idx.msk vm0, v9  }
0x57: {  	s24 =	simm.s32 $0x10;
	s21 =	simm.s32 $0x80;
	s2 =	smov.u32 s22;
	[tilespmem:v7+s15+$0x0] =	vst.idx.msk vm0, v6  }
.LBB2_7:
0x58: {  	p0 =	sne.s32 s21, $0x1F00;
	v6 =	vld [tilespmem:s24+$0x14000];
	_ =	sdelay $0x4  }
0x59: {  	vm0 =	vge.s32 v6, v0;
	vm1 =	vlt.s32 v6, v1;
	v6 =	vsub.s32 v6, v0  }
0x5a: {  	vm0 =	vmand vm0, vm1  }
0x5b: {  	v7 =	vsel vm0, $0x1, v4  }
0x5c: {  	(xrf0) =	vadd.scan.msk.s32 $0xffff, v7;
	s24 =	spop (v2sf)  }
0x5d: {  	s0 =	sadd.s32 s0, s24  }
0x5e: {  	v7 =	vmov s0  }
0x5f: {  	v7 =	vadd.s32 $0xFFFFFFFF, v7  }
0x60: {  	v7 =	vbroadcast v7, $0x0;
	_ =	sdelay $0x1  }
0x61: {  	v8, _, _ =	vpop (xrf0)  }
0x62: {  	v7 =	vadd.s32 v8, v7;
	(v2sf) =	vpush v8, $0xF;
	_ =	sdelay $0x1  }
.Ltmp6:
0x63: {  	(pc) =	sbr.rel @p0 .LBB2_7-.Ltmp6, $4  }
0x64: {  	s2 =	sadd.s32 $0x10, s2  }
0x65: {  	v8 =	vor.u32 s2, v5  }
0x66: {  	[tilespmem:v7+s14+$0x0] =	vst.idx.msk vm0, v8  }
0x67: {  	s24 =	sshra.s32 s21, $0x2;
	s21 =	sadd.s32 $0x40, s21;
	[tilespmem:v7+s15+$0x0] =	vst.idx.msk vm0, v6  }
0x68: {  	v6 =	vld [tilespmem:s24+$0x14000];
	_ =	sdelay $0x4  }
0x69: {  	vm0 =	vge.s32 v6, v0;
	vm1 =	vlt.s32 v6, v1  }
0x6a: {  	vm0 =	vmand vm0, vm1  }
0x6b: {  	v7 =	vsel vm0, $0x1, v4  }
0x6c: {  	(xrf0) =	vadd.scan.msk.s32 $0xffff, v7;
	_ =	sdelay $0x5  }
0x6d: {  	v7, _, _ =	vpop (xrf0)  }
0x6e: {  	(v2sf) =	vpush v7, $0xF;
	_ =	sdelay $0xd  }
0x6f: {  	s21 =	spop (v2sf)  }
0x70: {  	s0 =	sadd.s32 s0, s21;
	s29 =	spop (v2sf)  }
0x71: {  	v8 =	vmov s0;
	s0 =	sadd.s32 s0, s29  }
0x72: {  	s21 =	sadd.s32 $0x7F, s0  }
0x73: {  	s30 =	sand.u32 $0x7F, s21  }
0x74: {  	s31 =	sshra.s32 s21, $0x1F;
	p1 =	slt.s32 s21, $0x1;
	p0 =	sne.s32 s30, $0x0  }
0x75: {  	v8 =	vadd.s32 $0xFFFFFFFF, v8;
	s24 =	sshrl.u32 s31, $0x19;
	p0 =	por !p1, !p0  }
0x76: {  	v8 =	vbroadcast v8, $0x0;
	s21 =	sadd.s32 s24, s21;
	s24 =	simm.s32 $0x1;
	p0 =	por !p0, !p0  }
0x77: {  	s2 =	sadd.s32 $0x10, s2;
	s21 =	sshra.s32 s21, $0x7;
	s24 =	simm.s32 @!p0 $0x0  }
0x78: {  	v63 =	vor.u32 s2, v5;
	v7 =	vadd.s32 v7, v8;
	s2 =	ssub.s32 s21, s24  }
0x79: {  	p0 =	slt.s32 s2, $0x1  }
.Ltmp7:
0x7a: {  	_ = 	snop;
	(pc) =	sbr.rel @p0 .LBB2_15-.Ltmp7, $3  }
0x7b: {  	_ =	sdelay $0x1  }
0x7c: {  	v6 =	vsub.s32 v6, v0;
	[tilespmem:v7+s14+$0x0] =	vst.idx.msk vm0, v63  }
0x7d: {  	[tilespmem:v7+s15+$0x0] =	vst.idx.msk vm0, v6  }
.Ltmp8:
0x7e: {  	(pc) =	sbr.rel .LBB2_10-.Ltmp8, $2  }
0x7f: {  	_ =	sdelay $0x2  }
0x80: {  	s21 =	simm.s32 $0x0;
	s24 =	simm.s32 $0x15000;
	s25 =	smov.u32 s0  }
.LBB2_13:
0x81: {  	[tilespmem:s28+$0x70] =	vst v6  }
.LBB2_14:
0x82: {  	s21 =	sadd.s32 $0x1, s21  }
0x83: {  	p0 =	sne.s32 s21, s2  }
.Ltmp9:
0x84: {  	_ = 	snop;
	(pc) =	sbr.rel @!p0 .LBB2_15-.Ltmp9, $2  }
0x85: {  	_ =	sdelay $0x2  }
0x86: {  	s25 =	sadd.s32 $0xFFFFFF80, s25;
	s24 =	sadd.s32 $0x80, s24  }
.LBB2_10:
0x87: {  	s28 =	sshll.u32 s21, $0x7  }
0x88: {  	s26 =	sshll.u32 s21, $0x9;
	s31 =	ssub.s32 s0, s28  }
0x89: {  	s26 =	sshra.s32 s26, $0x2;
	p0 =	slt.s32 s31, $0x1  }
.Ltmp10:
0x8a: {  	s26 =	sadd.s32 $0x14800, s26;
	(pc) =	sbr.rel @p0 .LBB2_14-.Ltmp10, $4  }
0x8b: {  	[tilespmem:s18], [sflag:$0x1] =	stream.indirect.gather [hbm4b:s6+s17], $0x80, s26, s17, $0xb8;
	[tilespmem:$0x19800] =	vst v63  }
0x8c: {  	_ =	swait.ge [sflag:s16], $0x4000  }
0x8d: {  	[sflag:s16] =	ssyncset.done $0x0  }
0x8e: {  	[sflag:s16] =	ssyncadd.s32 $0xFFFFC000  }
0x8f: {  	v6 =	vld [tilespmem:s24+$0x0];
	_ =	sdelay $0x4  }
0x90: {  	(v2sf) =	vpush v6, $0x0;
	_ =	sdelay $0xe  }
0x91: {  	s28 =	spop (v2sf)  }
0x92: {  	s26 =	simm.s32 $0x15840;
	s28 =	sshll.u32 s28, $0x9  }
0x93: {  	v6 =	vld [tilespmem:s26+$0xFFFFFFC0];
	s28 =	sshra.s32 s28, $0x2  }
0x94: {  	v7 =	vld [tilespmem:s28+$0x0];
	_ =	sdelay $0x4  }
0x95: {  	v6 =	vmax.f32 v7, v6  }
0x96: {  	[tilespmem:s28+$0x0] =	vst v6;
	v6 =	vld [tilespmem:s28+$0x10]  }
0x97: {  	v7 =	vld [tilespmem:s26+$0xFFFFFFD0];
	_ =	sdelay $0x4  }
0x98: {  	v6 =	vmax.f32 v6, v7  }
0x99: {  	[tilespmem:s28+$0x10] =	vst v6;
	v6 =	vld [tilespmem:s28+$0x20]  }
0x9a: {  	v7 =	vld [tilespmem:s26+$0xFFFFFFE0];
	_ =	sdelay $0x4  }
0x9b: {  	v6 =	vmax.f32 v6, v7  }
0x9c: {  	[tilespmem:s28+$0x20] =	vst v6;
	v6 =	vld [tilespmem:s28+$0x30]  }
0x9d: {  	v7 =	vld [tilespmem:s26+$0xFFFFFFF0];
	_ =	sdelay $0x4  }
0x9e: {  	v6 =	vmax.f32 v6, v7  }
0x9f: {  	[tilespmem:s28+$0x30] =	vst v6;
	v6 =	vld [tilespmem:s28+$0x40]  }
0xa0: {  	v7 =	vld [tilespmem:s26+$0x0];
	_ =	sdelay $0x4  }
0xa1: {  	v6 =	vmax.f32 v6, v7  }
0xa2: {  	[tilespmem:s28+$0x40] =	vst v6;
	v6 =	vld [tilespmem:s28+$0x50]  }
0xa3: {  	v7 =	vld [tilespmem:s26+$0x10];
	_ =	sdelay $0x4  }
0xa4: {  	v6 =	vmax.f32 v6, v7  }
0xa5: {  	[tilespmem:s28+$0x50] =	vst v6;
	v6 =	vld [tilespmem:s28+$0x60]  }
0xa6: {  	v7 =	vld [tilespmem:s26+$0x20];
	_ =	sdelay $0x3  }
0xa7: {  	p0 =	sgt.s32 s25, $0x1;
	s29 =	smov.u32 s25  }
0xa8: {  	s29 =	simm.s32 @!p0 $0x1;
	v6 =	vmax.f32 v6, v7  }
0xa9: {  	s29 =	smin.u32 s29, $0x80;
	[tilespmem:s28+$0x60] =	vst v6;
	v6 =	vld [tilespmem:s28+$0x70]  }
0xaa: {  	p0 =	sne.s32 s29, $0x1;
	v7 =	vld [tilespmem:s26+$0x30]  }
.Ltmp11:
0xab: {  	_ = 	snop;
	(pc) =	sbr.rel @!p0 .LBB2_13-.Ltmp11, $2  }
0xac: {  	_ =	sdelay $0x2  }
0xad: {  	s30 =	smov.u32 s24;
	s29 =	sadd.s32 $0xFFFFFFFF, s29;
	v6 =	vmax.f32 v6, v7  }
.LBB2_12:
0xae: {  	p0 =	sne.s32 s29, $0x1;
	[tilespmem:s28+$0x70] =	vst v6;
	s30 =	sadd.s32 $0x1, s30;
	s26 =	sadd.s32 $0x80, s26  }
0xaf: {  	s29 =	sadd.s32 $0xFFFFFFFF, s29;
	v6 =	vld [tilespmem:s30+$0x0];
	_ =	sdelay $0x4  }
0xb0: {  	(v2sf) =	vpush v6, $0x0;
	_ =	sdelay $0xe  }
0xb1: {  	s28 =	spop (v2sf)  }
0xb2: {  	s28 =	sshll.u32 s28, $0x9  }
0xb3: {  	v6 =	vld [tilespmem:s26+$0xFFFFFFC0];
	s28 =	sshra.s32 s28, $0x2  }
0xb4: {  	v7 =	vld [tilespmem:s28+$0x0];
	_ =	sdelay $0x4  }
0xb5: {  	v6 =	vmax.f32 v7, v6  }
0xb6: {  	[tilespmem:s28+$0x0] =	vst v6;
	v6 =	vld [tilespmem:s28+$0x10]  }
0xb7: {  	v7 =	vld [tilespmem:s26+$0xFFFFFFD0];
	_ =	sdelay $0x4  }
0xb8: {  	v6 =	vmax.f32 v6, v7  }
0xb9: {  	[tilespmem:s28+$0x10] =	vst v6;
	v6 =	vld [tilespmem:s28+$0x20]  }
0xba: {  	v7 =	vld [tilespmem:s26+$0xFFFFFFE0];
	_ =	sdelay $0x4  }
0xbb: {  	v6 =	vmax.f32 v6, v7  }
0xbc: {  	[tilespmem:s28+$0x20] =	vst v6;
	v6 =	vld [tilespmem:s28+$0x30]  }
0xbd: {  	v7 =	vld [tilespmem:s26+$0xFFFFFFF0];
	_ =	sdelay $0x4  }
0xbe: {  	v6 =	vmax.f32 v6, v7  }
0xbf: {  	[tilespmem:s28+$0x30] =	vst v6;
	v6 =	vld [tilespmem:s28+$0x40]  }
0xc0: {  	v7 =	vld [tilespmem:s26+$0x0];
	_ =	sdelay $0x4  }
0xc1: {  	v6 =	vmax.f32 v6, v7  }
0xc2: {  	[tilespmem:s28+$0x40] =	vst v6;
	v6 =	vld [tilespmem:s28+$0x50]  }
0xc3: {  	v7 =	vld [tilespmem:s26+$0x10];
	_ =	sdelay $0x4  }
0xc4: {  	v6 =	vmax.f32 v6, v7  }
0xc5: {  	[tilespmem:s28+$0x50] =	vst v6;
	v6 =	vld [tilespmem:s28+$0x60]  }
0xc6: {  	v7 =	vld [tilespmem:s26+$0x20];
	_ =	sdelay $0x4  }
0xc7: {  	v6 =	vmax.f32 v6, v7  }
0xc8: {  	[tilespmem:s28+$0x60] =	vst v6;
	v6 =	vld [tilespmem:s28+$0x70]  }
0xc9: {  	v7 =	vld [tilespmem:s26+$0x30]  }
.Ltmp12:
0xca: {  	(pc) =	sbr.rel @p0 .LBB2_12-.Ltmp12, $2  }
0xcb: {  	_ =	sdelay $0x2  }
0xcc: {  	v6 =	vmax.f32 v6, v7  }
.Ltmp13:
0xcd: {  	_ = 	snop;
	(pc) =	sbr.rel .LBB2_13-.Ltmp13, $1  }
0xce: {  	_ =	sdelay $0x3  }
.LBB2_16:
0xcf: {  	s0 =	simm.s32 $0x40;
	s2 =	simm.s32 $0x0  }
.LBB2_17:
0xd0: {  	p0 =	sne.s32 s0, $0x1FC0;
	[tilespmem:s2+$0x14800] =	vst v4;
	s2 =	smov.u32 s0;
	s0 =	sadd.s32 $0x40, s0  }
.Ltmp14:
0xd1: {  	(pc) =	sbr.rel @p0 .LBB2_17-.Ltmp14, $2  }
0xd2: {  	_ =	sdelay $0x2  }
0xd3: {  	s2 =	sshra.s32 s2, $0x2  }
.Ltmp15:
0xd4: {  	(pc) =	sbr.rel .LBB2_19-.Ltmp15, $2  }
0xd5: {  	_ =	sdelay $0x2  }
0xd6: {  	[tilespmem:s2+$0x14800] =	vst v4;
	s23 =	simm.s32 $0x0  }
.LBB2_28:
0xd7: {  	s23 =	sadd.s32 $0x1, s23  }
0xd8: {  	p0 =	sne.s32 s23, $0x28  }
.Ltmp16:
0xd9: {  	_ = 	snop;
	(pc) =	sbr.rel @!p0 .LBB2_29-.Ltmp16, $2  }
0xda: {  	_ =	sdelay $0x2  }
0xdb: {  	s21 =	sadd.s32 $0x7D0, s21;
	s22 =	simm.s32 $0x0  }
.LBB2_19:
0xdc: {  	s0 =	smul.u32 $0x7D0, s23;
	_ =	sdelay $0x1  }
0xdd: {  	s0 =	sshrl.u32 s0, $0x3  }
0xde: {  	s2 =	sadd.s32 s3, s0;
	s0 =	simm.s32 $0x0  }
0xdf: {  	[tilespmem:s12], [sflag:$0x2] =	stream.linear.gather [hbm4b:s2+s0], $0x7D0, $0x38;
	[tilespmem:$0x19800] =	vst v63  }
0xe0: {  	_ =	swait.ge [sflag:s13], $0x7D0  }
0xe1: {  	[sflag:s13] =	ssyncset.done $0x0  }
0xe2: {  	s31 =	simm.s32 $0x0;
	[sflag:s13] =	ssyncadd.s32 $0xFFFFF830  }
0xe3: {  	v6 =	vld [tilespmem:s31+$0x14000];
	_ =	sdelay $0x4  }
0xe4: {  	vm0 =	vge.s32 v6, v0;
	vm1 =	vlt.s32 v6, v1  }
0xe5: {  	vm0 =	vmand vm0, vm1  }
0xe6: {  	v7 =	vsel vm0, $0x1, v4  }
0xe7: {  	(xrf0) =	vadd.scan.msk.s32 $0xffff, v7;
	_ =	sdelay $0x2  }
0xe8: {  	v7 =	vmov s0  }
0xe9: {  	v7 =	vadd.s32 $0xFFFFFFFF, v7  }
0xea: {  	v7 =	vbroadcast v7, $0x0  }
0xeb: {  	v8, _, _ =	vpop (xrf0)  }
0xec: {  	v7 =	vadd.s32 v8, v7;
	(v2sf) =	vpush v8, $0xF;
	_ =	sdelay $0x3  }
0xed: {  	v9 =	vor.u32 s21, v5  }
0xee: {  	v6 =	vsub.s32 v6, v0;
	[tilespmem:v7+s14+$0x0] =	vst.idx.msk vm0, v9  }
0xef: {  	s24 =	simm.s32 $0x10;
	s22 =	simm.s32 $0x80;
	s2 =	smov.u32 s21;
	[tilespmem:v7+s15+$0x0] =	vst.idx.msk vm0, v6  }
.LBB2_20:
0xf0: {  	p0 =	sne.s32 s22, $0x1F00;
	v6 =	vld [tilespmem:s24+$0x14000];
	_ =	sdelay $0x4  }
0xf1: {  	vm0 =	vge.s32 v6, v0;
	vm1 =	vlt.s32 v6, v1;
	v6 =	vsub.s32 v6, v0  }
0xf2: {  	vm0 =	vmand vm0, vm1  }
0xf3: {  	v7 =	vsel vm0, $0x1, v4  }
0xf4: {  	(xrf0) =	vadd.scan.msk.s32 $0xffff, v7;
	s24 =	spop (v2sf)  }
0xf5: {  	s0 =	sadd.s32 s0, s24  }
0xf6: {  	v7 =	vmov s0  }
0xf7: {  	v7 =	vadd.s32 $0xFFFFFFFF, v7  }
0xf8: {  	v7 =	vbroadcast v7, $0x0;
	_ =	sdelay $0x1  }
0xf9: {  	v8, _, _ =	vpop (xrf0)  }
0xfa: {  	v7 =	vadd.s32 v8, v7;
	(v2sf) =	vpush v8, $0xF;
	_ =	sdelay $0x1  }
.Ltmp17:
0xfb: {  	(pc) =	sbr.rel @p0 .LBB2_20-.Ltmp17, $4  }
0xfc: {  	s2 =	sadd.s32 $0x10, s2  }
0xfd: {  	v8 =	vor.u32 s2, v5  }
0xfe: {  	[tilespmem:v7+s14+$0x0] =	vst.idx.msk vm0, v8  }
0xff: {  	s24 =	sshra.s32 s22, $0x2;
	s22 =	sadd.s32 $0x40, s22;
	[tilespmem:v7+s15+$0x0] =	vst.idx.msk vm0, v6  }
0x100: {  	v6 =	vld [tilespmem:s24+$0x14000];
	_ =	sdelay $0x4  }
0x101: {  	vm0 =	vge.s32 v6, v0;
	vm1 =	vlt.s32 v6, v1  }
0x102: {  	vm0 =	vmand vm0, vm1  }
0x103: {  	v7 =	vsel vm0, $0x1, v4  }
0x104: {  	(xrf0) =	vadd.scan.msk.s32 $0xffff, v7;
	_ =	sdelay $0x5  }
0x105: {  	v7, _, _ =	vpop (xrf0)  }
0x106: {  	(v2sf) =	vpush v7, $0xF;
	_ =	sdelay $0xd  }
0x107: {  	s22 =	spop (v2sf)  }
0x108: {  	s0 =	sadd.s32 s0, s22;
	s29 =	spop (v2sf)  }
0x109: {  	v8 =	vmov s0;
	s0 =	sadd.s32 s0, s29  }
0x10a: {  	s22 =	sadd.s32 $0x7F, s0  }
0x10b: {  	s30 =	sand.u32 $0x7F, s22  }
0x10c: {  	s31 =	sshra.s32 s22, $0x1F;
	p1 =	slt.s32 s22, $0x1;
	p0 =	sne.s32 s30, $0x0  }
0x10d: {  	v8 =	vadd.s32 $0xFFFFFFFF, v8;
	s24 =	sshrl.u32 s31, $0x19;
	p0 =	por !p1, !p0  }
0x10e: {  	v8 =	vbroadcast v8, $0x0;
	s22 =	sadd.s32 s24, s22;
	s24 =	simm.s32 $0x1;
	p0 =	por !p0, !p0  }
0x10f: {  	s2 =	sadd.s32 $0x10, s2;
	s22 =	sshra.s32 s22, $0x7;
	s24 =	simm.s32 @!p0 $0x0  }
0x110: {  	v63 =	vor.u32 s2, v5;
	v7 =	vadd.s32 v7, v8;
	s2 =	ssub.s32 s22, s24  }
0x111: {  	p0 =	slt.s32 s2, $0x1  }
.Ltmp18:
0x112: {  	_ = 	snop;
	(pc) =	sbr.rel @p0 .LBB2_28-.Ltmp18, $3  }
0x113: {  	_ =	sdelay $0x1  }
0x114: {  	v6 =	vsub.s32 v6, v0;
	[tilespmem:v7+s14+$0x0] =	vst.idx.msk vm0, v63  }
0x115: {  	[tilespmem:v7+s15+$0x0] =	vst.idx.msk vm0, v6  }
.Ltmp19:
0x116: {  	(pc) =	sbr.rel .LBB2_23-.Ltmp19, $2  }
0x117: {  	_ =	sdelay $0x2  }
0x118: {  	s22 =	simm.s32 $0x0;
	s24 =	simm.s32 $0x15000;
	s25 =	smov.u32 s0  }
.LBB2_26:
0x119: {  	[tilespmem:s28+$0x70] =	vst v6  }
.LBB2_27:
0x11a: {  	s22 =	sadd.s32 $0x1, s22  }
0x11b: {  	p0 =	sne.s32 s22, s2  }
.Ltmp20:
0x11c: {  	_ = 	snop;
	(pc) =	sbr.rel @!p0 .LBB2_28-.Ltmp20, $2  }
0x11d: {  	_ =	sdelay $0x2  }
0x11e: {  	s25 =	sadd.s32 $0xFFFFFF80, s25;
	s24 =	sadd.s32 $0x80, s24  }
.LBB2_23:
0x11f: {  	s28 =	sshll.u32 s22, $0x7  }
0x120: {  	s26 =	sshll.u32 s22, $0x9;
	s31 =	ssub.s32 s0, s28  }
0x121: {  	s26 =	sshra.s32 s26, $0x2;
	p0 =	slt.s32 s31, $0x1  }
.Ltmp21:
0x122: {  	s26 =	sadd.s32 $0x14800, s26;
	(pc) =	sbr.rel @p0 .LBB2_27-.Ltmp21, $4  }
0x123: {  	[tilespmem:s18], [sflag:$0x1] =	stream.indirect.gather [hbm4b:s7+s17], $0x80, s26, s17, $0xb8;
	[tilespmem:$0x19800] =	vst v63  }
0x124: {  	_ =	swait.ge [sflag:s16], $0x4000  }
0x125: {  	[sflag:s16] =	ssyncset.done $0x0  }
0x126: {  	[sflag:s16] =	ssyncadd.s32 $0xFFFFC000  }
0x127: {  	v6 =	vld [tilespmem:s24+$0x0];
	_ =	sdelay $0x4  }
0x128: {  	(v2sf) =	vpush v6, $0x0;
	_ =	sdelay $0xe  }
0x129: {  	s28 =	spop (v2sf)  }
0x12a: {  	s26 =	simm.s32 $0x15840;
	s28 =	sshll.u32 s28, $0x9  }
0x12b: {  	v6 =	vld [tilespmem:s26+$0xFFFFFFC0];
	s28 =	sshra.s32 s28, $0x2  }
0x12c: {  	v7 =	vld [tilespmem:s28+$0x0];
	_ =	sdelay $0x4  }
0x12d: {  	v6 =	vmax.f32 v7, v6  }
0x12e: {  	[tilespmem:s28+$0x0] =	vst v6;
	v6 =	vld [tilespmem:s28+$0x10]  }
0x12f: {  	v7 =	vld [tilespmem:s26+$0xFFFFFFD0];
	_ =	sdelay $0x4  }
0x130: {  	v6 =	vmax.f32 v6, v7  }
0x131: {  	[tilespmem:s28+$0x10] =	vst v6;
	v6 =	vld [tilespmem:s28+$0x20]  }
0x132: {  	v7 =	vld [tilespmem:s26+$0xFFFFFFE0];
	_ =	sdelay $0x4  }
0x133: {  	v6 =	vmax.f32 v6, v7  }
0x134: {  	[tilespmem:s28+$0x20] =	vst v6;
	v6 =	vld [tilespmem:s28+$0x30]  }
0x135: {  	v7 =	vld [tilespmem:s26+$0xFFFFFFF0];
	_ =	sdelay $0x4  }
0x136: {  	v6 =	vmax.f32 v6, v7  }
0x137: {  	[tilespmem:s28+$0x30] =	vst v6;
	v6 =	vld [tilespmem:s28+$0x40]  }
0x138: {  	v7 =	vld [tilespmem:s26+$0x0];
	_ =	sdelay $0x4  }
0x139: {  	v6 =	vmax.f32 v6, v7  }
0x13a: {  	[tilespmem:s28+$0x40] =	vst v6;
	v6 =	vld [tilespmem:s28+$0x50]  }
0x13b: {  	v7 =	vld [tilespmem:s26+$0x10];
	_ =	sdelay $0x4  }
0x13c: {  	v6 =	vmax.f32 v6, v7  }
0x13d: {  	[tilespmem:s28+$0x50] =	vst v6;
	v6 =	vld [tilespmem:s28+$0x60]  }
0x13e: {  	v7 =	vld [tilespmem:s26+$0x20];
	_ =	sdelay $0x3  }
0x13f: {  	p0 =	sgt.s32 s25, $0x1;
	s29 =	smov.u32 s25  }
0x140: {  	s29 =	simm.s32 @!p0 $0x1;
	v6 =	vmax.f32 v6, v7  }
0x141: {  	s29 =	smin.u32 s29, $0x80;
	[tilespmem:s28+$0x60] =	vst v6;
	v6 =	vld [tilespmem:s28+$0x70]  }
0x142: {  	p0 =	sne.s32 s29, $0x1;
	v7 =	vld [tilespmem:s26+$0x30]  }
.Ltmp22:
0x143: {  	_ = 	snop;
	(pc) =	sbr.rel @!p0 .LBB2_26-.Ltmp22, $2  }
0x144: {  	_ =	sdelay $0x2  }
0x145: {  	s30 =	smov.u32 s24;
	s29 =	sadd.s32 $0xFFFFFFFF, s29;
	v6 =	vmax.f32 v6, v7  }
.LBB2_25:
0x146: {  	p0 =	sne.s32 s29, $0x1;
	[tilespmem:s28+$0x70] =	vst v6;
	s30 =	sadd.s32 $0x1, s30;
	s26 =	sadd.s32 $0x80, s26  }
0x147: {  	s29 =	sadd.s32 $0xFFFFFFFF, s29;
	v6 =	vld [tilespmem:s30+$0x0];
	_ =	sdelay $0x4  }
0x148: {  	(v2sf) =	vpush v6, $0x0;
	_ =	sdelay $0xe  }
0x149: {  	s28 =	spop (v2sf)  }
0x14a: {  	s28 =	sshll.u32 s28, $0x9  }
0x14b: {  	v6 =	vld [tilespmem:s26+$0xFFFFFFC0];
	s28 =	sshra.s32 s28, $0x2  }
0x14c: {  	v7 =	vld [tilespmem:s28+$0x0];
	_ =	sdelay $0x4  }
0x14d: {  	v6 =	vmax.f32 v7, v6  }
0x14e: {  	[tilespmem:s28+$0x0] =	vst v6;
	v6 =	vld [tilespmem:s28+$0x10]  }
0x14f: {  	v7 =	vld [tilespmem:s26+$0xFFFFFFD0];
	_ =	sdelay $0x4  }
0x150: {  	v6 =	vmax.f32 v6, v7  }
0x151: {  	[tilespmem:s28+$0x10] =	vst v6;
	v6 =	vld [tilespmem:s28+$0x20]  }
0x152: {  	v7 =	vld [tilespmem:s26+$0xFFFFFFE0];
	_ =	sdelay $0x4  }
0x153: {  	v6 =	vmax.f32 v6, v7  }
0x154: {  	[tilespmem:s28+$0x20] =	vst v6;
	v6 =	vld [tilespmem:s28+$0x30]  }
0x155: {  	v7 =	vld [tilespmem:s26+$0xFFFFFFF0];
	_ =	sdelay $0x4  }
0x156: {  	v6 =	vmax.f32 v6, v7  }
0x157: {  	[tilespmem:s28+$0x30] =	vst v6;
	v6 =	vld [tilespmem:s28+$0x40]  }
0x158: {  	v7 =	vld [tilespmem:s26+$0x0];
	_ =	sdelay $0x4  }
0x159: {  	v6 =	vmax.f32 v6, v7  }
0x15a: {  	[tilespmem:s28+$0x40] =	vst v6;
	v6 =	vld [tilespmem:s28+$0x50]  }
0x15b: {  	v7 =	vld [tilespmem:s26+$0x10];
	_ =	sdelay $0x4  }
0x15c: {  	v6 =	vmax.f32 v6, v7  }
0x15d: {  	[tilespmem:s28+$0x50] =	vst v6;
	v6 =	vld [tilespmem:s28+$0x60]  }
0x15e: {  	v7 =	vld [tilespmem:s26+$0x20];
	_ =	sdelay $0x4  }
0x15f: {  	v6 =	vmax.f32 v6, v7  }
0x160: {  	[tilespmem:s28+$0x60] =	vst v6;
	v6 =	vld [tilespmem:s28+$0x70]  }
0x161: {  	v7 =	vld [tilespmem:s26+$0x30]  }
.Ltmp23:
0x162: {  	(pc) =	sbr.rel @p0 .LBB2_25-.Ltmp23, $2  }
0x163: {  	_ =	sdelay $0x2  }
0x164: {  	v6 =	vmax.f32 v6, v7  }
.Ltmp24:
0x165: {  	_ = 	snop;
	(pc) =	sbr.rel .LBB2_26-.Ltmp24, $1  }
0x166: {  	_ =	sdelay $0x3  }
.LBB2_29:
0x167: {  	s0 =	simm.s32 $0x40;
	s2 =	simm.s32 $0x0  }
.LBB2_30:
0x168: {  	p0 =	sne.s32 s0, $0x1FC0;
	[tilespmem:s2+$0x14800] =	vst v4;
	s2 =	smov.u32 s0;
	s0 =	sadd.s32 $0x40, s0  }
.Ltmp25:
0x169: {  	(pc) =	sbr.rel @p0 .LBB2_30-.Ltmp25, $2  }
0x16a: {  	_ =	sdelay $0x2  }
0x16b: {  	s2 =	sshra.s32 s2, $0x2  }
.Ltmp26:
0x16c: {  	(pc) =	sbr.rel .LBB2_32-.Ltmp26, $2  }
0x16d: {  	_ =	sdelay $0x2  }
0x16e: {  	[tilespmem:s2+$0x14800] =	vst v4;
	s21 =	simm.s32 $0x0  }
.LBB2_41:
0x16f: {  	s21 =	sadd.s32 $0x1, s21  }
0x170: {  	p0 =	sne.s32 s21, $0x3C  }
.Ltmp27:
0x171: {  	_ = 	snop;
	(pc) =	sbr.rel @!p0 .LBB2_42-.Ltmp27, $2  }
0x172: {  	_ =	sdelay $0x2  }
0x173: {  	s22 =	sadd.s32 $0x7D0, s22  }
.LBB2_32:
0x174: {  	s0 =	smul.u32 $0x7D0, s21;
	_ =	sdelay $0x1  }
0x175: {  	s0 =	sshrl.u32 s0, $0x3  }
0x176: {  	s2 =	sadd.s32 s4, s0;
	s0 =	simm.s32 $0x0  }
0x177: {  	[tilespmem:s12], [sflag:$0x2] =	stream.linear.gather [hbm4b:s2+s0], $0x7D0, $0x38;
	[tilespmem:$0x19800] =	vst v63  }
0x178: {  	_ =	swait.ge [sflag:s13], $0x7D0  }
0x179: {  	[sflag:s13] =	ssyncset.done $0x0  }
0x17a: {  	s31 =	simm.s32 $0x0;
	[sflag:s13] =	ssyncadd.s32 $0xFFFFF830  }
0x17b: {  	v6 =	vld [tilespmem:s31+$0x14000];
	_ =	sdelay $0x4  }
0x17c: {  	vm0 =	vge.s32 v6, v0;
	vm1 =	vlt.s32 v6, v1  }
0x17d: {  	vm0 =	vmand vm0, vm1  }
0x17e: {  	v7 =	vsel vm0, $0x1, v4  }
0x17f: {  	(xrf0) =	vadd.scan.msk.s32 $0xffff, v7;
	_ =	sdelay $0x2  }
0x180: {  	v7 =	vmov s0  }
0x181: {  	v7 =	vadd.s32 $0xFFFFFFFF, v7  }
0x182: {  	v7 =	vbroadcast v7, $0x0  }
0x183: {  	v8, _, _ =	vpop (xrf0)  }
0x184: {  	v7 =	vadd.s32 v8, v7;
	(v2sf) =	vpush v8, $0xF;
	_ =	sdelay $0x3  }
0x185: {  	v9 =	vor.u32 s22, v5  }
0x186: {  	v6 =	vsub.s32 v6, v0;
	[tilespmem:v7+s14+$0x0] =	vst.idx.msk vm0, v9  }
0x187: {  	s24 =	simm.s32 $0x10;
	s23 =	simm.s32 $0x80;
	s2 =	smov.u32 s22;
	[tilespmem:v7+s15+$0x0] =	vst.idx.msk vm0, v6  }
.LBB2_33:
0x188: {  	p0 =	sne.s32 s23, $0x1F00;
	v6 =	vld [tilespmem:s24+$0x14000];
	_ =	sdelay $0x4  }
0x189: {  	vm0 =	vge.s32 v6, v0;
	vm1 =	vlt.s32 v6, v1;
	v6 =	vsub.s32 v6, v0  }
0x18a: {  	vm0 =	vmand vm0, vm1  }
0x18b: {  	v7 =	vsel vm0, $0x1, v4  }
0x18c: {  	(xrf0) =	vadd.scan.msk.s32 $0xffff, v7;
	s24 =	spop (v2sf)  }
0x18d: {  	s0 =	sadd.s32 s0, s24  }
0x18e: {  	v7 =	vmov s0  }
0x18f: {  	v7 =	vadd.s32 $0xFFFFFFFF, v7  }
0x190: {  	v7 =	vbroadcast v7, $0x0;
	_ =	sdelay $0x1  }
0x191: {  	v8, _, _ =	vpop (xrf0)  }
0x192: {  	v7 =	vadd.s32 v8, v7;
	(v2sf) =	vpush v8, $0xF;
	_ =	sdelay $0x1  }
.Ltmp28:
0x193: {  	(pc) =	sbr.rel @p0 .LBB2_33-.Ltmp28, $4  }
0x194: {  	s2 =	sadd.s32 $0x10, s2  }
0x195: {  	v8 =	vor.u32 s2, v5  }
0x196: {  	[tilespmem:v7+s14+$0x0] =	vst.idx.msk vm0, v8  }
0x197: {  	s24 =	sshra.s32 s23, $0x2;
	s23 =	sadd.s32 $0x40, s23;
	[tilespmem:v7+s15+$0x0] =	vst.idx.msk vm0, v6  }
0x198: {  	v6 =	vld [tilespmem:s24+$0x14000];
	_ =	sdelay $0x4  }
0x199: {  	vm0 =	vge.s32 v6, v0;
	vm1 =	vlt.s32 v6, v1  }
0x19a: {  	vm0 =	vmand vm0, vm1  }
0x19b: {  	v7 =	vsel vm0, $0x1, v4  }
0x19c: {  	(xrf0) =	vadd.scan.msk.s32 $0xffff, v7;
	_ =	sdelay $0x5  }
0x19d: {  	v7, _, _ =	vpop (xrf0)  }
0x19e: {  	(v2sf) =	vpush v7, $0xF;
	_ =	sdelay $0xd  }
0x19f: {  	s23 =	spop (v2sf)  }
0x1a0: {  	s0 =	sadd.s32 s0, s23;
	s29 =	spop (v2sf)  }
0x1a1: {  	v8 =	vmov s0;
	s0 =	sadd.s32 s0, s29  }
0x1a2: {  	s23 =	sadd.s32 $0x7F, s0  }
0x1a3: {  	s30 =	sand.u32 $0x7F, s23  }
0x1a4: {  	s31 =	sshra.s32 s23, $0x1F;
	p1 =	slt.s32 s23, $0x1;
	p0 =	sne.s32 s30, $0x0  }
0x1a5: {  	v8 =	vadd.s32 $0xFFFFFFFF, v8;
	s24 =	sshrl.u32 s31, $0x19;
	p0 =	por !p1, !p0  }
0x1a6: {  	v8 =	vbroadcast v8, $0x0;
	s23 =	sadd.s32 s24, s23;
	s24 =	simm.s32 $0x1;
	p0 =	por !p0, !p0  }
0x1a7: {  	s2 =	sadd.s32 $0x10, s2;
	s23 =	sshra.s32 s23, $0x7;
	s24 =	simm.s32 @!p0 $0x0  }
0x1a8: {  	v63 =	vor.u32 s2, v5;
	v7 =	vadd.s32 v7, v8;
	s2 =	ssub.s32 s23, s24  }
0x1a9: {  	p0 =	slt.s32 s2, $0x1  }
.Ltmp29:
0x1aa: {  	_ = 	snop;
	(pc) =	sbr.rel @p0 .LBB2_41-.Ltmp29, $3  }
0x1ab: {  	_ =	sdelay $0x1  }
0x1ac: {  	v6 =	vsub.s32 v6, v0;
	[tilespmem:v7+s14+$0x0] =	vst.idx.msk vm0, v63  }
0x1ad: {  	[tilespmem:v7+s15+$0x0] =	vst.idx.msk vm0, v6  }
.Ltmp30:
0x1ae: {  	(pc) =	sbr.rel .LBB2_36-.Ltmp30, $2  }
0x1af: {  	_ =	sdelay $0x2  }
0x1b0: {  	s23 =	simm.s32 $0x0;
	s24 =	simm.s32 $0x15000;
	s25 =	smov.u32 s0  }
.LBB2_39:
0x1b1: {  	[tilespmem:s28+$0x70] =	vst v6  }
.LBB2_40:
0x1b2: {  	s23 =	sadd.s32 $0x1, s23  }
0x1b3: {  	p0 =	sne.s32 s23, s2  }
.Ltmp31:
0x1b4: {  	_ = 	snop;
	(pc) =	sbr.rel @!p0 .LBB2_41-.Ltmp31, $2  }
0x1b5: {  	_ =	sdelay $0x2  }
0x1b6: {  	s25 =	sadd.s32 $0xFFFFFF80, s25;
	s24 =	sadd.s32 $0x80, s24  }
.LBB2_36:
0x1b7: {  	s28 =	sshll.u32 s23, $0x7  }
0x1b8: {  	s26 =	sshll.u32 s23, $0x9;
	s31 =	ssub.s32 s0, s28  }
0x1b9: {  	s26 =	sshra.s32 s26, $0x2;
	p0 =	slt.s32 s31, $0x1  }
.Ltmp32:
0x1ba: {  	s26 =	sadd.s32 $0x14800, s26;
	(pc) =	sbr.rel @p0 .LBB2_40-.Ltmp32, $4  }
0x1bb: {  	[tilespmem:s18], [sflag:$0x1] =	stream.indirect.gather [hbm4b:s8+s17], $0x80, s26, s17, $0xb8;
	[tilespmem:$0x19800] =	vst v63  }
0x1bc: {  	_ =	swait.ge [sflag:s16], $0x4000  }
0x1bd: {  	[sflag:s16] =	ssyncset.done $0x0  }
0x1be: {  	[sflag:s16] =	ssyncadd.s32 $0xFFFFC000  }
0x1bf: {  	v6 =	vld [tilespmem:s24+$0x0];
	_ =	sdelay $0x4  }
0x1c0: {  	(v2sf) =	vpush v6, $0x0;
	_ =	sdelay $0xe  }
0x1c1: {  	s28 =	spop (v2sf)  }
0x1c2: {  	s26 =	simm.s32 $0x15840;
	s28 =	sshll.u32 s28, $0x9  }
0x1c3: {  	v6 =	vld [tilespmem:s26+$0xFFFFFFC0];
	s28 =	sshra.s32 s28, $0x2  }
0x1c4: {  	v7 =	vld [tilespmem:s28+$0x0];
	_ =	sdelay $0x4  }
0x1c5: {  	v6 =	vmax.f32 v7, v6  }
0x1c6: {  	[tilespmem:s28+$0x0] =	vst v6;
	v6 =	vld [tilespmem:s28+$0x10]  }
0x1c7: {  	v7 =	vld [tilespmem:s26+$0xFFFFFFD0];
	_ =	sdelay $0x4  }
0x1c8: {  	v6 =	vmax.f32 v6, v7  }
0x1c9: {  	[tilespmem:s28+$0x10] =	vst v6;
	v6 =	vld [tilespmem:s28+$0x20]  }
0x1ca: {  	v7 =	vld [tilespmem:s26+$0xFFFFFFE0];
	_ =	sdelay $0x4  }
0x1cb: {  	v6 =	vmax.f32 v6, v7  }
0x1cc: {  	[tilespmem:s28+$0x20] =	vst v6;
	v6 =	vld [tilespmem:s28+$0x30]  }
0x1cd: {  	v7 =	vld [tilespmem:s26+$0xFFFFFFF0];
	_ =	sdelay $0x4  }
0x1ce: {  	v6 =	vmax.f32 v6, v7  }
0x1cf: {  	[tilespmem:s28+$0x30] =	vst v6;
	v6 =	vld [tilespmem:s28+$0x40]  }
0x1d0: {  	v7 =	vld [tilespmem:s26+$0x0];
	_ =	sdelay $0x4  }
0x1d1: {  	v6 =	vmax.f32 v6, v7  }
0x1d2: {  	[tilespmem:s28+$0x40] =	vst v6;
	v6 =	vld [tilespmem:s28+$0x50]  }
0x1d3: {  	v7 =	vld [tilespmem:s26+$0x10];
	_ =	sdelay $0x4  }
0x1d4: {  	v6 =	vmax.f32 v6, v7  }
0x1d5: {  	[tilespmem:s28+$0x50] =	vst v6;
	v6 =	vld [tilespmem:s28+$0x60]  }
0x1d6: {  	v7 =	vld [tilespmem:s26+$0x20];
	_ =	sdelay $0x3  }
0x1d7: {  	p0 =	sgt.s32 s25, $0x1;
	s29 =	smov.u32 s25  }
0x1d8: {  	s29 =	simm.s32 @!p0 $0x1;
	v6 =	vmax.f32 v6, v7  }
0x1d9: {  	s29 =	smin.u32 s29, $0x80;
	[tilespmem:s28+$0x60] =	vst v6;
	v6 =	vld [tilespmem:s28+$0x70]  }
0x1da: {  	p0 =	sne.s32 s29, $0x1;
	v7 =	vld [tilespmem:s26+$0x30]  }
.Ltmp33:
0x1db: {  	_ = 	snop;
	(pc) =	sbr.rel @!p0 .LBB2_39-.Ltmp33, $2  }
0x1dc: {  	_ =	sdelay $0x2  }
0x1dd: {  	s30 =	smov.u32 s24;
	s29 =	sadd.s32 $0xFFFFFFFF, s29;
	v6 =	vmax.f32 v6, v7  }
.LBB2_38:
0x1de: {  	p0 =	sne.s32 s29, $0x1;
	[tilespmem:s28+$0x70] =	vst v6;
	s30 =	sadd.s32 $0x1, s30;
	s26 =	sadd.s32 $0x80, s26  }
0x1df: {  	s29 =	sadd.s32 $0xFFFFFFFF, s29;
	v6 =	vld [tilespmem:s30+$0x0];
	_ =	sdelay $0x4  }
0x1e0: {  	(v2sf) =	vpush v6, $0x0;
	_ =	sdelay $0xe  }
0x1e1: {  	s28 =	spop (v2sf)  }
0x1e2: {  	s28 =	sshll.u32 s28, $0x9  }
0x1e3: {  	v6 =	vld [tilespmem:s26+$0xFFFFFFC0];
	s28 =	sshra.s32 s28, $0x2  }
0x1e4: {  	v7 =	vld [tilespmem:s28+$0x0];
	_ =	sdelay $0x4  }
0x1e5: {  	v6 =	vmax.f32 v7, v6  }
0x1e6: {  	[tilespmem:s28+$0x0] =	vst v6;
	v6 =	vld [tilespmem:s28+$0x10]  }
0x1e7: {  	v7 =	vld [tilespmem:s26+$0xFFFFFFD0];
	_ =	sdelay $0x4  }
0x1e8: {  	v6 =	vmax.f32 v6, v7  }
0x1e9: {  	[tilespmem:s28+$0x10] =	vst v6;
	v6 =	vld [tilespmem:s28+$0x20]  }
0x1ea: {  	v7 =	vld [tilespmem:s26+$0xFFFFFFE0];
	_ =	sdelay $0x4  }
0x1eb: {  	v6 =	vmax.f32 v6, v7  }
0x1ec: {  	[tilespmem:s28+$0x20] =	vst v6;
	v6 =	vld [tilespmem:s28+$0x30]  }
0x1ed: {  	v7 =	vld [tilespmem:s26+$0xFFFFFFF0];
	_ =	sdelay $0x4  }
0x1ee: {  	v6 =	vmax.f32 v6, v7  }
0x1ef: {  	[tilespmem:s28+$0x30] =	vst v6;
	v6 =	vld [tilespmem:s28+$0x40]  }
0x1f0: {  	v7 =	vld [tilespmem:s26+$0x0];
	_ =	sdelay $0x4  }
0x1f1: {  	v6 =	vmax.f32 v6, v7  }
0x1f2: {  	[tilespmem:s28+$0x40] =	vst v6;
	v6 =	vld [tilespmem:s28+$0x50]  }
0x1f3: {  	v7 =	vld [tilespmem:s26+$0x10];
	_ =	sdelay $0x4  }
0x1f4: {  	v6 =	vmax.f32 v6, v7  }
0x1f5: {  	[tilespmem:s28+$0x50] =	vst v6;
	v6 =	vld [tilespmem:s28+$0x60]  }
0x1f6: {  	v7 =	vld [tilespmem:s26+$0x20];
	_ =	sdelay $0x4  }
0x1f7: {  	v6 =	vmax.f32 v6, v7  }
0x1f8: {  	[tilespmem:s28+$0x60] =	vst v6;
	v6 =	vld [tilespmem:s28+$0x70]  }
0x1f9: {  	v7 =	vld [tilespmem:s26+$0x30]  }
.Ltmp34:
0x1fa: {  	(pc) =	sbr.rel @p0 .LBB2_38-.Ltmp34, $2  }
0x1fb: {  	_ =	sdelay $0x2  }
0x1fc: {  	v6 =	vmax.f32 v6, v7  }
.Ltmp35:
0x1fd: {  	_ = 	snop;
	(pc) =	sbr.rel .LBB2_39-.Ltmp35, $1  }
0x1fe: {  	_ =	sdelay $0x3  }
.LBB2_42:
0x1ff: {  	s0 =	simm.s32 $0x0  }
0x200: {  	v8 =	vld [tilespmem:s0+$0x0]  }
0x201: {  	v11 =	vld [tilespmem:s0+$0x10]  }
0x202: {  	v10 =	vld [tilespmem:s0+$0x20]  }
0x203: {  	v9 =	vld [tilespmem:s0+$0x30]  }
0x204: {  	v6 =	vld [tilespmem:s0+$0x40]  }
0x205: {  	v7 =	vld [tilespmem:s0+$0x50];
	vm0 =	vlt.f32 v8, $-9.999999680e+37  }
0x206: {  	s2 =	simm.s32 $0x200;
	v12 =	vsel vm0, $0x0, v8;
	vm0 =	vlt.f32 v11, $-9.999999680e+37;
	v8 =	vld [tilespmem:s0+$0x60]  }
.LBB2_43:
0x207: {  	s21 =	sshra.s32 s2, $0x2;
	p0 =	sne.s32 s2, $0x27E00;
	[tilespmem:s0+$0x0] =	vst v12;
	v11 =	vsel vm0, $0x0, v11;
	vm0 =	vlt.f32 v10, $-9.999999680e+37;
	v12 =	vld [tilespmem:s0+$0x70]  }
0x208: {  	v13 =	vld [tilespmem:s21+$0x0];
	[tilespmem:s0+$0x10] =	vst v11;
	v10 =	vsel vm0, $0x0, v10;
	vm0 =	vlt.f32 v9, $-9.999999680e+37  }
0x209: {  	v11 =	vld [tilespmem:s21+$0x10];
	[tilespmem:s0+$0x20] =	vst v10;
	v9 =	vsel vm0, $0x0, v9;
	vm0 =	vlt.f32 v6, $-9.999999680e+37  }
.Ltmp36:
0x20a: {  	v10 =	vld [tilespmem:s21+$0x20];
	[tilespmem:s0+$0x30] =	vst v9;
	v6 =	vsel vm0, $0x0, v6;
	vm0 =	vlt.f32 v7, $-9.999999680e+37;
	(pc) =	sbr.rel @p0 .LBB2_43-.Ltmp36, $4  }
0x20b: {  	v9 =	vld [tilespmem:s21+$0x30];
	[tilespmem:s0+$0x40] =	vst v6;
	v7 =	vsel vm0, $0x0, v7;
	vm0 =	vlt.f32 v8, $-9.999999680e+37  }
0x20c: {  	v6 =	vld [tilespmem:s21+$0x40];
	[tilespmem:s0+$0x50] =	vst v7;
	v8 =	vsel vm0, $0x0, v8;
	vm0 =	vlt.f32 v12, $-9.999999680e+37  }
0x20d: {  	vm1 =	vlt.f32 v13, $-9.999999680e+37;
	v7 =	vld [tilespmem:s21+$0x50];
	[tilespmem:s0+$0x60] =	vst v8;
	v14 =	vsel vm0, $0x0, v12  }
0x20e: {  	s2 =	sadd.s32 $0x200, s2;
	v12 =	vsel vm1, $0x0, v13;
	vm0 =	vlt.f32 v11, $-9.999999680e+37;
	v8 =	vld [tilespmem:s21+$0x60];
	[tilespmem:s0+$0x70] =	vst v14;
	s0 =	smov.u32 s21  }
0x20f: {  	[tilespmem:s0+$0x0] =	vst v12;
	v11 =	vsel vm0, $0x0, v11;
	vm10 =	vlt.f32 v10, $-9.999999680e+37;
	v63 =	vld [tilespmem:s0+$0x70]  }
0x210: {  	[tilespmem:s0+$0x10] =	vst v11;
	v10 =	vsel vm10, $0x0, v10;
	vm11 =	vlt.f32 v9, $-9.999999680e+37  }
0x211: {  	[tilespmem:s0+$0x20] =	vst v10;
	v9 =	vsel vm11, $0x0, v9;
	vm12 =	vlt.f32 v6, $-9.999999680e+37  }
0x212: {  	[tilespmem:s0+$0x30] =	vst v9;
	v6 =	vsel vm12, $0x0, v6;
	vm13 =	vlt.f32 v7, $-9.999999680e+37  }
0x213: {  	[tilespmem:s0+$0x40] =	vst v6;
	v6 =	vsel vm13, $0x0, v7;
	vm14 =	vlt.f32 v8, $-9.999999680e+37  }
0x214: {  	[tilespmem:s0+$0x50] =	vst v6;
	v6 =	vsel vm14, $0x0, v8;
	vm15 =	vlt.f32 v63, $-9.999999680e+37  }
0x215: {  	[tilespmem:s0+$0x60] =	vst v6;
	v6 =	vsel vm15, $0x0, v63  }
0x216: {  	s2 =	simm.s32 $0x0;
	[tilespmem:s0+$0x70] =	vst v6;
	s0 =	simm.s32 $0x40  }
.LBB2_45:
0x217: {  	p0 =	sne.s32 s0, $0x1FC0;
	[tilespmem:s2+$0x14800] =	vst v4;
	s2 =	smov.u32 s0;
	s0 =	sadd.s32 $0x40, s0  }
.Ltmp37:
0x218: {  	(pc) =	sbr.rel @p0 .LBB2_45-.Ltmp37, $2  }
0x219: {  	_ =	sdelay $0x2  }
0x21a: {  	s2 =	sshra.s32 s2, $0x2  }
.Ltmp38:
0x21b: {  	(pc) =	sbr.rel .LBB2_47-.Ltmp38, $2  }
0x21c: {  	_ =	sdelay $0x2  }
0x21d: {  	[tilespmem:s2+$0x14800] =	vst v4;
	s22 =	simm.s32 $0x0;
	s23 =	simm.s32 $0x0;
	s24 =	simm.s32 $0x0  }
.LBB2_56:
0x21e: {  	s24 =	sadd.s32 $0x1, s24  }
0x21f: {  	p0 =	sne.s32 s24, $0xA0  }
.Ltmp39:
0x220: {  	_ = 	snop;
	(pc) =	sbr.rel @!p0 .LBB2_57-.Ltmp39, $2  }
0x221: {  	_ =	sdelay $0x2  }
0x222: {  	s23 =	sadd.s32 $0x7D0, s23;
	s21 =	simm.s32 $0x0  }
.LBB2_47:
0x223: {  	s0 =	smul.u32 $0x7D0, s24;
	_ =	sdelay $0x1  }
0x224: {  	s0 =	sshrl.u32 s0, $0x3  }
0x225: {  	s0 =	sadd.s32 s1, s0  }
0x226: {  	[tilespmem:s12], [sflag:$0x2] =	stream.linear.gather [hbm4b:s0+s22], $0x7D0, $0x38;
	[tilespmem:$0x19800] =	vst v63  }
0x227: {  	_ =	swait.ge [sflag:s13], $0x7D0  }
0x228: {  	[sflag:s13] =	ssyncset.done $0x0  }
0x229: {  	s31 =	simm.s32 $0x0;
	[sflag:s13] =	ssyncadd.s32 $0xFFFFF830  }
0x22a: {  	v6 =	vld [tilespmem:s31+$0x14000];
	_ =	sdelay $0x4  }
0x22b: {  	vm0 =	vge.s32 v6, v0;
	vm1 =	vlt.s32 v6, v1  }
0x22c: {  	vm0 =	vmand vm0, vm1  }
0x22d: {  	v7 =	vsel vm0, $0x1, v4  }
0x22e: {  	(xrf0) =	vadd.scan.msk.s32 $0xffff, v7;
	_ =	sdelay $0x2  }
0x22f: {  	v7 =	vmov s22  }
0x230: {  	v7 =	vadd.s32 $0xFFFFFFFF, v7  }
0x231: {  	v7 =	vbroadcast v7, $0x0  }
0x232: {  	v8, _, _ =	vpop (xrf0)  }
0x233: {  	v7 =	vadd.s32 v8, v7;
	(v2sf) =	vpush v8, $0xF;
	_ =	sdelay $0x3  }
0x234: {  	v9 =	vor.u32 s23, v5  }
0x235: {  	s25 =	simm.s32 $0x10;
	v6 =	vsub.s32 v6, v0;
	[tilespmem:v7+s14+$0x0] =	vst.idx.msk vm0, v9  }
0x236: {  	s21 =	simm.s32 $0x80;
	s2 =	simm.s32 $0x0;
	s0 =	smov.u32 s23;
	[tilespmem:v7+s15+$0x0] =	vst.idx.msk vm0, v6  }
.LBB2_48:
0x237: {  	p0 =	sne.s32 s21, $0x1F00;
	v6 =	vld [tilespmem:s25+$0x14000];
	_ =	sdelay $0x4  }
0x238: {  	vm0 =	vge.s32 v6, v0;
	vm1 =	vlt.s32 v6, v1;
	v6 =	vsub.s32 v6, v0  }
0x239: {  	vm0 =	vmand vm0, vm1  }
0x23a: {  	v7 =	vsel vm0, $0x1, v4  }
0x23b: {  	(xrf0) =	vadd.scan.msk.s32 $0xffff, v7;
	s25 =	spop (v2sf)  }
0x23c: {  	s2 =	sadd.s32 s2, s25  }
0x23d: {  	v7 =	vmov s2  }
0x23e: {  	v7 =	vadd.s32 $0xFFFFFFFF, v7  }
0x23f: {  	v7 =	vbroadcast v7, $0x0;
	_ =	sdelay $0x1  }
0x240: {  	v8, _, _ =	vpop (xrf0)  }
0x241: {  	v7 =	vadd.s32 v8, v7;
	(v2sf) =	vpush v8, $0xF;
	_ =	sdelay $0x1  }
.Ltmp40:
0x242: {  	(pc) =	sbr.rel @p0 .LBB2_48-.Ltmp40, $4  }
0x243: {  	s0 =	sadd.s32 $0x10, s0  }
0x244: {  	v8 =	vor.u32 s0, v5  }
0x245: {  	[tilespmem:v7+s14+$0x0] =	vst.idx.msk vm0, v8  }
0x246: {  	s25 =	sshra.s32 s21, $0x2;
	s21 =	sadd.s32 $0x40, s21;
	[tilespmem:v7+s15+$0x0] =	vst.idx.msk vm0, v6  }
0x247: {  	v6 =	vld [tilespmem:s25+$0x14000];
	_ =	sdelay $0x4  }
0x248: {  	vm0 =	vge.s32 v6, v0;
	vm1 =	vlt.s32 v6, v1  }
0x249: {  	vm0 =	vmand vm0, vm1  }
0x24a: {  	v7 =	vsel vm0, $0x1, v4  }
0x24b: {  	(xrf0) =	vadd.scan.msk.s32 $0xffff, v7;
	_ =	sdelay $0x5  }
0x24c: {  	v7, _, _ =	vpop (xrf0)  }
0x24d: {  	(v2sf) =	vpush v7, $0xF;
	_ =	sdelay $0xd  }
0x24e: {  	s21 =	spop (v2sf)  }
0x24f: {  	s2 =	sadd.s32 s2, s21;
	s29 =	spop (v2sf)  }
0x250: {  	s21 =	sadd.s32 s2, s29  }
0x251: {  	v8 =	vmov s2;
	s2 =	sadd.s32 $0x7F, s21  }
0x252: {  	s30 =	sand.u32 $0x7F, s2  }
0x253: {  	s31 =	sshra.s32 s2, $0x1F;
	p1 =	slt.s32 s2, $0x1;
	p0 =	sne.s32 s30, $0x0  }
0x254: {  	v8 =	vadd.s32 $0xFFFFFFFF, v8;
	s25 =	sshrl.u32 s31, $0x19;
	p0 =	por !p1, !p0  }
0x255: {  	v8 =	vbroadcast v8, $0x0;
	s2 =	sadd.s32 s25, s2;
	s25 =	simm.s32 $0x1;
	p0 =	por !p0, !p0  }
0x256: {  	s2 =	sshra.s32 s2, $0x7;
	s25 =	simm.s32 @!p0 $0x0  }
0x257: {  	v7 =	vadd.s32 v7, v8;
	s25 =	ssub.s32 s2, s25  }
0x258: {  	p0 =	slt.s32 s25, $0x1  }
.Ltmp41:
0x259: {  	_ = 	snop;
	(pc) =	sbr.rel @p0 .LBB2_56-.Ltmp41, $4  }
0x25a: {  	s0 =	sadd.s32 $0x10, s0  }
0x25b: {  	v63 =	vor.u32 s0, v5  }
0x25c: {  	v6 =	vsub.s32 v6, v0;
	[tilespmem:v7+s14+$0x0] =	vst.idx.msk vm0, v63  }
0x25d: {  	[tilespmem:v7+s15+$0x0] =	vst.idx.msk vm0, v6  }
.Ltmp42:
0x25e: {  	(pc) =	sbr.rel .LBB2_51-.Ltmp42, $2  }
0x25f: {  	_ =	sdelay $0x2  }
0x260: {  	s26 =	simm.s32 $0x0;
	s2 =	simm.s32 $0x15000;
	s29 =	smov.u32 s21  }
.LBB2_54:
0x261: {  	[tilespmem:s31+$0xA070] =	vst v6  }
.LBB2_55:
0x262: {  	s26 =	sadd.s32 $0x1, s26  }
0x263: {  	p0 =	sne.s32 s26, s25  }
.Ltmp43:
0x264: {  	_ = 	snop;
	(pc) =	sbr.rel @!p0 .LBB2_56-.Ltmp43, $2  }
0x265: {  	_ =	sdelay $0x2  }
0x266: {  	s29 =	sadd.s32 $0xFFFFFF80, s29;
	s2 =	sadd.s32 $0x80, s2  }
.LBB2_51:
0x267: {  	s28 =	sshll.u32 s26, $0x7  }
0x268: {  	s0 =	sshll.u32 s26, $0x9;
	s31 =	ssub.s32 s21, s28  }
0x269: {  	s0 =	sshra.s32 s0, $0x2;
	p0 =	slt.s32 s31, $0x1  }
.Ltmp44:
0x26a: {  	s0 =	sadd.s32 $0x14800, s0;
	(pc) =	sbr.rel @p0 .LBB2_55-.Ltmp44, $4  }
0x26b: {  	[tilespmem:s18], [sflag:$0x1] =	stream.indirect.gather [hbm4b:s6+s17], $0x80, s0, s17, $0xb8;
	[tilespmem:$0x19800] =	vst v63  }
0x26c: {  	_ =	swait.ge [sflag:s16], $0x4000  }
0x26d: {  	[sflag:s16] =	ssyncset.done $0x0  }
0x26e: {  	[sflag:s16] =	ssyncadd.s32 $0xFFFFC000  }
0x26f: {  	v6 =	vld [tilespmem:s2+$0x0];
	_ =	sdelay $0x4  }
0x270: {  	(v2sf) =	vpush v6, $0x0;
	_ =	sdelay $0xe  }
0x271: {  	s30 =	simm.s32 $0x15840;
	s0 =	spop (v2sf)  }
0x272: {  	v6 =	vld [tilespmem:s30+$0xFFFFFFC0];
	s31 =	sshll.u32 s0, $0x7  }
0x273: {  	v7 =	vld [tilespmem:s31+$0x0];
	_ =	sdelay $0x4  }
0x274: {  	v6 =	vsub.f32 v6, v7;
	_ =	sdelay $0x1  }
0x275: {  	v6 =	vmul.f32 $1.200000000e+01, v6;
	_ =	sdelay $0x1  }
0x276: {  	v6 =	vmul.f32 $1.442695020e+00, v6;
	_ =	sdelay $0x1  }
0x277: {  	(erf) = vpow2.f32 v6;
	_ =	sdelay $0x4  }
0x278: {  	v6 =	vld [tilespmem:s31+$0xA000];
	_ =	sdelay $0x3  }
0x279: {  	v7 =	vpop (erf)  }
0x27a: {  	v6 =	vadd.f32 v7, v6;
	_ =	sdelay $0x1  }
0x27b: {  	[tilespmem:s31+$0xA000] =	vst v6;
	v6 =	vld [tilespmem:s31+$0x10]  }
0x27c: {  	v7 =	vld [tilespmem:s30+$0xFFFFFFD0];
	_ =	sdelay $0x4  }
0x27d: {  	v6 =	vsub.f32 v7, v6;
	_ =	sdelay $0x1  }
0x27e: {  	v6 =	vmul.f32 $1.200000000e+01, v6;
	_ =	sdelay $0x1  }
0x27f: {  	v6 =	vmul.f32 $1.442695020e+00, v6;
	_ =	sdelay $0x1  }
0x280: {  	(erf) = vpow2.f32 v6;
	_ =	sdelay $0x4  }
0x281: {  	v6 =	vld [tilespmem:s31+$0xA010];
	_ =	sdelay $0x3  }
0x282: {  	v7 =	vpop (erf)  }
0x283: {  	v6 =	vadd.f32 v7, v6;
	_ =	sdelay $0x1  }
0x284: {  	[tilespmem:s31+$0xA010] =	vst v6;
	v6 =	vld [tilespmem:s31+$0x20]  }
0x285: {  	v7 =	vld [tilespmem:s30+$0xFFFFFFE0];
	_ =	sdelay $0x4  }
0x286: {  	v6 =	vsub.f32 v7, v6;
	_ =	sdelay $0x1  }
0x287: {  	v6 =	vmul.f32 $1.200000000e+01, v6;
	_ =	sdelay $0x1  }
0x288: {  	v6 =	vmul.f32 $1.442695020e+00, v6;
	_ =	sdelay $0x1  }
0x289: {  	(erf) = vpow2.f32 v6;
	_ =	sdelay $0x4  }
0x28a: {  	v6 =	vld [tilespmem:s31+$0xA020];
	_ =	sdelay $0x3  }
0x28b: {  	v7 =	vpop (erf)  }
0x28c: {  	v6 =	vadd.f32 v7, v6;
	_ =	sdelay $0x1  }
0x28d: {  	[tilespmem:s31+$0xA020] =	vst v6;
	v6 =	vld [tilespmem:s31+$0x30]  }
0x28e: {  	v7 =	vld [tilespmem:s30+$0xFFFFFFF0];
	_ =	sdelay $0x4  }
0x28f: {  	v6 =	vsub.f32 v7, v6;
	_ =	sdelay $0x1  }
0x290: {  	v6 =	vmul.f32 $1.200000000e+01, v6;
	_ =	sdelay $0x1  }
0x291: {  	v6 =	vmul.f32 $1.442695020e+00, v6;
	_ =	sdelay $0x1  }
0x292: {  	(erf) = vpow2.f32 v6;
	_ =	sdelay $0x4  }
0x293: {  	v6 =	vld [tilespmem:s31+$0xA030];
	_ =	sdelay $0x3  }
0x294: {  	v7 =	vpop (erf)  }
0x295: {  	v6 =	vadd.f32 v7, v6;
	_ =	sdelay $0x1  }
0x296: {  	[tilespmem:s31+$0xA030] =	vst v6;
	v6 =	vld [tilespmem:s31+$0x40]  }
0x297: {  	v7 =	vld [tilespmem:s30+$0x0];
	_ =	sdelay $0x4  }
0x298: {  	v6 =	vsub.f32 v7, v6;
	_ =	sdelay $0x1  }
0x299: {  	v6 =	vmul.f32 $1.200000000e+01, v6;
	_ =	sdelay $0x1  }
0x29a: {  	v6 =	vmul.f32 $1.442695020e+00, v6;
	_ =	sdelay $0x1  }
0x29b: {  	(erf) = vpow2.f32 v6;
	_ =	sdelay $0x4  }
0x29c: {  	v6 =	vld [tilespmem:s31+$0xA040];
	_ =	sdelay $0x3  }
0x29d: {  	v7 =	vpop (erf)  }
0x29e: {  	v6 =	vadd.f32 v7, v6;
	_ =	sdelay $0x1  }
0x29f: {  	[tilespmem:s31+$0xA040] =	vst v6;
	v6 =	vld [tilespmem:s31+$0x50]  }
0x2a0: {  	v7 =	vld [tilespmem:s30+$0x10];
	_ =	sdelay $0x4  }
0x2a1: {  	v6 =	vsub.f32 v7, v6;
	_ =	sdelay $0x1  }
0x2a2: {  	v6 =	vmul.f32 $1.200000000e+01, v6;
	_ =	sdelay $0x1  }
0x2a3: {  	v6 =	vmul.f32 $1.442695020e+00, v6;
	_ =	sdelay $0x1  }
0x2a4: {  	(erf) = vpow2.f32 v6;
	_ =	sdelay $0x4  }
0x2a5: {  	v6 =	vld [tilespmem:s31+$0xA050];
	_ =	sdelay $0x3  }
0x2a6: {  	v7 =	vpop (erf)  }
0x2a7: {  	v6 =	vadd.f32 v7, v6;
	_ =	sdelay $0x1  }
0x2a8: {  	[tilespmem:s31+$0xA050] =	vst v6;
	v6 =	vld [tilespmem:s31+$0x60]  }
0x2a9: {  	v7 =	vld [tilespmem:s30+$0x20];
	_ =	sdelay $0x4  }
0x2aa: {  	v6 =	vsub.f32 v7, v6;
	_ =	sdelay $0x1  }
0x2ab: {  	v6 =	vmul.f32 $1.200000000e+01, v6;
	_ =	sdelay $0x1  }
0x2ac: {  	v6 =	vmul.f32 $1.442695020e+00, v6;
	_ =	sdelay $0x1  }
0x2ad: {  	(erf) = vpow2.f32 v6;
	_ =	sdelay $0x4  }
0x2ae: {  	v6 =	vld [tilespmem:s31+$0xA060];
	_ =	sdelay $0x3  }
0x2af: {  	v7 =	vpop (erf)  }
0x2b0: {  	v6 =	vadd.f32 v7, v6;
	_ =	sdelay $0x1  }
0x2b1: {  	[tilespmem:s31+$0xA060] =	vst v6;
	v6 =	vld [tilespmem:s31+$0x70]  }
0x2b2: {  	v7 =	vld [tilespmem:s30+$0x30];
	_ =	sdelay $0x4  }
0x2b3: {  	v6 =	vsub.f32 v7, v6;
	_ =	sdelay $0x1  }
0x2b4: {  	v6 =	vmul.f32 $1.200000000e+01, v6;
	_ =	sdelay $0x1  }
0x2b5: {  	v6 =	vmul.f32 $1.442695020e+00, v6;
	_ =	sdelay $0x1  }
0x2b6: {  	(erf) = vpow2.f32 v6;
	_ =	sdelay $0x2  }
0x2b7: {  	p0 =	sgt.s32 s29, $0x1;
	s0 =	smov.u32 s29  }
0x2b8: {  	s0 =	simm.s32 @!p0 $0x1  }
0x2b9: {  	s0 =	smin.u32 s0, $0x80;
	v6 =	vld [tilespmem:s31+$0xA070]  }
0x2ba: {  	p0 =	sne.s32 s0, $0x1  }
.Ltmp45:
0x2bb: {  	_ = 	snop;
	(pc) =	sbr.rel @!p0 .LBB2_54-.Ltmp45, $4  }
0x2bc: {  	_ = 	snop  }
0x2bd: {  	v7 =	vpop (erf)  }
0x2be: {  	v6 =	vadd.f32 v7, v6  }
0x2bf: {  	s28 =	smov.u32 s2;
	s0 =	sadd.s32 $0xFFFFFFFF, s0  }
.LBB2_53:
0x2c0: {  	p0 =	sne.s32 s0, $0x1;
	[tilespmem:s31+$0xA070] =	vst v6;
	s28 =	sadd.s32 $0x1, s28;
	s30 =	sadd.s32 $0x80, s30  }
0x2c1: {  	s0 =	sadd.s32 $0xFFFFFFFF, s0;
	v6 =	vld [tilespmem:s28+$0x0];
	_ =	sdelay $0x4  }
0x2c2: {  	(v2sf) =	vpush v6, $0x0;
	_ =	sdelay $0xe  }
0x2c3: {  	s31 =	spop (v2sf)  }
0x2c4: {  	v6 =	vld [tilespmem:s30+$0xFFFFFFC0];
	s31 =	sshll.u32 s31, $0x7  }
0x2c5: {  	v7 =	vld [tilespmem:s31+$0x0];
	_ =	sdelay $0x4  }
0x2c6: {  	v6 =	vsub.f32 v6, v7;
	_ =	sdelay $0x1  }
0x2c7: {  	v6 =	vmul.f32 $1.200000000e+01, v6;
	_ =	sdelay $0x1  }
0x2c8: {  	v6 =	vmul.f32 $1.442695020e+00, v6;
	_ =	sdelay $0x1  }
0x2c9: {  	(erf) = vpow2.f32 v6;
	_ =	sdelay $0x4  }
0x2ca: {  	v6 =	vld [tilespmem:s31+$0xA000];
	_ =	sdelay $0x3  }
0x2cb: {  	v7 =	vpop (erf)  }
0x2cc: {  	v6 =	vadd.f32 v7, v6;
	_ =	sdelay $0x1  }
0x2cd: {  	[tilespmem:s31+$0xA000] =	vst v6;
	v6 =	vld [tilespmem:s31+$0x10]  }
0x2ce: {  	v7 =	vld [tilespmem:s30+$0xFFFFFFD0];
	_ =	sdelay $0x4  }
0x2cf: {  	v6 =	vsub.f32 v7, v6;
	_ =	sdelay $0x1  }
0x2d0: {  	v6 =	vmul.f32 $1.200000000e+01, v6;
	_ =	sdelay $0x1  }
0x2d1: {  	v6 =	vmul.f32 $1.442695020e+00, v6;
	_ =	sdelay $0x1  }
0x2d2: {  	(erf) = vpow2.f32 v6;
	_ =	sdelay $0x4  }
0x2d3: {  	v6 =	vld [tilespmem:s31+$0xA010];
	_ =	sdelay $0x3  }
0x2d4: {  	v7 =	vpop (erf)  }
0x2d5: {  	v6 =	vadd.f32 v7, v6;
	_ =	sdelay $0x1  }
0x2d6: {  	[tilespmem:s31+$0xA010] =	vst v6;
	v6 =	vld [tilespmem:s31+$0x20]  }
0x2d7: {  	v7 =	vld [tilespmem:s30+$0xFFFFFFE0];
	_ =	sdelay $0x4  }
0x2d8: {  	v6 =	vsub.f32 v7, v6;
	_ =	sdelay $0x1  }
0x2d9: {  	v6 =	vmul.f32 $1.200000000e+01, v6;
	_ =	sdelay $0x1  }
0x2da: {  	v6 =	vmul.f32 $1.442695020e+00, v6;
	_ =	sdelay $0x1  }
0x2db: {  	(erf) = vpow2.f32 v6;
	_ =	sdelay $0x4  }
0x2dc: {  	v6 =	vld [tilespmem:s31+$0xA020];
	_ =	sdelay $0x3  }
0x2dd: {  	v7 =	vpop (erf)  }
0x2de: {  	v6 =	vadd.f32 v7, v6;
	_ =	sdelay $0x1  }
0x2df: {  	[tilespmem:s31+$0xA020] =	vst v6;
	v6 =	vld [tilespmem:s31+$0x30]  }
0x2e0: {  	v7 =	vld [tilespmem:s30+$0xFFFFFFF0];
	_ =	sdelay $0x4  }
0x2e1: {  	v6 =	vsub.f32 v7, v6;
	_ =	sdelay $0x1  }
0x2e2: {  	v6 =	vmul.f32 $1.200000000e+01, v6;
	_ =	sdelay $0x1  }
0x2e3: {  	v6 =	vmul.f32 $1.442695020e+00, v6;
	_ =	sdelay $0x1  }
0x2e4: {  	(erf) = vpow2.f32 v6;
	_ =	sdelay $0x4  }
0x2e5: {  	v6 =	vld [tilespmem:s31+$0xA030];
	_ =	sdelay $0x3  }
0x2e6: {  	v7 =	vpop (erf)  }
0x2e7: {  	v6 =	vadd.f32 v7, v6;
	_ =	sdelay $0x1  }
0x2e8: {  	[tilespmem:s31+$0xA030] =	vst v6;
	v6 =	vld [tilespmem:s31+$0x40]  }
0x2e9: {  	v7 =	vld [tilespmem:s30+$0x0];
	_ =	sdelay $0x4  }
0x2ea: {  	v6 =	vsub.f32 v7, v6;
	_ =	sdelay $0x1  }
0x2eb: {  	v6 =	vmul.f32 $1.200000000e+01, v6;
	_ =	sdelay $0x1  }
0x2ec: {  	v6 =	vmul.f32 $1.442695020e+00, v6;
	_ =	sdelay $0x1  }
0x2ed: {  	(erf) = vpow2.f32 v6;
	_ =	sdelay $0x4  }
0x2ee: {  	v6 =	vld [tilespmem:s31+$0xA040];
	_ =	sdelay $0x3  }
0x2ef: {  	v7 =	vpop (erf)  }
0x2f0: {  	v6 =	vadd.f32 v7, v6;
	_ =	sdelay $0x1  }
0x2f1: {  	[tilespmem:s31+$0xA040] =	vst v6;
	v6 =	vld [tilespmem:s31+$0x50]  }
0x2f2: {  	v7 =	vld [tilespmem:s30+$0x10];
	_ =	sdelay $0x4  }
0x2f3: {  	v6 =	vsub.f32 v7, v6;
	_ =	sdelay $0x1  }
0x2f4: {  	v6 =	vmul.f32 $1.200000000e+01, v6;
	_ =	sdelay $0x1  }
0x2f5: {  	v6 =	vmul.f32 $1.442695020e+00, v6;
	_ =	sdelay $0x1  }
0x2f6: {  	(erf) = vpow2.f32 v6;
	_ =	sdelay $0x4  }
0x2f7: {  	v6 =	vld [tilespmem:s31+$0xA050];
	_ =	sdelay $0x3  }
0x2f8: {  	v7 =	vpop (erf)  }
0x2f9: {  	v6 =	vadd.f32 v7, v6;
	_ =	sdelay $0x1  }
0x2fa: {  	[tilespmem:s31+$0xA050] =	vst v6;
	v6 =	vld [tilespmem:s31+$0x60]  }
0x2fb: {  	v7 =	vld [tilespmem:s30+$0x20];
	_ =	sdelay $0x4  }
0x2fc: {  	v6 =	vsub.f32 v7, v6;
	_ =	sdelay $0x1  }
0x2fd: {  	v6 =	vmul.f32 $1.200000000e+01, v6;
	_ =	sdelay $0x1  }
0x2fe: {  	v6 =	vmul.f32 $1.442695020e+00, v6;
	_ =	sdelay $0x1  }
0x2ff: {  	(erf) = vpow2.f32 v6;
	_ =	sdelay $0x4  }
0x300: {  	v6 =	vld [tilespmem:s31+$0xA060];
	_ =	sdelay $0x3  }
0x301: {  	v7 =	vpop (erf)  }
0x302: {  	v6 =	vadd.f32 v7, v6;
	_ =	sdelay $0x1  }
0x303: {  	[tilespmem:s31+$0xA060] =	vst v6;
	v6 =	vld [tilespmem:s31+$0x70]  }
0x304: {  	v7 =	vld [tilespmem:s30+$0x30];
	_ =	sdelay $0x4  }
0x305: {  	v6 =	vsub.f32 v7, v6;
	_ =	sdelay $0x1  }
0x306: {  	v6 =	vmul.f32 $1.200000000e+01, v6;
	_ =	sdelay $0x1  }
0x307: {  	v6 =	vmul.f32 $1.442695020e+00, v6;
	_ =	sdelay $0x1  }
0x308: {  	(erf) = vpow2.f32 v6;
	_ =	sdelay $0x4  }
0x309: {  	v6 =	vld [tilespmem:s31+$0xA070]  }
.Ltmp46:
0x30a: {  	(pc) =	sbr.rel @p0 .LBB2_53-.Ltmp46, $3  }
0x30b: {  	_ =	sdelay $0x1  }
0x30c: {  	v7 =	vpop (erf)  }
0x30d: {  	v6 =	vadd.f32 v7, v6  }
.Ltmp47:
0x30e: {  	_ = 	snop;
	(pc) =	sbr.rel .LBB2_54-.Ltmp47, $1  }
0x30f: {  	_ =	sdelay $0x3  }
.LBB2_57:
0x310: {  	s0 =	simm.s32 $0x40;
	s2 =	simm.s32 $0x0  }
.LBB2_58:
0x311: {  	p0 =	sne.s32 s0, $0x1FC0;
	[tilespmem:s2+$0x14800] =	vst v4;
	s2 =	smov.u32 s0;
	s0 =	sadd.s32 $0x40, s0  }
.Ltmp48:
0x312: {  	(pc) =	sbr.rel @p0 .LBB2_58-.Ltmp48, $2  }
0x313: {  	_ =	sdelay $0x2  }
0x314: {  	s2 =	sshra.s32 s2, $0x2  }
.Ltmp49:
0x315: {  	(pc) =	sbr.rel .LBB2_60-.Ltmp49, $2  }
0x316: {  	_ =	sdelay $0x2  }
0x317: {  	[tilespmem:s2+$0x14800] =	vst v4;
	s23 =	simm.s32 $0x0  }
.LBB2_69:
0x318: {  	s23 =	sadd.s32 $0x1, s23  }
0x319: {  	p0 =	sne.s32 s23, $0x28  }
.Ltmp50:
0x31a: {  	_ = 	snop;
	(pc) =	sbr.rel @!p0 .LBB2_70-.Ltmp50, $2  }
0x31b: {  	_ =	sdelay $0x2  }
0x31c: {  	s21 =	sadd.s32 $0x7D0, s21;
	s22 =	simm.s32 $0x0  }
.LBB2_60:
0x31d: {  	s0 =	smul.u32 $0x7D0, s23;
	_ =	sdelay $0x1  }
0x31e: {  	s0 =	sshrl.u32 s0, $0x3  }
0x31f: {  	s2 =	sadd.s32 s3, s0;
	s0 =	simm.s32 $0x0  }
0x320: {  	[tilespmem:s12], [sflag:$0x2] =	stream.linear.gather [hbm4b:s2+s0], $0x7D0, $0x38;
	[tilespmem:$0x19800] =	vst v63  }
0x321: {  	_ =	swait.ge [sflag:s13], $0x7D0  }
0x322: {  	[sflag:s13] =	ssyncset.done $0x0  }
0x323: {  	s31 =	simm.s32 $0x0;
	[sflag:s13] =	ssyncadd.s32 $0xFFFFF830  }
0x324: {  	v6 =	vld [tilespmem:s31+$0x14000];
	_ =	sdelay $0x4  }
0x325: {  	vm0 =	vge.s32 v6, v0;
	vm1 =	vlt.s32 v6, v1  }
0x326: {  	vm0 =	vmand vm0, vm1  }
0x327: {  	v7 =	vsel vm0, $0x1, v4  }
0x328: {  	(xrf0) =	vadd.scan.msk.s32 $0xffff, v7;
	_ =	sdelay $0x2  }
0x329: {  	v7 =	vmov s0  }
0x32a: {  	v7 =	vadd.s32 $0xFFFFFFFF, v7  }
0x32b: {  	v7 =	vbroadcast v7, $0x0  }
0x32c: {  	v8, _, _ =	vpop (xrf0)  }
0x32d: {  	v7 =	vadd.s32 v8, v7;
	(v2sf) =	vpush v8, $0xF;
	_ =	sdelay $0x3  }
0x32e: {  	v9 =	vor.u32 s21, v5  }
0x32f: {  	v6 =	vsub.s32 v6, v0;
	[tilespmem:v7+s14+$0x0] =	vst.idx.msk vm0, v9  }
0x330: {  	s24 =	simm.s32 $0x10;
	s22 =	simm.s32 $0x80;
	s2 =	smov.u32 s21;
	[tilespmem:v7+s15+$0x0] =	vst.idx.msk vm0, v6  }
.LBB2_61:
0x331: {  	p0 =	sne.s32 s22, $0x1F00;
	v6 =	vld [tilespmem:s24+$0x14000];
	_ =	sdelay $0x4  }
0x332: {  	vm0 =	vge.s32 v6, v0;
	vm1 =	vlt.s32 v6, v1;
	v6 =	vsub.s32 v6, v0  }
0x333: {  	vm0 =	vmand vm0, vm1  }
0x334: {  	v7 =	vsel vm0, $0x1, v4  }
0x335: {  	(xrf0) =	vadd.scan.msk.s32 $0xffff, v7;
	s24 =	spop (v2sf)  }
0x336: {  	s0 =	sadd.s32 s0, s24  }
0x337: {  	v7 =	vmov s0  }
0x338: {  	v7 =	vadd.s32 $0xFFFFFFFF, v7  }
0x339: {  	v7 =	vbroadcast v7, $0x0;
	_ =	sdelay $0x1  }
0x33a: {  	v8, _, _ =	vpop (xrf0)  }
0x33b: {  	v7 =	vadd.s32 v8, v7;
	(v2sf) =	vpush v8, $0xF;
	_ =	sdelay $0x1  }
.Ltmp51:
0x33c: {  	(pc) =	sbr.rel @p0 .LBB2_61-.Ltmp51, $4  }
0x33d: {  	s2 =	sadd.s32 $0x10, s2  }
0x33e: {  	v8 =	vor.u32 s2, v5  }
0x33f: {  	[tilespmem:v7+s14+$0x0] =	vst.idx.msk vm0, v8  }
0x340: {  	s24 =	sshra.s32 s22, $0x2;
	s22 =	sadd.s32 $0x40, s22;
	[tilespmem:v7+s15+$0x0] =	vst.idx.msk vm0, v6  }
0x341: {  	v6 =	vld [tilespmem:s24+$0x14000];
	_ =	sdelay $0x4  }
0x342: {  	vm0 =	vge.s32 v6, v0;
	vm1 =	vlt.s32 v6, v1  }
0x343: {  	vm0 =	vmand vm0, vm1  }
0x344: {  	v7 =	vsel vm0, $0x1, v4  }
0x345: {  	(xrf0) =	vadd.scan.msk.s32 $0xffff, v7;
	_ =	sdelay $0x5  }
0x346: {  	v7, _, _ =	vpop (xrf0)  }
0x347: {  	(v2sf) =	vpush v7, $0xF;
	_ =	sdelay $0xd  }
0x348: {  	s22 =	spop (v2sf)  }
0x349: {  	s0 =	sadd.s32 s0, s22;
	s29 =	spop (v2sf)  }
0x34a: {  	s22 =	sadd.s32 s0, s29  }
0x34b: {  	v8 =	vmov s0;
	s0 =	sadd.s32 $0x7F, s22  }
0x34c: {  	s30 =	sand.u32 $0x7F, s0  }
0x34d: {  	s31 =	sshra.s32 s0, $0x1F;
	p1 =	slt.s32 s0, $0x1;
	p0 =	sne.s32 s30, $0x0  }
0x34e: {  	v8 =	vadd.s32 $0xFFFFFFFF, v8;
	s24 =	sshrl.u32 s31, $0x19;
	p0 =	por !p1, !p0  }
0x34f: {  	v8 =	vbroadcast v8, $0x0;
	s0 =	sadd.s32 s24, s0;
	s24 =	simm.s32 $0x1;
	p0 =	por !p0, !p0  }
0x350: {  	s0 =	sshra.s32 s0, $0x7;
	s24 =	simm.s32 @!p0 $0x0  }
0x351: {  	v7 =	vadd.s32 v7, v8;
	s24 =	ssub.s32 s0, s24  }
0x352: {  	p0 =	slt.s32 s24, $0x1  }
.Ltmp52:
0x353: {  	_ = 	snop;
	(pc) =	sbr.rel @p0 .LBB2_69-.Ltmp52, $4  }
0x354: {  	s2 =	sadd.s32 $0x10, s2  }
0x355: {  	v63 =	vor.u32 s2, v5  }
0x356: {  	v6 =	vsub.s32 v6, v0;
	[tilespmem:v7+s14+$0x0] =	vst.idx.msk vm0, v63  }
0x357: {  	[tilespmem:v7+s15+$0x0] =	vst.idx.msk vm0, v6  }
.Ltmp53:
0x358: {  	(pc) =	sbr.rel .LBB2_64-.Ltmp53, $2  }
0x359: {  	_ =	sdelay $0x2  }
0x35a: {  	s25 =	simm.s32 $0x0;
	s26 =	simm.s32 $0x15000;
	s28 =	smov.u32 s22  }
.LBB2_67:
0x35b: {  	[tilespmem:s30+$0xA070] =	vst v6  }
.LBB2_68:
0x35c: {  	s25 =	sadd.s32 $0x1, s25  }
0x35d: {  	p0 =	sne.s32 s25, s24  }
.Ltmp54:
0x35e: {  	_ = 	snop;
	(pc) =	sbr.rel @!p0 .LBB2_69-.Ltmp54, $2  }
0x35f: {  	_ =	sdelay $0x2  }
0x360: {  	s28 =	sadd.s32 $0xFFFFFF80, s28;
	s26 =	sadd.s32 $0x80, s26  }
.LBB2_64:
0x361: {  	s2 =	sshll.u32 s25, $0x7  }
0x362: {  	s0 =	sshll.u32 s25, $0x9;
	s31 =	ssub.s32 s22, s2  }
0x363: {  	s0 =	sshra.s32 s0, $0x2;
	p0 =	slt.s32 s31, $0x1  }
.Ltmp55:
0x364: {  	s0 =	sadd.s32 $0x14800, s0;
	(pc) =	sbr.rel @p0 .LBB2_68-.Ltmp55, $4  }
0x365: {  	[tilespmem:s18], [sflag:$0x1] =	stream.indirect.gather [hbm4b:s7+s17], $0x80, s0, s17, $0xb8;
	[tilespmem:$0x19800] =	vst v63  }
0x366: {  	_ =	swait.ge [sflag:s16], $0x4000  }
0x367: {  	[sflag:s16] =	ssyncset.done $0x0  }
0x368: {  	[sflag:s16] =	ssyncadd.s32 $0xFFFFC000  }
0x369: {  	v6 =	vld [tilespmem:s26+$0x0];
	_ =	sdelay $0x4  }
0x36a: {  	(v2sf) =	vpush v6, $0x0;
	_ =	sdelay $0xe  }
0x36b: {  	s29 =	simm.s32 $0x15840;
	s0 =	spop (v2sf)  }
0x36c: {  	v6 =	vld [tilespmem:s29+$0xFFFFFFC0];
	s30 =	sshll.u32 s0, $0x7  }
0x36d: {  	v7 =	vld [tilespmem:s30+$0x0];
	_ =	sdelay $0x4  }
0x36e: {  	v6 =	vsub.f32 v6, v7;
	_ =	sdelay $0x1  }
0x36f: {  	v6 =	vmul.f32 $1.200000000e+01, v6;
	_ =	sdelay $0x1  }
0x370: {  	v6 =	vmul.f32 $1.442695020e+00, v6;
	_ =	sdelay $0x1  }
0x371: {  	(erf) = vpow2.f32 v6;
	_ =	sdelay $0x4  }
0x372: {  	v6 =	vld [tilespmem:s30+$0xA000];
	_ =	sdelay $0x3  }
0x373: {  	v7 =	vpop (erf)  }
0x374: {  	v6 =	vadd.f32 v7, v6;
	_ =	sdelay $0x1  }
0x375: {  	[tilespmem:s30+$0xA000] =	vst v6;
	v6 =	vld [tilespmem:s30+$0x10]  }
0x376: {  	v7 =	vld [tilespmem:s29+$0xFFFFFFD0];
	_ =	sdelay $0x4  }
0x377: {  	v6 =	vsub.f32 v7, v6;
	_ =	sdelay $0x1  }
0x378: {  	v6 =	vmul.f32 $1.200000000e+01, v6;
	_ =	sdelay $0x1  }
0x379: {  	v6 =	vmul.f32 $1.442695020e+00, v6;
	_ =	sdelay $0x1  }
0x37a: {  	(erf) = vpow2.f32 v6;
	_ =	sdelay $0x4  }
0x37b: {  	v6 =	vld [tilespmem:s30+$0xA010];
	_ =	sdelay $0x3  }
0x37c: {  	v7 =	vpop (erf)  }
0x37d: {  	v6 =	vadd.f32 v7, v6;
	_ =	sdelay $0x1  }
0x37e: {  	[tilespmem:s30+$0xA010] =	vst v6;
	v6 =	vld [tilespmem:s30+$0x20]  }
0x37f: {  	v7 =	vld [tilespmem:s29+$0xFFFFFFE0];
	_ =	sdelay $0x4  }
0x380: {  	v6 =	vsub.f32 v7, v6;
	_ =	sdelay $0x1  }
0x381: {  	v6 =	vmul.f32 $1.200000000e+01, v6;
	_ =	sdelay $0x1  }
0x382: {  	v6 =	vmul.f32 $1.442695020e+00, v6;
	_ =	sdelay $0x1  }
0x383: {  	(erf) = vpow2.f32 v6;
	_ =	sdelay $0x4  }
0x384: {  	v6 =	vld [tilespmem:s30+$0xA020];
	_ =	sdelay $0x3  }
0x385: {  	v7 =	vpop (erf)  }
0x386: {  	v6 =	vadd.f32 v7, v6;
	_ =	sdelay $0x1  }
0x387: {  	[tilespmem:s30+$0xA020] =	vst v6;
	v6 =	vld [tilespmem:s30+$0x30]  }
0x388: {  	v7 =	vld [tilespmem:s29+$0xFFFFFFF0];
	_ =	sdelay $0x4  }
0x389: {  	v6 =	vsub.f32 v7, v6;
	_ =	sdelay $0x1  }
0x38a: {  	v6 =	vmul.f32 $1.200000000e+01, v6;
	_ =	sdelay $0x1  }
0x38b: {  	v6 =	vmul.f32 $1.442695020e+00, v6;
	_ =	sdelay $0x1  }
0x38c: {  	(erf) = vpow2.f32 v6;
	_ =	sdelay $0x4  }
0x38d: {  	v6 =	vld [tilespmem:s30+$0xA030];
	_ =	sdelay $0x3  }
0x38e: {  	v7 =	vpop (erf)  }
0x38f: {  	v6 =	vadd.f32 v7, v6;
	_ =	sdelay $0x1  }
0x390: {  	[tilespmem:s30+$0xA030] =	vst v6;
	v6 =	vld [tilespmem:s30+$0x40]  }
0x391: {  	v7 =	vld [tilespmem:s29+$0x0];
	_ =	sdelay $0x4  }
0x392: {  	v6 =	vsub.f32 v7, v6;
	_ =	sdelay $0x1  }
0x393: {  	v6 =	vmul.f32 $1.200000000e+01, v6;
	_ =	sdelay $0x1  }
0x394: {  	v6 =	vmul.f32 $1.442695020e+00, v6;
	_ =	sdelay $0x1  }
0x395: {  	(erf) = vpow2.f32 v6;
	_ =	sdelay $0x4  }
0x396: {  	v6 =	vld [tilespmem:s30+$0xA040];
	_ =	sdelay $0x3  }
0x397: {  	v7 =	vpop (erf)  }
0x398: {  	v6 =	vadd.f32 v7, v6;
	_ =	sdelay $0x1  }
0x399: {  	[tilespmem:s30+$0xA040] =	vst v6;
	v6 =	vld [tilespmem:s30+$0x50]  }
0x39a: {  	v7 =	vld [tilespmem:s29+$0x10];
	_ =	sdelay $0x4  }
0x39b: {  	v6 =	vsub.f32 v7, v6;
	_ =	sdelay $0x1  }
0x39c: {  	v6 =	vmul.f32 $1.200000000e+01, v6;
	_ =	sdelay $0x1  }
0x39d: {  	v6 =	vmul.f32 $1.442695020e+00, v6;
	_ =	sdelay $0x1  }
0x39e: {  	(erf) = vpow2.f32 v6;
	_ =	sdelay $0x4  }
0x39f: {  	v6 =	vld [tilespmem:s30+$0xA050];
	_ =	sdelay $0x3  }
0x3a0: {  	v7 =	vpop (erf)  }
0x3a1: {  	v6 =	vadd.f32 v7, v6;
	_ =	sdelay $0x1  }
0x3a2: {  	[tilespmem:s30+$0xA050] =	vst v6;
	v6 =	vld [tilespmem:s30+$0x60]  }
0x3a3: {  	v7 =	vld [tilespmem:s29+$0x20];
	_ =	sdelay $0x4  }
0x3a4: {  	v6 =	vsub.f32 v7, v6;
	_ =	sdelay $0x1  }
0x3a5: {  	v6 =	vmul.f32 $1.200000000e+01, v6;
	_ =	sdelay $0x1  }
0x3a6: {  	v6 =	vmul.f32 $1.442695020e+00, v6;
	_ =	sdelay $0x1  }
0x3a7: {  	(erf) = vpow2.f32 v6;
	_ =	sdelay $0x4  }
0x3a8: {  	v6 =	vld [tilespmem:s30+$0xA060];
	_ =	sdelay $0x3  }
0x3a9: {  	v7 =	vpop (erf)  }
0x3aa: {  	v6 =	vadd.f32 v7, v6;
	_ =	sdelay $0x1  }
0x3ab: {  	[tilespmem:s30+$0xA060] =	vst v6;
	v6 =	vld [tilespmem:s30+$0x70]  }
0x3ac: {  	v7 =	vld [tilespmem:s29+$0x30];
	_ =	sdelay $0x4  }
0x3ad: {  	v6 =	vsub.f32 v7, v6;
	_ =	sdelay $0x1  }
0x3ae: {  	v6 =	vmul.f32 $1.200000000e+01, v6;
	_ =	sdelay $0x1  }
0x3af: {  	v6 =	vmul.f32 $1.442695020e+00, v6;
	_ =	sdelay $0x1  }
0x3b0: {  	(erf) = vpow2.f32 v6;
	_ =	sdelay $0x2  }
0x3b1: {  	p0 =	sgt.s32 s28, $0x1;
	s0 =	smov.u32 s28  }
0x3b2: {  	s0 =	simm.s32 @!p0 $0x1  }
0x3b3: {  	s0 =	smin.u32 s0, $0x80;
	v6 =	vld [tilespmem:s30+$0xA070]  }
0x3b4: {  	p0 =	sne.s32 s0, $0x1  }
.Ltmp56:
0x3b5: {  	_ = 	snop;
	(pc) =	sbr.rel @!p0 .LBB2_67-.Ltmp56, $4  }
0x3b6: {  	_ = 	snop  }
0x3b7: {  	v7 =	vpop (erf)  }
0x3b8: {  	v6 =	vadd.f32 v7, v6  }
0x3b9: {  	s2 =	smov.u32 s26;
	s0 =	sadd.s32 $0xFFFFFFFF, s0  }
.LBB2_66:
0x3ba: {  	p0 =	sne.s32 s0, $0x1;
	[tilespmem:s30+$0xA070] =	vst v6;
	s2 =	sadd.s32 $0x1, s2;
	s29 =	sadd.s32 $0x80, s29  }
0x3bb: {  	s0 =	sadd.s32 $0xFFFFFFFF, s0;
	v6 =	vld [tilespmem:s2+$0x0];
	_ =	sdelay $0x4  }
0x3bc: {  	(v2sf) =	vpush v6, $0x0;
	_ =	sdelay $0xe  }
0x3bd: {  	s30 =	spop (v2sf)  }
0x3be: {  	v6 =	vld [tilespmem:s29+$0xFFFFFFC0];
	s30 =	sshll.u32 s30, $0x7  }
0x3bf: {  	v7 =	vld [tilespmem:s30+$0x0];
	_ =	sdelay $0x4  }
0x3c0: {  	v6 =	vsub.f32 v6, v7;
	_ =	sdelay $0x1  }
0x3c1: {  	v6 =	vmul.f32 $1.200000000e+01, v6;
	_ =	sdelay $0x1  }
0x3c2: {  	v6 =	vmul.f32 $1.442695020e+00, v6;
	_ =	sdelay $0x1  }
0x3c3: {  	(erf) = vpow2.f32 v6;
	_ =	sdelay $0x4  }
0x3c4: {  	v6 =	vld [tilespmem:s30+$0xA000];
	_ =	sdelay $0x3  }
0x3c5: {  	v7 =	vpop (erf)  }
0x3c6: {  	v6 =	vadd.f32 v7, v6;
	_ =	sdelay $0x1  }
0x3c7: {  	[tilespmem:s30+$0xA000] =	vst v6;
	v6 =	vld [tilespmem:s30+$0x10]  }
0x3c8: {  	v7 =	vld [tilespmem:s29+$0xFFFFFFD0];
	_ =	sdelay $0x4  }
0x3c9: {  	v6 =	vsub.f32 v7, v6;
	_ =	sdelay $0x1  }
0x3ca: {  	v6 =	vmul.f32 $1.200000000e+01, v6;
	_ =	sdelay $0x1  }
0x3cb: {  	v6 =	vmul.f32 $1.442695020e+00, v6;
	_ =	sdelay $0x1  }
0x3cc: {  	(erf) = vpow2.f32 v6;
	_ =	sdelay $0x4  }
0x3cd: {  	v6 =	vld [tilespmem:s30+$0xA010];
	_ =	sdelay $0x3  }
0x3ce: {  	v7 =	vpop (erf)  }
0x3cf: {  	v6 =	vadd.f32 v7, v6;
	_ =	sdelay $0x1  }
0x3d0: {  	[tilespmem:s30+$0xA010] =	vst v6;
	v6 =	vld [tilespmem:s30+$0x20]  }
0x3d1: {  	v7 =	vld [tilespmem:s29+$0xFFFFFFE0];
	_ =	sdelay $0x4  }
0x3d2: {  	v6 =	vsub.f32 v7, v6;
	_ =	sdelay $0x1  }
0x3d3: {  	v6 =	vmul.f32 $1.200000000e+01, v6;
	_ =	sdelay $0x1  }
0x3d4: {  	v6 =	vmul.f32 $1.442695020e+00, v6;
	_ =	sdelay $0x1  }
0x3d5: {  	(erf) = vpow2.f32 v6;
	_ =	sdelay $0x4  }
0x3d6: {  	v6 =	vld [tilespmem:s30+$0xA020];
	_ =	sdelay $0x3  }
0x3d7: {  	v7 =	vpop (erf)  }
0x3d8: {  	v6 =	vadd.f32 v7, v6;
	_ =	sdelay $0x1  }
0x3d9: {  	[tilespmem:s30+$0xA020] =	vst v6;
	v6 =	vld [tilespmem:s30+$0x30]  }
0x3da: {  	v7 =	vld [tilespmem:s29+$0xFFFFFFF0];
	_ =	sdelay $0x4  }
0x3db: {  	v6 =	vsub.f32 v7, v6;
	_ =	sdelay $0x1  }
0x3dc: {  	v6 =	vmul.f32 $1.200000000e+01, v6;
	_ =	sdelay $0x1  }
0x3dd: {  	v6 =	vmul.f32 $1.442695020e+00, v6;
	_ =	sdelay $0x1  }
0x3de: {  	(erf) = vpow2.f32 v6;
	_ =	sdelay $0x4  }
0x3df: {  	v6 =	vld [tilespmem:s30+$0xA030];
	_ =	sdelay $0x3  }
0x3e0: {  	v7 =	vpop (erf)  }
0x3e1: {  	v6 =	vadd.f32 v7, v6;
	_ =	sdelay $0x1  }
0x3e2: {  	[tilespmem:s30+$0xA030] =	vst v6;
	v6 =	vld [tilespmem:s30+$0x40]  }
0x3e3: {  	v7 =	vld [tilespmem:s29+$0x0];
	_ =	sdelay $0x4  }
0x3e4: {  	v6 =	vsub.f32 v7, v6;
	_ =	sdelay $0x1  }
0x3e5: {  	v6 =	vmul.f32 $1.200000000e+01, v6;
	_ =	sdelay $0x1  }
0x3e6: {  	v6 =	vmul.f32 $1.442695020e+00, v6;
	_ =	sdelay $0x1  }
0x3e7: {  	(erf) = vpow2.f32 v6;
	_ =	sdelay $0x4  }
0x3e8: {  	v6 =	vld [tilespmem:s30+$0xA040];
	_ =	sdelay $0x3  }
0x3e9: {  	v7 =	vpop (erf)  }
0x3ea: {  	v6 =	vadd.f32 v7, v6;
	_ =	sdelay $0x1  }
0x3eb: {  	[tilespmem:s30+$0xA040] =	vst v6;
	v6 =	vld [tilespmem:s30+$0x50]  }
0x3ec: {  	v7 =	vld [tilespmem:s29+$0x10];
	_ =	sdelay $0x4  }
0x3ed: {  	v6 =	vsub.f32 v7, v6;
	_ =	sdelay $0x1  }
0x3ee: {  	v6 =	vmul.f32 $1.200000000e+01, v6;
	_ =	sdelay $0x1  }
0x3ef: {  	v6 =	vmul.f32 $1.442695020e+00, v6;
	_ =	sdelay $0x1  }
0x3f0: {  	(erf) = vpow2.f32 v6;
	_ =	sdelay $0x4  }
0x3f1: {  	v6 =	vld [tilespmem:s30+$0xA050];
	_ =	sdelay $0x3  }
0x3f2: {  	v7 =	vpop (erf)  }
0x3f3: {  	v6 =	vadd.f32 v7, v6;
	_ =	sdelay $0x1  }
0x3f4: {  	[tilespmem:s30+$0xA050] =	vst v6;
	v6 =	vld [tilespmem:s30+$0x60]  }
0x3f5: {  	v7 =	vld [tilespmem:s29+$0x20];
	_ =	sdelay $0x4  }
0x3f6: {  	v6 =	vsub.f32 v7, v6;
	_ =	sdelay $0x1  }
0x3f7: {  	v6 =	vmul.f32 $1.200000000e+01, v6;
	_ =	sdelay $0x1  }
0x3f8: {  	v6 =	vmul.f32 $1.442695020e+00, v6;
	_ =	sdelay $0x1  }
0x3f9: {  	(erf) = vpow2.f32 v6;
	_ =	sdelay $0x4  }
0x3fa: {  	v6 =	vld [tilespmem:s30+$0xA060];
	_ =	sdelay $0x3  }
0x3fb: {  	v7 =	vpop (erf)  }
0x3fc: {  	v6 =	vadd.f32 v7, v6;
	_ =	sdelay $0x1  }
0x3fd: {  	[tilespmem:s30+$0xA060] =	vst v6;
	v6 =	vld [tilespmem:s30+$0x70]  }
0x3fe: {  	v7 =	vld [tilespmem:s29+$0x30];
	_ =	sdelay $0x4  }
0x3ff: {  	v6 =	vsub.f32 v7, v6;
	_ =	sdelay $0x1  }
0x400: {  	v6 =	vmul.f32 $1.200000000e+01, v6;
	_ =	sdelay $0x1  }
0x401: {  	v6 =	vmul.f32 $1.442695020e+00, v6;
	_ =	sdelay $0x1  }
0x402: {  	(erf) = vpow2.f32 v6;
	_ =	sdelay $0x4  }
0x403: {  	v6 =	vld [tilespmem:s30+$0xA070]  }
.Ltmp57:
0x404: {  	(pc) =	sbr.rel @p0 .LBB2_66-.Ltmp57, $3  }
0x405: {  	_ =	sdelay $0x1  }
0x406: {  	v7 =	vpop (erf)  }
0x407: {  	v6 =	vadd.f32 v7, v6  }
.Ltmp58:
0x408: {  	_ = 	snop;
	(pc) =	sbr.rel .LBB2_67-.Ltmp58, $1  }
0x409: {  	_ =	sdelay $0x3  }
.LBB2_70:
0x40a: {  	s0 =	simm.s32 $0x40;
	s2 =	simm.s32 $0x0  }
.LBB2_71:
0x40b: {  	p0 =	sne.s32 s0, $0x1FC0;
	[tilespmem:s2+$0x14800] =	vst v4;
	s2 =	smov.u32 s0;
	s0 =	sadd.s32 $0x40, s0  }
.Ltmp59:
0x40c: {  	(pc) =	sbr.rel @p0 .LBB2_71-.Ltmp59, $2  }
0x40d: {  	_ =	sdelay $0x2  }
0x40e: {  	s2 =	sshra.s32 s2, $0x2  }
.Ltmp60:
0x40f: {  	(pc) =	sbr.rel .LBB2_73-.Ltmp60, $2  }
0x410: {  	_ =	sdelay $0x2  }
0x411: {  	[tilespmem:s2+$0x14800] =	vst v4;
	s21 =	simm.s32 $0x0  }
.LBB2_82:
0x412: {  	s21 =	sadd.s32 $0x1, s21  }
0x413: {  	p0 =	sne.s32 s21, $0x3C  }
.Ltmp61:
0x414: {  	_ = 	snop;
	(pc) =	sbr.rel @!p0 .LBB2_83-.Ltmp61, $2  }
0x415: {  	_ =	sdelay $0x2  }
0x416: {  	s22 =	sadd.s32 $0x7D0, s22  }
.LBB2_73:
0x417: {  	s0 =	smul.u32 $0x7D0, s21;
	_ =	sdelay $0x1  }
0x418: {  	s0 =	sshrl.u32 s0, $0x3  }
0x419: {  	s2 =	sadd.s32 s4, s0;
	s0 =	simm.s32 $0x0  }
0x41a: {  	[tilespmem:s12], [sflag:$0x2] =	stream.linear.gather [hbm4b:s2+s0], $0x7D0, $0x38;
	[tilespmem:$0x19800] =	vst v63  }
0x41b: {  	_ =	swait.ge [sflag:s13], $0x7D0  }
0x41c: {  	[sflag:s13] =	ssyncset.done $0x0  }
0x41d: {  	s31 =	simm.s32 $0x0;
	[sflag:s13] =	ssyncadd.s32 $0xFFFFF830  }
0x41e: {  	v6 =	vld [tilespmem:s31+$0x14000];
	_ =	sdelay $0x4  }
0x41f: {  	vm0 =	vge.s32 v6, v0;
	vm1 =	vlt.s32 v6, v1  }
0x420: {  	vm0 =	vmand vm0, vm1  }
0x421: {  	v7 =	vsel vm0, $0x1, v4  }
0x422: {  	(xrf0) =	vadd.scan.msk.s32 $0xffff, v7;
	_ =	sdelay $0x2  }
0x423: {  	v7 =	vmov s0  }
0x424: {  	v7 =	vadd.s32 $0xFFFFFFFF, v7  }
0x425: {  	v7 =	vbroadcast v7, $0x0  }
0x426: {  	v8, _, _ =	vpop (xrf0)  }
0x427: {  	v7 =	vadd.s32 v8, v7;
	(v2sf) =	vpush v8, $0xF;
	_ =	sdelay $0x3  }
0x428: {  	v9 =	vor.u32 s22, v5  }
0x429: {  	v6 =	vsub.s32 v6, v0;
	[tilespmem:v7+s14+$0x0] =	vst.idx.msk vm0, v9  }
0x42a: {  	s24 =	simm.s32 $0x10;
	s23 =	simm.s32 $0x80;
	s2 =	smov.u32 s22;
	[tilespmem:v7+s15+$0x0] =	vst.idx.msk vm0, v6  }
.LBB2_74:
0x42b: {  	p0 =	sne.s32 s23, $0x1F00;
	v6 =	vld [tilespmem:s24+$0x14000];
	_ =	sdelay $0x4  }
0x42c: {  	vm0 =	vge.s32 v6, v0;
	vm1 =	vlt.s32 v6, v1;
	v6 =	vsub.s32 v6, v0  }
0x42d: {  	vm0 =	vmand vm0, vm1  }
0x42e: {  	v7 =	vsel vm0, $0x1, v4  }
0x42f: {  	(xrf0) =	vadd.scan.msk.s32 $0xffff, v7;
	s24 =	spop (v2sf)  }
0x430: {  	s0 =	sadd.s32 s0, s24  }
0x431: {  	v7 =	vmov s0  }
0x432: {  	v7 =	vadd.s32 $0xFFFFFFFF, v7  }
0x433: {  	v7 =	vbroadcast v7, $0x0;
	_ =	sdelay $0x1  }
0x434: {  	v8, _, _ =	vpop (xrf0)  }
0x435: {  	v7 =	vadd.s32 v8, v7;
	(v2sf) =	vpush v8, $0xF;
	_ =	sdelay $0x1  }
.Ltmp62:
0x436: {  	(pc) =	sbr.rel @p0 .LBB2_74-.Ltmp62, $4  }
0x437: {  	s2 =	sadd.s32 $0x10, s2  }
0x438: {  	v8 =	vor.u32 s2, v5  }
0x439: {  	[tilespmem:v7+s14+$0x0] =	vst.idx.msk vm0, v8  }
0x43a: {  	s24 =	sshra.s32 s23, $0x2;
	s23 =	sadd.s32 $0x40, s23;
	[tilespmem:v7+s15+$0x0] =	vst.idx.msk vm0, v6  }
0x43b: {  	v6 =	vld [tilespmem:s24+$0x14000];
	_ =	sdelay $0x4  }
0x43c: {  	vm0 =	vge.s32 v6, v0;
	vm1 =	vlt.s32 v6, v1  }
0x43d: {  	vm0 =	vmand vm0, vm1  }
0x43e: {  	v7 =	vsel vm0, $0x1, v4  }
0x43f: {  	(xrf0) =	vadd.scan.msk.s32 $0xffff, v7;
	_ =	sdelay $0x5  }
0x440: {  	v7, _, _ =	vpop (xrf0)  }
0x441: {  	(v2sf) =	vpush v7, $0xF;
	_ =	sdelay $0xd  }
0x442: {  	s23 =	spop (v2sf)  }
0x443: {  	s0 =	sadd.s32 s0, s23;
	s29 =	spop (v2sf)  }
0x444: {  	s23 =	sadd.s32 s0, s29  }
0x445: {  	v8 =	vmov s0;
	s0 =	sadd.s32 $0x7F, s23  }
0x446: {  	s30 =	sand.u32 $0x7F, s0  }
0x447: {  	s31 =	sshra.s32 s0, $0x1F;
	p1 =	slt.s32 s0, $0x1;
	p0 =	sne.s32 s30, $0x0  }
0x448: {  	v8 =	vadd.s32 $0xFFFFFFFF, v8;
	s24 =	sshrl.u32 s31, $0x19;
	p0 =	por !p1, !p0  }
0x449: {  	v8 =	vbroadcast v8, $0x0;
	s0 =	sadd.s32 s24, s0;
	s24 =	simm.s32 $0x1;
	p0 =	por !p0, !p0  }
0x44a: {  	s0 =	sshra.s32 s0, $0x7;
	s24 =	simm.s32 @!p0 $0x0  }
0x44b: {  	v7 =	vadd.s32 v7, v8;
	s24 =	ssub.s32 s0, s24  }
0x44c: {  	p0 =	slt.s32 s24, $0x1  }
.Ltmp63:
0x44d: {  	_ = 	snop;
	(pc) =	sbr.rel @p0 .LBB2_82-.Ltmp63, $4  }
0x44e: {  	s2 =	sadd.s32 $0x10, s2  }
0x44f: {  	v63 =	vor.u32 s2, v5  }
0x450: {  	v6 =	vsub.s32 v6, v0;
	[tilespmem:v7+s14+$0x0] =	vst.idx.msk vm0, v63  }
0x451: {  	[tilespmem:v7+s15+$0x0] =	vst.idx.msk vm0, v6  }
.Ltmp64:
0x452: {  	(pc) =	sbr.rel .LBB2_77-.Ltmp64, $2  }
0x453: {  	_ =	sdelay $0x2  }
0x454: {  	s25 =	simm.s32 $0x0;
	s26 =	simm.s32 $0x15000;
	s28 =	smov.u32 s23  }
.LBB2_80:
0x455: {  	[tilespmem:s30+$0xA070] =	vst v6  }
.LBB2_81:
0x456: {  	s25 =	sadd.s32 $0x1, s25  }
0x457: {  	p0 =	sne.s32 s25, s24  }
.Ltmp65:
0x458: {  	_ = 	snop;
	(pc) =	sbr.rel @!p0 .LBB2_82-.Ltmp65, $2  }
0x459: {  	_ =	sdelay $0x2  }
0x45a: {  	s28 =	sadd.s32 $0xFFFFFF80, s28;
	s26 =	sadd.s32 $0x80, s26  }
.LBB2_77:
0x45b: {  	s2 =	sshll.u32 s25, $0x7  }
0x45c: {  	s0 =	sshll.u32 s25, $0x9;
	s31 =	ssub.s32 s23, s2  }
0x45d: {  	s0 =	sshra.s32 s0, $0x2;
	p0 =	slt.s32 s31, $0x1  }
.Ltmp66:
0x45e: {  	s0 =	sadd.s32 $0x14800, s0;
	(pc) =	sbr.rel @p0 .LBB2_81-.Ltmp66, $4  }
0x45f: {  	[tilespmem:s18], [sflag:$0x1] =	stream.indirect.gather [hbm4b:s8+s17], $0x80, s0, s17, $0xb8;
	[tilespmem:$0x19800] =	vst v63  }
0x460: {  	_ =	swait.ge [sflag:s16], $0x4000  }
0x461: {  	[sflag:s16] =	ssyncset.done $0x0  }
0x462: {  	[sflag:s16] =	ssyncadd.s32 $0xFFFFC000  }
0x463: {  	v6 =	vld [tilespmem:s26+$0x0];
	_ =	sdelay $0x4  }
0x464: {  	(v2sf) =	vpush v6, $0x0;
	_ =	sdelay $0xe  }
0x465: {  	s29 =	simm.s32 $0x15840;
	s0 =	spop (v2sf)  }
0x466: {  	v6 =	vld [tilespmem:s29+$0xFFFFFFC0];
	s30 =	sshll.u32 s0, $0x7  }
0x467: {  	v7 =	vld [tilespmem:s30+$0x0];
	_ =	sdelay $0x4  }
0x468: {  	v6 =	vsub.f32 v6, v7;
	_ =	sdelay $0x1  }
0x469: {  	v6 =	vmul.f32 $1.200000000e+01, v6;
	_ =	sdelay $0x1  }
0x46a: {  	v6 =	vmul.f32 $1.442695020e+00, v6;
	_ =	sdelay $0x1  }
0x46b: {  	(erf) = vpow2.f32 v6;
	_ =	sdelay $0x4  }
0x46c: {  	v6 =	vld [tilespmem:s30+$0xA000];
	_ =	sdelay $0x3  }
0x46d: {  	v7 =	vpop (erf)  }
0x46e: {  	v6 =	vadd.f32 v7, v6;
	_ =	sdelay $0x1  }
0x46f: {  	[tilespmem:s30+$0xA000] =	vst v6;
	v6 =	vld [tilespmem:s30+$0x10]  }
0x470: {  	v7 =	vld [tilespmem:s29+$0xFFFFFFD0];
	_ =	sdelay $0x4  }
0x471: {  	v6 =	vsub.f32 v7, v6;
	_ =	sdelay $0x1  }
0x472: {  	v6 =	vmul.f32 $1.200000000e+01, v6;
	_ =	sdelay $0x1  }
0x473: {  	v6 =	vmul.f32 $1.442695020e+00, v6;
	_ =	sdelay $0x1  }
0x474: {  	(erf) = vpow2.f32 v6;
	_ =	sdelay $0x4  }
0x475: {  	v6 =	vld [tilespmem:s30+$0xA010];
	_ =	sdelay $0x3  }
0x476: {  	v7 =	vpop (erf)  }
0x477: {  	v6 =	vadd.f32 v7, v6;
	_ =	sdelay $0x1  }
0x478: {  	[tilespmem:s30+$0xA010] =	vst v6;
	v6 =	vld [tilespmem:s30+$0x20]  }
0x479: {  	v7 =	vld [tilespmem:s29+$0xFFFFFFE0];
	_ =	sdelay $0x4  }
0x47a: {  	v6 =	vsub.f32 v7, v6;
	_ =	sdelay $0x1  }
0x47b: {  	v6 =	vmul.f32 $1.200000000e+01, v6;
	_ =	sdelay $0x1  }
0x47c: {  	v6 =	vmul.f32 $1.442695020e+00, v6;
	_ =	sdelay $0x1  }
0x47d: {  	(erf) = vpow2.f32 v6;
	_ =	sdelay $0x4  }
0x47e: {  	v6 =	vld [tilespmem:s30+$0xA020];
	_ =	sdelay $0x3  }
0x47f: {  	v7 =	vpop (erf)  }
0x480: {  	v6 =	vadd.f32 v7, v6;
	_ =	sdelay $0x1  }
0x481: {  	[tilespmem:s30+$0xA020] =	vst v6;
	v6 =	vld [tilespmem:s30+$0x30]  }
0x482: {  	v7 =	vld [tilespmem:s29+$0xFFFFFFF0];
	_ =	sdelay $0x4  }
0x483: {  	v6 =	vsub.f32 v7, v6;
	_ =	sdelay $0x1  }
0x484: {  	v6 =	vmul.f32 $1.200000000e+01, v6;
	_ =	sdelay $0x1  }
0x485: {  	v6 =	vmul.f32 $1.442695020e+00, v6;
	_ =	sdelay $0x1  }
0x486: {  	(erf) = vpow2.f32 v6;
	_ =	sdelay $0x4  }
0x487: {  	v6 =	vld [tilespmem:s30+$0xA030];
	_ =	sdelay $0x3  }
0x488: {  	v7 =	vpop (erf)  }
0x489: {  	v6 =	vadd.f32 v7, v6;
	_ =	sdelay $0x1  }
0x48a: {  	[tilespmem:s30+$0xA030] =	vst v6;
	v6 =	vld [tilespmem:s30+$0x40]  }
0x48b: {  	v7 =	vld [tilespmem:s29+$0x0];
	_ =	sdelay $0x4  }
0x48c: {  	v6 =	vsub.f32 v7, v6;
	_ =	sdelay $0x1  }
0x48d: {  	v6 =	vmul.f32 $1.200000000e+01, v6;
	_ =	sdelay $0x1  }
0x48e: {  	v6 =	vmul.f32 $1.442695020e+00, v6;
	_ =	sdelay $0x1  }
0x48f: {  	(erf) = vpow2.f32 v6;
	_ =	sdelay $0x4  }
0x490: {  	v6 =	vld [tilespmem:s30+$0xA040];
	_ =	sdelay $0x3  }
0x491: {  	v7 =	vpop (erf)  }
0x492: {  	v6 =	vadd.f32 v7, v6;
	_ =	sdelay $0x1  }
0x493: {  	[tilespmem:s30+$0xA040] =	vst v6;
	v6 =	vld [tilespmem:s30+$0x50]  }
0x494: {  	v7 =	vld [tilespmem:s29+$0x10];
	_ =	sdelay $0x4  }
0x495: {  	v6 =	vsub.f32 v7, v6;
	_ =	sdelay $0x1  }
0x496: {  	v6 =	vmul.f32 $1.200000000e+01, v6;
	_ =	sdelay $0x1  }
0x497: {  	v6 =	vmul.f32 $1.442695020e+00, v6;
	_ =	sdelay $0x1  }
0x498: {  	(erf) = vpow2.f32 v6;
	_ =	sdelay $0x4  }
0x499: {  	v6 =	vld [tilespmem:s30+$0xA050];
	_ =	sdelay $0x3  }
0x49a: {  	v7 =	vpop (erf)  }
0x49b: {  	v6 =	vadd.f32 v7, v6;
	_ =	sdelay $0x1  }
0x49c: {  	[tilespmem:s30+$0xA050] =	vst v6;
	v6 =	vld [tilespmem:s30+$0x60]  }
0x49d: {  	v7 =	vld [tilespmem:s29+$0x20];
	_ =	sdelay $0x4  }
0x49e: {  	v6 =	vsub.f32 v7, v6;
	_ =	sdelay $0x1  }
0x49f: {  	v6 =	vmul.f32 $1.200000000e+01, v6;
	_ =	sdelay $0x1  }
0x4a0: {  	v6 =	vmul.f32 $1.442695020e+00, v6;
	_ =	sdelay $0x1  }
0x4a1: {  	(erf) = vpow2.f32 v6;
	_ =	sdelay $0x4  }
0x4a2: {  	v6 =	vld [tilespmem:s30+$0xA060];
	_ =	sdelay $0x3  }
0x4a3: {  	v7 =	vpop (erf)  }
0x4a4: {  	v6 =	vadd.f32 v7, v6;
	_ =	sdelay $0x1  }
0x4a5: {  	[tilespmem:s30+$0xA060] =	vst v6;
	v6 =	vld [tilespmem:s30+$0x70]  }
0x4a6: {  	v7 =	vld [tilespmem:s29+$0x30];
	_ =	sdelay $0x4  }
0x4a7: {  	v6 =	vsub.f32 v7, v6;
	_ =	sdelay $0x1  }
0x4a8: {  	v6 =	vmul.f32 $1.200000000e+01, v6;
	_ =	sdelay $0x1  }
0x4a9: {  	v6 =	vmul.f32 $1.442695020e+00, v6;
	_ =	sdelay $0x1  }
0x4aa: {  	(erf) = vpow2.f32 v6;
	_ =	sdelay $0x2  }
0x4ab: {  	p0 =	sgt.s32 s28, $0x1;
	s0 =	smov.u32 s28  }
0x4ac: {  	s0 =	simm.s32 @!p0 $0x1  }
0x4ad: {  	s0 =	smin.u32 s0, $0x80;
	v6 =	vld [tilespmem:s30+$0xA070]  }
0x4ae: {  	p0 =	sne.s32 s0, $0x1  }
.Ltmp67:
0x4af: {  	_ = 	snop;
	(pc) =	sbr.rel @!p0 .LBB2_80-.Ltmp67, $4  }
0x4b0: {  	_ = 	snop  }
0x4b1: {  	v7 =	vpop (erf)  }
0x4b2: {  	v6 =	vadd.f32 v7, v6  }
0x4b3: {  	s2 =	smov.u32 s26;
	s0 =	sadd.s32 $0xFFFFFFFF, s0  }
.LBB2_79:
0x4b4: {  	p0 =	sne.s32 s0, $0x1;
	[tilespmem:s30+$0xA070] =	vst v6;
	s2 =	sadd.s32 $0x1, s2;
	s29 =	sadd.s32 $0x80, s29  }
0x4b5: {  	s0 =	sadd.s32 $0xFFFFFFFF, s0;
	v6 =	vld [tilespmem:s2+$0x0];
	_ =	sdelay $0x4  }
0x4b6: {  	(v2sf) =	vpush v6, $0x0;
	_ =	sdelay $0xe  }
0x4b7: {  	s30 =	spop (v2sf)  }
0x4b8: {  	v6 =	vld [tilespmem:s29+$0xFFFFFFC0];
	s30 =	sshll.u32 s30, $0x7  }
0x4b9: {  	v7 =	vld [tilespmem:s30+$0x0];
	_ =	sdelay $0x4  }
0x4ba: {  	v6 =	vsub.f32 v6, v7;
	_ =	sdelay $0x1  }
0x4bb: {  	v6 =	vmul.f32 $1.200000000e+01, v6;
	_ =	sdelay $0x1  }
0x4bc: {  	v6 =	vmul.f32 $1.442695020e+00, v6;
	_ =	sdelay $0x1  }
0x4bd: {  	(erf) = vpow2.f32 v6;
	_ =	sdelay $0x4  }
0x4be: {  	v6 =	vld [tilespmem:s30+$0xA000];
	_ =	sdelay $0x3  }
0x4bf: {  	v7 =	vpop (erf)  }
0x4c0: {  	v6 =	vadd.f32 v7, v6;
	_ =	sdelay $0x1  }
0x4c1: {  	[tilespmem:s30+$0xA000] =	vst v6;
	v6 =	vld [tilespmem:s30+$0x10]  }
0x4c2: {  	v7 =	vld [tilespmem:s29+$0xFFFFFFD0];
	_ =	sdelay $0x4  }
0x4c3: {  	v6 =	vsub.f32 v7, v6;
	_ =	sdelay $0x1  }
0x4c4: {  	v6 =	vmul.f32 $1.200000000e+01, v6;
	_ =	sdelay $0x1  }
0x4c5: {  	v6 =	vmul.f32 $1.442695020e+00, v6;
	_ =	sdelay $0x1  }
0x4c6: {  	(erf) = vpow2.f32 v6;
	_ =	sdelay $0x4  }
0x4c7: {  	v6 =	vld [tilespmem:s30+$0xA010];
	_ =	sdelay $0x3  }
0x4c8: {  	v7 =	vpop (erf)  }
0x4c9: {  	v6 =	vadd.f32 v7, v6;
	_ =	sdelay $0x1  }
0x4ca: {  	[tilespmem:s30+$0xA010] =	vst v6;
	v6 =	vld [tilespmem:s30+$0x20]  }
0x4cb: {  	v7 =	vld [tilespmem:s29+$0xFFFFFFE0];
	_ =	sdelay $0x4  }
0x4cc: {  	v6 =	vsub.f32 v7, v6;
	_ =	sdelay $0x1  }
0x4cd: {  	v6 =	vmul.f32 $1.200000000e+01, v6;
	_ =	sdelay $0x1  }
0x4ce: {  	v6 =	vmul.f32 $1.442695020e+00, v6;
	_ =	sdelay $0x1  }
0x4cf: {  	(erf) = vpow2.f32 v6;
	_ =	sdelay $0x4  }
0x4d0: {  	v6 =	vld [tilespmem:s30+$0xA020];
	_ =	sdelay $0x3  }
0x4d1: {  	v7 =	vpop (erf)  }
0x4d2: {  	v6 =	vadd.f32 v7, v6;
	_ =	sdelay $0x1  }
0x4d3: {  	[tilespmem:s30+$0xA020] =	vst v6;
	v6 =	vld [tilespmem:s30+$0x30]  }
0x4d4: {  	v7 =	vld [tilespmem:s29+$0xFFFFFFF0];
	_ =	sdelay $0x4  }
0x4d5: {  	v6 =	vsub.f32 v7, v6;
	_ =	sdelay $0x1  }
0x4d6: {  	v6 =	vmul.f32 $1.200000000e+01, v6;
	_ =	sdelay $0x1  }
0x4d7: {  	v6 =	vmul.f32 $1.442695020e+00, v6;
	_ =	sdelay $0x1  }
0x4d8: {  	(erf) = vpow2.f32 v6;
	_ =	sdelay $0x4  }
0x4d9: {  	v6 =	vld [tilespmem:s30+$0xA030];
	_ =	sdelay $0x3  }
0x4da: {  	v7 =	vpop (erf)  }
0x4db: {  	v6 =	vadd.f32 v7, v6;
	_ =	sdelay $0x1  }
0x4dc: {  	[tilespmem:s30+$0xA030] =	vst v6;
	v6 =	vld [tilespmem:s30+$0x40]  }
0x4dd: {  	v7 =	vld [tilespmem:s29+$0x0];
	_ =	sdelay $0x4  }
0x4de: {  	v6 =	vsub.f32 v7, v6;
	_ =	sdelay $0x1  }
0x4df: {  	v6 =	vmul.f32 $1.200000000e+01, v6;
	_ =	sdelay $0x1  }
0x4e0: {  	v6 =	vmul.f32 $1.442695020e+00, v6;
	_ =	sdelay $0x1  }
0x4e1: {  	(erf) = vpow2.f32 v6;
	_ =	sdelay $0x4  }
0x4e2: {  	v6 =	vld [tilespmem:s30+$0xA040];
	_ =	sdelay $0x3  }
0x4e3: {  	v7 =	vpop (erf)  }
0x4e4: {  	v6 =	vadd.f32 v7, v6;
	_ =	sdelay $0x1  }
0x4e5: {  	[tilespmem:s30+$0xA040] =	vst v6;
	v6 =	vld [tilespmem:s30+$0x50]  }
0x4e6: {  	v7 =	vld [tilespmem:s29+$0x10];
	_ =	sdelay $0x4  }
0x4e7: {  	v6 =	vsub.f32 v7, v6;
	_ =	sdelay $0x1  }
0x4e8: {  	v6 =	vmul.f32 $1.200000000e+01, v6;
	_ =	sdelay $0x1  }
0x4e9: {  	v6 =	vmul.f32 $1.442695020e+00, v6;
	_ =	sdelay $0x1  }
0x4ea: {  	(erf) = vpow2.f32 v6;
	_ =	sdelay $0x4  }
0x4eb: {  	v6 =	vld [tilespmem:s30+$0xA050];
	_ =	sdelay $0x3  }
0x4ec: {  	v7 =	vpop (erf)  }
0x4ed: {  	v6 =	vadd.f32 v7, v6;
	_ =	sdelay $0x1  }
0x4ee: {  	[tilespmem:s30+$0xA050] =	vst v6;
	v6 =	vld [tilespmem:s30+$0x60]  }
0x4ef: {  	v7 =	vld [tilespmem:s29+$0x20];
	_ =	sdelay $0x4  }
0x4f0: {  	v6 =	vsub.f32 v7, v6;
	_ =	sdelay $0x1  }
0x4f1: {  	v6 =	vmul.f32 $1.200000000e+01, v6;
	_ =	sdelay $0x1  }
0x4f2: {  	v6 =	vmul.f32 $1.442695020e+00, v6;
	_ =	sdelay $0x1  }
0x4f3: {  	(erf) = vpow2.f32 v6;
	_ =	sdelay $0x4  }
0x4f4: {  	v6 =	vld [tilespmem:s30+$0xA060];
	_ =	sdelay $0x3  }
0x4f5: {  	v7 =	vpop (erf)  }
0x4f6: {  	v6 =	vadd.f32 v7, v6;
	_ =	sdelay $0x1  }
0x4f7: {  	[tilespmem:s30+$0xA060] =	vst v6;
	v6 =	vld [tilespmem:s30+$0x70]  }
0x4f8: {  	v7 =	vld [tilespmem:s29+$0x30];
	_ =	sdelay $0x4  }
0x4f9: {  	v6 =	vsub.f32 v7, v6;
	_ =	sdelay $0x1  }
0x4fa: {  	v6 =	vmul.f32 $1.200000000e+01, v6;
	_ =	sdelay $0x1  }
0x4fb: {  	v6 =	vmul.f32 $1.442695020e+00, v6;
	_ =	sdelay $0x1  }
0x4fc: {  	(erf) = vpow2.f32 v6;
	_ =	sdelay $0x4  }
0x4fd: {  	v6 =	vld [tilespmem:s30+$0xA070]  }
.Ltmp68:
0x4fe: {  	(pc) =	sbr.rel @p0 .LBB2_79-.Ltmp68, $3  }
0x4ff: {  	_ =	sdelay $0x1  }
0x500: {  	v7 =	vpop (erf)  }
0x501: {  	v6 =	vadd.f32 v7, v6  }
.Ltmp69:
0x502: {  	_ = 	snop;
	(pc) =	sbr.rel .LBB2_80-.Ltmp69, $1  }
0x503: {  	_ =	sdelay $0x3  }
.LBB2_84:
0x504: {  	_ =	sfence.sel $0x180000  }
0x505: {  	[bflag:$0x0] =	sbarrier.arrive $0xFFFF  }
0x506: {  	_ =	strace $0x9000004A  }
0x507: {  	s0 =	stileid.u32;
	[bflag:$0x2] =	sbarrier.arrive $0xFFFF  }
0x508: {  	p0 =	sne.s32 s0, $0x0;
	s0 =	rddreg [dreg:$0x4]  }
0x509: {  	s0 =	sadd.s32 @!p0 $0x100000, s0  }
0x50a: {  	[sflag:s0] =	ssyncadd.tile.s32 @!p0 $0x1;
	_ =	shalt  }
.Lfunc_end2:
_tile_overlayer_lowered:
.L_overlay_start_2:
0x50b: {  	(tag) =	ssettag $0x2  }
0x50c: {  	s0 =	rddreg [dreg:$0x0];
	s2 =	stileid.u32  }
0x50d: {  	s1 =	rddreg [dreg:$0x1];
	p0 =	sne.s32 s2, $0x0  }
0x50e: {  	s3 =	rddreg [dreg:$0x2];
	[bflag:$0x3] =	sbarrier.arrive $0xFFFF;
	s2 =	simm.s32 @!p0 $0x1C02  }
0x50f: {  	[timem:s3], [sflag:s2] =	dma.local @!p0 [hbm:s0], s1  }
0x510: {  	s0 =	simm.s32 @!p0 $0x2  }
0x511: {  	_ =	swait.ge @!p0 [sflag:s0], s1  }
0x512: {  	s1 =	ssub.s32 @!p0 $0x0, s1;
	[sflag:s0] =	ssyncset.done @!p0 $0x0  }
0x513: {  	[sflag:s0] =	ssyncadd.s32 @!p0 s1  }
0x514: {  	[bflag:$0x3] =	sbarrier.arrive $0xFFFF  }
0x515: {  	_ =	shalt  }

// kernel: kernel.8.cloned.1.call-start
scs
__scs_entry_jumppad:
0x0: {  	(pc) =	sbr.rel $0x88, $3  }
0x1: {  	(tag) =	ssettag $0x0;
	lr =	simm.s32 $0x1  }
0x2: {  	[smem:$0x3F8D] =	sst lr;
	_ =	strace $0xD0000000  }
0x3: {  	_ = 	snop  }
0x4: {  	_ = 	snop  }
0x5: {  	_ = 	snop  }
0x6: {  	_ = 	snop  }
0x7: {  	_ = 	snop  }
__scs_overlays_trampoline_lowered:
0x8: {  	[smem:$0x3F9C] =	sst s0  }
0x9: {  	[smem:$0x3F9D] =	sst s1  }
0xa: {  	[smem:$0x3F9E] =	sst s2  }
0xb: {  	[smem:$0x3F9F] =	sst s3  }
0xc: {  	[smem:$0x3FA0] =	sst s4  }
0xd: {  	[smem:$0x3FA1] =	sst s5  }
0xe: {  	[smem:$0x3FA2] =	sst s6  }
0xf: {  	[smem:$0x3FA3] =	sst s7  }
0x10: {  	[smem:$0x3FA4] =	sst s8  }
0x11: {  	[smem:$0x3FA5] =	sst s9;
	s0 =	simm.s32 @!p0 $0x0  }
0x12: {  	s1 =	sld [smem:$0x3F8B];
	s0 =	simm.s32 @p0 $0x1  }
0x13: {  	[smem:$0x3FA6] =	sst s0;
	s0 =	simm.s32 @!p1 $0x0  }
0x14: {  	s2 =	sld [smem:$0x3F8A];
	s0 =	simm.s32 @p1 $0x1  }
0x15: {  	[smem:$0x3FA7] =	sst s0;
	s0 =	simm.s32 @!p2 $0x0  }
0x16: {  	s3 =	sld [smem:$0x3FDB];
	s0 =	simm.s32 @p2 $0x1  }
0x17: {  	s4 =	simm.s32 $0x1BF5;
	[smem:$0x3FA9] =	sst s0  }
0x18: {  	s0 =	sld [smem:$0x3F8C];
	_ =	swait.ge [sflag:s4], $0x0  }
0x19: {  	s7 =	sld [smem:$0x3F8D]  }
0x1a: {  	s8 =	sadd.s32 $0xFFFFE003, lr  }
0x1b: {  	s9 =	sadd.s32 $0xFFFFFEF7, lr;
	s5 =	simm.s32 $0xFFFFFFFF;
	p2 =	slt.u32 s8, $0xFFFFF086  }
0x1c: {  	p1 =	slt.u32 s9, $0xF7A;
	s5 =	simm.s32 @!p2 $0x0  }
0x1d: {  	s5 =	simm.s32 @p1 $0x1;
	p0 =	seq.s32 s7, s2  }
0x1e: {  	s7 =	smul.u32 @!p0 $0xF7A, s2;
	p2 =	seq.s32 @!p0 s5, $0x0  }
0x1f: {  	s9 =	smul.u32 $0xF7A, s1;
	s8 =	simm.s32 @!p0 $0x1BF5;
	p2 =	por !p2, p0  }
0x20: {  	[sflag:s8] =	ssyncset.s32 @!p0 $0xFFFFF086;
	s6 =	sadd.s32 @!p0 s3, s7;
	s7 =	simm.s32 @!p0 $0x108  }
0x21: {  	s3 =	sadd.s32 s3, s9;
	s6 =	sadd.s32 @!p0 $0x88, s6;
	s7 =	simm.s32 @p2 $0x1082  }
0x22: {  	[simem:s7], [sflag:s8] =	dma.local @!p0 [hbm:s6], $0xF7A  }
0x23: {  	s9 =	sor.u32 $0xD0000000, s2;
	s6 =	simm.s32 $0x108;
	_ =	swait.ge @!p0 [sflag:s8], $0x0  }
0x24: {  	s3 =	sadd.s32 $0x88, s3;
	s6 =	simm.s32 @!p1 $0x1082;
	[sflag:s4] =	ssyncset.s32 $0xFFFFF086  }
0x25: {  	[simem:s6], [sflag:s4] =	dma.local [hbm:s3], $0xF7A  }
0x26: {  	[smem:$0x3F8D] =	sst s1;
	(tag) =	ssettag s2;
	_ =	strace s9  }
0x27: {  	s1 =	sld [smem:$0x3F9D]  }
0x28: {  	s2 =	sld [smem:$0x3F9E]  }
0x29: {  	s4 =	sld [smem:$0x3FA0]  }
0x2a: {  	p0 =	seq.s32 s5, $0x0;
	s5 =	sld [smem:$0x3FA1]  }
0x2b: {  	s6 =	sld [smem:$0x3FA2]  }
0x2c: {  	s7 =	sld [smem:$0x3FA3]  }
0x2d: {  	s3 =	simm.s32 $0x108;
	s8 =	sld [smem:$0x3FA4]  }
0x2e: {  	s3 =	simm.s32 @!p0 $0x1082;
	s9 =	sld [smem:$0x3FA5]  }
0x2f: {  	lr =	sadd.s32 s0, s3;
	s0 =	sld [smem:$0x3F9C]  }
0x30: {  	s3 =	sld [smem:$0x3F9F]  }
0x31: {  	[smem:$0x3FA8] =	sst s10  }
0x32: {  	s10 =	sld [smem:$0x3FA6];
	_ =	sdelay $0x3  }
0x33: {  	p0 =	seq.s32 s10, $0x1;
	s10 =	sld [smem:$0x3FA8];
	_ =	sdelay $0x3  }
0x34: {  	[smem:$0x3FA8] =	sst s10  }
0x35: {  	s10 =	sld [smem:$0x3FA7];
	_ =	sdelay $0x3  }
0x36: {  	p1 =	seq.s32 s10, $0x1;
	s10 =	sld [smem:$0x3FA8];
	_ =	sdelay $0x3  }
0x37: {  	[smem:$0x3FA8] =	sst s10  }
0x38: {  	s10 =	sld [smem:$0x3FA9]  }
0x39: {  	_ = 	snop;
	(pc) =	sbr.ind lr, $3  }
0x3a: {  	_ = 	snop  }
0x3b: {  	_ = 	snop  }
0x3c: {  	p2 =	seq.s32 s10, $0x1;
	s10 =	sld [smem:$0x3FA8]  }
0x3d: {  	_ =	shalt  }
0x3e: {  	_ =	shalt  }
0x3f: {  	_ =	shalt  }
0x40: {  	_ =	shalt  }
0x41: {  	_ =	shalt  }
0x42: {  	_ =	shalt  }
0x43: {  	_ =	shalt  }
0x44: {  	_ =	shalt  }
0x45: {  	_ =	shalt  }
0x46: {  	_ =	shalt  }
0x47: {  	_ =	shalt  }
0x48: {  	_ =	shalt  }
0x49: {  	_ =	shalt  }
0x4a: {  	_ =	shalt  }
0x4b: {  	_ =	shalt  }
0x4c: {  	_ =	shalt  }
0x4d: {  	_ =	shalt  }
0x4e: {  	_ =	shalt  }
0x4f: {  	_ =	shalt  }
0x50: {  	_ =	shalt  }
0x51: {  	_ =	shalt  }
0x52: {  	_ =	shalt  }
0x53: {  	_ =	shalt  }
0x54: {  	_ =	shalt  }
0x55: {  	_ =	shalt  }
0x56: {  	_ =	shalt  }
0x57: {  	_ =	shalt  }
0x58: {  	_ =	shalt  }
0x59: {  	_ =	shalt  }
0x5a: {  	_ =	shalt  }
0x5b: {  	_ =	shalt  }
0x5c: {  	_ =	shalt  }
0x5d: {  	_ =	shalt  }
0x5e: {  	_ =	shalt  }
0x5f: {  	_ =	shalt  }
0x60: {  	_ =	shalt  }
0x61: {  	_ =	shalt  }
0x62: {  	_ =	shalt  }
0x63: {  	_ =	shalt  }
0x64: {  	_ =	shalt  }
0x65: {  	_ =	shalt  }
0x66: {  	_ =	shalt  }
0x67: {  	_ =	shalt  }
0x68: {  	_ =	shalt  }
0x69: {  	_ =	shalt  }
0x6a: {  	_ =	shalt  }
0x6b: {  	_ =	shalt  }
0x6c: {  	_ =	shalt  }
0x6d: {  	_ =	shalt  }
0x6e: {  	_ =	shalt  }
0x6f: {  	_ =	shalt  }
0x70: {  	_ =	shalt  }
0x71: {  	_ =	shalt  }
0x72: {  	_ =	shalt  }
0x73: {  	_ =	shalt  }
0x74: {  	_ =	shalt  }
0x75: {  	_ =	shalt  }
0x76: {  	_ =	shalt  }
0x77: {  	_ =	shalt  }
0x78: {  	_ =	shalt  }
0x79: {  	_ =	shalt  }
0x7a: {  	_ =	shalt  }
0x7b: {  	_ =	shalt  }
0x7c: {  	_ =	shalt  }
0x7d: {  	_ =	shalt  }
0x7e: {  	_ =	shalt  }
0x7f: {  	_ =	shalt  }
0x80: {  	_ =	shalt  }
0x81: {  	_ =	shalt  }
0x82: {  	_ =	shalt  }
0x83: {  	_ =	shalt  }
0x84: {  	_ =	shalt  }
0x85: {  	_ =	shalt  }
0x86: {  	_ =	shalt  }
0x87: {  	_ =	shalt  }
.Lfunc_end0:
.L_simem_size_0:
called_computation_lowered:
.L_overlay_start_0:
0x88: {  	s2 =	sld [smem:$0x3FD9]  }
0x89: {  	s3 =	sld [smem:$0x3FFE];
	_ =	sdelay $0x1  }
0x8a: {  	s1 =	srdreg.scid  }
0x8b: {  	s0 =	sand.u32 $0x1, s1  }
0x8c: {  	s17 =	sshll.u32 s0, $0xA;
	s2 =	sadd.s32 s3, s2  }
0x8d: {  	s2 =	sadd.s32 s2, s17  }
0x8e: {  	[smem:$0x3FB4] =	sst s2  }
0x8f: {  	_ = 	snop  }
0x90: {  	s2 =	sld [smem:$0x3FC9]  }
0x91: {  	s18 =	sld [smem:$0x3FD0];
	(tm) =	ssettm $0x1  }
0x92: {  	s4 =	sld [smem:$0x3FFB];
	_ =	sdelay $0x3  }
0x93: {  	_ =	strace s4  }
0x94: {  	s4 =	sld [smem:$0x3FFC];
	_ =	sdelay $0x3  }
0x95: {  	_ =	strace s4  }
0x96: {  	s4 =	sld [smem:$0x3FFD];
	_ =	sdelay $0x3  }
0x97: {  	_ =	strace s4  }
0x98: {  	_ =	strace $0x8FFFFFFF  }
0x99: {  	s19 =	sld [smem:$0x3FDB];
	_ =	sdelay $0x1  }
0x9a: {  	s5 =	simm.s32 $_scs_section_size  }
0x9b: {  	s6 =	simm.s32 $_size__tile_overlayer_lowered;
	s7 =	simm.s32 $_tile_overlayer_lowered  }
0x9c: {  	s22 =	simm.s32 $0x1BFF;
	s21 =	sshll.u32 s7, $0x1;
	s4 =	sadd.s32 s5, s19  }
0x9d: {  	s8 =	simm.s32 $0x0;
	s20 =	sshll.u32 s6, $0x1;
	s6 =	sadd.s32 s21, s4  }
0x9e: {  	[timem:s8], [sflag:s22] =	dma.local [hbm:s6], s20  }
0x9f: {  	_ =	swait.ge [sflag:s22], s20  }
0xa0: {  	s5 =	ssub.s32 $0x0, s20;
	[sflag:s22] =	ssyncset.done $0x0  }
0xa1: {  	[sflag:s22] =	ssyncadd.s32 s5;
	_ =	sdelay $0x1  }
0xa2: {  	s23 =	simm.s32 $0x1B8B  }
0xa3: {  	_ =	swait.ge [sflag:s23], $0x1  }
0xa4: {  	[sflag:s23] =	ssyncset.done $0x0  }
0xa5: {  	s25 =	simm.s32 $0x1B8E;
	s24 =	sld [smem:$0x3FFE];
	[sflag:s23] =	ssyncadd.s32 $0xFFFFFFFF  }
0xa6: {  	s26 =	simm.s32 $execute0_lowered;
	[smem:$0x3FD2] =	sst s25  }
0xa7: {  	s6 =	sshll.u32 s26, $0x1;
	_ =	strace $0x80000046;
	[dreg:$0x1] =	wrdreg $0xFFFFFFFF  }
0xa8: {  	s28 =	simm.s32 $_size_execute0_lowered;
	s4 =	sadd.s32 s4, s6;
	[dreg:$0x0] =	wrdreg $0x0  }
0xa9: {  	s6 =	sshll.u32 s28, $0x1;
	[dreg:$0x2] =	wrdreg s4  }
0xaa: {  	[dreg:$0x3] =	wrdreg s6  }
0xab: {  	[dreg:$0x4] =	wrdreg $0xC0  }
0xac: {  	_ =	task [dreg:s8], $0x5FFFF  }
0xad: {  	[dreg:$0x1] =	wrdreg $0xFFFFFFFF  }
0xae: {  	[dreg:$0x0] =	wrdreg $0x60  }
0xaf: {  	[dreg:$0x2] =	wrdreg s2  }
0xb0: {  	[dreg:$0x3] =	wrdreg s18  }
0xb1: {  	[dreg:$0x4] =	wrdreg s24  }
0xb2: {  	[dreg:$0x5] =	wrdreg $0x9  }
0xb3: {  	_ =	task.clear_ibuf [dreg:s8], $0x6FFFF;
	_ =	strace $0x90000046  }
0xb4: {  	s29 =	simm.s32 $0x9;
	_ =	strace $0x80000048  }
0xb5: {  	_ =	swait.ge [sflag:s29], $0x1  }
0xb6: {  	[sflag:s29] =	ssyncadd.s32 $0xFFFFFFFF  }
0xb7: {  	_ =	strace $0x90000048  }
0xb8: {  	_ =	sfence  }
0xb9: {  	s30 =	sld [smem:$0x0];
	_ =	sdelay $0x2  }
0xba: {  	s31 =	sshll.u32 s1, $0xD;
	s1 =	sshrl.u32 s1, $0x2  }
0xbb: {  	s3 =	sand.u32 $0x4000, s31;
	s1 =	sadd.s32 s1, s30  }
0xbc: {  	s0 =	sor.u32 s3, s0;
	s1 =	sshll.u32 s1, $0x11  }
0xbd: {  	s0 =	sor.u32 s1, s0  }
0xbe: {  	s0 =	sadd.s32 $0x8F2B, s0  }
0xbf: {  	[sflag:s0] =	ssyncadd.remote.s32 $0x1  }
0xc0: {  	_ =	sfence.sel $0xFFFF  }
0xc1: {  	[dreg:$0x0] =	wrdreg $0xFFFFFFFF;
	(pc) =	sbr.abs _section_cstart, $3  }
0xc2: {  	[dreg:$0x1] =	wrdreg $0xFFFFFFFF  }
0xc3: {  	_ =	task.clear_ibuf [dreg:s8], $0x2FFFF;
	_ =	strace $0x9FFFFFFF  }
0xc4: {  	(tm) =	ssettm $0x7FFFFFFF  }
0xc5: {  	_ =	shalt  }
tec
execute0_lowered:
.L_overlay_start_1:
0x0: {  	(tag) =	ssettag $0x1  }
0x1: {  	s0 =	stileid.u32  }
0x2: {  	s4 =	smul.u32 $0x1400, s0  }
0x3: {  	s9 =	smul.u32 $0x1E00, s0  }
0x4: {  	s20 =	smul.u32 $0x4F000, s0  }
0x5: {  	s23 =	smul.u32 $0x14000, s0  }
0x6: {  	s2 =	srdreg.scid;
	s24 =	smul.u32 $0x1E000, s0  }
0x7: {  	s5 =	sand.u32 $0x1, s2;
	s13 =	smul.u32 $0x4F00, s0  }
0x8: {  	s1 =	rddreg [dreg:$0x0];
	s7 =	smul.u32 $0xA00, s5  }
0x9: {  	s6 =	rddreg [dreg:$0x1];
	s10 =	smul.u32 $0xF00, s5  }
0xa: {  	s8 =	rddreg [dreg:$0x2];
	s26 =	smul.u32 $0x2780, s5  }
0xb: {  	s3 =	simm.s32 $0x0;
	s2 =	rddreg [dreg:$0x3];
	s28 =	smul.u32 $0x27800, s5  }
0xc: {  	[smem:$0x7FF] =	sst s3;
	s29 =	smul.u32 $0xA000, s5  }
0xd: {  	s12 =	ssub.s32 $0x2, s5;
	_ =	strace $0x80000047;
	s30 =	smul.u32 $0xF000, s5  }
0xe: {  	s14 =	sadd.s32 s24, s8;
	s25 =	sshrl.u32 s12, $0x1;
	s4 =	sadd.s32 s7, s4  }
0xf: {  	s19 =	sadd.s32 s10, s9;
	s9 =	sadd.s32 s20, s8;
	s7 =	sadd.s32 s23, s8  }
0x10: {  	s31 =	sadd.s32 s30, s14;
	s14 =	simm.s32 $0x0;
	s4 =	sshrl.u32 s4, $0x3  }
0x11: {  	s22 =	sshrl.u32 s19, $0x3;
	s9 =	sadd.s32 s28, s9;
	s7 =	sadd.s32 s29, s7  }
0x12: {  	s21 =	sadd.s32 s4, s8;
	s11 =	sadd.s32 s22, s8;
	s4 =	ssub.s32 s12, s25  }
0x13: {  	s8 =	sadd.s32 s26, s13;
	s5 =	sadd.s32 $0x9600, s9;
	s7 =	sadd.s32 $0x6D9600, s7  }
0x14: {  	s9 =	sadd.s32 $0x4F9600, s31;
	s12 =	simm.s32 $0x80;
	s13 =	simm.s32 $0x1  }
0x15: {  	s4 =	smax.u32 s4, $0x1;
	s8 =	sshrl.u32 s8, $0x3;
	s10 =	sadd.s32 $0x3200, s11  }
0x16: {  	s11 =	simm.s32 $0x2;
	s6 =	sadd.s32 s8, s6;
	s8 =	sadd.s32 $0x6E00, s21  }
.LBB2_1:
0x17: {  	s15 =	sadd.s32 $0x0, s6  }
0x18: {  	[tilespmem:s3], [sflag:$0x2] =	stream.linear.gather [hbm4b:s15+s3], $0x80, $0x38;
	[tilespmem:$0x4080] =	vst v63  }
0x19: {  	_ =	swait.ge [sflag:s11], $0x80  }
0x1a: {  	[sflag:s11] =	ssyncset.done $0x0  }
0x1b: {  	[sflag:s11] =	ssyncadd.s32 $0xFFFFFF80  }
0x1c: {  	[tilespmem:s12], [sflag:$0x1] =	stream.indirect.gather [hbm4b:s1+s12], $0x80, s3, s12, $0xb8;
	[tilespmem:$0x4080] =	vst v63  }
0x1d: {  	_ =	swait.ge [sflag:s13], $0x4000  }
0x1e: {  	[sflag:s13] =	ssyncset.done $0x0  }
0x1f: {  	[sflag:s13] =	ssyncadd.s32 $0xFFFFC000  }
0x20: {  	[hbm4b:s5+s3] =	stream.linear.scatter [tilespmem:s12], [sflag:$0x2], $0x4000, $0x38;
	[tilespmem:$0x4080] =	vst v63  }
0x21: {  	s18 =	sadd.s32 $0x10, s6;
	_ =	swait.ge [sflag:s11], $0x4000  }
0x22: {  	s17 =	simm.s32 $0x20;
	s15 =	sadd.s32 $0x800, s5;
	[sflag:s11] =	ssyncset.done $0x0  }
.LBB2_2:
0x23: {  	s19 =	sadd.s32 s17, s6;
	s16 =	simm.s32 $0x0;
	[sflag:s11] =	ssyncadd.s32 $0xFFFFC000  }
0x24: {  	[tilespmem:s16], [sflag:$0x2] =	stream.linear.gather [hbm4b:s18+s16], $0x80, $0x38;
	[tilespmem:$0x4080] =	vst v63  }
0x25: {  	p0 =	sne.s32 s17, $0x4E0;
	s17 =	sadd.s32 $0x10, s17;
	_ =	swait.ge [sflag:s11], $0x80  }
0x26: {  	s18 =	smov.u32 s19;
	[sflag:s11] =	ssyncset.done $0x0  }
0x27: {  	[sflag:s11] =	ssyncadd.s32 $0xFFFFFF80  }
0x28: {  	[tilespmem:s12], [sflag:$0x1] =	stream.indirect.gather [hbm4b:s1+s12], $0x80, s16, s12, $0xb8;
	[tilespmem:$0x4080] =	vst v63  }
0x29: {  	_ =	swait.ge [sflag:s13], $0x4000  }
.Ltmp0:
0x2a: {  	[sflag:s13] =	ssyncset.done $0x0;
	(pc) =	sbr.rel @p0 .LBB2_2-.Ltmp0, $4  }
0x2b: {  	[sflag:s13] =	ssyncadd.s32 $0xFFFFC000  }
0x2c: {  	[hbm4b:s15+s16] =	stream.linear.scatter [tilespmem:s12], [sflag:$0x2], $0x4000, $0x38;
	[tilespmem:$0x4080] =	vst v63  }
0x2d: {  	_ =	swait.ge [sflag:s11], $0x4000  }
0x2e: {  	s15 =	sadd.s32 $0x800, s15;
	[sflag:s11] =	ssyncset.done $0x0  }
0x2f: {  	[sflag:s11] =	ssyncadd.s32 $0xFFFFC000  }
0x30: {  	[tilespmem:s16], [sflag:$0x2] =	stream.linear.gather [hbm4b:s18+s16], $0x80, $0x38;
	[tilespmem:$0x4080] =	vst v63  }
0x31: {  	_ =	swait.ge [sflag:s11], $0x80  }
0x32: {  	[sflag:s11] =	ssyncset.done $0x0  }
0x33: {  	[sflag:s11] =	ssyncadd.s32 $0xFFFFFF80  }
0x34: {  	[tilespmem:s12], [sflag:$0x1] =	stream.indirect.gather [hbm4b:s1+s12], $0x80, s16, s12, $0xb8;
	[tilespmem:$0x4080] =	vst v63  }
0x35: {  	_ =	swait.ge [sflag:s13], $0x4000  }
0x36: {  	p2 =	por $0x1, $0x1;
	[sflag:s13] =	ssyncset.done $0x0  }
.Ltmp1:
0x37: {  	[sflag:s13] =	ssyncadd.s32 $0xFFFFC000;
	(pc) =	sbr.rel @!p2 .LBB2_7-.Ltmp1, $4  }
0x38: {  	[hbm4b:s15+s16] =	stream.linear.scatter [tilespmem:s12], [sflag:$0x2], $0x4000, $0x38;
	[tilespmem:$0x4080] =	vst v63  }
0x39: {  	p0 =	por $0x0, $0x0;
	_ =	swait.ge [sflag:s11], $0x4000  }
0x3a: {  	s17 =	smov.u32 s7;
	p1 =	por $0x0, $0x0;
	[sflag:s11] =	ssyncset.done $0x0  }
0x3b: {  	s18 =	simm.s32 $0x0;
	s15 =	simm.s32 $0x10;
	[sflag:s11] =	ssyncadd.s32 $0xFFFFC000  }
0x3c: {  	s17 =	sadd.s32 $0x0, s8  }
0x3d: {  	[tilespmem:s16], [sflag:$0x2] =	stream.linear.gather [hbm4b:s17+s16], $0x80, $0x38;
	[tilespmem:$0x4080] =	vst v63  }
0x3e: {  	_ =	swait.ge [sflag:s11], $0x80  }
0x3f: {  	[sflag:s11] =	ssyncset.done $0x0  }
0x40: {  	[sflag:s11] =	ssyncadd.s32 $0xFFFFFF80  }
0x41: {  	[tilespmem:s12], [sflag:$0x1] =	stream.indirect.gather [hbm4b:s1+s12], $0x80, s16, s12, $0xb8;
	[tilespmem:$0x4080] =	vst v63  }
0x42: {  	p2 =	por $0x1, $0x1;
	_ =	swait.ge [sflag:s13], $0x4000  }
.Ltmp2:
0x43: {  	[sflag:s13] =	ssyncset.done $0x0;
	(pc) =	sbr.rel @!p2 .LBB2_5-.Ltmp2, $4  }
0x44: {  	[sflag:s13] =	ssyncadd.s32 $0xFFFFC000  }
0x45: {  	[hbm4b:s7+s16] =	stream.linear.scatter [tilespmem:s12], [sflag:$0x2], $0x4000, $0x38;
	[tilespmem:$0x4080] =	vst v63  }
0x46: {  	s19 =	simm.s32 $0x20;
	p1 =	por $0x1, $0x1;
	_ =	swait.ge [sflag:s11], $0x4000  }
0x47: {  	s18 =	simm.s32 $0x10;
	s17 =	sadd.s32 $0x800, s7;
	[sflag:s11] =	ssyncset.done $0x0  }
.LBB2_6:
0x48: {  	s20 =	sadd.s32 s18, s8  }
0x49: {  	[sflag:s11] =	ssyncadd.s32 $0xFFFFC000;
	s18 =	smov.u32 s19;
	s21 =	sadd.s32 $0x10, s19  }
0x4a: {  	[tilespmem:s16], [sflag:$0x2] =	stream.linear.gather [hbm4b:s20+s16], $0x80, $0x38;
	[tilespmem:$0x4080] =	vst v63  }
0x4b: {  	p2 =	sne.s32 s19, $0x130;
	_ =	swait.ge [sflag:s11], $0x80  }
0x4c: {  	[sflag:s11] =	ssyncset.done $0x0  }
0x4d: {  	[sflag:s11] =	ssyncadd.s32 $0xFFFFFF80  }
0x4e: {  	[tilespmem:s12], [sflag:$0x1] =	stream.indirect.gather [hbm4b:s1+s12], $0x80, s16, s12, $0xb8;
	[tilespmem:$0x4080] =	vst v63  }
0x4f: {  	_ =	swait.ge [sflag:s13], $0x4000  }
.Ltmp3:
0x50: {  	[sflag:s13] =	ssyncset.done $0x0;
	(pc) =	sbr.rel @p2 .LBB2_6-.Ltmp3, $4  }
0x51: {  	[sflag:s13] =	ssyncadd.s32 $0xFFFFC000  }
0x52: {  	[hbm4b:s17+s16] =	stream.linear.scatter [tilespmem:s12], [sflag:$0x2], $0x4000, $0x38;
	[tilespmem:$0x4080] =	vst v63  }
0x53: {  	_ =	swait.ge [sflag:s11], $0x4000  }
0x54: {  	s19 =	smov.u32 s21;
	s17 =	sadd.s32 $0x800, s17;
	[sflag:s11] =	ssyncset.done $0x0  }
.LBB2_7:
0x55: {  	s18 =	sadd.s32 s18, s8;
	[sflag:s11] =	ssyncadd.s32 @p1 $0xFFFFC000  }
0x56: {  	[tilespmem:s16], [sflag:$0x2] =	stream.linear.gather [hbm4b:s18+s16], $0x80, $0x38;
	[tilespmem:$0x4080] =	vst v63  }
0x57: {  	_ =	swait.ge [sflag:s11], $0x80  }
0x58: {  	[sflag:s11] =	ssyncset.done $0x0  }
0x59: {  	[sflag:s11] =	ssyncadd.s32 $0xFFFFFF80  }
0x5a: {  	[tilespmem:s12], [sflag:$0x1] =	stream.indirect.gather [hbm4b:s1+s12], $0x80, s16, s12, $0xb8;
	[tilespmem:$0x4080] =	vst v63  }
0x5b: {  	_ =	swait.ge [sflag:s13], $0x4000  }
0x5c: {  	p1 =	por $0x1, $0x1;
	[sflag:s13] =	ssyncset.done $0x0  }
.Ltmp4:
0x5d: {  	[sflag:s13] =	ssyncadd.s32 $0xFFFFC000;
	(pc) =	sbr.rel @!p1 .LBB2_12-.Ltmp4, $4  }
0x5e: {  	[hbm4b:s17+s16] =	stream.linear.scatter [tilespmem:s12], [sflag:$0x2], $0x4000, $0x38;
	[tilespmem:$0x4080] =	vst v63  }
0x5f: {  	_ =	swait.ge [sflag:s11], $0x4000  }
0x60: {  	[sflag:s11] =	ssyncset.done $0x0  }
0x61: {  	s17 =	smov.u32 s9;
	[sflag:s11] =	ssyncadd.s32 $0xFFFFC000  }
0x62: {  	s16 =	sadd.s32 $0x0, s10  }
0x63: {  	[tilespmem:s3], [sflag:$0x2] =	stream.linear.gather [hbm4b:s16+s3], $0x80, $0x38;
	[tilespmem:$0x4080] =	vst v63  }
0x64: {  	_ =	swait.ge [sflag:s11], $0x80  }
0x65: {  	[sflag:s11] =	ssyncset.done $0x0  }
0x66: {  	[sflag:s11] =	ssyncadd.s32 $0xFFFFFF80  }
0x67: {  	[tilespmem:s12], [sflag:$0x1] =	stream.indirect.gather [hbm4b:s1+s12], $0x80, s3, s12, $0xb8;
	[tilespmem:$0x4080] =	vst v63  }
0x68: {  	p1 =	por $0x1, $0x1;
	_ =	swait.ge [sflag:s13], $0x4000  }
.Ltmp5:
0x69: {  	[sflag:s13] =	ssyncset.done $0x0;
	(pc) =	sbr.rel @!p1 .LBB2_9-.Ltmp5, $4  }
0x6a: {  	[sflag:s13] =	ssyncadd.s32 $0xFFFFC000  }
0x6b: {  	[hbm4b:s9+s3] =	stream.linear.scatter [tilespmem:s12], [sflag:$0x2], $0x4000, $0x38;
	[tilespmem:$0x4080] =	vst v63  }
0x6c: {  	s17 =	sadd.s32 $0x800, s9;
	_ =	swait.ge [sflag:s11], $0x4000  }
0x6d: {  	p0 =	por $0x1, $0x1;
	s16 =	simm.s32 $0x20;
	[sflag:s11] =	ssyncset.done $0x0  }
.LBB2_10:
0x6e: {  	s18 =	sadd.s32 s15, s10  }
0x6f: {  	[sflag:s11] =	ssyncadd.s32 $0xFFFFC000;
	s15 =	smov.u32 s16;
	s19 =	sadd.s32 $0x10, s16  }
0x70: {  	[tilespmem:s3], [sflag:$0x2] =	stream.linear.gather [hbm4b:s18+s3], $0x80, $0x38;
	[tilespmem:$0x4080] =	vst v63  }
0x71: {  	p1 =	sne.s32 s16, $0x1D0;
	_ =	swait.ge [sflag:s11], $0x80  }
0x72: {  	[sflag:s11] =	ssyncset.done $0x0  }
0x73: {  	[sflag:s11] =	ssyncadd.s32 $0xFFFFFF80  }
0x74: {  	[tilespmem:s12], [sflag:$0x1] =	stream.indirect.gather [hbm4b:s1+s12], $0x80, s3, s12, $0xb8;
	[tilespmem:$0x4080] =	vst v63  }
0x75: {  	_ =	swait.ge [sflag:s13], $0x4000  }
.Ltmp6:
0x76: {  	[sflag:s13] =	ssyncset.done $0x0;
	(pc) =	sbr.rel @p1 .LBB2_10-.Ltmp6, $4  }
0x77: {  	[sflag:s13] =	ssyncadd.s32 $0xFFFFC000  }
0x78: {  	[hbm4b:s17+s3] =	stream.linear.scatter [tilespmem:s12], [sflag:$0x2], $0x4000, $0x38;
	[tilespmem:$0x4080] =	vst v63  }
0x79: {  	_ =	swait.ge [sflag:s11], $0x4000  }
0x7a: {  	s16 =	smov.u32 s19;
	s17 =	sadd.s32 $0x800, s17;
	[sflag:s11] =	ssyncset.done $0x0  }
0x7b: {  	s16 =	smov.u32 s15  }
.LBB2_12:
0x7c: {  	s15 =	sadd.s32 s16, s10;
	[sflag:s11] =	ssyncadd.s32 @p0 $0xFFFFC000  }
0x7d: {  	[tilespmem:s3], [sflag:$0x2] =	stream.linear.gather [hbm4b:s15+s3], $0x80, $0x38;
	[tilespmem:$0x4080] =	vst v63  }
0x7e: {  	_ =	swait.ge [sflag:s11], $0x80  }
0x7f: {  	[sflag:s11] =	ssyncset.done $0x0  }
0x80: {  	[sflag:s11] =	ssyncadd.s32 $0xFFFFFF80  }
0x81: {  	[tilespmem:s12], [sflag:$0x1] =	stream.indirect.gather [hbm4b:s1+s12], $0x80, s3, s12, $0xb8;
	[tilespmem:$0x4080] =	vst v63  }
0x82: {  	_ =	swait.ge [sflag:s13], $0x4000  }
0x83: {  	s14 =	sadd.s32 $0x1, s14;
	[sflag:s13] =	ssyncset.done $0x0  }
0x84: {  	p0 =	sne.s32 s14, s4;
	[sflag:s13] =	ssyncadd.s32 $0xFFFFC000  }
0x85: {  	[hbm4b:s17+s3] =	stream.linear.scatter [tilespmem:s12], [sflag:$0x2], $0x4000, $0x38;
	[tilespmem:$0x4080] =	vst v63  }
.Ltmp7:
0x86: {  	_ = 	snop;
	(pc) =	sbr.rel @p0 .LBB2_1-.Ltmp7, $4  }
.Ltmp8:
0x87: {  	_ = 	snop;
	(pc) =	sbr.rel @!p0 .LBB2_13-.Ltmp8, $4  }
0x88: {  	_ =	swait.ge [sflag:s11], $0x4000  }
0x89: {  	[sflag:s11] =	ssyncset.done $0x0  }
0x8a: {  	[sflag:s11] =	ssyncadd.s32 $0xFFFFC000  }
0x8b: {  	_ = 	snop  }
.LBB2_5:
.Ltmp9:
0x8c: {  	(pc) =	sbr.rel .LBB2_7-.Ltmp9, $2  }
0x8d: {  	_ =	sdelay $0x2  }
0x8e: {  	s18 =	simm.s32 $0x10  }
.LBB2_9:
.Ltmp10:
0x8f: {  	(pc) =	sbr.rel .LBB2_12-.Ltmp10, $2  }
0x90: {  	_ =	sdelay $0x2  }
0x91: {  	s16 =	simm.s32 $0x10  }
.LBB2_13:
0x92: {  	_ =	sfence.sel $0x180000  }
0x93: {  	[bflag:$0x0] =	sbarrier.arrive $0xFFFF  }
0x94: {  	p0 =	sne.s32 s0, $0x0;
	_ =	strace $0x90000047  }
0x95: {  	s0 =	sadd.s32 @!p0 $0x100000, s2;
	[bflag:$0x2] =	sbarrier.arrive $0xFFFF  }
0x96: {  	[sflag:s0] =	ssyncadd.tile.s32 @!p0 $0x1;
	_ =	shalt  }
.Lfunc_end2:
_tile_overlayer_lowered:
.L_overlay_start_2:
0x97: {  	(tag) =	ssettag $0x2  }
0x98: {  	s0 =	rddreg [dreg:$0x0];
	s2 =	stileid.u32  }
0x99: {  	s1 =	rddreg [dreg:$0x1];
	p0 =	sne.s32 s2, $0x0  }
0x9a: {  	s3 =	rddreg [dreg:$0x2];
	[bflag:$0x3] =	sbarrier.arrive $0xFFFF;
	s2 =	simm.s32 @!p0 $0x1C02  }
0x9b: {  	[timem:s3], [sflag:s2] =	dma.local @!p0 [hbm:s0], s1  }
0x9c: {  	s0 =	simm.s32 @!p0 $0x2  }
0x9d: {  	_ =	swait.ge @!p0 [sflag:s0], s1  }
0x9e: {  	s1 =	ssub.s32 @!p0 $0x0, s1;
	[sflag:s0] =	ssyncset.done @!p0 $0x0  }
0x9f: {  	[sflag:s0] =	ssyncadd.s32 @!p0 s1  }
0xa0: {  	[bflag:$0x3] =	sbarrier.arrive $0xFFFF  }
0xa1: {  	_ =	shalt  }

</sc_bundles>
